<compile_context>
chip_gen: v7x
topology: tpu7x:2x2x1
jax: 0.10.2.dev20260603
libtpu: 0.0.44.dev20260713+nightly
codegen_flags: <defaults>
</compile_context>

<pallas_src>
import functools

import jax
import jax.numpy as jnp
from jax import lax
from jax.experimental import pallas as pl
from jax.experimental.pallas import tpu as pltpu
from jax.experimental.pallas import tpu_sc as plsc

N = 1048576
N_V8 = 4792320
L0_ROWS = 8192
LOD0 = (32, 0)
LOD123 = ((64, 32768), (128, 294912), (256, 2392064))

NW = 32
PW = N // NW
C = 128
NCH = PW // C
VPC = C // 16


def _corner_offsets(R):
    return (0, 1, R, R + 1, R * R, R * R + 1, R * R + R, R * R + R + 1)


def _sc_body(x_hbm, tab_hbm, out_hbm, l0tab, *bufs):
    sets = (bufs[:10], bufs[10:])
    wid = lax.axis_index("s") * 2 + lax.axis_index("c")
    lanes = jnp.arange(16, dtype=jnp.int32)

    pltpu.sync_copy(tab_hbm.at[pl.ds(0, L0_ROWS)], l0tab)

    def gen_chunk(k, B):
        (xbuf, pb0, fr0, ib, fr1, fr2, fr3) = B[:7]
        base = wid * PW + k * C
        pltpu.sync_copy(x_hbm.at[pl.ds(base * 3, C * 3)], xbuf)

        def gen(i, c2):
            l0 = i * 16
            p = (lanes + l0) * 3
            x = plsc.load_gather(xbuf, [p])
            y = plsc.load_gather(xbuf, [p + 1])
            z = plsc.load_gather(xbuf, [p + 2])

            def prep(R, off):
                px = (x * 0.5 + 0.5) * (R - 1)
                py = (y * 0.5 + 0.5) * (R - 1)
                pz = (z * 0.5 + 0.5) * (R - 1)
                x0 = jnp.minimum(px.astype(jnp.int32), R - 2)
                y0 = jnp.minimum(py.astype(jnp.int32), R - 2)
                z0 = jnp.minimum(pz.astype(jnp.int32), R - 2)
                fx = px - x0.astype(jnp.float32)
                fy = py - y0.astype(jnp.float32)
                fz = pz - z0.astype(jnp.float32)
                b = (x0 * R + y0) * R + z0 + off
                return b, z0, fx, fy, fz

            R, off = LOD0
            b, _, fx, fy, fz = prep(R, off)
            fr0[pl.ds(l0, 16)] = fx
            fr0[pl.ds(C + l0, 16)] = fy
            fr0[pl.ds(2 * C + l0, 16)] = fz
            pb0[pl.ds(l0, 16)] = b

            for li, ((R, off), fb) in enumerate(
                    zip(LOD123, (fr1, fr2, fr3))):
                b, z0, fx, fy, fz = prep(R, off)
                fb[pl.ds(l0, 16)] = fx
                fb[pl.ds(C + l0, 16)] = fy
                fb[pl.ds(2 * C + l0, 16)] = fz
                fb[pl.ds(3 * C + l0, 16)] = (
                    jnp.bitwise_and(z0, 3).astype(jnp.float32))
                for ci, d in enumerate(_corner_offsets(R)):
                    ib[pl.ds((li * 8 + ci) * C + l0, 16)] = (
                        jnp.right_shift(b + d, 2))
            return c2

        lax.fori_loop(0, VPC, gen, 0)

    def fire(B):
        (ib, rb, sm) = (B[3], B[7], B[9])
        pltpu.async_copy(tab_hbm.at[ib], rb, sm)

    def wait(B):
        (ib, rb, sm) = (B[3], B[7], B[9])
        pltpu.make_async_copy(tab_hbm.at[ib], rb, sm).wait()

    def lerp(v, fx, fy, fz, f):
        c00 = v[0][f] + fz * (v[1][f] - v[0][f])
        c01 = v[2][f] + fz * (v[3][f] - v[2][f])
        c10 = v[4][f] + fz * (v[5][f] - v[4][f])
        c11 = v[6][f] + fz * (v[7][f] - v[6][f])
        c0 = c00 + fy * (c01 - c00)
        c1_ = c10 + fy * (c11 - c10)
        return c0 + fx * (c1_ - c0)

    def comb_chunk(k, B):
        (_, pb0, fr0, _, fr1, fr2, fr3, rb, obuf) = B[:9]
        base = wid * PW + k * C

        def comb0(i, c2):
            l0 = i * 16
            lane = lanes + l0
            fx = fr0[pl.ds(l0, 16)]
            fy = fr0[pl.ds(C + l0, 16)]
            fz = fr0[pl.ds(2 * C + l0, 16)]
            pb = pb0[pl.ds(l0, 16)]
            v = []
            for d in _corner_offsets(LOD0[0]):
                e = pb + d
                row = jnp.right_shift(e, 2)
                col = jnp.bitwise_and(e, 3) * 2
                v.append((plsc.load_gather(l0tab, [row, col]),
                          plsc.load_gather(l0tab, [row, col + 1])))
            for f in range(2):
                plsc.store_scatter(
                    obuf, [lane, jnp.full((16,), f, jnp.int32)],
                    lerp(v, fx, fy, fz, f))
            return c2

        lax.fori_loop(0, VPC, comb0, 0)

        for li, fb in enumerate((fr1, fr2, fr3)):

            def comb(i, c2, li=li, fb=fb):
                l0 = i * 16
                lane = lanes + l0
                fx = fb[pl.ds(l0, 16)]
                fy = fb[pl.ds(C + l0, 16)]
                fz = fb[pl.ds(2 * C + l0, 16)]
                zlow = fb[pl.ds(3 * C + l0, 16)].astype(jnp.int32)
                czero = zlow * 2
                cone = jnp.bitwise_and(zlow + 1, 3) * 2
                v = []
                for c in range(8):
                    r = lane + (li * 8 + c) * C
                    col = cone if (c & 1) else czero
                    v.append((plsc.load_gather(rb, [r, col]),
                              plsc.load_gather(rb, [r, col + 1])))
                for f in range(2):
                    plsc.store_scatter(
                        obuf,
                        [lane, jnp.full((16,), 2 * (li + 1) + f, jnp.int32)],
                        lerp(v, fx, fy, fz, f))
                return c2

            lax.fori_loop(0, VPC, comb, 0)

        pltpu.sync_copy(obuf, out_hbm.at[pl.ds(base, C)])

    gen_chunk(0, sets[0])
    fire(sets[0])

    def pair_body(k2, carry):
        ka = 2 * k2
        gen_chunk(ka + 1, sets[1])
        fire(sets[1])
        wait(sets[0])
        comb_chunk(ka, sets[0])

        @pl.when(k2 < NCH // 2 - 1)
        def _():
            gen_chunk(ka + 2, sets[0])
            fire(sets[0])

        wait(sets[1])
        comb_chunk(ka + 1, sets[1])
        return carry

    lax.fori_loop(0, NCH // 2, pair_body, 0)


def _phase_scratch():
    return [
        pltpu.VMEM((C * 3,), jnp.float32),
        pltpu.VMEM((C,), jnp.int32),
        pltpu.VMEM((3 * C,), jnp.float32),
        pltpu.VMEM((24 * C,), jnp.int32),
        pltpu.VMEM((4 * C,), jnp.float32),
        pltpu.VMEM((4 * C,), jnp.float32),
        pltpu.VMEM((4 * C,), jnp.float32),
        pltpu.VMEM((24 * C, 8), jnp.float32),
        pltpu.VMEM((C, 8), jnp.float32),
        pltpu.SemaphoreType.DMA,
    ]


@functools.cache
def _make_sc_forward():
    return functools.partial(
        pl.kernel,
        mesh=plsc.VectorSubcoreMesh(core_axis_name="c", subcore_axis_name="s"),
        out_type=jax.ShapeDtypeStruct((N, 8), jnp.float32),
        compiler_params=pltpu.CompilerParams(
            needs_layout_passes=False, use_tc_tiling_on_sc=False),
        scratch_types=(
            [pltpu.VMEM((L0_ROWS, 8), jnp.float32)]
            + _phase_scratch() + _phase_scratch()),
    )(_sc_body)


def kernel(input, flattened_params):
    tab = flattened_params.reshape(N_V8, 8)
    return _make_sc_forward()(input.reshape(N * 3), tab)

# --- scband reference (transcript-rebuilt; emitter-appended) ---
"""Pipeline reference for scband-lo-tdencoding-13537736917451 (READ-ONLY COPY).

The authoritative reference and input builder live on the scoring server;
editing this copy changes nothing except your own understanding.
"""

import jax, jax.numpy as jnp
import numpy as np

LOD_RES = [32, 64, 128, 256]
LOD_NFEATS = [2, 2, 2, 2]
N_POINTS = 1048576


def _offsets():
    sizes = [r * r * r * f for r, f in zip(LOD_RES, LOD_NFEATS)]
    return np.concatenate([[0], np.cumsum(sizes)]).astype(np.int64)


def setup_inputs(seed: int = 0):
    key = jax.random.key(seed)
    k1, k2 = jax.random.split(key)
    x = jax.random.uniform(k1, (N_POINTS, 3), dtype=jnp.float32, minval=-1.0, maxval=1.0)
    offs = _offsets()
    n_params = int(offs[-1])
    bound = 1e-4
    params = jax.random.uniform(k2, (n_params,), dtype=jnp.float32, minval=-bound, maxval=bound)
    return {"input": x, "flattened_params": params}


def _trilinear(grid_flat, x01, R):
    # grid_flat: [R*R*R, F]; x01 in [0, 1], shape [N, 3]
    pos = x01 * (R - 1)
    i0 = jnp.clip(jnp.floor(pos).astype(jnp.int32), 0, R - 2)
    frac = pos - i0.astype(jnp.float32)
    i1 = i0 + 1

    def lin(ix, iy, iz):
        return (ix * R + iy) * R + iz

    def gather(ix, iy, iz):
        return jnp.take(grid_flat, lin(ix, iy, iz), axis=0)

    x0, y0, z0 = i0[:, 0], i0[:, 1], i0[:, 2]
    x1, y1, z1 = i1[:, 0], i1[:, 1], i1[:, 2]
    fx, fy, fz = frac[:, 0:1], frac[:, 1:2], frac[:, 2:3]
    c000 = gather(x0, y0, z0); c001 = gather(x0, y0, z1)
    c010 = gather(x0, y1, z0); c011 = gather(x0, y1, z1)
    c100 = gather(x1, y0, z0); c101 = gather(x1, y0, z1)
    c110 = gather(x1, y1, z0); c111 = gather(x1, y1, z1)
    c00 = c000 * (1 - fz) + c001 * fz
    c01 = c010 * (1 - fz) + c011 * fz
    c10 = c100 * (1 - fz) + c101 * fz
    c11 = c110 * (1 - fz) + c111 * fz
    c0 = c00 * (1 - fy) + c01 * fy
    c1 = c10 * (1 - fy) + c11 * fy
    return c0 * (1 - fx) + c1 * fx


def _lotd_forward(x01, params):
    offs = _offsets()
    outs = []
    for li, (R, F) in enumerate(zip(LOD_RES, LOD_NFEATS)):
        p = params[int(offs[li]):int(offs[li + 1])]
        grid_flat = p.reshape(R * R * R, F)
        outs.append(_trilinear(grid_flat, x01, R))
    return jnp.concatenate(outs, axis=-1)


def reference(input, flattened_params):
    # LoTDEncoding.forward: input in [-1, 1] -> [0, 1], interpolate all levels, concat features
    x01 = input / 2.0 + 0.5
    return _lotd_forward(x01, flattened_params)

if __name__ == "__main__":
    import jax
    _d = setup_inputs()
    print(jax.jit(kernel)(*tuple(_d.values())))

</pallas_src>

<mosaic_0001>
#map = affine_map<(d0, d1) -> (0)>
#map1 = affine_map<(d0, d1) -> (0, 0)>
module attributes {stable_mosaic.version = 14 : i64} {
  func.func @_sc_body(%arg0: i32, %arg1: i32, %arg2: memref<3145728xf32, #tpu.memory_space<hbm>>, %arg3: memref<4792320x8xf32, #tpu.memory_space<hbm>>, %arg4: memref<1048576x8xf32, #tpu.memory_space<hbm>>, %arg5: memref<8192x8xf32, #tpu.memory_space<vmem>>, %arg6: memref<384xf32, #tpu.memory_space<vmem>>, %arg7: memref<128xi32, #tpu.memory_space<vmem>>, %arg8: memref<384xf32, #tpu.memory_space<vmem>>, %arg9: memref<3072xi32, #tpu.memory_space<vmem>>, %arg10: memref<512xf32, #tpu.memory_space<vmem>>, %arg11: memref<512xf32, #tpu.memory_space<vmem>>, %arg12: memref<512xf32, #tpu.memory_space<vmem>>, %arg13: memref<3072x8xf32, #tpu.memory_space<vmem>>, %arg14: memref<128x8xf32, #tpu.memory_space<vmem>>, %arg15: memref<!tpu.dma_semaphore, #tpu.memory_space<semaphore_mem>>, %arg16: memref<384xf32, #tpu.memory_space<vmem>>, %arg17: memref<128xi32, #tpu.memory_space<vmem>>, %arg18: memref<384xf32, #tpu.memory_space<vmem>>, %arg19: memref<3072xi32, #tpu.memory_space<vmem>>, %arg20: memref<512xf32, #tpu.memory_space<vmem>>, %arg21: memref<512xf32, #tpu.memory_space<vmem>>, %arg22: memref<512xf32, #tpu.memory_space<vmem>>, %arg23: memref<3072x8xf32, #tpu.memory_space<vmem>>, %arg24: memref<128x8xf32, #tpu.memory_space<vmem>>, %arg25: memref<!tpu.dma_semaphore, #tpu.memory_space<semaphore_mem>>) attributes {dimension_semantics = [#tpu.dimension_semantics<core_parallel>, #tpu.dimension_semantics<subcore_parallel>], iteration_bounds = array<i64: 2, 16>, scalar_prefetch = 0 : i64, scratch_operands = 21 : i64, tpu.core_type = #tpu.core_type<sc_vector_subcore>, window_params = [{transform_indices = #map}, {transform_indices = #map1}, {transform_indices = #map1}]} {
    %mul3A = arith.constant 2 : i32
    %mul3A_0 = arith.muli %arg1, %mul3A : i32
    %add3A = arith.addi %mul3A_0, %arg0 : i32
    %iota3A = tpu.iota {dimensions = array<i32: 0>} : vector<16xi32>
    "tpu.region"() ({
      %run_scoped3A = tpu.sem_alloc : memref<!tpu.dma_semaphore, #tpu.memory_space<semaphore_mem>>
      %dma_start3A_20 = arith.constant 0 : i32
      %dma_start3A_21 = arith.constant 0 : i32
      %dma_start3A_22 = tpu.memref_slice %arg3[%dma_start3A_20, %dma_start3A_21] : memref<4792320x8xf32, #tpu.memory_space<hbm>> -> memref<8192x8xf32, #tpu.memory_space<hbm>>
      %dma_start3A_23 = arith.constant 0 : i32
      %dma_start3A_24 = arith.constant 0 : i32
      %dma_start3A_25 = tpu.memref_slice %arg3[%dma_start3A_23, %dma_start3A_24] : memref<4792320x8xf32, #tpu.memory_space<hbm>> -> memref<8192x8xf32, #tpu.memory_space<hbm>>
      tpu.enqueue_dma source(%dma_start3A_25 : memref<8192x8xf32, #tpu.memory_space<hbm>>) target(%arg5 : memref<8192x8xf32, #tpu.memory_space<vmem>>) target_semaphore(%run_scoped3A : memref<!tpu.dma_semaphore, #tpu.memory_space<semaphore_mem>>)
      %dma_wait3A = arith.constant 0 : i32
      %dma_wait3A_26 = arith.constant 0 : i32
      %dma_wait3A_27 = tpu.memref_slice %arg3[%dma_wait3A, %dma_wait3A_26] : memref<4792320x8xf32, #tpu.memory_space<hbm>> -> memref<8192x8xf32, #tpu.memory_space<hbm>>
      %dma_wait3A_28 = arith.constant 0 : i32
      %dma_wait3A_29 = arith.constant 0 : i32
      %dma_wait3A_30 = tpu.memref_slice %arg3[%dma_wait3A_28, %dma_wait3A_29] : memref<4792320x8xf32, #tpu.memory_space<hbm>> -> memref<8192x8xf32, #tpu.memory_space<hbm>>
      tpu.wait_dma2 semaphore(%run_scoped3A : memref<!tpu.dma_semaphore, #tpu.memory_space<semaphore_mem>>) src(%dma_wait3A_30 : memref<8192x8xf32, #tpu.memory_space<hbm>>) dst(%arg5 : memref<8192x8xf32, #tpu.memory_space<vmem>>)
      tpu.yield
    }) : () -> ()
    %mul3A_1 = arith.constant 32768 : i32
    %mul3A_2 = arith.muli %add3A, %mul3A_1 : i32
    %add3A_3 = arith.constant 0 : i32
    %add3A_4 = arith.addi %mul3A_2, %add3A_3 : i32
    %mul3A_5 = arith.constant 3 : i32
    %mul3A_6 = arith.muli %add3A_4, %mul3A_5 : i32
    "tpu.region"() ({
      %run_scoped3A = tpu.sem_alloc : memref<!tpu.dma_semaphore, #tpu.memory_space<semaphore_mem>>
      %dma_start3A_20 = tpu.memref_slice %arg2[%mul3A_6] : memref<3145728xf32, #tpu.memory_space<hbm>> -> memref<384xf32, #tpu.memory_space<hbm>>
      %dma_start3A_21 = tpu.memref_slice %arg2[%mul3A_6] : memref<3145728xf32, #tpu.memory_space<hbm>> -> memref<384xf32, #tpu.memory_space<hbm>>
      tpu.enqueue_dma source(%dma_start3A_21 : memref<384xf32, #tpu.memory_space<hbm>>) target(%arg6 : memref<384xf32, #tpu.memory_space<vmem>>) target_semaphore(%run_scoped3A : memref<!tpu.dma_semaphore, #tpu.memory_space<semaphore_mem>>)
      %dma_wait3A = tpu.memref_slice %arg2[%mul3A_6] : memref<3145728xf32, #tpu.memory_space<hbm>> -> memref<384xf32, #tpu.memory_space<hbm>>
      %dma_wait3A_22 = tpu.memref_slice %arg2[%mul3A_6] : memref<3145728xf32, #tpu.memory_space<hbm>> -> memref<384xf32, #tpu.memory_space<hbm>>
      tpu.wait_dma2 semaphore(%run_scoped3A : memref<!tpu.dma_semaphore, #tpu.memory_space<semaphore_mem>>) src(%dma_wait3A_22 : memref<384xf32, #tpu.memory_space<hbm>>) dst(%arg6 : memref<384xf32, #tpu.memory_space<vmem>>)
      tpu.yield
    }) : () -> ()
    %scan3A = arith.constant 0 : i32
    %scan3A_7 = arith.constant 0 : i32
    %scan3A_8 = arith.constant 8 : i32
    %scan3A_9 = arith.addi %scan3A_7, %scan3A_8 : i32
    %scan3A_10 = arith.constant 1 : i32
    scf.for %scan3A_20 = %scan3A_7 to %scan3A_9 step %scan3A_10  : i32 {
      %mul3A_21 = arith.constant 16 : i32
      %mul3A_22 = arith.muli %scan3A_20, %mul3A_21 : i32
      %add3A_23 = vector.broadcast %mul3A_22 : i32 to vector<16xi32>
      %add3A_24 = arith.addi %iota3A, %add3A_23 : vector<16xi32>
      %mul3A_25 = arith.constant 3 : i32
      %mul3A_26 = vector.broadcast %mul3A_25 : i32 to vector<16xi32>
      %mul3A_27 = arith.muli %add3A_24, %mul3A_26 : vector<16xi32>
      %gather3A = tpu.vector_load_idx %arg6[%mul3A_27] : memref<384xf32, #tpu.memory_space<vmem>>[vector<16xi32>], vector<16xf32>,
      %add3A_28 = arith.constant 1 : i32
      %add3A_29 = vector.broadcast %add3A_28 : i32 to vector<16xi32>
      %add3A_30 = arith.addi %mul3A_27, %add3A_29 : vector<16xi32>
      %gather3A_31 = tpu.vector_load_idx %arg6[%add3A_30] : memref<384xf32, #tpu.memory_space<vmem>>[vector<16xi32>], vector<16xf32>,
      %add3A_32 = arith.constant 2 : i32
      %add3A_33 = vector.broadcast %add3A_32 : i32 to vector<16xi32>
      %add3A_34 = arith.addi %mul3A_27, %add3A_33 : vector<16xi32>
      %gather3A_35 = tpu.vector_load_idx %arg6[%add3A_34] : memref<384xf32, #tpu.memory_space<vmem>>[vector<16xi32>], vector<16xf32>,
      %mul3A_36 = arith.constant 5.000000e-01 : f32
      %mul3A_37 = vector.broadcast %mul3A_36 : f32 to vector<16xf32>
      %mul3A_38 = arith.mulf %gather3A, %mul3A_37 : vector<16xf32>
      %add3A_39 = arith.constant 5.000000e-01 : f32
      %add3A_40 = vector.broadcast %add3A_39 : f32 to vector<16xf32>
      %add3A_41 = arith.addf %mul3A_38, %add3A_40 : vector<16xf32>
      %mul3A_42 = arith.constant 3.100000e+01 : f32
      %mul3A_43 = vector.broadcast %mul3A_42 : f32 to vector<16xf32>
      %mul3A_44 = arith.mulf %add3A_41, %mul3A_43 : vector<16xf32>
      %mul3A_45 = arith.constant 5.000000e-01 : f32
      %mul3A_46 = vector.broadcast %mul3A_45 : f32 to vector<16xf32>
      %mul3A_47 = arith.mulf %gather3A_31, %mul3A_46 : vector<16xf32>
      %add3A_48 = arith.constant 5.000000e-01 : f32
      %add3A_49 = vector.broadcast %add3A_48 : f32 to vector<16xf32>
      %add3A_50 = arith.addf %mul3A_47, %add3A_49 : vector<16xf32>
      %mul3A_51 = arith.constant 3.100000e+01 : f32
      %mul3A_52 = vector.broadcast %mul3A_51 : f32 to vector<16xf32>
      %mul3A_53 = arith.mulf %add3A_50, %mul3A_52 : vector<16xf32>
      %mul3A_54 = arith.constant 5.000000e-01 : f32
      %mul3A_55 = vector.broadcast %mul3A_54 : f32 to vector<16xf32>
      %mul3A_56 = arith.mulf %gather3A_35, %mul3A_55 : vector<16xf32>
      %add3A_57 = arith.constant 5.000000e-01 : f32
      %add3A_58 = vector.broadcast %add3A_57 : f32 to vector<16xf32>
      %add3A_59 = arith.addf %mul3A_56, %add3A_58 : vector<16xf32>
      %mul3A_60 = arith.constant 3.100000e+01 : f32
      %mul3A_61 = vector.broadcast %mul3A_60 : f32 to vector<16xf32>
      %mul3A_62 = arith.mulf %add3A_59, %mul3A_61 : vector<16xf32>
      %convert_element_type3A = arith.fptosi %mul3A_44 : vector<16xf32> to vector<16xi32>
      %min3A = arith.constant 30 : i32
      %min3A_63 = vector.broadcast %min3A : i32 to vector<16xi32>
      %min3A_64 = arith.minsi %convert_element_type3A, %min3A_63 : vector<16xi32>
      %convert_element_type3A_65 = arith.fptosi %mul3A_53 : vector<16xf32> to vector<16xi32>
      %min3A_66 = arith.constant 30 : i32
      %min3A_67 = vector.broadcast %min3A_66 : i32 to vector<16xi32>
      %min3A_68 = arith.minsi %convert_element_type3A_65, %min3A_67 : vector<16xi32>
      %convert_element_type3A_69 = arith.fptosi %mul3A_62 : vector<16xf32> to vector<16xi32>
      %min3A_70 = arith.constant 30 : i32
      %min3A_71 = vector.broadcast %min3A_70 : i32 to vector<16xi32>
      %min3A_72 = arith.minsi %convert_element_type3A_69, %min3A_71 : vector<16xi32>
      %convert_element_type3A_73 = arith.sitofp %min3A_64 : vector<16xi32> to vector<16xf32>
      %sub3A = arith.subf %mul3A_44, %convert_element_type3A_73 : vector<16xf32>
      %convert_element_type3A_74 = arith.sitofp %min3A_68 : vector<16xi32> to vector<16xf32>
      %sub3A_75 = arith.subf %mul3A_53, %convert_element_type3A_74 : vector<16xf32>
      %convert_element_type3A_76 = arith.sitofp %min3A_72 : vector<16xi32> to vector<16xf32>
      %sub3A_77 = arith.subf %mul3A_62, %convert_element_type3A_76 : vector<16xf32>
      %mul3A_78 = arith.constant 32 : i32
      %mul3A_79 = vector.broadcast %mul3A_78 : i32 to vector<16xi32>
      %mul3A_80 = arith.muli %min3A_64, %mul3A_79 : vector<16xi32>
      %add3A_81 = arith.addi %mul3A_80, %min3A_68 : vector<16xi32>
      %mul3A_82 = arith.constant 32 : i32
      %mul3A_83 = vector.broadcast %mul3A_82 : i32 to vector<16xi32>
      %mul3A_84 = arith.muli %add3A_81, %mul3A_83 : vector<16xi32>
      %add3A_85 = arith.addi %mul3A_84, %min3A_72 : vector<16xi32>
      %add3A_86 = arith.constant 0 : i32
      %add3A_87 = vector.broadcast %add3A_86 : i32 to vector<16xi32>
      %add3A_88 = arith.addi %add3A_85, %add3A_87 : vector<16xi32>
      %swap3A = arith.index_cast %mul3A_22 : i32 to index
      %swap3A_89 = tpu.vector_load %arg8[%swap3A] {strides = array<i32>} : memref<384xf32, #tpu.memory_space<vmem>>, vector<16xf32>,
      tpu.vector_store %arg8[%swap3A], %sub3A {strides = array<i32>} : memref<384xf32, #tpu.memory_space<vmem>>, vector<16xf32>,
      %add3A_90 = arith.constant 128 : i32
      %add3A_91 = arith.addi %add3A_90, %mul3A_22 : i32
      %swap3A_92 = arith.index_cast %add3A_91 : i32 to index
      %swap3A_93 = tpu.vector_load %arg8[%swap3A_92] {strides = array<i32>} : memref<384xf32, #tpu.memory_space<vmem>>, vector<16xf32>,
      tpu.vector_store %arg8[%swap3A_92], %sub3A_75 {strides = array<i32>} : memref<384xf32, #tpu.memory_space<vmem>>, vector<16xf32>,
      %add3A_94 = arith.constant 256 : i32
      %add3A_95 = arith.addi %add3A_94, %mul3A_22 : i32
      %swap3A_96 = arith.index_cast %add3A_95 : i32 to index
      %swap3A_97 = tpu.vector_load %arg8[%swap3A_96] {strides = array<i32>} : memref<384xf32, #tpu.memory_space<vmem>>, vector<16xf32>,
      tpu.vector_store %arg8[%swap3A_96], %sub3A_77 {strides = array<i32>} : memref<384xf32, #tpu.memory_space<vmem>>, vector<16xf32>,
      %swap3A_98 = arith.index_cast %mul3A_22 : i32 to index
      %swap3A_99 = tpu.vector_load %arg7[%swap3A_98] {strides = array<i32>} : memref<128xi32, #tpu.memory_space<vmem>>, vector<16xi32>,
      tpu.vector_store %arg7[%swap3A_98], %add3A_88 {strides = array<i32>} : memref<128xi32, #tpu.memory_space<vmem>>, vector<16xi32>,
      %mul3A_100 = arith.constant 5.000000e-01 : f32
      %mul3A_101 = vector.broadcast %mul3A_100 : f32 to vector<16xf32>
      %mul3A_102 = arith.mulf %gather3A, %mul3A_101 : vector<16xf32>
      %add3A_103 = arith.constant 5.000000e-01 : f32
      %add3A_104 = vector.broadcast %add3A_103 : f32 to vector<16xf32>
      %add3A_105 = arith.addf %mul3A_102, %add3A_104 : vector<16xf32>
      %mul3A_106 = arith.constant 6.300000e+01 : f32
      %mul3A_107 = vector.broadcast %mul3A_106 : f32 to vector<16xf32>
      %mul3A_108 = arith.mulf %add3A_105, %mul3A_107 : vector<16xf32>
      %mul3A_109 = arith.constant 5.000000e-01 : f32
      %mul3A_110 = vector.broadcast %mul3A_109 : f32 to vector<16xf32>
      %mul3A_111 = arith.mulf %gather3A_31, %mul3A_110 : vector<16xf32>
      %add3A_112 = arith.constant 5.000000e-01 : f32
      %add3A_113 = vector.broadcast %add3A_112 : f32 to vector<16xf32>
      %add3A_114 = arith.addf %mul3A_111, %add3A_113 : vector<16xf32>
      %mul3A_115 = arith.constant 6.300000e+01 : f32
      %mul3A_116 = vector.broadcast %mul3A_115 : f32 to vector<16xf32>
      %mul3A_117 = arith.mulf %add3A_114, %mul3A_116 : vector<16xf32>
      %mul3A_118 = arith.constant 5.000000e-01 : f32
      %mul3A_119 = vector.broadcast %mul3A_118 : f32 to vector<16xf32>
      %mul3A_120 = arith.mulf %gather3A_35, %mul3A_119 : vector<16xf32>
      %add3A_121 = arith.constant 5.000000e-01 : f32
      %add3A_122 = vector.broadcast %add3A_121 : f32 to vector<16xf32>
      %add3A_123 = arith.addf %mul3A_120, %add3A_122 : vector<16xf32>
      %mul3A_124 = arith.constant 6.300000e+01 : f32
      %mul3A_125 = vector.broadcast %mul3A_124 : f32 to vector<16xf32>
      %mul3A_126 = arith.mulf %add3A_123, %mul3A_125 : vector<16xf32>
      %convert_element_type3A_127 = arith.fptosi %mul3A_108 : vector<16xf32> to vector<16xi32>
      %min3A_128 = arith.constant 62 : i32
      %min3A_129 = vector.broadcast %min3A_128 : i32 to vector<16xi32>
      %min3A_130 = arith.minsi %convert_element_type3A_127, %min3A_129 : vector<16xi32>
      %convert_element_type3A_131 = arith.fptosi %mul3A_117 : vector<16xf32> to vector<16xi32>
      %min3A_132 = arith.constant 62 : i32
      %min3A_133 = vector.broadcast %min3A_132 : i32 to vector<16xi32>
      %min3A_134 = arith.minsi %convert_element_type3A_131, %min3A_133 : vector<16xi32>
      %convert_element_type3A_135 = arith.fptosi %mul3A_126 : vector<16xf32> to vector<16xi32>
      %min3A_136 = arith.constant 62 : i32
      %min3A_137 = vector.broadcast %min3A_136 : i32 to vector<16xi32>
      %min3A_138 = arith.minsi %convert_element_type3A_135, %min3A_137 : vector<16xi32>
      %convert_element_type3A_139 = arith.sitofp %min3A_130 : vector<16xi32> to vector<16xf32>
      %sub3A_140 = arith.subf %mul3A_108, %convert_element_type3A_139 : vector<16xf32>
      %convert_element_type3A_141 = arith.sitofp %min3A_134 : vector<16xi32> to vector<16xf32>
      %sub3A_142 = arith.subf %mul3A_117, %convert_element_type3A_141 : vector<16xf32>
      %convert_element_type3A_143 = arith.sitofp %min3A_138 : vector<16xi32> to vector<16xf32>
      %sub3A_144 = arith.subf %mul3A_126, %convert_element_type3A_143 : vector<16xf32>
      %mul3A_145 = arith.constant 64 : i32
      %mul3A_146 = vector.broadcast %mul3A_145 : i32 to vector<16xi32>
      %mul3A_147 = arith.muli %min3A_130, %mul3A_146 : vector<16xi32>
      %add3A_148 = arith.addi %mul3A_147, %min3A_134 : vector<16xi32>
      %mul3A_149 = arith.constant 64 : i32
      %mul3A_150 = vector.broadcast %mul3A_149 : i32 to vector<16xi32>
      %mul3A_151 = arith.muli %add3A_148, %mul3A_150 : vector<16xi32>
      %add3A_152 = arith.addi %mul3A_151, %min3A_138 : vector<16xi32>
      %add3A_153 = arith.constant 32768 : i32
      %add3A_154 = vector.broadcast %add3A_153 : i32 to vector<16xi32>
      %add3A_155 = arith.addi %add3A_152, %add3A_154 : vector<16xi32>
      %swap3A_156 = arith.index_cast %mul3A_22 : i32 to index
      %swap3A_157 = tpu.vector_load %arg10[%swap3A_156] {strides = array<i32>} : memref<512xf32, #tpu.memory_space<vmem>>, vector<16xf32>,
      tpu.vector_store %arg10[%swap3A_156], %sub3A_140 {strides = array<i32>} : memref<512xf32, #tpu.memory_space<vmem>>, vector<16xf32>,
      %add3A_158 = arith.constant 128 : i32
      %add3A_159 = arith.addi %add3A_158, %mul3A_22 : i32
      %swap3A_160 = arith.index_cast %add3A_159 : i32 to index
      %swap3A_161 = tpu.vector_load %arg10[%swap3A_160] {strides = array<i32>} : memref<512xf32, #tpu.memory_space<vmem>>, vector<16xf32>,
      tpu.vector_store %arg10[%swap3A_160], %sub3A_142 {strides = array<i32>} : memref<512xf32, #tpu.memory_space<vmem>>, vector<16xf32>,
      %add3A_162 = arith.constant 256 : i32
      %add3A_163 = arith.addi %add3A_162, %mul3A_22 : i32
      %swap3A_164 = arith.index_cast %add3A_163 : i32 to index
      %swap3A_165 = tpu.vector_load %arg10[%swap3A_164] {strides = array<i32>} : memref<512xf32, #tpu.memory_space<vmem>>, vector<16xf32>,
      tpu.vector_store %arg10[%swap3A_164], %sub3A_144 {strides = array<i32>} : memref<512xf32, #tpu.memory_space<vmem>>, vector<16xf32>,
      %and3A = arith.constant 3 : i32
      %and3A_166 = vector.broadcast %and3A : i32 to vector<16xi32>
      %and3A_167 = arith.andi %min3A_138, %and3A_166 : vector<16xi32>
      %convert_element_type3A_168 = arith.sitofp %and3A_167 : vector<16xi32> to vector<16xf32>
      %add3A_169 = arith.constant 384 : i32
      %add3A_170 = arith.addi %add3A_169, %mul3A_22 : i32
      %swap3A_171 = arith.index_cast %add3A_170 : i32 to index
      %swap3A_172 = tpu.vector_load %arg10[%swap3A_171] {strides = array<i32>} : memref<512xf32, #tpu.memory_space<vmem>>, vector<16xf32>,
      tpu.vector_store %arg10[%swap3A_171], %convert_element_type3A_168 {strides = array<i32>} : memref<512xf32, #tpu.memory_space<vmem>>, vector<16xf32>,
      %add3A_173 = arith.constant 0 : i32
      %add3A_174 = vector.broadcast %add3A_173 : i32 to vector<16xi32>
      %add3A_175 = arith.addi %add3A_155, %add3A_174 : vector<16xi32>
      %shift_right_arithmetic3A = arith.constant 2 : i32
      %shift_right_arithmetic3A_176 = vector.broadcast %shift_right_arithmetic3A : i32 to vector<16xi32>
      %shift_right_arithmetic3A_177 = arith.shrsi %add3A_175, %shift_right_arithmetic3A_176 : vector<16xi32>
      %add3A_178 = arith.constant 0 : i32
      %add3A_179 = arith.addi %add3A_178, %mul3A_22 : i32
      %swap3A_180 = arith.index_cast %add3A_179 : i32 to index
      %swap3A_181 = tpu.vector_load %arg9[%swap3A_180] {strides = array<i32>} : memref<3072xi32, #tpu.memory_space<vmem>>, vector<16xi32>,
      tpu.vector_store %arg9[%swap3A_180], %shift_right_arithmetic3A_177 {strides = array<i32>} : memref<3072xi32, #tpu.memory_space<vmem>>, vector<16xi32>,
      %add3A_182 = arith.constant 1 : i32
      %add3A_183 = vector.broadcast %add3A_182 : i32 to vector<16xi32>
      %add3A_184 = arith.addi %add3A_155, %add3A_183 : vector<16xi32>
      %shift_right_arithmetic3A_185 = arith.constant 2 : i32
      %shift_right_arithmetic3A_186 = vector.broadcast %shift_right_arithmetic3A_185 : i32 to vector<16xi32>
      %shift_right_arithmetic3A_187 = arith.shrsi %add3A_184, %shift_right_arithmetic3A_186 : vector<16xi32>
      %add3A_188 = arith.constant 128 : i32
      %add3A_189 = arith.addi %add3A_188, %mul3A_22 : i32
      %swap3A_190 = arith.index_cast %add3A_189 : i32 to index
      %swap3A_191 = tpu.vector_load %arg9[%swap3A_190] {strides = array<i32>} : memref<3072xi32, #tpu.memory_space<vmem>>, vector<16xi32>,
      tpu.vector_store %arg9[%swap3A_190], %shift_right_arithmetic3A_187 {strides = array<i32>} : memref<3072xi32, #tpu.memory_space<vmem>>, vector<16xi32>,
      %add3A_192 = arith.constant 64 : i32
      %add3A_193 = vector.broadcast %add3A_192 : i32 to vector<16xi32>
      %add3A_194 = arith.addi %add3A_155, %add3A_193 : vector<16xi32>
      %shift_right_arithmetic3A_195 = arith.constant 2 : i32
      %shift_right_arithmetic3A_196 = vector.broadcast %shift_right_arithmetic3A_195 : i32 to vector<16xi32>
      %shift_right_arithmetic3A_197 = arith.shrsi %add3A_194, %shift_right_arithmetic3A_196 : vector<16xi32>
      %add3A_198 = arith.constant 256 : i32
      %add3A_199 = arith.addi %add3A_198, %mul3A_22 : i32
      %swap3A_200 = arith.index_cast %add3A_199 : i32 to index
      %swap3A_201 = tpu.vector_load %arg9[%swap3A_200] {strides = array<i32>} : memref<3072xi32, #tpu.memory_space<vmem>>, vector<16xi32>,
      tpu.vector_store %arg9[%swap3A_200], %shift_right_arithmetic3A_197 {strides = array<i32>} : memref<3072xi32, #tpu.memory_space<vmem>>, vector<16xi32>,
      %add3A_202 = arith.constant 65 : i32
      %add3A_203 = vector.broadcast %add3A_202 : i32 to vector<16xi32>
      %add3A_204 = arith.addi %add3A_155, %add3A_203 : vector<16xi32>
      %shift_right_arithmetic3A_205 = arith.constant 2 : i32
      %shift_right_arithmetic3A_206 = vector.broadcast %shift_right_arithmetic3A_205 : i32 to vector<16xi32>
      %shift_right_arithmetic3A_207 = arith.shrsi %add3A_204, %shift_right_arithmetic3A_206 : vector<16xi32>
      %add3A_208 = arith.constant 384 : i32
      %add3A_209 = arith.addi %add3A_208, %mul3A_22 : i32
      %swap3A_210 = arith.index_cast %add3A_209 : i32 to index
      %swap3A_211 = tpu.vector_load %arg9[%swap3A_210] {strides = array<i32>} : memref<3072xi32, #tpu.memory_space<vmem>>, vector<16xi32>,
      tpu.vector_store %arg9[%swap3A_210], %shift_right_arithmetic3A_207 {strides = array<i32>} : memref<3072xi32, #tpu.memory_space<vmem>>, vector<16xi32>,
      %add3A_212 = arith.constant 4096 : i32
      %add3A_213 = vector.broadcast %add3A_212 : i32 to vector<16xi32>
      %add3A_214 = arith.addi %add3A_155, %add3A_213 : vector<16xi32>
      %shift_right_arithmetic3A_215 = arith.constant 2 : i32
      %shift_right_arithmetic3A_216 = vector.broadcast %shift_right_arithmetic3A_215 : i32 to vector<16xi32>
      %shift_right_arithmetic3A_217 = arith.shrsi %add3A_214, %shift_right_arithmetic3A_216 : vector<16xi32>
      %add3A_218 = arith.constant 512 : i32
      %add3A_219 = arith.addi %add3A_218, %mul3A_22 : i32
      %swap3A_220 = arith.index_cast %add3A_219 : i32 to index
      %swap3A_221 = tpu.vector_load %arg9[%swap3A_220] {strides = array<i32>} : memref<3072xi32, #tpu.memory_space<vmem>>, vector<16xi32>,
      tpu.vector_store %arg9[%swap3A_220], %shift_right_arithmetic3A_217 {strides = array<i32>} : memref<3072xi32, #tpu.memory_space<vmem>>, vector<16xi32>,
      %add3A_222 = arith.constant 4097 : i32
      %add3A_223 = vector.broadcast %add3A_222 : i32 to vector<16xi32>
      %add3A_224 = arith.addi %add3A_155, %add3A_223 : vector<16xi32>
      %shift_right_arithmetic3A_225 = arith.constant 2 : i32
      %shift_right_arithmetic3A_226 = vector.broadcast %shift_right_arithmetic3A_225 : i32 to vector<16xi32>
      %shift_right_arithmetic3A_227 = arith.shrsi %add3A_224, %shift_right_arithmetic3A_226 : vector<16xi32>
      %add3A_228 = arith.constant 640 : i32
      %add3A_229 = arith.addi %add3A_228, %mul3A_22 : i32
      %swap3A_230 = arith.index_cast %add3A_229 : i32 to index
      %swap3A_231 = tpu.vector_load %arg9[%swap3A_230] {strides = array<i32>} : memref<3072xi32, #tpu.memory_space<vmem>>, vector<16xi32>,
      tpu.vector_store %arg9[%swap3A_230], %shift_right_arithmetic3A_227 {strides = array<i32>} : memref<3072xi32, #tpu.memory_space<vmem>>, vector<16xi32>,
      %add3A_232 = arith.constant 4160 : i32
      %add3A_233 = vector.broadcast %add3A_232 : i32 to vector<16xi32>
      %add3A_234 = arith.addi %add3A_155, %add3A_233 : vector<16xi32>
      %shift_right_arithmetic3A_235 = arith.constant 2 : i32
      %shift_right_arithmetic3A_236 = vector.broadcast %shift_right_arithmetic3A_235 : i32 to vector<16xi32>
      %shift_right_arithmetic3A_237 = arith.shrsi %add3A_234, %shift_right_arithmetic3A_236 : vector<16xi32>
      %add3A_238 = arith.constant 768 : i32
      %add3A_239 = arith.addi %add3A_238, %mul3A_22 : i32
      %swap3A_240 = arith.index_cast %add3A_239 : i32 to index
      %swap3A_241 = tpu.vector_load %arg9[%swap3A_240] {strides = array<i32>} : memref<3072xi32, #tpu.memory_space<vmem>>, vector<16xi32>,
      tpu.vector_store %arg9[%swap3A_240], %shift_right_arithmetic3A_237 {strides = array<i32>} : memref<3072xi32, #tpu.memory_space<vmem>>, vector<16xi32>,
      %add3A_242 = arith.constant 4161 : i32
      %add3A_243 = vector.broadcast %add3A_242 : i32 to vector<16xi32>
      %add3A_244 = arith.addi %add3A_155, %add3A_243 : vector<16xi32>
      %shift_right_arithmetic3A_245 = arith.constant 2 : i32
      %shift_right_arithmetic3A_246 = vector.broadcast %shift_right_arithmetic3A_245 : i32 to vector<16xi32>
      %shift_right_arithmetic3A_247 = arith.shrsi %add3A_244, %shift_right_arithmetic3A_246 : vector<16xi32>
      %add3A_248 = arith.constant 896 : i32
      %add3A_249 = arith.addi %add3A_248, %mul3A_22 : i32
      %swap3A_250 = arith.index_cast %add3A_249 : i32 to index
      %swap3A_251 = tpu.vector_load %arg9[%swap3A_250] {strides = array<i32>} : memref<3072xi32, #tpu.memory_space<vmem>>, vector<16xi32>,
      tpu.vector_store %arg9[%swap3A_250], %shift_right_arithmetic3A_247 {strides = array<i32>} : memref<3072xi32, #tpu.memory_space<vmem>>, vector<16xi32>,
      %mul3A_252 = arith.constant 5.000000e-01 : f32
      %mul3A_253 = vector.broadcast %mul3A_252 : f32 to vector<16xf32>
      %mul3A_254 = arith.mulf %gather3A, %mul3A_253 : vector<16xf32>
      %add3A_255 = arith.constant 5.000000e-01 : f32
      %add3A_256 = vector.broadcast %add3A_255 : f32 to vector<16xf32>
      %add3A_257 = arith.addf %mul3A_254, %add3A_256 : vector<16xf32>
      %mul3A_258 = arith.constant 1.270000e+02 : f32
      %mul3A_259 = vector.broadcast %mul3A_258 : f32 to vector<16xf32>
      %mul3A_260 = arith.mulf %add3A_257, %mul3A_259 : vector<16xf32>
      %mul3A_261 = arith.constant 5.000000e-01 : f32
      %mul3A_262 = vector.broadcast %mul3A_261 : f32 to vector<16xf32>
      %mul3A_263 = arith.mulf %gather3A_31, %mul3A_262 : vector<16xf32>
      %add3A_264 = arith.constant 5.000000e-01 : f32
      %add3A_265 = vector.broadcast %add3A_264 : f32 to vector<16xf32>
      %add3A_266 = arith.addf %mul3A_263, %add3A_265 : vector<16xf32>
      %mul3A_267 = arith.constant 1.270000e+02 : f32
      %mul3A_268 = vector.broadcast %mul3A_267 : f32 to vector<16xf32>
      %mul3A_269 = arith.mulf %add3A_266, %mul3A_268 : vector<16xf32>
      %mul3A_270 = arith.constant 5.000000e-01 : f32
      %mul3A_271 = vector.broadcast %mul3A_270 : f32 to vector<16xf32>
      %mul3A_272 = arith.mulf %gather3A_35, %mul3A_271 : vector<16xf32>
      %add3A_273 = arith.constant 5.000000e-01 : f32
      %add3A_274 = vector.broadcast %add3A_273 : f32 to vector<16xf32>
      %add3A_275 = arith.addf %mul3A_272, %add3A_274 : vector<16xf32>
      %mul3A_276 = arith.constant 1.270000e+02 : f32
      %mul3A_277 = vector.broadcast %mul3A_276 : f32 to vector<16xf32>
      %mul3A_278 = arith.mulf %add3A_275, %mul3A_277 : vector<16xf32>
      %convert_element_type3A_279 = arith.fptosi %mul3A_260 : vector<16xf32> to vector<16xi32>
      %min3A_280 = arith.constant 126 : i32
      %min3A_281 = vector.broadcast %min3A_280 : i32 to vector<16xi32>
      %min3A_282 = arith.minsi %convert_element_type3A_279, %min3A_281 : vector<16xi32>
      %convert_element_type3A_283 = arith.fptosi %mul3A_269 : vector<16xf32> to vector<16xi32>
      %min3A_284 = arith.constant 126 : i32
      %min3A_285 = vector.broadcast %min3A_284 : i32 to vector<16xi32>
      %min3A_286 = arith.minsi %convert_element_type3A_283, %min3A_285 : vector<16xi32>
      %convert_element_type3A_287 = arith.fptosi %mul3A_278 : vector<16xf32> to vector<16xi32>
      %min3A_288 = arith.constant 126 : i32
      %min3A_289 = vector.broadcast %min3A_288 : i32 to vector<16xi32>
      %min3A_290 = arith.minsi %convert_element_type3A_287, %min3A_289 : vector<16xi32>
      %convert_element_type3A_291 = arith.sitofp %min3A_282 : vector<16xi32> to vector<16xf32>
      %sub3A_292 = arith.subf %mul3A_260, %convert_element_type3A_291 : vector<16xf32>
      %convert_element_type3A_293 = arith.sitofp %min3A_286 : vector<16xi32> to vector<16xf32>
      %sub3A_294 = arith.subf %mul3A_269, %convert_element_type3A_293 : vector<16xf32>
      %convert_element_type3A_295 = arith.sitofp %min3A_290 : vector<16xi32> to vector<16xf32>
      %sub3A_296 = arith.subf %mul3A_278, %convert_element_type3A_295 : vector<16xf32>
      %mul3A_297 = arith.constant 128 : i32
      %mul3A_298 = vector.broadcast %mul3A_297 : i32 to vector<16xi32>
      %mul3A_299 = arith.muli %min3A_282, %mul3A_298 : vector<16xi32>
      %add3A_300 = arith.addi %mul3A_299, %min3A_286 : vector<16xi32>
      %mul3A_301 = arith.constant 128 : i32
      %mul3A_302 = vector.broadcast %mul3A_301 : i32 to vector<16xi32>
      %mul3A_303 = arith.muli %add3A_300, %mul3A_302 : vector<16xi32>
      %add3A_304 = arith.addi %mul3A_303, %min3A_290 : vector<16xi32>
      %add3A_305 = arith.constant 294912 : i32
      %add3A_306 = vector.broadcast %add3A_305 : i32 to vector<16xi32>
      %add3A_307 = arith.addi %add3A_304, %add3A_306 : vector<16xi32>
      %swap3A_308 = arith.index_cast %mul3A_22 : i32 to index
      %swap3A_309 = tpu.vector_load %arg11[%swap3A_308] {strides = array<i32>} : memref<512xf32, #tpu.memory_space<vmem>>, vector<16xf32>,
      tpu.vector_store %arg11[%swap3A_308], %sub3A_292 {strides = array<i32>} : memref<512xf32, #tpu.memory_space<vmem>>, vector<16xf32>,
      %add3A_310 = arith.constant 128 : i32
      %add3A_311 = arith.addi %add3A_310, %mul3A_22 : i32
      %swap3A_312 = arith.index_cast %add3A_311 : i32 to index
      %swap3A_313 = tpu.vector_load %arg11[%swap3A_312] {strides = array<i32>} : memref<512xf32, #tpu.memory_space<vmem>>, vector<16xf32>,
      tpu.vector_store %arg11[%swap3A_312], %sub3A_294 {strides = array<i32>} : memref<512xf32, #tpu.memory_space<vmem>>, vector<16xf32>,
      %add3A_314 = arith.constant 256 : i32
      %add3A_315 = arith.addi %add3A_314, %mul3A_22 : i32
      %swap3A_316 = arith.index_cast %add3A_315 : i32 to index
      %swap3A_317 = tpu.vector_load %arg11[%swap3A_316] {strides = array<i32>} : memref<512xf32, #tpu.memory_space<vmem>>, vector<16xf32>,
      tpu.vector_store %arg11[%swap3A_316], %sub3A_296 {strides = array<i32>} : memref<512xf32, #tpu.memory_space<vmem>>, vector<16xf32>,
      %and3A_318 = arith.constant 3 : i32
      %and3A_319 = vector.broadcast %and3A_318 : i32 to vector<16xi32>
      %and3A_320 = arith.andi %min3A_290, %and3A_319 : vector<16xi32>
      %convert_element_type3A_321 = arith.sitofp %and3A_320 : vector<16xi32> to vector<16xf32>
      %add3A_322 = arith.constant 384 : i32
      %add3A_323 = arith.addi %add3A_322, %mul3A_22 : i32
      %swap3A_324 = arith.index_cast %add3A_323 : i32 to index
      %swap3A_325 = tpu.vector_load %arg11[%swap3A_324] {strides = array<i32>} : memref<512xf32, #tpu.memory_space<vmem>>, vector<16xf32>,
      tpu.vector_store %arg11[%swap3A_324], %convert_element_type3A_321 {strides = array<i32>} : memref<512xf32, #tpu.memory_space<vmem>>, vector<16xf32>,
      %add3A_326 = arith.constant 0 : i32
      %add3A_327 = vector.broadcast %add3A_326 : i32 to vector<16xi32>
      %add3A_328 = arith.addi %add3A_307, %add3A_327 : vector<16xi32>
      %shift_right_arithmetic3A_329 = arith.constant 2 : i32
      %shift_right_arithmetic3A_330 = vector.broadcast %shift_right_arithmetic3A_329 : i32 to vector<16xi32>
      %shift_right_arithmetic3A_331 = arith.shrsi %add3A_328, %shift_right_arithmetic3A_330 : vector<16xi32>
      %add3A_332 = arith.constant 1024 : i32
      %add3A_333 = arith.addi %add3A_332, %mul3A_22 : i32
      %swap3A_334 = arith.index_cast %add3A_333 : i32 to index
      %swap3A_335 = tpu.vector_load %arg9[%swap3A_334] {strides = array<i32>} : memref<3072xi32, #tpu.memory_space<vmem>>, vector<16xi32>,
      tpu.vector_store %arg9[%swap3A_334], %shift_right_arithmetic3A_331 {strides = array<i32>} : memref<3072xi32, #tpu.memory_space<vmem>>, vector<16xi32>,
      %add3A_336 = arith.constant 1 : i32
      %add3A_337 = vector.broadcast %add3A_336 : i32 to vector<16xi32>
      %add3A_338 = arith.addi %add3A_307, %add3A_337 : vector<16xi32>
      %shift_right_arithmetic3A_339 = arith.constant 2 : i32
      %shift_right_arithmetic3A_340 = vector.broadcast %shift_right_arithmetic3A_339 : i32 to vector<16xi32>
      %shift_right_arithmetic3A_341 = arith.shrsi %add3A_338, %shift_right_arithmetic3A_340 : vector<16xi32>
      %add3A_342 = arith.constant 1152 : i32
      %add3A_343 = arith.addi %add3A_342, %mul3A_22 : i32
      %swap3A_344 = arith.index_cast %add3A_343 : i32 to index
      %swap3A_345 = tpu.vector_load %arg9[%swap3A_344] {strides = array<i32>} : memref<3072xi32, #tpu.memory_space<vmem>>, vector<16xi32>,
      tpu.vector_store %arg9[%swap3A_344], %shift_right_arithmetic3A_341 {strides = array<i32>} : memref<3072xi32, #tpu.memory_space<vmem>>, vector<16xi32>,
      %add3A_346 = arith.constant 128 : i32
      %add3A_347 = vector.broadcast %add3A_346 : i32 to vector<16xi32>
      %add3A_348 = arith.addi %add3A_307, %add3A_347 : vector<16xi32>
      %shift_right_arithmetic3A_349 = arith.constant 2 : i32
      %shift_right_arithmetic3A_350 = vector.broadcast %shift_right_arithmetic3A_349 : i32 to vector<16xi32>
      %shift_right_arithmetic3A_351 = arith.shrsi %add3A_348, %shift_right_arithmetic3A_350 : vector<16xi32>
      %add3A_352 = arith.constant 1280 : i32
      %add3A_353 = arith.addi %add3A_352, %mul3A_22 : i32
      %swap3A_354 = arith.index_cast %add3A_353 : i32 to index
      %swap3A_355 = tpu.vector_load %arg9[%swap3A_354] {strides = array<i32>} : memref<3072xi32, #tpu.memory_space<vmem>>, vector<16xi32>,
      tpu.vector_store %arg9[%swap3A_354], %shift_right_arithmetic3A_351 {strides = array<i32>} : memref<3072xi32, #tpu.memory_space<vmem>>, vector<16xi32>,
      %add3A_356 = arith.constant 129 : i32
      %add3A_357 = vector.broadcast %add3A_356 : i32 to vector<16xi32>
      %add3A_358 = arith.addi %add3A_307, %add3A_357 : vector<16xi32>
      %shift_right_arithmetic3A_359 = arith.constant 2 : i32
      %shift_right_arithmetic3A_360 = vector.broadcast %shift_right_arithmetic3A_359 : i32 to vector<16xi32>
      %shift_right_arithmetic3A_361 = arith.shrsi %add3A_358, %shift_right_arithmetic3A_360 : vector<16xi32>
      %add3A_362 = arith.constant 1408 : i32
      %add3A_363 = arith.addi %add3A_362, %mul3A_22 : i32
      %swap3A_364 = arith.index_cast %add3A_363 : i32 to index
      %swap3A_365 = tpu.vector_load %arg9[%swap3A_364] {strides = array<i32>} : memref<3072xi32, #tpu.memory_space<vmem>>, vector<16xi32>,
      tpu.vector_store %arg9[%swap3A_364], %shift_right_arithmetic3A_361 {strides = array<i32>} : memref<3072xi32, #tpu.memory_space<vmem>>, vector<16xi32>,
      %add3A_366 = arith.constant 16384 : i32
      %add3A_367 = vector.broadcast %add3A_366 : i32 to vector<16xi32>
      %add3A_368 = arith.addi %add3A_307, %add3A_367 : vector<16xi32>
      %shift_right_arithmetic3A_369 = arith.constant 2 : i32
      %shift_right_arithmetic3A_370 = vector.broadcast %shift_right_arithmetic3A_369 : i32 to vector<16xi32>
      %shift_right_arithmetic3A_371 = arith.shrsi %add3A_368, %shift_right_arithmetic3A_370 : vector<16xi32>
      %add3A_372 = arith.constant 1536 : i32
      %add3A_373 = arith.addi %add3A_372, %mul3A_22 : i32
      %swap3A_374 = arith.index_cast %add3A_373 : i32 to index
      %swap3A_375 = tpu.vector_load %arg9[%swap3A_374] {strides = array<i32>} : memref<3072xi32, #tpu.memory_space<vmem>>, vector<16xi32>,
      tpu.vector_store %arg9[%swap3A_374], %shift_right_arithmetic3A_371 {strides = array<i32>} : memref<3072xi32, #tpu.memory_space<vmem>>, vector<16xi32>,
      %add3A_376 = arith.constant 16385 : i32
      %add3A_377 = vector.broadcast %add3A_376 : i32 to vector<16xi32>
      %add3A_378 = arith.addi %add3A_307, %add3A_377 : vector<16xi32>
      %shift_right_arithmetic3A_379 = arith.constant 2 : i32
      %shift_right_arithmetic3A_380 = vector.broadcast %shift_right_arithmetic3A_379 : i32 to vector<16xi32>
      %shift_right_arithmetic3A_381 = arith.shrsi %add3A_378, %shift_right_arithmetic3A_380 : vector<16xi32>
      %add3A_382 = arith.constant 1664 : i32
      %add3A_383 = arith.addi %add3A_382, %mul3A_22 : i32
      %swap3A_384 = arith.index_cast %add3A_383 : i32 to index
      %swap3A_385 = tpu.vector_load %arg9[%swap3A_384] {strides = array<i32>} : memref<3072xi32, #tpu.memory_space<vmem>>, vector<16xi32>,
      tpu.vector_store %arg9[%swap3A_384], %shift_right_arithmetic3A_381 {strides = array<i32>} : memref<3072xi32, #tpu.memory_space<vmem>>, vector<16xi32>,
      %add3A_386 = arith.constant 16512 : i32
      %add3A_387 = vector.broadcast %add3A_386 : i32 to vector<16xi32>
      %add3A_388 = arith.addi %add3A_307, %add3A_387 : vector<16xi32>
      %shift_right_arithmetic3A_389 = arith.constant 2 : i32
      %shift_right_arithmetic3A_390 = vector.broadcast %shift_right_arithmetic3A_389 : i32 to vector<16xi32>
      %shift_right_arithmetic3A_391 = arith.shrsi %add3A_388, %shift_right_arithmetic3A_390 : vector<16xi32>
      %add3A_392 = arith.constant 1792 : i32
      %add3A_393 = arith.addi %add3A_392, %mul3A_22 : i32
      %swap3A_394 = arith.index_cast %add3A_393 : i32 to index
      %swap3A_395 = tpu.vector_load %arg9[%swap3A_394] {strides = array<i32>} : memref<3072xi32, #tpu.memory_space<vmem>>, vector<16xi32>,
      tpu.vector_store %arg9[%swap3A_394], %shift_right_arithmetic3A_391 {strides = array<i32>} : memref<3072xi32, #tpu.memory_space<vmem>>, vector<16xi32>,
      %add3A_396 = arith.constant 16513 : i32
      %add3A_397 = vector.broadcast %add3A_396 : i32 to vector<16xi32>
      %add3A_398 = arith.addi %add3A_307, %add3A_397 : vector<16xi32>
      %shift_right_arithmetic3A_399 = arith.constant 2 : i32
      %shift_right_arithmetic3A_400 = vector.broadcast %shift_right_arithmetic3A_399 : i32 to vector<16xi32>
      %shift_right_arithmetic3A_401 = arith.shrsi %add3A_398, %shift_right_arithmetic3A_400 : vector<16xi32>
      %add3A_402 = arith.constant 1920 : i32
      %add3A_403 = arith.addi %add3A_402, %mul3A_22 : i32
      %swap3A_404 = arith.index_cast %add3A_403 : i32 to index
      %swap3A_405 = tpu.vector_load %arg9[%swap3A_404] {strides = array<i32>} : memref<3072xi32, #tpu.memory_space<vmem>>, vector<16xi32>,
      tpu.vector_store %arg9[%swap3A_404], %shift_right_arithmetic3A_401 {strides = array<i32>} : memref<3072xi32, #tpu.memory_space<vmem>>, vector<16xi32>,
      %mul3A_406 = arith.constant 5.000000e-01 : f32
      %mul3A_407 = vector.broadcast %mul3A_406 : f32 to vector<16xf32>
      %mul3A_408 = arith.mulf %gather3A, %mul3A_407 : vector<16xf32>
      %add3A_409 = arith.constant 5.000000e-01 : f32
      %add3A_410 = vector.broadcast %add3A_409 : f32 to vector<16xf32>
      %add3A_411 = arith.addf %mul3A_408, %add3A_410 : vector<16xf32>
      %mul3A_412 = arith.constant 2.550000e+02 : f32
      %mul3A_413 = vector.broadcast %mul3A_412 : f32 to vector<16xf32>
      %mul3A_414 = arith.mulf %add3A_411, %mul3A_413 : vector<16xf32>
      %mul3A_415 = arith.constant 5.000000e-01 : f32
      %mul3A_416 = vector.broadcast %mul3A_415 : f32 to vector<16xf32>
      %mul3A_417 = arith.mulf %gather3A_31, %mul3A_416 : vector<16xf32>
      %add3A_418 = arith.constant 5.000000e-01 : f32
      %add3A_419 = vector.broadcast %add3A_418 : f32 to vector<16xf32>
      %add3A_420 = arith.addf %mul3A_417, %add3A_419 : vector<16xf32>
      %mul3A_421 = arith.constant 2.550000e+02 : f32
      %mul3A_422 = vector.broadcast %mul3A_421 : f32 to vector<16xf32>
      %mul3A_423 = arith.mulf %add3A_420, %mul3A_422 : vector<16xf32>
      %mul3A_424 = arith.constant 5.000000e-01 : f32
      %mul3A_425 = vector.broadcast %mul3A_424 : f32 to vector<16xf32>
      %mul3A_426 = arith.mulf %gather3A_35, %mul3A_425 : vector<16xf32>
      %add3A_427 = arith.constant 5.000000e-01 : f32
      %add3A_428 = vector.broadcast %add3A_427 : f32 to vector<16xf32>
      %add3A_429 = arith.addf %mul3A_426, %add3A_428 : vector<16xf32>
      %mul3A_430 = arith.constant 2.550000e+02 : f32
      %mul3A_431 = vector.broadcast %mul3A_430 : f32 to vector<16xf32>
      %mul3A_432 = arith.mulf %add3A_429, %mul3A_431 : vector<16xf32>
      %convert_element_type3A_433 = arith.fptosi %mul3A_414 : vector<16xf32> to vector<16xi32>
      %min3A_434 = arith.constant 254 : i32
      %min3A_435 = vector.broadcast %min3A_434 : i32 to vector<16xi32>
      %min3A_436 = arith.minsi %convert_element_type3A_433, %min3A_435 : vector<16xi32>
      %convert_element_type3A_437 = arith.fptosi %mul3A_423 : vector<16xf32> to vector<16xi32>
      %min3A_438 = arith.constant 254 : i32
      %min3A_439 = vector.broadcast %min3A_438 : i32 to vector<16xi32>
      %min3A_440 = arith.minsi %convert_element_type3A_437, %min3A_439 : vector<16xi32>
      %convert_element_type3A_441 = arith.fptosi %mul3A_432 : vector<16xf32> to vector<16xi32>
      %min3A_442 = arith.constant 254 : i32
      %min3A_443 = vector.broadcast %min3A_442 : i32 to vector<16xi32>
      %min3A_444 = arith.minsi %convert_element_type3A_441, %min3A_443 : vector<16xi32>
      %convert_element_type3A_445 = arith.sitofp %min3A_436 : vector<16xi32> to vector<16xf32>
      %sub3A_446 = arith.subf %mul3A_414, %convert_element_type3A_445 : vector<16xf32>
      %convert_element_type3A_447 = arith.sitofp %min3A_440 : vector<16xi32> to vector<16xf32>
      %sub3A_448 = arith.subf %mul3A_423, %convert_element_type3A_447 : vector<16xf32>
      %convert_element_type3A_449 = arith.sitofp %min3A_444 : vector<16xi32> to vector<16xf32>
      %sub3A_450 = arith.subf %mul3A_432, %convert_element_type3A_449 : vector<16xf32>
      %mul3A_451 = arith.constant 256 : i32
      %mul3A_452 = vector.broadcast %mul3A_451 : i32 to vector<16xi32>
      %mul3A_453 = arith.muli %min3A_436, %mul3A_452 : vector<16xi32>
      %add3A_454 = arith.addi %mul3A_453, %min3A_440 : vector<16xi32>
      %mul3A_455 = arith.constant 256 : i32
      %mul3A_456 = vector.broadcast %mul3A_455 : i32 to vector<16xi32>
      %mul3A_457 = arith.muli %add3A_454, %mul3A_456 : vector<16xi32>
      %add3A_458 = arith.addi %mul3A_457, %min3A_444 : vector<16xi32>
      %add3A_459 = arith.constant 2392064 : i32
      %add3A_460 = vector.broadcast %add3A_459 : i32 to vector<16xi32>
      %add3A_461 = arith.addi %add3A_458, %add3A_460 : vector<16xi32>
      %swap3A_462 = arith.index_cast %mul3A_22 : i32 to index
      %swap3A_463 = tpu.vector_load %arg12[%swap3A_462] {strides = array<i32>} : memref<512xf32, #tpu.memory_space<vmem>>, vector<16xf32>,
      tpu.vector_store %arg12[%swap3A_462], %sub3A_446 {strides = array<i32>} : memref<512xf32, #tpu.memory_space<vmem>>, vector<16xf32>,
      %add3A_464 = arith.constant 128 : i32
      %add3A_465 = arith.addi %add3A_464, %mul3A_22 : i32
      %swap3A_466 = arith.index_cast %add3A_465 : i32 to index
      %swap3A_467 = tpu.vector_load %arg12[%swap3A_466] {strides = array<i32>} : memref<512xf32, #tpu.memory_space<vmem>>, vector<16xf32>,
      tpu.vector_store %arg12[%swap3A_466], %sub3A_448 {strides = array<i32>} : memref<512xf32, #tpu.memory_space<vmem>>, vector<16xf32>,
      %add3A_468 = arith.constant 256 : i32
      %add3A_469 = arith.addi %add3A_468, %mul3A_22 : i32
      %swap3A_470 = arith.index_cast %add3A_469 : i32 to index
      %swap3A_471 = tpu.vector_load %arg12[%swap3A_470] {strides = array<i32>} : memref<512xf32, #tpu.memory_space<vmem>>, vector<16xf32>,
      tpu.vector_store %arg12[%swap3A_470], %sub3A_450 {strides = array<i32>} : memref<512xf32, #tpu.memory_space<vmem>>, vector<16xf32>,
      %and3A_472 = arith.constant 3 : i32
      %and3A_473 = vector.broadcast %and3A_472 : i32 to vector<16xi32>
      %and3A_474 = arith.andi %min3A_444, %and3A_473 : vector<16xi32>
      %convert_element_type3A_475 = arith.sitofp %and3A_474 : vector<16xi32> to vector<16xf32>
      %add3A_476 = arith.constant 384 : i32
      %add3A_477 = arith.addi %add3A_476, %mul3A_22 : i32
      %swap3A_478 = arith.index_cast %add3A_477 : i32 to index
      %swap3A_479 = tpu.vector_load %arg12[%swap3A_478] {strides = array<i32>} : memref<512xf32, #tpu.memory_space<vmem>>, vector<16xf32>,
      tpu.vector_store %arg12[%swap3A_478], %convert_element_type3A_475 {strides = array<i32>} : memref<512xf32, #tpu.memory_space<vmem>>, vector<16xf32>,
      %add3A_480 = arith.constant 0 : i32
      %add3A_481 = vector.broadcast %add3A_480 : i32 to vector<16xi32>
      %add3A_482 = arith.addi %add3A_461, %add3A_481 : vector<16xi32>
      %shift_right_arithmetic3A_483 = arith.constant 2 : i32
      %shift_right_arithmetic3A_484 = vector.broadcast %shift_right_arithmetic3A_483 : i32 to vector<16xi32>
      %shift_right_arithmetic3A_485 = arith.shrsi %add3A_482, %shift_right_arithmetic3A_484 : vector<16xi32>
      %add3A_486 = arith.constant 2048 : i32
      %add3A_487 = arith.addi %add3A_486, %mul3A_22 : i32
      %swap3A_488 = arith.index_cast %add3A_487 : i32 to index
      %swap3A_489 = tpu.vector_load %arg9[%swap3A_488] {strides = array<i32>} : memref<3072xi32, #tpu.memory_space<vmem>>, vector<16xi32>,
      tpu.vector_store %arg9[%swap3A_488], %shift_right_arithmetic3A_485 {strides = array<i32>} : memref<3072xi32, #tpu.memory_space<vmem>>, vector<16xi32>,
      %add3A_490 = arith.constant 1 : i32
      %add3A_491 = vector.broadcast %add3A_490 : i32 to vector<16xi32>
      %add3A_492 = arith.addi %add3A_461, %add3A_491 : vector<16xi32>
      %shift_right_arithmetic3A_493 = arith.constant 2 : i32
      %shift_right_arithmetic3A_494 = vector.broadcast %shift_right_arithmetic3A_493 : i32 to vector<16xi32>
      %shift_right_arithmetic3A_495 = arith.shrsi %add3A_492, %shift_right_arithmetic3A_494 : vector<16xi32>
      %add3A_496 = arith.constant 2176 : i32
      %add3A_497 = arith.addi %add3A_496, %mul3A_22 : i32
      %swap3A_498 = arith.index_cast %add3A_497 : i32 to index
      %swap3A_499 = tpu.vector_load %arg9[%swap3A_498] {strides = array<i32>} : memref<3072xi32, #tpu.memory_space<vmem>>, vector<16xi32>,
      tpu.vector_store %arg9[%swap3A_498], %shift_right_arithmetic3A_495 {strides = array<i32>} : memref<3072xi32, #tpu.memory_space<vmem>>, vector<16xi32>,
      %add3A_500 = arith.constant 256 : i32
      %add3A_501 = vector.broadcast %add3A_500 : i32 to vector<16xi32>
      %add3A_502 = arith.addi %add3A_461, %add3A_501 : vector<16xi32>
      %shift_right_arithmetic3A_503 = arith.constant 2 : i32
      %shift_right_arithmetic3A_504 = vector.broadcast %shift_right_arithmetic3A_503 : i32 to vector<16xi32>
      %shift_right_arithmetic3A_505 = arith.shrsi %add3A_502, %shift_right_arithmetic3A_504 : vector<16xi32>
      %add3A_506 = arith.constant 2304 : i32
      %add3A_507 = arith.addi %add3A_506, %mul3A_22 : i32
      %swap3A_508 = arith.index_cast %add3A_507 : i32 to index
      %swap3A_509 = tpu.vector_load %arg9[%swap3A_508] {strides = array<i32>} : memref<3072xi32, #tpu.memory_space<vmem>>, vector<16xi32>,
      tpu.vector_store %arg9[%swap3A_508], %shift_right_arithmetic3A_505 {strides = array<i32>} : memref<3072xi32, #tpu.memory_space<vmem>>, vector<16xi32>,
      %add3A_510 = arith.constant 257 : i32
      %add3A_511 = vector.broadcast %add3A_510 : i32 to vector<16xi32>
      %add3A_512 = arith.addi %add3A_461, %add3A_511 : vector<16xi32>
      %shift_right_arithmetic3A_513 = arith.constant 2 : i32
      %shift_right_arithmetic3A_514 = vector.broadcast %shift_right_arithmetic3A_513 : i32 to vector<16xi32>
      %shift_right_arithmetic3A_515 = arith.shrsi %add3A_512, %shift_right_arithmetic3A_514 : vector<16xi32>
      %add3A_516 = arith.constant 2432 : i32
      %add3A_517 = arith.addi %add3A_516, %mul3A_22 : i32
      %swap3A_518 = arith.index_cast %add3A_517 : i32 to index
      %swap3A_519 = tpu.vector_load %arg9[%swap3A_518] {strides = array<i32>} : memref<3072xi32, #tpu.memory_space<vmem>>, vector<16xi32>,
      tpu.vector_store %arg9[%swap3A_518], %shift_right_arithmetic3A_515 {strides = array<i32>} : memref<3072xi32, #tpu.memory_space<vmem>>, vector<16xi32>,
      %add3A_520 = arith.constant 65536 : i32
      %add3A_521 = vector.broadcast %add3A_520 : i32 to vector<16xi32>
      %add3A_522 = arith.addi %add3A_461, %add3A_521 : vector<16xi32>
      %shift_right_arithmetic3A_523 = arith.constant 2 : i32
      %shift_right_arithmetic3A_524 = vector.broadcast %shift_right_arithmetic3A_523 : i32 to vector<16xi32>
      %shift_right_arithmetic3A_525 = arith.shrsi %add3A_522, %shift_right_arithmetic3A_524 : vector<16xi32>
      %add3A_526 = arith.constant 2560 : i32
      %add3A_527 = arith.addi %add3A_526, %mul3A_22 : i32
      %swap3A_528 = arith.index_cast %add3A_527 : i32 to index
      %swap3A_529 = tpu.vector_load %arg9[%swap3A_528] {strides = array<i32>} : memref<3072xi32, #tpu.memory_space<vmem>>, vector<16xi32>,
      tpu.vector_store %arg9[%swap3A_528], %shift_right_arithmetic3A_525 {strides = array<i32>} : memref<3072xi32, #tpu.memory_space<vmem>>, vector<16xi32>,
      %add3A_530 = arith.constant 65537 : i32
      %add3A_531 = vector.broadcast %add3A_530 : i32 to vector<16xi32>
      %add3A_532 = arith.addi %add3A_461, %add3A_531 : vector<16xi32>
      %shift_right_arithmetic3A_533 = arith.constant 2 : i32
      %shift_right_arithmetic3A_534 = vector.broadcast %shift_right_arithmetic3A_533 : i32 to vector<16xi32>
      %shift_right_arithmetic3A_535 = arith.shrsi %add3A_532, %shift_right_arithmetic3A_534 : vector<16xi32>
      %add3A_536 = arith.constant 2688 : i32
      %add3A_537 = arith.addi %add3A_536, %mul3A_22 : i32
      %swap3A_538 = arith.index_cast %add3A_537 : i32 to index
      %swap3A_539 = tpu.vector_load %arg9[%swap3A_538] {strides = array<i32>} : memref<3072xi32, #tpu.memory_space<vmem>>, vector<16xi32>,
      tpu.vector_store %arg9[%swap3A_538], %shift_right_arithmetic3A_535 {strides = array<i32>} : memref<3072xi32, #tpu.memory_space<vmem>>, vector<16xi32>,
      %add3A_540 = arith.constant 65792 : i32
      %add3A_541 = vector.broadcast %add3A_540 : i32 to vector<16xi32>
      %add3A_542 = arith.addi %add3A_461, %add3A_541 : vector<16xi32>
      %shift_right_arithmetic3A_543 = arith.constant 2 : i32
      %shift_right_arithmetic3A_544 = vector.broadcast %shift_right_arithmetic3A_543 : i32 to vector<16xi32>
      %shift_right_arithmetic3A_545 = arith.shrsi %add3A_542, %shift_right_arithmetic3A_544 : vector<16xi32>
      %add3A_546 = arith.constant 2816 : i32
      %add3A_547 = arith.addi %add3A_546, %mul3A_22 : i32
      %swap3A_548 = arith.index_cast %add3A_547 : i32 to index
      %swap3A_549 = tpu.vector_load %arg9[%swap3A_548] {strides = array<i32>} : memref<3072xi32, #tpu.memory_space<vmem>>, vector<16xi32>,
      tpu.vector_store %arg9[%swap3A_548], %shift_right_arithmetic3A_545 {strides = array<i32>} : memref<3072xi32, #tpu.memory_space<vmem>>, vector<16xi32>,
      %add3A_550 = arith.constant 65793 : i32
      %add3A_551 = vector.broadcast %add3A_550 : i32 to vector<16xi32>
      %add3A_552 = arith.addi %add3A_461, %add3A_551 : vector<16xi32>
      %shift_right_arithmetic3A_553 = arith.constant 2 : i32
      %shift_right_arithmetic3A_554 = vector.broadcast %shift_right_arithmetic3A_553 : i32 to vector<16xi32>
      %shift_right_arithmetic3A_555 = arith.shrsi %add3A_552, %shift_right_arithmetic3A_554 : vector<16xi32>
      %add3A_556 = arith.constant 2944 : i32
      %add3A_557 = arith.addi %add3A_556, %mul3A_22 : i32
      %swap3A_558 = arith.index_cast %add3A_557 : i32 to index
      %swap3A_559 = tpu.vector_load %arg9[%swap3A_558] {strides = array<i32>} : memref<3072xi32, #tpu.memory_space<vmem>>, vector<16xi32>,
      tpu.vector_store %arg9[%swap3A_558], %shift_right_arithmetic3A_555 {strides = array<i32>} : memref<3072xi32, #tpu.memory_space<vmem>>, vector<16xi32>,
    }
    %scan3A_11 = arith.constant 8 : i32
    %dma_start3A = arith.constant 0 : i32
    %dma_start3A_12 = arith.constant 0 : i32
    %dma_start3A_13 = tpu.memref_slice %arg3[%dma_start3A, %dma_start3A_12] : memref<4792320x8xf32, #tpu.memory_space<hbm>> -> memref<4792320x8xf32, #tpu.memory_space<hbm>>
    tpu.enqueue_indirect_dma source(%dma_start3A_13 : memref<4792320x8xf32, #tpu.memory_space<hbm>>) target(%arg13 : memref<3072x8xf32, #tpu.memory_space<vmem>>) offsets(%arg9 : memref<3072xi32, #tpu.memory_space<vmem>>) semaphore(%arg15 : memref<!tpu.dma_semaphore, #tpu.memory_space<semaphore_mem>>)
    %scan3A_14 = arith.constant 0 : i32
    %scan3A_15 = arith.constant 0 : i32
    %scan3A_16 = arith.constant 128 : i32
    %scan3A_17 = arith.addi %scan3A_15, %scan3A_16 : i32
    %scan3A_18 = arith.constant 1 : i32
    scf.for %scan3A_20 = %scan3A_15 to %scan3A_17 step %scan3A_18  : i32 {
      %mul3A_21 = arith.constant 2 : i32
      %mul3A_22 = arith.muli %mul3A_21, %scan3A_20 : i32
      %add3A_23 = arith.constant 1 : i32
      %add3A_24 = arith.addi %mul3A_22, %add3A_23 : i32
      %mul3A_25 = arith.constant 32768 : i32
      %mul3A_26 = arith.muli %add3A, %mul3A_25 : i32
      %mul3A_27 = arith.constant 128 : i32
      %mul3A_28 = arith.muli %add3A_24, %mul3A_27 : i32
      %add3A_29 = arith.addi %mul3A_26, %mul3A_28 : i32
      %mul3A_30 = arith.constant 3 : i32
      %mul3A_31 = arith.muli %add3A_29, %mul3A_30 : i32
      "tpu.region"() ({
        %run_scoped3A = tpu.sem_alloc : memref<!tpu.dma_semaphore, #tpu.memory_space<semaphore_mem>>
        %dma_start3A_108 = tpu.memref_slice %arg2[%mul3A_31] : memref<3145728xf32, #tpu.memory_space<hbm>> -> memref<384xf32, #tpu.memory_space<hbm>>
        %dma_start3A_109 = tpu.memref_slice %arg2[%mul3A_31] : memref<3145728xf32, #tpu.memory_space<hbm>> -> memref<384xf32, #tpu.memory_space<hbm>>
        tpu.enqueue_dma source(%dma_start3A_109 : memref<384xf32, #tpu.memory_space<hbm>>) target(%arg16 : memref<384xf32, #tpu.memory_space<vmem>>) target_semaphore(%run_scoped3A : memref<!tpu.dma_semaphore, #tpu.memory_space<semaphore_mem>>)
        %dma_wait3A_110 = tpu.memref_slice %arg2[%mul3A_31] : memref<3145728xf32, #tpu.memory_space<hbm>> -> memref<384xf32, #tpu.memory_space<hbm>>
        %dma_wait3A_111 = tpu.memref_slice %arg2[%mul3A_31] : memref<3145728xf32, #tpu.memory_space<hbm>> -> memref<384xf32, #tpu.memory_space<hbm>>
        tpu.wait_dma2 semaphore(%run_scoped3A : memref<!tpu.dma_semaphore, #tpu.memory_space<semaphore_mem>>) src(%dma_wait3A_111 : memref<384xf32, #tpu.memory_space<hbm>>) dst(%arg16 : memref<384xf32, #tpu.memory_space<vmem>>)
        tpu.yield
      }) : () -> ()
      %scan3A_32 = arith.constant 0 : i32
      %scan3A_33 = arith.constant 0 : i32
      %scan3A_34 = arith.constant 8 : i32
      %scan3A_35 = arith.addi %scan3A_33, %scan3A_34 : i32
      %scan3A_36 = arith.constant 1 : i32
      scf.for %scan3A_108 = %scan3A_33 to %scan3A_35 step %scan3A_36  : i32 {
        %mul3A_109 = arith.constant 16 : i32
        %mul3A_110 = arith.muli %scan3A_108, %mul3A_109 : i32
        %add3A_111 = vector.broadcast %mul3A_110 : i32 to vector<16xi32>
        %add3A_112 = arith.addi %iota3A, %add3A_111 : vector<16xi32>
        %mul3A_113 = arith.constant 3 : i32
        %mul3A_114 = vector.broadcast %mul3A_113 : i32 to vector<16xi32>
        %mul3A_115 = arith.muli %add3A_112, %mul3A_114 : vector<16xi32>
        %gather3A = tpu.vector_load_idx %arg16[%mul3A_115] : memref<384xf32, #tpu.memory_space<vmem>>[vector<16xi32>], vector<16xf32>,
        %add3A_116 = arith.constant 1 : i32
        %add3A_117 = vector.broadcast %add3A_116 : i32 to vector<16xi32>
        %add3A_118 = arith.addi %mul3A_115, %add3A_117 : vector<16xi32>
        %gather3A_119 = tpu.vector_load_idx %arg16[%add3A_118] : memref<384xf32, #tpu.memory_space<vmem>>[vector<16xi32>], vector<16xf32>,
        %add3A_120 = arith.constant 2 : i32
        %add3A_121 = vector.broadcast %add3A_120 : i32 to vector<16xi32>
        %add3A_122 = arith.addi %mul3A_115, %add3A_121 : vector<16xi32>
        %gather3A_123 = tpu.vector_load_idx %arg16[%add3A_122] : memref<384xf32, #tpu.memory_space<vmem>>[vector<16xi32>], vector<16xf32>,
        %mul3A_124 = arith.constant 5.000000e-01 : f32
        %mul3A_125 = vector.broadcast %mul3A_124 : f32 to vector<16xf32>
        %mul3A_126 = arith.mulf %gather3A, %mul3A_125 : vector<16xf32>
        %add3A_127 = arith.constant 5.000000e-01 : f32
        %add3A_128 = vector.broadcast %add3A_127 : f32 to vector<16xf32>
        %add3A_129 = arith.addf %mul3A_126, %add3A_128 : vector<16xf32>
        %mul3A_130 = arith.constant 3.100000e+01 : f32
        %mul3A_131 = vector.broadcast %mul3A_130 : f32 to vector<16xf32>
        %mul3A_132 = arith.mulf %add3A_129, %mul3A_131 : vector<16xf32>
        %mul3A_133 = arith.constant 5.000000e-01 : f32
        %mul3A_134 = vector.broadcast %mul3A_133 : f32 to vector<16xf32>
        %mul3A_135 = arith.mulf %gather3A_119, %mul3A_134 : vector<16xf32>
        %add3A_136 = arith.constant 5.000000e-01 : f32
        %add3A_137 = vector.broadcast %add3A_136 : f32 to vector<16xf32>
        %add3A_138 = arith.addf %mul3A_135, %add3A_137 : vector<16xf32>
        %mul3A_139 = arith.constant 3.100000e+01 : f32
        %mul3A_140 = vector.broadcast %mul3A_139 : f32 to vector<16xf32>
        %mul3A_141 = arith.mulf %add3A_138, %mul3A_140 : vector<16xf32>
        %mul3A_142 = arith.constant 5.000000e-01 : f32
        %mul3A_143 = vector.broadcast %mul3A_142 : f32 to vector<16xf32>
        %mul3A_144 = arith.mulf %gather3A_123, %mul3A_143 : vector<16xf32>
        %add3A_145 = arith.constant 5.000000e-01 : f32
        %add3A_146 = vector.broadcast %add3A_145 : f32 to vector<16xf32>
        %add3A_147 = arith.addf %mul3A_144, %add3A_146 : vector<16xf32>
        %mul3A_148 = arith.constant 3.100000e+01 : f32
        %mul3A_149 = vector.broadcast %mul3A_148 : f32 to vector<16xf32>
        %mul3A_150 = arith.mulf %add3A_147, %mul3A_149 : vector<16xf32>
        %convert_element_type3A_151 = arith.fptosi %mul3A_132 : vector<16xf32> to vector<16xi32>
        %min3A = arith.constant 30 : i32
        %min3A_152 = vector.broadcast %min3A : i32 to vector<16xi32>
        %min3A_153 = arith.minsi %convert_element_type3A_151, %min3A_152 : vector<16xi32>
        %convert_element_type3A_154 = arith.fptosi %mul3A_141 : vector<16xf32> to vector<16xi32>
        %min3A_155 = arith.constant 30 : i32
        %min3A_156 = vector.broadcast %min3A_155 : i32 to vector<16xi32>
        %min3A_157 = arith.minsi %convert_element_type3A_154, %min3A_156 : vector<16xi32>
        %convert_element_type3A_158 = arith.fptosi %mul3A_150 : vector<16xf32> to vector<16xi32>
        %min3A_159 = arith.constant 30 : i32
        %min3A_160 = vector.broadcast %min3A_159 : i32 to vector<16xi32>
        %min3A_161 = arith.minsi %convert_element_type3A_158, %min3A_160 : vector<16xi32>
        %convert_element_type3A_162 = arith.sitofp %min3A_153 : vector<16xi32> to vector<16xf32>
        %sub3A = arith.subf %mul3A_132, %convert_element_type3A_162 : vector<16xf32>
        %convert_element_type3A_163 = arith.sitofp %min3A_157 : vector<16xi32> to vector<16xf32>
        %sub3A_164 = arith.subf %mul3A_141, %convert_element_type3A_163 : vector<16xf32>
        %convert_element_type3A_165 = arith.sitofp %min3A_161 : vector<16xi32> to vector<16xf32>
        %sub3A_166 = arith.subf %mul3A_150, %convert_element_type3A_165 : vector<16xf32>
        %mul3A_167 = arith.constant 32 : i32
        %mul3A_168 = vector.broadcast %mul3A_167 : i32 to vector<16xi32>
        %mul3A_169 = arith.muli %min3A_153, %mul3A_168 : vector<16xi32>
        %add3A_170 = arith.addi %mul3A_169, %min3A_157 : vector<16xi32>
        %mul3A_171 = arith.constant 32 : i32
        %mul3A_172 = vector.broadcast %mul3A_171 : i32 to vector<16xi32>
        %mul3A_173 = arith.muli %add3A_170, %mul3A_172 : vector<16xi32>
        %add3A_174 = arith.addi %mul3A_173, %min3A_161 : vector<16xi32>
        %add3A_175 = arith.constant 0 : i32
        %add3A_176 = vector.broadcast %add3A_175 : i32 to vector<16xi32>
        %add3A_177 = arith.addi %add3A_174, %add3A_176 : vector<16xi32>
        %swap3A = arith.index_cast %mul3A_110 : i32 to index
        %swap3A_178 = tpu.vector_load %arg18[%swap3A] {strides = array<i32>} : memref<384xf32, #tpu.memory_space<vmem>>, vector<16xf32>,
        tpu.vector_store %arg18[%swap3A], %sub3A {strides = array<i32>} : memref<384xf32, #tpu.memory_space<vmem>>, vector<16xf32>,
        %add3A_179 = arith.constant 128 : i32
        %add3A_180 = arith.addi %add3A_179, %mul3A_110 : i32
        %swap3A_181 = arith.index_cast %add3A_180 : i32 to index
        %swap3A_182 = tpu.vector_load %arg18[%swap3A_181] {strides = array<i32>} : memref<384xf32, #tpu.memory_space<vmem>>, vector<16xf32>,
        tpu.vector_store %arg18[%swap3A_181], %sub3A_164 {strides = array<i32>} : memref<384xf32, #tpu.memory_space<vmem>>, vector<16xf32>,
        %add3A_183 = arith.constant 256 : i32
        %add3A_184 = arith.addi %add3A_183, %mul3A_110 : i32
        %swap3A_185 = arith.index_cast %add3A_184 : i32 to index
        %swap3A_186 = tpu.vector_load %arg18[%swap3A_185] {strides = array<i32>} : memref<384xf32, #tpu.memory_space<vmem>>, vector<16xf32>,
        tpu.vector_store %arg18[%swap3A_185], %sub3A_166 {strides = array<i32>} : memref<384xf32, #tpu.memory_space<vmem>>, vector<16xf32>,
        %swap3A_187 = arith.index_cast %mul3A_110 : i32 to index
        %swap3A_188 = tpu.vector_load %arg17[%swap3A_187] {strides = array<i32>} : memref<128xi32, #tpu.memory_space<vmem>>, vector<16xi32>,
        tpu.vector_store %arg17[%swap3A_187], %add3A_177 {strides = array<i32>} : memref<128xi32, #tpu.memory_space<vmem>>, vector<16xi32>,
        %mul3A_189 = arith.constant 5.000000e-01 : f32
        %mul3A_190 = vector.broadcast %mul3A_189 : f32 to vector<16xf32>
        %mul3A_191 = arith.mulf %gather3A, %mul3A_190 : vector<16xf32>
        %add3A_192 = arith.constant 5.000000e-01 : f32
        %add3A_193 = vector.broadcast %add3A_192 : f32 to vector<16xf32>
        %add3A_194 = arith.addf %mul3A_191, %add3A_193 : vector<16xf32>
        %mul3A_195 = arith.constant 6.300000e+01 : f32
        %mul3A_196 = vector.broadcast %mul3A_195 : f32 to vector<16xf32>
        %mul3A_197 = arith.mulf %add3A_194, %mul3A_196 : vector<16xf32>
        %mul3A_198 = arith.constant 5.000000e-01 : f32
        %mul3A_199 = vector.broadcast %mul3A_198 : f32 to vector<16xf32>
        %mul3A_200 = arith.mulf %gather3A_119, %mul3A_199 : vector<16xf32>
        %add3A_201 = arith.constant 5.000000e-01 : f32
        %add3A_202 = vector.broadcast %add3A_201 : f32 to vector<16xf32>
        %add3A_203 = arith.addf %mul3A_200, %add3A_202 : vector<16xf32>
        %mul3A_204 = arith.constant 6.300000e+01 : f32
        %mul3A_205 = vector.broadcast %mul3A_204 : f32 to vector<16xf32>
        %mul3A_206 = arith.mulf %add3A_203, %mul3A_205 : vector<16xf32>
        %mul3A_207 = arith.constant 5.000000e-01 : f32
        %mul3A_208 = vector.broadcast %mul3A_207 : f32 to vector<16xf32>
        %mul3A_209 = arith.mulf %gather3A_123, %mul3A_208 : vector<16xf32>
        %add3A_210 = arith.constant 5.000000e-01 : f32
        %add3A_211 = vector.broadcast %add3A_210 : f32 to vector<16xf32>
        %add3A_212 = arith.addf %mul3A_209, %add3A_211 : vector<16xf32>
        %mul3A_213 = arith.constant 6.300000e+01 : f32
        %mul3A_214 = vector.broadcast %mul3A_213 : f32 to vector<16xf32>
        %mul3A_215 = arith.mulf %add3A_212, %mul3A_214 : vector<16xf32>
        %convert_element_type3A_216 = arith.fptosi %mul3A_197 : vector<16xf32> to vector<16xi32>
        %min3A_217 = arith.constant 62 : i32
        %min3A_218 = vector.broadcast %min3A_217 : i32 to vector<16xi32>
        %min3A_219 = arith.minsi %convert_element_type3A_216, %min3A_218 : vector<16xi32>
        %convert_element_type3A_220 = arith.fptosi %mul3A_206 : vector<16xf32> to vector<16xi32>
        %min3A_221 = arith.constant 62 : i32
        %min3A_222 = vector.broadcast %min3A_221 : i32 to vector<16xi32>
        %min3A_223 = arith.minsi %convert_element_type3A_220, %min3A_222 : vector<16xi32>
        %convert_element_type3A_224 = arith.fptosi %mul3A_215 : vector<16xf32> to vector<16xi32>
        %min3A_225 = arith.constant 62 : i32
        %min3A_226 = vector.broadcast %min3A_225 : i32 to vector<16xi32>
        %min3A_227 = arith.minsi %convert_element_type3A_224, %min3A_226 : vector<16xi32>
        %convert_element_type3A_228 = arith.sitofp %min3A_219 : vector<16xi32> to vector<16xf32>
        %sub3A_229 = arith.subf %mul3A_197, %convert_element_type3A_228 : vector<16xf32>
        %convert_element_type3A_230 = arith.sitofp %min3A_223 : vector<16xi32> to vector<16xf32>
        %sub3A_231 = arith.subf %mul3A_206, %convert_element_type3A_230 : vector<16xf32>
        %convert_element_type3A_232 = arith.sitofp %min3A_227 : vector<16xi32> to vector<16xf32>
        %sub3A_233 = arith.subf %mul3A_215, %convert_element_type3A_232 : vector<16xf32>
        %mul3A_234 = arith.constant 64 : i32
        %mul3A_235 = vector.broadcast %mul3A_234 : i32 to vector<16xi32>
        %mul3A_236 = arith.muli %min3A_219, %mul3A_235 : vector<16xi32>
        %add3A_237 = arith.addi %mul3A_236, %min3A_223 : vector<16xi32>
        %mul3A_238 = arith.constant 64 : i32
        %mul3A_239 = vector.broadcast %mul3A_238 : i32 to vector<16xi32>
        %mul3A_240 = arith.muli %add3A_237, %mul3A_239 : vector<16xi32>
        %add3A_241 = arith.addi %mul3A_240, %min3A_227 : vector<16xi32>
        %add3A_242 = arith.constant 32768 : i32
        %add3A_243 = vector.broadcast %add3A_242 : i32 to vector<16xi32>
        %add3A_244 = arith.addi %add3A_241, %add3A_243 : vector<16xi32>
        %swap3A_245 = arith.index_cast %mul3A_110 : i32 to index
        %swap3A_246 = tpu.vector_load %arg20[%swap3A_245] {strides = array<i32>} : memref<512xf32, #tpu.memory_space<vmem>>, vector<16xf32>,
        tpu.vector_store %arg20[%swap3A_245], %sub3A_229 {strides = array<i32>} : memref<512xf32, #tpu.memory_space<vmem>>, vector<16xf32>,
        %add3A_247 = arith.constant 128 : i32
        %add3A_248 = arith.addi %add3A_247, %mul3A_110 : i32
        %swap3A_249 = arith.index_cast %add3A_248 : i32 to index
        %swap3A_250 = tpu.vector_load %arg20[%swap3A_249] {strides = array<i32>} : memref<512xf32, #tpu.memory_space<vmem>>, vector<16xf32>,
        tpu.vector_store %arg20[%swap3A_249], %sub3A_231 {strides = array<i32>} : memref<512xf32, #tpu.memory_space<vmem>>, vector<16xf32>,
        %add3A_251 = arith.constant 256 : i32
        %add3A_252 = arith.addi %add3A_251, %mul3A_110 : i32
        %swap3A_253 = arith.index_cast %add3A_252 : i32 to index
        %swap3A_254 = tpu.vector_load %arg20[%swap3A_253] {strides = array<i32>} : memref<512xf32, #tpu.memory_space<vmem>>, vector<16xf32>,
        tpu.vector_store %arg20[%swap3A_253], %sub3A_233 {strides = array<i32>} : memref<512xf32, #tpu.memory_space<vmem>>, vector<16xf32>,
        %and3A = arith.constant 3 : i32
        %and3A_255 = vector.broadcast %and3A : i32 to vector<16xi32>
        %and3A_256 = arith.andi %min3A_227, %and3A_255 : vector<16xi32>
        %convert_element_type3A_257 = arith.sitofp %and3A_256 : vector<16xi32> to vector<16xf32>
        %add3A_258 = arith.constant 384 : i32
        %add3A_259 = arith.addi %add3A_258, %mul3A_110 : i32
        %swap3A_260 = arith.index_cast %add3A_259 : i32 to index
        %swap3A_261 = tpu.vector_load %arg20[%swap3A_260] {strides = array<i32>} : memref<512xf32, #tpu.memory_space<vmem>>, vector<16xf32>,
        tpu.vector_store %arg20[%swap3A_260], %convert_element_type3A_257 {strides = array<i32>} : memref<512xf32, #tpu.memory_space<vmem>>, vector<16xf32>,
        %add3A_262 = arith.constant 0 : i32
        %add3A_263 = vector.broadcast %add3A_262 : i32 to vector<16xi32>
        %add3A_264 = arith.addi %add3A_244, %add3A_263 : vector<16xi32>
        %shift_right_arithmetic3A = arith.constant 2 : i32
        %shift_right_arithmetic3A_265 = vector.broadcast %shift_right_arithmetic3A : i32 to vector<16xi32>
        %shift_right_arithmetic3A_266 = arith.shrsi %add3A_264, %shift_right_arithmetic3A_265 : vector<16xi32>
        %add3A_267 = arith.constant 0 : i32
        %add3A_268 = arith.addi %add3A_267, %mul3A_110 : i32
        %swap3A_269 = arith.index_cast %add3A_268 : i32 to index
        %swap3A_270 = tpu.vector_load %arg19[%swap3A_269] {strides = array<i32>} : memref<3072xi32, #tpu.memory_space<vmem>>, vector<16xi32>,
        tpu.vector_store %arg19[%swap3A_269], %shift_right_arithmetic3A_266 {strides = array<i32>} : memref<3072xi32, #tpu.memory_space<vmem>>, vector<16xi32>,
        %add3A_271 = arith.constant 1 : i32
        %add3A_272 = vector.broadcast %add3A_271 : i32 to vector<16xi32>
        %add3A_273 = arith.addi %add3A_244, %add3A_272 : vector<16xi32>
        %shift_right_arithmetic3A_274 = arith.constant 2 : i32
        %shift_right_arithmetic3A_275 = vector.broadcast %shift_right_arithmetic3A_274 : i32 to vector<16xi32>
        %shift_right_arithmetic3A_276 = arith.shrsi %add3A_273, %shift_right_arithmetic3A_275 : vector<16xi32>
        %add3A_277 = arith.constant 128 : i32
        %add3A_278 = arith.addi %add3A_277, %mul3A_110 : i32
        %swap3A_279 = arith.index_cast %add3A_278 : i32 to index
        %swap3A_280 = tpu.vector_load %arg19[%swap3A_279] {strides = array<i32>} : memref<3072xi32, #tpu.memory_space<vmem>>, vector<16xi32>,
        tpu.vector_store %arg19[%swap3A_279], %shift_right_arithmetic3A_276 {strides = array<i32>} : memref<3072xi32, #tpu.memory_space<vmem>>, vector<16xi32>,
        %add3A_281 = arith.constant 64 : i32
        %add3A_282 = vector.broadcast %add3A_281 : i32 to vector<16xi32>
        %add3A_283 = arith.addi %add3A_244, %add3A_282 : vector<16xi32>
        %shift_right_arithmetic3A_284 = arith.constant 2 : i32
        %shift_right_arithmetic3A_285 = vector.broadcast %shift_right_arithmetic3A_284 : i32 to vector<16xi32>
        %shift_right_arithmetic3A_286 = arith.shrsi %add3A_283, %shift_right_arithmetic3A_285 : vector<16xi32>
        %add3A_287 = arith.constant 256 : i32
        %add3A_288 = arith.addi %add3A_287, %mul3A_110 : i32
        %swap3A_289 = arith.index_cast %add3A_288 : i32 to index
        %swap3A_290 = tpu.vector_load %arg19[%swap3A_289] {strides = array<i32>} : memref<3072xi32, #tpu.memory_space<vmem>>, vector<16xi32>,
        tpu.vector_store %arg19[%swap3A_289], %shift_right_arithmetic3A_286 {strides = array<i32>} : memref<3072xi32, #tpu.memory_space<vmem>>, vector<16xi32>,
        %add3A_291 = arith.constant 65 : i32
        %add3A_292 = vector.broadcast %add3A_291 : i32 to vector<16xi32>
        %add3A_293 = arith.addi %add3A_244, %add3A_292 : vector<16xi32>
        %shift_right_arithmetic3A_294 = arith.constant 2 : i32
        %shift_right_arithmetic3A_295 = vector.broadcast %shift_right_arithmetic3A_294 : i32 to vector<16xi32>
        %shift_right_arithmetic3A_296 = arith.shrsi %add3A_293, %shift_right_arithmetic3A_295 : vector<16xi32>
        %add3A_297 = arith.constant 384 : i32
        %add3A_298 = arith.addi %add3A_297, %mul3A_110 : i32
        %swap3A_299 = arith.index_cast %add3A_298 : i32 to index
        %swap3A_300 = tpu.vector_load %arg19[%swap3A_299] {strides = array<i32>} : memref<3072xi32, #tpu.memory_space<vmem>>, vector<16xi32>,
        tpu.vector_store %arg19[%swap3A_299], %shift_right_arithmetic3A_296 {strides = array<i32>} : memref<3072xi32, #tpu.memory_space<vmem>>, vector<16xi32>,
        %add3A_301 = arith.constant 4096 : i32
        %add3A_302 = vector.broadcast %add3A_301 : i32 to vector<16xi32>
        %add3A_303 = arith.addi %add3A_244, %add3A_302 : vector<16xi32>
        %shift_right_arithmetic3A_304 = arith.constant 2 : i32
        %shift_right_arithmetic3A_305 = vector.broadcast %shift_right_arithmetic3A_304 : i32 to vector<16xi32>
        %shift_right_arithmetic3A_306 = arith.shrsi %add3A_303, %shift_right_arithmetic3A_305 : vector<16xi32>
        %add3A_307 = arith.constant 512 : i32
        %add3A_308 = arith.addi %add3A_307, %mul3A_110 : i32
        %swap3A_309 = arith.index_cast %add3A_308 : i32 to index
        %swap3A_310 = tpu.vector_load %arg19[%swap3A_309] {strides = array<i32>} : memref<3072xi32, #tpu.memory_space<vmem>>, vector<16xi32>,
        tpu.vector_store %arg19[%swap3A_309], %shift_right_arithmetic3A_306 {strides = array<i32>} : memref<3072xi32, #tpu.memory_space<vmem>>, vector<16xi32>,
        %add3A_311 = arith.constant 4097 : i32
        %add3A_312 = vector.broadcast %add3A_311 : i32 to vector<16xi32>
        %add3A_313 = arith.addi %add3A_244, %add3A_312 : vector<16xi32>
        %shift_right_arithmetic3A_314 = arith.constant 2 : i32
        %shift_right_arithmetic3A_315 = vector.broadcast %shift_right_arithmetic3A_314 : i32 to vector<16xi32>
        %shift_right_arithmetic3A_316 = arith.shrsi %add3A_313, %shift_right_arithmetic3A_315 : vector<16xi32>
        %add3A_317 = arith.constant 640 : i32
        %add3A_318 = arith.addi %add3A_317, %mul3A_110 : i32
        %swap3A_319 = arith.index_cast %add3A_318 : i32 to index
        %swap3A_320 = tpu.vector_load %arg19[%swap3A_319] {strides = array<i32>} : memref<3072xi32, #tpu.memory_space<vmem>>, vector<16xi32>,
        tpu.vector_store %arg19[%swap3A_319], %shift_right_arithmetic3A_316 {strides = array<i32>} : memref<3072xi32, #tpu.memory_space<vmem>>, vector<16xi32>,
        %add3A_321 = arith.constant 4160 : i32
        %add3A_322 = vector.broadcast %add3A_321 : i32 to vector<16xi32>
        %add3A_323 = arith.addi %add3A_244, %add3A_322 : vector<16xi32>
        %shift_right_arithmetic3A_324 = arith.constant 2 : i32
        %shift_right_arithmetic3A_325 = vector.broadcast %shift_right_arithmetic3A_324 : i32 to vector<16xi32>
        %shift_right_arithmetic3A_326 = arith.shrsi %add3A_323, %shift_right_arithmetic3A_325 : vector<16xi32>
        %add3A_327 = arith.constant 768 : i32
        %add3A_328 = arith.addi %add3A_327, %mul3A_110 : i32
        %swap3A_329 = arith.index_cast %add3A_328 : i32 to index
        %swap3A_330 = tpu.vector_load %arg19[%swap3A_329] {strides = array<i32>} : memref<3072xi32, #tpu.memory_space<vmem>>, vector<16xi32>,
        tpu.vector_store %arg19[%swap3A_329], %shift_right_arithmetic3A_326 {strides = array<i32>} : memref<3072xi32, #tpu.memory_space<vmem>>, vector<16xi32>,
        %add3A_331 = arith.constant 4161 : i32
        %add3A_332 = vector.broadcast %add3A_331 : i32 to vector<16xi32>
        %add3A_333 = arith.addi %add3A_244, %add3A_332 : vector<16xi32>
        %shift_right_arithmetic3A_334 = arith.constant 2 : i32
        %shift_right_arithmetic3A_335 = vector.broadcast %shift_right_arithmetic3A_334 : i32 to vector<16xi32>
        %shift_right_arithmetic3A_336 = arith.shrsi %add3A_333, %shift_right_arithmetic3A_335 : vector<16xi32>
        %add3A_337 = arith.constant 896 : i32
        %add3A_338 = arith.addi %add3A_337, %mul3A_110 : i32
        %swap3A_339 = arith.index_cast %add3A_338 : i32 to index
        %swap3A_340 = tpu.vector_load %arg19[%swap3A_339] {strides = array<i32>} : memref<3072xi32, #tpu.memory_space<vmem>>, vector<16xi32>,
        tpu.vector_store %arg19[%swap3A_339], %shift_right_arithmetic3A_336 {strides = array<i32>} : memref<3072xi32, #tpu.memory_space<vmem>>, vector<16xi32>,
        %mul3A_341 = arith.constant 5.000000e-01 : f32
        %mul3A_342 = vector.broadcast %mul3A_341 : f32 to vector<16xf32>
        %mul3A_343 = arith.mulf %gather3A, %mul3A_342 : vector<16xf32>
        %add3A_344 = arith.constant 5.000000e-01 : f32
        %add3A_345 = vector.broadcast %add3A_344 : f32 to vector<16xf32>
        %add3A_346 = arith.addf %mul3A_343, %add3A_345 : vector<16xf32>
        %mul3A_347 = arith.constant 1.270000e+02 : f32
        %mul3A_348 = vector.broadcast %mul3A_347 : f32 to vector<16xf32>
        %mul3A_349 = arith.mulf %add3A_346, %mul3A_348 : vector<16xf32>
        %mul3A_350 = arith.constant 5.000000e-01 : f32
        %mul3A_351 = vector.broadcast %mul3A_350 : f32 to vector<16xf32>
        %mul3A_352 = arith.mulf %gather3A_119, %mul3A_351 : vector<16xf32>
        %add3A_353 = arith.constant 5.000000e-01 : f32
        %add3A_354 = vector.broadcast %add3A_353 : f32 to vector<16xf32>
        %add3A_355 = arith.addf %mul3A_352, %add3A_354 : vector<16xf32>
        %mul3A_356 = arith.constant 1.270000e+02 : f32
        %mul3A_357 = vector.broadcast %mul3A_356 : f32 to vector<16xf32>
        %mul3A_358 = arith.mulf %add3A_355, %mul3A_357 : vector<16xf32>
        %mul3A_359 = arith.constant 5.000000e-01 : f32
        %mul3A_360 = vector.broadcast %mul3A_359 : f32 to vector<16xf32>
        %mul3A_361 = arith.mulf %gather3A_123, %mul3A_360 : vector<16xf32>
        %add3A_362 = arith.constant 5.000000e-01 : f32
        %add3A_363 = vector.broadcast %add3A_362 : f32 to vector<16xf32>
        %add3A_364 = arith.addf %mul3A_361, %add3A_363 : vector<16xf32>
        %mul3A_365 = arith.constant 1.270000e+02 : f32
        %mul3A_366 = vector.broadcast %mul3A_365 : f32 to vector<16xf32>
        %mul3A_367 = arith.mulf %add3A_364, %mul3A_366 : vector<16xf32>
        %convert_element_type3A_368 = arith.fptosi %mul3A_349 : vector<16xf32> to vector<16xi32>
        %min3A_369 = arith.constant 126 : i32
        %min3A_370 = vector.broadcast %min3A_369 : i32 to vector<16xi32>
        %min3A_371 = arith.minsi %convert_element_type3A_368, %min3A_370 : vector<16xi32>
        %convert_element_type3A_372 = arith.fptosi %mul3A_358 : vector<16xf32> to vector<16xi32>
        %min3A_373 = arith.constant 126 : i32
        %min3A_374 = vector.broadcast %min3A_373 : i32 to vector<16xi32>
        %min3A_375 = arith.minsi %convert_element_type3A_372, %min3A_374 : vector<16xi32>
        %convert_element_type3A_376 = arith.fptosi %mul3A_367 : vector<16xf32> to vector<16xi32>
        %min3A_377 = arith.constant 126 : i32
        %min3A_378 = vector.broadcast %min3A_377 : i32 to vector<16xi32>
        %min3A_379 = arith.minsi %convert_element_type3A_376, %min3A_378 : vector<16xi32>
        %convert_element_type3A_380 = arith.sitofp %min3A_371 : vector<16xi32> to vector<16xf32>
        %sub3A_381 = arith.subf %mul3A_349, %convert_element_type3A_380 : vector<16xf32>
        %convert_element_type3A_382 = arith.sitofp %min3A_375 : vector<16xi32> to vector<16xf32>
        %sub3A_383 = arith.subf %mul3A_358, %convert_element_type3A_382 : vector<16xf32>
        %convert_element_type3A_384 = arith.sitofp %min3A_379 : vector<16xi32> to vector<16xf32>
        %sub3A_385 = arith.subf %mul3A_367, %convert_element_type3A_384 : vector<16xf32>
        %mul3A_386 = arith.constant 128 : i32
        %mul3A_387 = vector.broadcast %mul3A_386 : i32 to vector<16xi32>
        %mul3A_388 = arith.muli %min3A_371, %mul3A_387 : vector<16xi32>
        %add3A_389 = arith.addi %mul3A_388, %min3A_375 : vector<16xi32>
        %mul3A_390 = arith.constant 128 : i32
        %mul3A_391 = vector.broadcast %mul3A_390 : i32 to vector<16xi32>
        %mul3A_392 = arith.muli %add3A_389, %mul3A_391 : vector<16xi32>
        %add3A_393 = arith.addi %mul3A_392, %min3A_379 : vector<16xi32>
        %add3A_394 = arith.constant 294912 : i32
        %add3A_395 = vector.broadcast %add3A_394 : i32 to vector<16xi32>
        %add3A_396 = arith.addi %add3A_393, %add3A_395 : vector<16xi32>
        %swap3A_397 = arith.index_cast %mul3A_110 : i32 to index
        %swap3A_398 = tpu.vector_load %arg21[%swap3A_397] {strides = array<i32>} : memref<512xf32, #tpu.memory_space<vmem>>, vector<16xf32>,
        tpu.vector_store %arg21[%swap3A_397], %sub3A_381 {strides = array<i32>} : memref<512xf32, #tpu.memory_space<vmem>>, vector<16xf32>,
        %add3A_399 = arith.constant 128 : i32
        %add3A_400 = arith.addi %add3A_399, %mul3A_110 : i32
        %swap3A_401 = arith.index_cast %add3A_400 : i32 to index
        %swap3A_402 = tpu.vector_load %arg21[%swap3A_401] {strides = array<i32>} : memref<512xf32, #tpu.memory_space<vmem>>, vector<16xf32>,
        tpu.vector_store %arg21[%swap3A_401], %sub3A_383 {strides = array<i32>} : memref<512xf32, #tpu.memory_space<vmem>>, vector<16xf32>,
        %add3A_403 = arith.constant 256 : i32
        %add3A_404 = arith.addi %add3A_403, %mul3A_110 : i32
        %swap3A_405 = arith.index_cast %add3A_404 : i32 to index
        %swap3A_406 = tpu.vector_load %arg21[%swap3A_405] {strides = array<i32>} : memref<512xf32, #tpu.memory_space<vmem>>, vector<16xf32>,
        tpu.vector_store %arg21[%swap3A_405], %sub3A_385 {strides = array<i32>} : memref<512xf32, #tpu.memory_space<vmem>>, vector<16xf32>,
        %and3A_407 = arith.constant 3 : i32
        %and3A_408 = vector.broadcast %and3A_407 : i32 to vector<16xi32>
        %and3A_409 = arith.andi %min3A_379, %and3A_408 : vector<16xi32>
        %convert_element_type3A_410 = arith.sitofp %and3A_409 : vector<16xi32> to vector<16xf32>
        %add3A_411 = arith.constant 384 : i32
        %add3A_412 = arith.addi %add3A_411, %mul3A_110 : i32
        %swap3A_413 = arith.index_cast %add3A_412 : i32 to index
        %swap3A_414 = tpu.vector_load %arg21[%swap3A_413] {strides = array<i32>} : memref<512xf32, #tpu.memory_space<vmem>>, vector<16xf32>,
        tpu.vector_store %arg21[%swap3A_413], %convert_element_type3A_410 {strides = array<i32>} : memref<512xf32, #tpu.memory_space<vmem>>, vector<16xf32>,
        %add3A_415 = arith.constant 0 : i32
        %add3A_416 = vector.broadcast %add3A_415 : i32 to vector<16xi32>
        %add3A_417 = arith.addi %add3A_396, %add3A_416 : vector<16xi32>
        %shift_right_arithmetic3A_418 = arith.constant 2 : i32
        %shift_right_arithmetic3A_419 = vector.broadcast %shift_right_arithmetic3A_418 : i32 to vector<16xi32>
        %shift_right_arithmetic3A_420 = arith.shrsi %add3A_417, %shift_right_arithmetic3A_419 : vector<16xi32>
        %add3A_421 = arith.constant 1024 : i32
        %add3A_422 = arith.addi %add3A_421, %mul3A_110 : i32
        %swap3A_423 = arith.index_cast %add3A_422 : i32 to index
        %swap3A_424 = tpu.vector_load %arg19[%swap3A_423] {strides = array<i32>} : memref<3072xi32, #tpu.memory_space<vmem>>, vector<16xi32>,
        tpu.vector_store %arg19[%swap3A_423], %shift_right_arithmetic3A_420 {strides = array<i32>} : memref<3072xi32, #tpu.memory_space<vmem>>, vector<16xi32>,
        %add3A_425 = arith.constant 1 : i32
        %add3A_426 = vector.broadcast %add3A_425 : i32 to vector<16xi32>
        %add3A_427 = arith.addi %add3A_396, %add3A_426 : vector<16xi32>
        %shift_right_arithmetic3A_428 = arith.constant 2 : i32
        %shift_right_arithmetic3A_429 = vector.broadcast %shift_right_arithmetic3A_428 : i32 to vector<16xi32>
        %shift_right_arithmetic3A_430 = arith.shrsi %add3A_427, %shift_right_arithmetic3A_429 : vector<16xi32>
        %add3A_431 = arith.constant 1152 : i32
        %add3A_432 = arith.addi %add3A_431, %mul3A_110 : i32
        %swap3A_433 = arith.index_cast %add3A_432 : i32 to index
        %swap3A_434 = tpu.vector_load %arg19[%swap3A_433] {strides = array<i32>} : memref<3072xi32, #tpu.memory_space<vmem>>, vector<16xi32>,
        tpu.vector_store %arg19[%swap3A_433], %shift_right_arithmetic3A_430 {strides = array<i32>} : memref<3072xi32, #tpu.memory_space<vmem>>, vector<16xi32>,
        %add3A_435 = arith.constant 128 : i32
        %add3A_436 = vector.broadcast %add3A_435 : i32 to vector<16xi32>
        %add3A_437 = arith.addi %add3A_396, %add3A_436 : vector<16xi32>
        %shift_right_arithmetic3A_438 = arith.constant 2 : i32
        %shift_right_arithmetic3A_439 = vector.broadcast %shift_right_arithmetic3A_438 : i32 to vector<16xi32>
        %shift_right_arithmetic3A_440 = arith.shrsi %add3A_437, %shift_right_arithmetic3A_439 : vector<16xi32>
        %add3A_441 = arith.constant 1280 : i32
        %add3A_442 = arith.addi %add3A_441, %mul3A_110 : i32
        %swap3A_443 = arith.index_cast %add3A_442 : i32 to index
        %swap3A_444 = tpu.vector_load %arg19[%swap3A_443] {strides = array<i32>} : memref<3072xi32, #tpu.memory_space<vmem>>, vector<16xi32>,
        tpu.vector_store %arg19[%swap3A_443], %shift_right_arithmetic3A_440 {strides = array<i32>} : memref<3072xi32, #tpu.memory_space<vmem>>, vector<16xi32>,
        %add3A_445 = arith.constant 129 : i32
        %add3A_446 = vector.broadcast %add3A_445 : i32 to vector<16xi32>
        %add3A_447 = arith.addi %add3A_396, %add3A_446 : vector<16xi32>
        %shift_right_arithmetic3A_448 = arith.constant 2 : i32
        %shift_right_arithmetic3A_449 = vector.broadcast %shift_right_arithmetic3A_448 : i32 to vector<16xi32>
        %shift_right_arithmetic3A_450 = arith.shrsi %add3A_447, %shift_right_arithmetic3A_449 : vector<16xi32>
        %add3A_451 = arith.constant 1408 : i32
        %add3A_452 = arith.addi %add3A_451, %mul3A_110 : i32
        %swap3A_453 = arith.index_cast %add3A_452 : i32 to index
        %swap3A_454 = tpu.vector_load %arg19[%swap3A_453] {strides = array<i32>} : memref<3072xi32, #tpu.memory_space<vmem>>, vector<16xi32>,
        tpu.vector_store %arg19[%swap3A_453], %shift_right_arithmetic3A_450 {strides = array<i32>} : memref<3072xi32, #tpu.memory_space<vmem>>, vector<16xi32>,
        %add3A_455 = arith.constant 16384 : i32
        %add3A_456 = vector.broadcast %add3A_455 : i32 to vector<16xi32>
        %add3A_457 = arith.addi %add3A_396, %add3A_456 : vector<16xi32>
        %shift_right_arithmetic3A_458 = arith.constant 2 : i32
        %shift_right_arithmetic3A_459 = vector.broadcast %shift_right_arithmetic3A_458 : i32 to vector<16xi32>
        %shift_right_arithmetic3A_460 = arith.shrsi %add3A_457, %shift_right_arithmetic3A_459 : vector<16xi32>
        %add3A_461 = arith.constant 1536 : i32
        %add3A_462 = arith.addi %add3A_461, %mul3A_110 : i32
        %swap3A_463 = arith.index_cast %add3A_462 : i32 to index
        %swap3A_464 = tpu.vector_load %arg19[%swap3A_463] {strides = array<i32>} : memref<3072xi32, #tpu.memory_space<vmem>>, vector<16xi32>,
        tpu.vector_store %arg19[%swap3A_463], %shift_right_arithmetic3A_460 {strides = array<i32>} : memref<3072xi32, #tpu.memory_space<vmem>>, vector<16xi32>,
        %add3A_465 = arith.constant 16385 : i32
        %add3A_466 = vector.broadcast %add3A_465 : i32 to vector<16xi32>
        %add3A_467 = arith.addi %add3A_396, %add3A_466 : vector<16xi32>
        %shift_right_arithmetic3A_468 = arith.constant 2 : i32
        %shift_right_arithmetic3A_469 = vector.broadcast %shift_right_arithmetic3A_468 : i32 to vector<16xi32>
        %shift_right_arithmetic3A_470 = arith.shrsi %add3A_467, %shift_right_arithmetic3A_469 : vector<16xi32>
        %add3A_471 = arith.constant 1664 : i32
        %add3A_472 = arith.addi %add3A_471, %mul3A_110 : i32
        %swap3A_473 = arith.index_cast %add3A_472 : i32 to index
        %swap3A_474 = tpu.vector_load %arg19[%swap3A_473] {strides = array<i32>} : memref<3072xi32, #tpu.memory_space<vmem>>, vector<16xi32>,
        tpu.vector_store %arg19[%swap3A_473], %shift_right_arithmetic3A_470 {strides = array<i32>} : memref<3072xi32, #tpu.memory_space<vmem>>, vector<16xi32>,
        %add3A_475 = arith.constant 16512 : i32
        %add3A_476 = vector.broadcast %add3A_475 : i32 to vector<16xi32>
        %add3A_477 = arith.addi %add3A_396, %add3A_476 : vector<16xi32>
        %shift_right_arithmetic3A_478 = arith.constant 2 : i32
        %shift_right_arithmetic3A_479 = vector.broadcast %shift_right_arithmetic3A_478 : i32 to vector<16xi32>
        %shift_right_arithmetic3A_480 = arith.shrsi %add3A_477, %shift_right_arithmetic3A_479 : vector<16xi32>
        %add3A_481 = arith.constant 1792 : i32
        %add3A_482 = arith.addi %add3A_481, %mul3A_110 : i32
        %swap3A_483 = arith.index_cast %add3A_482 : i32 to index
        %swap3A_484 = tpu.vector_load %arg19[%swap3A_483] {strides = array<i32>} : memref<3072xi32, #tpu.memory_space<vmem>>, vector<16xi32>,
        tpu.vector_store %arg19[%swap3A_483], %shift_right_arithmetic3A_480 {strides = array<i32>} : memref<3072xi32, #tpu.memory_space<vmem>>, vector<16xi32>,
        %add3A_485 = arith.constant 16513 : i32
        %add3A_486 = vector.broadcast %add3A_485 : i32 to vector<16xi32>
        %add3A_487 = arith.addi %add3A_396, %add3A_486 : vector<16xi32>
        %shift_right_arithmetic3A_488 = arith.constant 2 : i32
        %shift_right_arithmetic3A_489 = vector.broadcast %shift_right_arithmetic3A_488 : i32 to vector<16xi32>
        %shift_right_arithmetic3A_490 = arith.shrsi %add3A_487, %shift_right_arithmetic3A_489 : vector<16xi32>
        %add3A_491 = arith.constant 1920 : i32
        %add3A_492 = arith.addi %add3A_491, %mul3A_110 : i32
        %swap3A_493 = arith.index_cast %add3A_492 : i32 to index
        %swap3A_494 = tpu.vector_load %arg19[%swap3A_493] {strides = array<i32>} : memref<3072xi32, #tpu.memory_space<vmem>>, vector<16xi32>,
        tpu.vector_store %arg19[%swap3A_493], %shift_right_arithmetic3A_490 {strides = array<i32>} : memref<3072xi32, #tpu.memory_space<vmem>>, vector<16xi32>,
        %mul3A_495 = arith.constant 5.000000e-01 : f32
        %mul3A_496 = vector.broadcast %mul3A_495 : f32 to vector<16xf32>
        %mul3A_497 = arith.mulf %gather3A, %mul3A_496 : vector<16xf32>
        %add3A_498 = arith.constant 5.000000e-01 : f32
        %add3A_499 = vector.broadcast %add3A_498 : f32 to vector<16xf32>
        %add3A_500 = arith.addf %mul3A_497, %add3A_499 : vector<16xf32>
        %mul3A_501 = arith.constant 2.550000e+02 : f32
        %mul3A_502 = vector.broadcast %mul3A_501 : f32 to vector<16xf32>
        %mul3A_503 = arith.mulf %add3A_500, %mul3A_502 : vector<16xf32>
        %mul3A_504 = arith.constant 5.000000e-01 : f32
        %mul3A_505 = vector.broadcast %mul3A_504 : f32 to vector<16xf32>
        %mul3A_506 = arith.mulf %gather3A_119, %mul3A_505 : vector<16xf32>
        %add3A_507 = arith.constant 5.000000e-01 : f32
        %add3A_508 = vector.broadcast %add3A_507 : f32 to vector<16xf32>
        %add3A_509 = arith.addf %mul3A_506, %add3A_508 : vector<16xf32>
        %mul3A_510 = arith.constant 2.550000e+02 : f32
        %mul3A_511 = vector.broadcast %mul3A_510 : f32 to vector<16xf32>
        %mul3A_512 = arith.mulf %add3A_509, %mul3A_511 : vector<16xf32>
        %mul3A_513 = arith.constant 5.000000e-01 : f32
        %mul3A_514 = vector.broadcast %mul3A_513 : f32 to vector<16xf32>
        %mul3A_515 = arith.mulf %gather3A_123, %mul3A_514 : vector<16xf32>
        %add3A_516 = arith.constant 5.000000e-01 : f32
        %add3A_517 = vector.broadcast %add3A_516 : f32 to vector<16xf32>
        %add3A_518 = arith.addf %mul3A_515, %add3A_517 : vector<16xf32>
        %mul3A_519 = arith.constant 2.550000e+02 : f32
        %mul3A_520 = vector.broadcast %mul3A_519 : f32 to vector<16xf32>
        %mul3A_521 = arith.mulf %add3A_518, %mul3A_520 : vector<16xf32>
        %convert_element_type3A_522 = arith.fptosi %mul3A_503 : vector<16xf32> to vector<16xi32>
        %min3A_523 = arith.constant 254 : i32
        %min3A_524 = vector.broadcast %min3A_523 : i32 to vector<16xi32>
        %min3A_525 = arith.minsi %convert_element_type3A_522, %min3A_524 : vector<16xi32>
        %convert_element_type3A_526 = arith.fptosi %mul3A_512 : vector<16xf32> to vector<16xi32>
        %min3A_527 = arith.constant 254 : i32
        %min3A_528 = vector.broadcast %min3A_527 : i32 to vector<16xi32>
        %min3A_529 = arith.minsi %convert_element_type3A_526, %min3A_528 : vector<16xi32>
        %convert_element_type3A_530 = arith.fptosi %mul3A_521 : vector<16xf32> to vector<16xi32>
        %min3A_531 = arith.constant 254 : i32
        %min3A_532 = vector.broadcast %min3A_531 : i32 to vector<16xi32>
        %min3A_533 = arith.minsi %convert_element_type3A_530, %min3A_532 : vector<16xi32>
        %convert_element_type3A_534 = arith.sitofp %min3A_525 : vector<16xi32> to vector<16xf32>
        %sub3A_535 = arith.subf %mul3A_503, %convert_element_type3A_534 : vector<16xf32>
        %convert_element_type3A_536 = arith.sitofp %min3A_529 : vector<16xi32> to vector<16xf32>
        %sub3A_537 = arith.subf %mul3A_512, %convert_element_type3A_536 : vector<16xf32>
        %convert_element_type3A_538 = arith.sitofp %min3A_533 : vector<16xi32> to vector<16xf32>
        %sub3A_539 = arith.subf %mul3A_521, %convert_element_type3A_538 : vector<16xf32>
        %mul3A_540 = arith.constant 256 : i32
        %mul3A_541 = vector.broadcast %mul3A_540 : i32 to vector<16xi32>
        %mul3A_542 = arith.muli %min3A_525, %mul3A_541 : vector<16xi32>
        %add3A_543 = arith.addi %mul3A_542, %min3A_529 : vector<16xi32>
        %mul3A_544 = arith.constant 256 : i32
        %mul3A_545 = vector.broadcast %mul3A_544 : i32 to vector<16xi32>
        %mul3A_546 = arith.muli %add3A_543, %mul3A_545 : vector<16xi32>
        %add3A_547 = arith.addi %mul3A_546, %min3A_533 : vector<16xi32>
        %add3A_548 = arith.constant 2392064 : i32
        %add3A_549 = vector.broadcast %add3A_548 : i32 to vector<16xi32>
        %add3A_550 = arith.addi %add3A_547, %add3A_549 : vector<16xi32>
        %swap3A_551 = arith.index_cast %mul3A_110 : i32 to index
        %swap3A_552 = tpu.vector_load %arg22[%swap3A_551] {strides = array<i32>} : memref<512xf32, #tpu.memory_space<vmem>>, vector<16xf32>,
        tpu.vector_store %arg22[%swap3A_551], %sub3A_535 {strides = array<i32>} : memref<512xf32, #tpu.memory_space<vmem>>, vector<16xf32>,
        %add3A_553 = arith.constant 128 : i32
        %add3A_554 = arith.addi %add3A_553, %mul3A_110 : i32
        %swap3A_555 = arith.index_cast %add3A_554 : i32 to index
        %swap3A_556 = tpu.vector_load %arg22[%swap3A_555] {strides = array<i32>} : memref<512xf32, #tpu.memory_space<vmem>>, vector<16xf32>,
        tpu.vector_store %arg22[%swap3A_555], %sub3A_537 {strides = array<i32>} : memref<512xf32, #tpu.memory_space<vmem>>, vector<16xf32>,
        %add3A_557 = arith.constant 256 : i32
        %add3A_558 = arith.addi %add3A_557, %mul3A_110 : i32
        %swap3A_559 = arith.index_cast %add3A_558 : i32 to index
        %swap3A_560 = tpu.vector_load %arg22[%swap3A_559] {strides = array<i32>} : memref<512xf32, #tpu.memory_space<vmem>>, vector<16xf32>,
        tpu.vector_store %arg22[%swap3A_559], %sub3A_539 {strides = array<i32>} : memref<512xf32, #tpu.memory_space<vmem>>, vector<16xf32>,
        %and3A_561 = arith.constant 3 : i32
        %and3A_562 = vector.broadcast %and3A_561 : i32 to vector<16xi32>
        %and3A_563 = arith.andi %min3A_533, %and3A_562 : vector<16xi32>
        %convert_element_type3A_564 = arith.sitofp %and3A_563 : vector<16xi32> to vector<16xf32>
        %add3A_565 = arith.constant 384 : i32
        %add3A_566 = arith.addi %add3A_565, %mul3A_110 : i32
        %swap3A_567 = arith.index_cast %add3A_566 : i32 to index
        %swap3A_568 = tpu.vector_load %arg22[%swap3A_567] {strides = array<i32>} : memref<512xf32, #tpu.memory_space<vmem>>, vector<16xf32>,
        tpu.vector_store %arg22[%swap3A_567], %convert_element_type3A_564 {strides = array<i32>} : memref<512xf32, #tpu.memory_space<vmem>>, vector<16xf32>,
        %add3A_569 = arith.constant 0 : i32
        %add3A_570 = vector.broadcast %add3A_569 : i32 to vector<16xi32>
        %add3A_571 = arith.addi %add3A_550, %add3A_570 : vector<16xi32>
        %shift_right_arithmetic3A_572 = arith.constant 2 : i32
        %shift_right_arithmetic3A_573 = vector.broadcast %shift_right_arithmetic3A_572 : i32 to vector<16xi32>
        %shift_right_arithmetic3A_574 = arith.shrsi %add3A_571, %shift_right_arithmetic3A_573 : vector<16xi32>
        %add3A_575 = arith.constant 2048 : i32
        %add3A_576 = arith.addi %add3A_575, %mul3A_110 : i32
        %swap3A_577 = arith.index_cast %add3A_576 : i32 to index
        %swap3A_578 = tpu.vector_load %arg19[%swap3A_577] {strides = array<i32>} : memref<3072xi32, #tpu.memory_space<vmem>>, vector<16xi32>,
        tpu.vector_store %arg19[%swap3A_577], %shift_right_arithmetic3A_574 {strides = array<i32>} : memref<3072xi32, #tpu.memory_space<vmem>>, vector<16xi32>,
        %add3A_579 = arith.constant 1 : i32
        %add3A_580 = vector.broadcast %add3A_579 : i32 to vector<16xi32>
        %add3A_581 = arith.addi %add3A_550, %add3A_580 : vector<16xi32>
        %shift_right_arithmetic3A_582 = arith.constant 2 : i32
        %shift_right_arithmetic3A_583 = vector.broadcast %shift_right_arithmetic3A_582 : i32 to vector<16xi32>
        %shift_right_arithmetic3A_584 = arith.shrsi %add3A_581, %shift_right_arithmetic3A_583 : vector<16xi32>
        %add3A_585 = arith.constant 2176 : i32
        %add3A_586 = arith.addi %add3A_585, %mul3A_110 : i32
        %swap3A_587 = arith.index_cast %add3A_586 : i32 to index
        %swap3A_588 = tpu.vector_load %arg19[%swap3A_587] {strides = array<i32>} : memref<3072xi32, #tpu.memory_space<vmem>>, vector<16xi32>,
        tpu.vector_store %arg19[%swap3A_587], %shift_right_arithmetic3A_584 {strides = array<i32>} : memref<3072xi32, #tpu.memory_space<vmem>>, vector<16xi32>,
        %add3A_589 = arith.constant 256 : i32
        %add3A_590 = vector.broadcast %add3A_589 : i32 to vector<16xi32>
        %add3A_591 = arith.addi %add3A_550, %add3A_590 : vector<16xi32>
        %shift_right_arithmetic3A_592 = arith.constant 2 : i32
        %shift_right_arithmetic3A_593 = vector.broadcast %shift_right_arithmetic3A_592 : i32 to vector<16xi32>
        %shift_right_arithmetic3A_594 = arith.shrsi %add3A_591, %shift_right_arithmetic3A_593 : vector<16xi32>
        %add3A_595 = arith.constant 2304 : i32
        %add3A_596 = arith.addi %add3A_595, %mul3A_110 : i32
        %swap3A_597 = arith.index_cast %add3A_596 : i32 to index
        %swap3A_598 = tpu.vector_load %arg19[%swap3A_597] {strides = array<i32>} : memref<3072xi32, #tpu.memory_space<vmem>>, vector<16xi32>,
        tpu.vector_store %arg19[%swap3A_597], %shift_right_arithmetic3A_594 {strides = array<i32>} : memref<3072xi32, #tpu.memory_space<vmem>>, vector<16xi32>,
        %add3A_599 = arith.constant 257 : i32
        %add3A_600 = vector.broadcast %add3A_599 : i32 to vector<16xi32>
        %add3A_601 = arith.addi %add3A_550, %add3A_600 : vector<16xi32>
        %shift_right_arithmetic3A_602 = arith.constant 2 : i32
        %shift_right_arithmetic3A_603 = vector.broadcast %shift_right_arithmetic3A_602 : i32 to vector<16xi32>
        %shift_right_arithmetic3A_604 = arith.shrsi %add3A_601, %shift_right_arithmetic3A_603 : vector<16xi32>
        %add3A_605 = arith.constant 2432 : i32
        %add3A_606 = arith.addi %add3A_605, %mul3A_110 : i32
        %swap3A_607 = arith.index_cast %add3A_606 : i32 to index
        %swap3A_608 = tpu.vector_load %arg19[%swap3A_607] {strides = array<i32>} : memref<3072xi32, #tpu.memory_space<vmem>>, vector<16xi32>,
        tpu.vector_store %arg19[%swap3A_607], %shift_right_arithmetic3A_604 {strides = array<i32>} : memref<3072xi32, #tpu.memory_space<vmem>>, vector<16xi32>,
        %add3A_609 = arith.constant 65536 : i32
        %add3A_610 = vector.broadcast %add3A_609 : i32 to vector<16xi32>
        %add3A_611 = arith.addi %add3A_550, %add3A_610 : vector<16xi32>
        %shift_right_arithmetic3A_612 = arith.constant 2 : i32
        %shift_right_arithmetic3A_613 = vector.broadcast %shift_right_arithmetic3A_612 : i32 to vector<16xi32>
        %shift_right_arithmetic3A_614 = arith.shrsi %add3A_611, %shift_right_arithmetic3A_613 : vector<16xi32>
        %add3A_615 = arith.constant 2560 : i32
        %add3A_616 = arith.addi %add3A_615, %mul3A_110 : i32
        %swap3A_617 = arith.index_cast %add3A_616 : i32 to index
        %swap3A_618 = tpu.vector_load %arg19[%swap3A_617] {strides = array<i32>} : memref<3072xi32, #tpu.memory_space<vmem>>, vector<16xi32>,
        tpu.vector_store %arg19[%swap3A_617], %shift_right_arithmetic3A_614 {strides = array<i32>} : memref<3072xi32, #tpu.memory_space<vmem>>, vector<16xi32>,
        %add3A_619 = arith.constant 65537 : i32
        %add3A_620 = vector.broadcast %add3A_619 : i32 to vector<16xi32>
        %add3A_621 = arith.addi %add3A_550, %add3A_620 : vector<16xi32>
        %shift_right_arithmetic3A_622 = arith.constant 2 : i32
        %shift_right_arithmetic3A_623 = vector.broadcast %shift_right_arithmetic3A_622 : i32 to vector<16xi32>
        %shift_right_arithmetic3A_624 = arith.shrsi %add3A_621, %shift_right_arithmetic3A_623 : vector<16xi32>
        %add3A_625 = arith.constant 2688 : i32
        %add3A_626 = arith.addi %add3A_625, %mul3A_110 : i32
        %swap3A_627 = arith.index_cast %add3A_626 : i32 to index
        %swap3A_628 = tpu.vector_load %arg19[%swap3A_627] {strides = array<i32>} : memref<3072xi32, #tpu.memory_space<vmem>>, vector<16xi32>,
        tpu.vector_store %arg19[%swap3A_627], %shift_right_arithmetic3A_624 {strides = array<i32>} : memref<3072xi32, #tpu.memory_space<vmem>>, vector<16xi32>,
        %add3A_629 = arith.constant 65792 : i32
        %add3A_630 = vector.broadcast %add3A_629 : i32 to vector<16xi32>
        %add3A_631 = arith.addi %add3A_550, %add3A_630 : vector<16xi32>
        %shift_right_arithmetic3A_632 = arith.constant 2 : i32
        %shift_right_arithmetic3A_633 = vector.broadcast %shift_right_arithmetic3A_632 : i32 to vector<16xi32>
        %shift_right_arithmetic3A_634 = arith.shrsi %add3A_631, %shift_right_arithmetic3A_633 : vector<16xi32>
        %add3A_635 = arith.constant 2816 : i32
        %add3A_636 = arith.addi %add3A_635, %mul3A_110 : i32
        %swap3A_637 = arith.index_cast %add3A_636 : i32 to index
        %swap3A_638 = tpu.vector_load %arg19[%swap3A_637] {strides = array<i32>} : memref<3072xi32, #tpu.memory_space<vmem>>, vector<16xi32>,
        tpu.vector_store %arg19[%swap3A_637], %shift_right_arithmetic3A_634 {strides = array<i32>} : memref<3072xi32, #tpu.memory_space<vmem>>, vector<16xi32>,
        %add3A_639 = arith.constant 65793 : i32
        %add3A_640 = vector.broadcast %add3A_639 : i32 to vector<16xi32>
        %add3A_641 = arith.addi %add3A_550, %add3A_640 : vector<16xi32>
        %shift_right_arithmetic3A_642 = arith.constant 2 : i32
        %shift_right_arithmetic3A_643 = vector.broadcast %shift_right_arithmetic3A_642 : i32 to vector<16xi32>
        %shift_right_arithmetic3A_644 = arith.shrsi %add3A_641, %shift_right_arithmetic3A_643 : vector<16xi32>
        %add3A_645 = arith.constant 2944 : i32
        %add3A_646 = arith.addi %add3A_645, %mul3A_110 : i32
        %swap3A_647 = arith.index_cast %add3A_646 : i32 to index
        %swap3A_648 = tpu.vector_load %arg19[%swap3A_647] {strides = array<i32>} : memref<3072xi32, #tpu.memory_space<vmem>>, vector<16xi32>,
        tpu.vector_store %arg19[%swap3A_647], %shift_right_arithmetic3A_644 {strides = array<i32>} : memref<3072xi32, #tpu.memory_space<vmem>>, vector<16xi32>,
      }
      %scan3A_37 = arith.constant 8 : i32
      %dma_start3A_38 = arith.constant 0 : i32
      %dma_start3A_39 = arith.constant 0 : i32
      %dma_start3A_40 = tpu.memref_slice %arg3[%dma_start3A_38, %dma_start3A_39] : memref<4792320x8xf32, #tpu.memory_space<hbm>> -> memref<4792320x8xf32, #tpu.memory_space<hbm>>
      tpu.enqueue_indirect_dma source(%dma_start3A_40 : memref<4792320x8xf32, #tpu.memory_space<hbm>>) target(%arg23 : memref<3072x8xf32, #tpu.memory_space<vmem>>) offsets(%arg19 : memref<3072xi32, #tpu.memory_space<vmem>>) semaphore(%arg25 : memref<!tpu.dma_semaphore, #tpu.memory_space<semaphore_mem>>)
      %dma_wait3A = arith.constant 0 : i32
      %dma_wait3A_41 = arith.constant 0 : i32
      %dma_wait3A_42 = tpu.memref_slice %arg3[%dma_wait3A, %dma_wait3A_41] : memref<4792320x8xf32, #tpu.memory_space<hbm>> -> memref<4792320x8xf32, #tpu.memory_space<hbm>>
      tpu.wait_indirect_dma semaphore(%arg15 : memref<!tpu.dma_semaphore, #tpu.memory_space<semaphore_mem>>) src(%dma_wait3A_42 : memref<4792320x8xf32, #tpu.memory_space<hbm>>) dst(%arg13 : memref<3072x8xf32, #tpu.memory_space<vmem>>)
      %mul3A_43 = arith.constant 32768 : i32
      %mul3A_44 = arith.muli %add3A, %mul3A_43 : i32
      %mul3A_45 = arith.constant 128 : i32
      %mul3A_46 = arith.muli %mul3A_22, %mul3A_45 : i32
      %add3A_47 = arith.addi %mul3A_44, %mul3A_46 : i32
      %scan3A_48 = arith.constant 0 : i32
      %scan3A_49 = arith.constant 0 : i32
      %scan3A_50 = arith.constant 8 : i32
      %scan3A_51 = arith.addi %scan3A_49, %scan3A_50 : i32
      %scan3A_52 = arith.constant 1 : i32
      scf.for %scan3A_108 = %scan3A_49 to %scan3A_51 step %scan3A_52  : i32 {
        %mul3A_109 = arith.constant 16 : i32
        %mul3A_110 = arith.muli %scan3A_108, %mul3A_109 : i32
        %add3A_111 = vector.broadcast %mul3A_110 : i32 to vector<16xi32>
        %add3A_112 = arith.addi %iota3A, %add3A_111 : vector<16xi32>
        %get3A = arith.index_cast %mul3A_110 : i32 to index
        %get3A_113 = tpu.vector_load %arg8[%get3A] {strides = array<i32>} : memref<384xf32, #tpu.memory_space<vmem>>, vector<16xf32>,
        %add3A_114 = arith.constant 128 : i32
        %add3A_115 = arith.addi %add3A_114, %mul3A_110 : i32
        %get3A_116 = arith.index_cast %add3A_115 : i32 to index
        %get3A_117 = tpu.vector_load %arg8[%get3A_116] {strides = array<i32>} : memref<384xf32, #tpu.memory_space<vmem>>, vector<16xf32>,
        %add3A_118 = arith.constant 256 : i32
        %add3A_119 = arith.addi %add3A_118, %mul3A_110 : i32
        %get3A_120 = arith.index_cast %add3A_119 : i32 to index
        %get3A_121 = tpu.vector_load %arg8[%get3A_120] {strides = array<i32>} : memref<384xf32, #tpu.memory_space<vmem>>, vector<16xf32>,
        %get3A_122 = arith.index_cast %mul3A_110 : i32 to index
        %get3A_123 = tpu.vector_load %arg7[%get3A_122] {strides = array<i32>} : memref<128xi32, #tpu.memory_space<vmem>>, vector<16xi32>,
        %add3A_124 = arith.constant 0 : i32
        %add3A_125 = vector.broadcast %add3A_124 : i32 to vector<16xi32>
        %add3A_126 = arith.addi %get3A_123, %add3A_125 : vector<16xi32>
        %shift_right_arithmetic3A = arith.constant 2 : i32
        %shift_right_arithmetic3A_127 = vector.broadcast %shift_right_arithmetic3A : i32 to vector<16xi32>
        %shift_right_arithmetic3A_128 = arith.shrsi %add3A_126, %shift_right_arithmetic3A_127 : vector<16xi32>
        %and3A = arith.constant 3 : i32
        %and3A_129 = vector.broadcast %and3A : i32 to vector<16xi32>
        %and3A_130 = arith.andi %add3A_126, %and3A_129 : vector<16xi32>
        %mul3A_131 = arith.constant 2 : i32
        %mul3A_132 = vector.broadcast %mul3A_131 : i32 to vector<16xi32>
        %mul3A_133 = arith.muli %and3A_130, %mul3A_132 : vector<16xi32>
        %gather3A = tpu.vector_load_idx %arg5[%shift_right_arithmetic3A_128, %mul3A_133] : memref<8192x8xf32, #tpu.memory_space<vmem>>[vector<16xi32>, vector<16xi32>], vector<16xf32>,
        %add3A_134 = arith.constant 1 : i32
        %add3A_135 = vector.broadcast %add3A_134 : i32 to vector<16xi32>
        %add3A_136 = arith.addi %mul3A_133, %add3A_135 : vector<16xi32>
        %gather3A_137 = tpu.vector_load_idx %arg5[%shift_right_arithmetic3A_128, %add3A_136] : memref<8192x8xf32, #tpu.memory_space<vmem>>[vector<16xi32>, vector<16xi32>], vector<16xf32>,
        %add3A_138 = arith.constant 1 : i32
        %add3A_139 = vector.broadcast %add3A_138 : i32 to vector<16xi32>
        %add3A_140 = arith.addi %get3A_123, %add3A_139 : vector<16xi32>
        %shift_right_arithmetic3A_141 = arith.constant 2 : i32
        %shift_right_arithmetic3A_142 = vector.broadcast %shift_right_arithmetic3A_141 : i32 to vector<16xi32>
        %shift_right_arithmetic3A_143 = arith.shrsi %add3A_140, %shift_right_arithmetic3A_142 : vector<16xi32>
        %and3A_144 = arith.constant 3 : i32
        %and3A_145 = vector.broadcast %and3A_144 : i32 to vector<16xi32>
        %and3A_146 = arith.andi %add3A_140, %and3A_145 : vector<16xi32>
        %mul3A_147 = arith.constant 2 : i32
        %mul3A_148 = vector.broadcast %mul3A_147 : i32 to vector<16xi32>
        %mul3A_149 = arith.muli %and3A_146, %mul3A_148 : vector<16xi32>
        %gather3A_150 = tpu.vector_load_idx %arg5[%shift_right_arithmetic3A_143, %mul3A_149] : memref<8192x8xf32, #tpu.memory_space<vmem>>[vector<16xi32>, vector<16xi32>], vector<16xf32>,
        %add3A_151 = arith.constant 1 : i32
        %add3A_152 = vector.broadcast %add3A_151 : i32 to vector<16xi32>
        %add3A_153 = arith.addi %mul3A_149, %add3A_152 : vector<16xi32>
        %gather3A_154 = tpu.vector_load_idx %arg5[%shift_right_arithmetic3A_143, %add3A_153] : memref<8192x8xf32, #tpu.memory_space<vmem>>[vector<16xi32>, vector<16xi32>], vector<16xf32>,
        %add3A_155 = arith.constant 32 : i32
        %add3A_156 = vector.broadcast %add3A_155 : i32 to vector<16xi32>
        %add3A_157 = arith.addi %get3A_123, %add3A_156 : vector<16xi32>
        %shift_right_arithmetic3A_158 = arith.constant 2 : i32
        %shift_right_arithmetic3A_159 = vector.broadcast %shift_right_arithmetic3A_158 : i32 to vector<16xi32>
        %shift_right_arithmetic3A_160 = arith.shrsi %add3A_157, %shift_right_arithmetic3A_159 : vector<16xi32>
        %and3A_161 = arith.constant 3 : i32
        %and3A_162 = vector.broadcast %and3A_161 : i32 to vector<16xi32>
        %and3A_163 = arith.andi %add3A_157, %and3A_162 : vector<16xi32>
        %mul3A_164 = arith.constant 2 : i32
        %mul3A_165 = vector.broadcast %mul3A_164 : i32 to vector<16xi32>
        %mul3A_166 = arith.muli %and3A_163, %mul3A_165 : vector<16xi32>
        %gather3A_167 = tpu.vector_load_idx %arg5[%shift_right_arithmetic3A_160, %mul3A_166] : memref<8192x8xf32, #tpu.memory_space<vmem>>[vector<16xi32>, vector<16xi32>], vector<16xf32>,
        %add3A_168 = arith.constant 1 : i32
        %add3A_169 = vector.broadcast %add3A_168 : i32 to vector<16xi32>
        %add3A_170 = arith.addi %mul3A_166, %add3A_169 : vector<16xi32>
        %gather3A_171 = tpu.vector_load_idx %arg5[%shift_right_arithmetic3A_160, %add3A_170] : memref<8192x8xf32, #tpu.memory_space<vmem>>[vector<16xi32>, vector<16xi32>], vector<16xf32>,
        %add3A_172 = arith.constant 33 : i32
        %add3A_173 = vector.broadcast %add3A_172 : i32 to vector<16xi32>
        %add3A_174 = arith.addi %get3A_123, %add3A_173 : vector<16xi32>
        %shift_right_arithmetic3A_175 = arith.constant 2 : i32
        %shift_right_arithmetic3A_176 = vector.broadcast %shift_right_arithmetic3A_175 : i32 to vector<16xi32>
        %shift_right_arithmetic3A_177 = arith.shrsi %add3A_174, %shift_right_arithmetic3A_176 : vector<16xi32>
        %and3A_178 = arith.constant 3 : i32
        %and3A_179 = vector.broadcast %and3A_178 : i32 to vector<16xi32>
        %and3A_180 = arith.andi %add3A_174, %and3A_179 : vector<16xi32>
        %mul3A_181 = arith.constant 2 : i32
        %mul3A_182 = vector.broadcast %mul3A_181 : i32 to vector<16xi32>
        %mul3A_183 = arith.muli %and3A_180, %mul3A_182 : vector<16xi32>
        %gather3A_184 = tpu.vector_load_idx %arg5[%shift_right_arithmetic3A_177, %mul3A_183] : memref<8192x8xf32, #tpu.memory_space<vmem>>[vector<16xi32>, vector<16xi32>], vector<16xf32>,
        %add3A_185 = arith.constant 1 : i32
        %add3A_186 = vector.broadcast %add3A_185 : i32 to vector<16xi32>
        %add3A_187 = arith.addi %mul3A_183, %add3A_186 : vector<16xi32>
        %gather3A_188 = tpu.vector_load_idx %arg5[%shift_right_arithmetic3A_177, %add3A_187] : memref<8192x8xf32, #tpu.memory_space<vmem>>[vector<16xi32>, vector<16xi32>], vector<16xf32>,
        %add3A_189 = arith.constant 1024 : i32
        %add3A_190 = vector.broadcast %add3A_189 : i32 to vector<16xi32>
        %add3A_191 = arith.addi %get3A_123, %add3A_190 : vector<16xi32>
        %shift_right_arithmetic3A_192 = arith.constant 2 : i32
        %shift_right_arithmetic3A_193 = vector.broadcast %shift_right_arithmetic3A_192 : i32 to vector<16xi32>
        %shift_right_arithmetic3A_194 = arith.shrsi %add3A_191, %shift_right_arithmetic3A_193 : vector<16xi32>
        %and3A_195 = arith.constant 3 : i32
        %and3A_196 = vector.broadcast %and3A_195 : i32 to vector<16xi32>
        %and3A_197 = arith.andi %add3A_191, %and3A_196 : vector<16xi32>
        %mul3A_198 = arith.constant 2 : i32
        %mul3A_199 = vector.broadcast %mul3A_198 : i32 to vector<16xi32>
        %mul3A_200 = arith.muli %and3A_197, %mul3A_199 : vector<16xi32>
        %gather3A_201 = tpu.vector_load_idx %arg5[%shift_right_arithmetic3A_194, %mul3A_200] : memref<8192x8xf32, #tpu.memory_space<vmem>>[vector<16xi32>, vector<16xi32>], vector<16xf32>,
        %add3A_202 = arith.constant 1 : i32
        %add3A_203 = vector.broadcast %add3A_202 : i32 to vector<16xi32>
        %add3A_204 = arith.addi %mul3A_200, %add3A_203 : vector<16xi32>
        %gather3A_205 = tpu.vector_load_idx %arg5[%shift_right_arithmetic3A_194, %add3A_204] : memref<8192x8xf32, #tpu.memory_space<vmem>>[vector<16xi32>, vector<16xi32>], vector<16xf32>,
        %add3A_206 = arith.constant 1025 : i32
        %add3A_207 = vector.broadcast %add3A_206 : i32 to vector<16xi32>
        %add3A_208 = arith.addi %get3A_123, %add3A_207 : vector<16xi32>
        %shift_right_arithmetic3A_209 = arith.constant 2 : i32
        %shift_right_arithmetic3A_210 = vector.broadcast %shift_right_arithmetic3A_209 : i32 to vector<16xi32>
        %shift_right_arithmetic3A_211 = arith.shrsi %add3A_208, %shift_right_arithmetic3A_210 : vector<16xi32>
        %and3A_212 = arith.constant 3 : i32
        %and3A_213 = vector.broadcast %and3A_212 : i32 to vector<16xi32>
        %and3A_214 = arith.andi %add3A_208, %and3A_213 : vector<16xi32>
        %mul3A_215 = arith.constant 2 : i32
        %mul3A_216 = vector.broadcast %mul3A_215 : i32 to vector<16xi32>
        %mul3A_217 = arith.muli %and3A_214, %mul3A_216 : vector<16xi32>
        %gather3A_218 = tpu.vector_load_idx %arg5[%shift_right_arithmetic3A_211, %mul3A_217] : memref<8192x8xf32, #tpu.memory_space<vmem>>[vector<16xi32>, vector<16xi32>], vector<16xf32>,
        %add3A_219 = arith.constant 1 : i32
        %add3A_220 = vector.broadcast %add3A_219 : i32 to vector<16xi32>
        %add3A_221 = arith.addi %mul3A_217, %add3A_220 : vector<16xi32>
        %gather3A_222 = tpu.vector_load_idx %arg5[%shift_right_arithmetic3A_211, %add3A_221] : memref<8192x8xf32, #tpu.memory_space<vmem>>[vector<16xi32>, vector<16xi32>], vector<16xf32>,
        %add3A_223 = arith.constant 1056 : i32
        %add3A_224 = vector.broadcast %add3A_223 : i32 to vector<16xi32>
        %add3A_225 = arith.addi %get3A_123, %add3A_224 : vector<16xi32>
        %shift_right_arithmetic3A_226 = arith.constant 2 : i32
        %shift_right_arithmetic3A_227 = vector.broadcast %shift_right_arithmetic3A_226 : i32 to vector<16xi32>
        %shift_right_arithmetic3A_228 = arith.shrsi %add3A_225, %shift_right_arithmetic3A_227 : vector<16xi32>
        %and3A_229 = arith.constant 3 : i32
        %and3A_230 = vector.broadcast %and3A_229 : i32 to vector<16xi32>
        %and3A_231 = arith.andi %add3A_225, %and3A_230 : vector<16xi32>
        %mul3A_232 = arith.constant 2 : i32
        %mul3A_233 = vector.broadcast %mul3A_232 : i32 to vector<16xi32>
        %mul3A_234 = arith.muli %and3A_231, %mul3A_233 : vector<16xi32>
        %gather3A_235 = tpu.vector_load_idx %arg5[%shift_right_arithmetic3A_228, %mul3A_234] : memref<8192x8xf32, #tpu.memory_space<vmem>>[vector<16xi32>, vector<16xi32>], vector<16xf32>,
        %add3A_236 = arith.constant 1 : i32
        %add3A_237 = vector.broadcast %add3A_236 : i32 to vector<16xi32>
        %add3A_238 = arith.addi %mul3A_234, %add3A_237 : vector<16xi32>
        %gather3A_239 = tpu.vector_load_idx %arg5[%shift_right_arithmetic3A_228, %add3A_238] : memref<8192x8xf32, #tpu.memory_space<vmem>>[vector<16xi32>, vector<16xi32>], vector<16xf32>,
        %add3A_240 = arith.constant 1057 : i32
        %add3A_241 = vector.broadcast %add3A_240 : i32 to vector<16xi32>
        %add3A_242 = arith.addi %get3A_123, %add3A_241 : vector<16xi32>
        %shift_right_arithmetic3A_243 = arith.constant 2 : i32
        %shift_right_arithmetic3A_244 = vector.broadcast %shift_right_arithmetic3A_243 : i32 to vector<16xi32>
        %shift_right_arithmetic3A_245 = arith.shrsi %add3A_242, %shift_right_arithmetic3A_244 : vector<16xi32>
        %and3A_246 = arith.constant 3 : i32
        %and3A_247 = vector.broadcast %and3A_246 : i32 to vector<16xi32>
        %and3A_248 = arith.andi %add3A_242, %and3A_247 : vector<16xi32>
        %mul3A_249 = arith.constant 2 : i32
        %mul3A_250 = vector.broadcast %mul3A_249 : i32 to vector<16xi32>
        %mul3A_251 = arith.muli %and3A_248, %mul3A_250 : vector<16xi32>
        %gather3A_252 = tpu.vector_load_idx %arg5[%shift_right_arithmetic3A_245, %mul3A_251] : memref<8192x8xf32, #tpu.memory_space<vmem>>[vector<16xi32>, vector<16xi32>], vector<16xf32>,
        %add3A_253 = arith.constant 1 : i32
        %add3A_254 = vector.broadcast %add3A_253 : i32 to vector<16xi32>
        %add3A_255 = arith.addi %mul3A_251, %add3A_254 : vector<16xi32>
        %gather3A_256 = tpu.vector_load_idx %arg5[%shift_right_arithmetic3A_245, %add3A_255] : memref<8192x8xf32, #tpu.memory_space<vmem>>[vector<16xi32>, vector<16xi32>], vector<16xf32>,
        %broadcast_in_dim3A = arith.constant 0 : i32
        %broadcast_in_dim3A_257 = vector.broadcast %broadcast_in_dim3A : i32 to vector<16xi32>
        %sub3A = arith.subf %gather3A_150, %gather3A : vector<16xf32>
        %mul3A_258 = arith.mulf %get3A_121, %sub3A : vector<16xf32>
        %add3A_259 = arith.addf %gather3A, %mul3A_258 : vector<16xf32>
        %sub3A_260 = arith.subf %gather3A_184, %gather3A_167 : vector<16xf32>
        %mul3A_261 = arith.mulf %get3A_121, %sub3A_260 : vector<16xf32>
        %add3A_262 = arith.addf %gather3A_167, %mul3A_261 : vector<16xf32>
        %sub3A_263 = arith.subf %gather3A_218, %gather3A_201 : vector<16xf32>
        %mul3A_264 = arith.mulf %get3A_121, %sub3A_263 : vector<16xf32>
        %add3A_265 = arith.addf %gather3A_201, %mul3A_264 : vector<16xf32>
        %sub3A_266 = arith.subf %gather3A_252, %gather3A_235 : vector<16xf32>
        %mul3A_267 = arith.mulf %get3A_121, %sub3A_266 : vector<16xf32>
        %add3A_268 = arith.addf %gather3A_235, %mul3A_267 : vector<16xf32>
        %sub3A_269 = arith.subf %add3A_262, %add3A_259 : vector<16xf32>
        %mul3A_270 = arith.mulf %get3A_117, %sub3A_269 : vector<16xf32>
        %add3A_271 = arith.addf %add3A_259, %mul3A_270 : vector<16xf32>
        %sub3A_272 = arith.subf %add3A_268, %add3A_265 : vector<16xf32>
        %mul3A_273 = arith.mulf %get3A_117, %sub3A_272 : vector<16xf32>
        %add3A_274 = arith.addf %add3A_265, %mul3A_273 : vector<16xf32>
        %sub3A_275 = arith.subf %add3A_274, %add3A_271 : vector<16xf32>
        %mul3A_276 = arith.mulf %get3A_113, %sub3A_275 : vector<16xf32>
        %add3A_277 = arith.addf %add3A_271, %mul3A_276 : vector<16xf32>
        tpu.vector_store_idx %arg14[%add3A_112, %broadcast_in_dim3A_257], %add3A_277 : memref<128x8xf32, #tpu.memory_space<vmem>>[vector<16xi32>, vector<16xi32>], vector<16xf32>,
        %broadcast_in_dim3A_278 = arith.constant 1 : i32
        %broadcast_in_dim3A_279 = vector.broadcast %broadcast_in_dim3A_278 : i32 to vector<16xi32>
        %sub3A_280 = arith.subf %gather3A_154, %gather3A_137 : vector<16xf32>
        %mul3A_281 = arith.mulf %get3A_121, %sub3A_280 : vector<16xf32>
        %add3A_282 = arith.addf %gather3A_137, %mul3A_281 : vector<16xf32>
        %sub3A_283 = arith.subf %gather3A_188, %gather3A_171 : vector<16xf32>
        %mul3A_284 = arith.mulf %get3A_121, %sub3A_283 : vector<16xf32>
        %add3A_285 = arith.addf %gather3A_171, %mul3A_284 : vector<16xf32>
        %sub3A_286 = arith.subf %gather3A_222, %gather3A_205 : vector<16xf32>
        %mul3A_287 = arith.mulf %get3A_121, %sub3A_286 : vector<16xf32>
        %add3A_288 = arith.addf %gather3A_205, %mul3A_287 : vector<16xf32>
        %sub3A_289 = arith.subf %gather3A_256, %gather3A_239 : vector<16xf32>
        %mul3A_290 = arith.mulf %get3A_121, %sub3A_289 : vector<16xf32>
        %add3A_291 = arith.addf %gather3A_239, %mul3A_290 : vector<16xf32>
        %sub3A_292 = arith.subf %add3A_285, %add3A_282 : vector<16xf32>
        %mul3A_293 = arith.mulf %get3A_117, %sub3A_292 : vector<16xf32>
        %add3A_294 = arith.addf %add3A_282, %mul3A_293 : vector<16xf32>
        %sub3A_295 = arith.subf %add3A_291, %add3A_288 : vector<16xf32>
        %mul3A_296 = arith.mulf %get3A_117, %sub3A_295 : vector<16xf32>
        %add3A_297 = arith.addf %add3A_288, %mul3A_296 : vector<16xf32>
        %sub3A_298 = arith.subf %add3A_297, %add3A_294 : vector<16xf32>
        %mul3A_299 = arith.mulf %get3A_113, %sub3A_298 : vector<16xf32>
        %add3A_300 = arith.addf %add3A_294, %mul3A_299 : vector<16xf32>
        tpu.vector_store_idx %arg14[%add3A_112, %broadcast_in_dim3A_279], %add3A_300 : memref<128x8xf32, #tpu.memory_space<vmem>>[vector<16xi32>, vector<16xi32>], vector<16xf32>,
      }
      %scan3A_53 = arith.constant 8 : i32
      %scan3A_54 = arith.constant 0 : i32
      %scan3A_55 = arith.constant 0 : i32
      %scan3A_56 = arith.constant 8 : i32
      %scan3A_57 = arith.addi %scan3A_55, %scan3A_56 : i32
      %scan3A_58 = arith.constant 1 : i32
      scf.for %scan3A_108 = %scan3A_55 to %scan3A_57 step %scan3A_58  : i32 {
        %mul3A_109 = arith.constant 16 : i32
        %mul3A_110 = arith.muli %scan3A_108, %mul3A_109 : i32
        %add3A_111 = vector.broadcast %mul3A_110 : i32 to vector<16xi32>
        %add3A_112 = arith.addi %iota3A, %add3A_111 : vector<16xi32>
        %get3A = arith.index_cast %mul3A_110 : i32 to index
        %get3A_113 = tpu.vector_load %arg10[%get3A] {strides = array<i32>} : memref<512xf32, #tpu.memory_space<vmem>>, vector<16xf32>,
        %add3A_114 = arith.constant 128 : i32
        %add3A_115 = arith.addi %add3A_114, %mul3A_110 : i32
        %get3A_116 = arith.index_cast %add3A_115 : i32 to index
        %get3A_117 = tpu.vector_load %arg10[%get3A_116] {strides = array<i32>} : memref<512xf32, #tpu.memory_space<vmem>>, vector<16xf32>,
        %add3A_118 = arith.constant 256 : i32
        %add3A_119 = arith.addi %add3A_118, %mul3A_110 : i32
        %get3A_120 = arith.index_cast %add3A_119 : i32 to index
        %get3A_121 = tpu.vector_load %arg10[%get3A_120] {strides = array<i32>} : memref<512xf32, #tpu.memory_space<vmem>>, vector<16xf32>,
        %add3A_122 = arith.constant 384 : i32
        %add3A_123 = arith.addi %add3A_122, %mul3A_110 : i32
        %get3A_124 = arith.index_cast %add3A_123 : i32 to index
        %get3A_125 = tpu.vector_load %arg10[%get3A_124] {strides = array<i32>} : memref<512xf32, #tpu.memory_space<vmem>>, vector<16xf32>,
        %convert_element_type3A_126 = arith.fptosi %get3A_125 : vector<16xf32> to vector<16xi32>
        %mul3A_127 = arith.constant 2 : i32
        %mul3A_128 = vector.broadcast %mul3A_127 : i32 to vector<16xi32>
        %mul3A_129 = arith.muli %convert_element_type3A_126, %mul3A_128 : vector<16xi32>
        %add3A_130 = arith.constant 1 : i32
        %add3A_131 = vector.broadcast %add3A_130 : i32 to vector<16xi32>
        %add3A_132 = arith.addi %convert_element_type3A_126, %add3A_131 : vector<16xi32>
        %and3A = arith.constant 3 : i32
        %and3A_133 = vector.broadcast %and3A : i32 to vector<16xi32>
        %and3A_134 = arith.andi %add3A_132, %and3A_133 : vector<16xi32>
        %mul3A_135 = arith.constant 2 : i32
        %mul3A_136 = vector.broadcast %mul3A_135 : i32 to vector<16xi32>
        %mul3A_137 = arith.muli %and3A_134, %mul3A_136 : vector<16xi32>
        %add3A_138 = arith.constant 0 : i32
        %add3A_139 = vector.broadcast %add3A_138 : i32 to vector<16xi32>
        %add3A_140 = arith.addi %add3A_112, %add3A_139 : vector<16xi32>
        %gather3A = tpu.vector_load_idx %arg13[%add3A_140, %mul3A_129] : memref<3072x8xf32, #tpu.memory_space<vmem>>[vector<16xi32>, vector<16xi32>], vector<16xf32>,
        %add3A_141 = arith.constant 1 : i32
        %add3A_142 = vector.broadcast %add3A_141 : i32 to vector<16xi32>
        %add3A_143 = arith.addi %mul3A_129, %add3A_142 : vector<16xi32>
        %gather3A_144 = tpu.vector_load_idx %arg13[%add3A_140, %add3A_143] : memref<3072x8xf32, #tpu.memory_space<vmem>>[vector<16xi32>, vector<16xi32>], vector<16xf32>,
        %add3A_145 = arith.constant 128 : i32
        %add3A_146 = vector.broadcast %add3A_145 : i32 to vector<16xi32>
        %add3A_147 = arith.addi %add3A_112, %add3A_146 : vector<16xi32>
        %gather3A_148 = tpu.vector_load_idx %arg13[%add3A_147, %mul3A_137] : memref<3072x8xf32, #tpu.memory_space<vmem>>[vector<16xi32>, vector<16xi32>], vector<16xf32>,
        %add3A_149 = arith.constant 1 : i32
        %add3A_150 = vector.broadcast %add3A_149 : i32 to vector<16xi32>
        %add3A_151 = arith.addi %mul3A_137, %add3A_150 : vector<16xi32>
        %gather3A_152 = tpu.vector_load_idx %arg13[%add3A_147, %add3A_151] : memref<3072x8xf32, #tpu.memory_space<vmem>>[vector<16xi32>, vector<16xi32>], vector<16xf32>,
        %add3A_153 = arith.constant 256 : i32
        %add3A_154 = vector.broadcast %add3A_153 : i32 to vector<16xi32>
        %add3A_155 = arith.addi %add3A_112, %add3A_154 : vector<16xi32>
        %gather3A_156 = tpu.vector_load_idx %arg13[%add3A_155, %mul3A_129] : memref<3072x8xf32, #tpu.memory_space<vmem>>[vector<16xi32>, vector<16xi32>], vector<16xf32>,
        %add3A_157 = arith.constant 1 : i32
        %add3A_158 = vector.broadcast %add3A_157 : i32 to vector<16xi32>
        %add3A_159 = arith.addi %mul3A_129, %add3A_158 : vector<16xi32>
        %gather3A_160 = tpu.vector_load_idx %arg13[%add3A_155, %add3A_159] : memref<3072x8xf32, #tpu.memory_space<vmem>>[vector<16xi32>, vector<16xi32>], vector<16xf32>,
        %add3A_161 = arith.constant 384 : i32
        %add3A_162 = vector.broadcast %add3A_161 : i32 to vector<16xi32>
        %add3A_163 = arith.addi %add3A_112, %add3A_162 : vector<16xi32>
        %gather3A_164 = tpu.vector_load_idx %arg13[%add3A_163, %mul3A_137] : memref<3072x8xf32, #tpu.memory_space<vmem>>[vector<16xi32>, vector<16xi32>], vector<16xf32>,
        %add3A_165 = arith.constant 1 : i32
        %add3A_166 = vector.broadcast %add3A_165 : i32 to vector<16xi32>
        %add3A_167 = arith.addi %mul3A_137, %add3A_166 : vector<16xi32>
        %gather3A_168 = tpu.vector_load_idx %arg13[%add3A_163, %add3A_167] : memref<3072x8xf32, #tpu.memory_space<vmem>>[vector<16xi32>, vector<16xi32>], vector<16xf32>,
        %add3A_169 = arith.constant 512 : i32
        %add3A_170 = vector.broadcast %add3A_169 : i32 to vector<16xi32>
        %add3A_171 = arith.addi %add3A_112, %add3A_170 : vector<16xi32>
        %gather3A_172 = tpu.vector_load_idx %arg13[%add3A_171, %mul3A_129] : memref<3072x8xf32, #tpu.memory_space<vmem>>[vector<16xi32>, vector<16xi32>], vector<16xf32>,
        %add3A_173 = arith.constant 1 : i32
        %add3A_174 = vector.broadcast %add3A_173 : i32 to vector<16xi32>
        %add3A_175 = arith.addi %mul3A_129, %add3A_174 : vector<16xi32>
        %gather3A_176 = tpu.vector_load_idx %arg13[%add3A_171, %add3A_175] : memref<3072x8xf32, #tpu.memory_space<vmem>>[vector<16xi32>, vector<16xi32>], vector<16xf32>,
        %add3A_177 = arith.constant 640 : i32
        %add3A_178 = vector.broadcast %add3A_177 : i32 to vector<16xi32>
        %add3A_179 = arith.addi %add3A_112, %add3A_178 : vector<16xi32>
        %gather3A_180 = tpu.vector_load_idx %arg13[%add3A_179, %mul3A_137] : memref<3072x8xf32, #tpu.memory_space<vmem>>[vector<16xi32>, vector<16xi32>], vector<16xf32>,
        %add3A_181 = arith.constant 1 : i32
        %add3A_182 = vector.broadcast %add3A_181 : i32 to vector<16xi32>
        %add3A_183 = arith.addi %mul3A_137, %add3A_182 : vector<16xi32>
        %gather3A_184 = tpu.vector_load_idx %arg13[%add3A_179, %add3A_183] : memref<3072x8xf32, #tpu.memory_space<vmem>>[vector<16xi32>, vector<16xi32>], vector<16xf32>,
        %add3A_185 = arith.constant 768 : i32
        %add3A_186 = vector.broadcast %add3A_185 : i32 to vector<16xi32>
        %add3A_187 = arith.addi %add3A_112, %add3A_186 : vector<16xi32>
        %gather3A_188 = tpu.vector_load_idx %arg13[%add3A_187, %mul3A_129] : memref<3072x8xf32, #tpu.memory_space<vmem>>[vector<16xi32>, vector<16xi32>], vector<16xf32>,
        %add3A_189 = arith.constant 1 : i32
        %add3A_190 = vector.broadcast %add3A_189 : i32 to vector<16xi32>
        %add3A_191 = arith.addi %mul3A_129, %add3A_190 : vector<16xi32>
        %gather3A_192 = tpu.vector_load_idx %arg13[%add3A_187, %add3A_191] : memref<3072x8xf32, #tpu.memory_space<vmem>>[vector<16xi32>, vector<16xi32>], vector<16xf32>,
        %add3A_193 = arith.constant 896 : i32
        %add3A_194 = vector.broadcast %add3A_193 : i32 to vector<16xi32>
        %add3A_195 = arith.addi %add3A_112, %add3A_194 : vector<16xi32>
        %gather3A_196 = tpu.vector_load_idx %arg13[%add3A_195, %mul3A_137] : memref<3072x8xf32, #tpu.memory_space<vmem>>[vector<16xi32>, vector<16xi32>], vector<16xf32>,
        %add3A_197 = arith.constant 1 : i32
        %add3A_198 = vector.broadcast %add3A_197 : i32 to vector<16xi32>
        %add3A_199 = arith.addi %mul3A_137, %add3A_198 : vector<16xi32>
        %gather3A_200 = tpu.vector_load_idx %arg13[%add3A_195, %add3A_199] : memref<3072x8xf32, #tpu.memory_space<vmem>>[vector<16xi32>, vector<16xi32>], vector<16xf32>,
        %broadcast_in_dim3A = arith.constant 2 : i32
        %broadcast_in_dim3A_201 = vector.broadcast %broadcast_in_dim3A : i32 to vector<16xi32>
        %sub3A = arith.subf %gather3A_148, %gather3A : vector<16xf32>
        %mul3A_202 = arith.mulf %get3A_121, %sub3A : vector<16xf32>
        %add3A_203 = arith.addf %gather3A, %mul3A_202 : vector<16xf32>
        %sub3A_204 = arith.subf %gather3A_164, %gather3A_156 : vector<16xf32>
        %mul3A_205 = arith.mulf %get3A_121, %sub3A_204 : vector<16xf32>
        %add3A_206 = arith.addf %gather3A_156, %mul3A_205 : vector<16xf32>
        %sub3A_207 = arith.subf %gather3A_180, %gather3A_172 : vector<16xf32>
        %mul3A_208 = arith.mulf %get3A_121, %sub3A_207 : vector<16xf32>
        %add3A_209 = arith.addf %gather3A_172, %mul3A_208 : vector<16xf32>
        %sub3A_210 = arith.subf %gather3A_196, %gather3A_188 : vector<16xf32>
        %mul3A_211 = arith.mulf %get3A_121, %sub3A_210 : vector<16xf32>
        %add3A_212 = arith.addf %gather3A_188, %mul3A_211 : vector<16xf32>
        %sub3A_213 = arith.subf %add3A_206, %add3A_203 : vector<16xf32>
        %mul3A_214 = arith.mulf %get3A_117, %sub3A_213 : vector<16xf32>
        %add3A_215 = arith.addf %add3A_203, %mul3A_214 : vector<16xf32>
        %sub3A_216 = arith.subf %add3A_212, %add3A_209 : vector<16xf32>
        %mul3A_217 = arith.mulf %get3A_117, %sub3A_216 : vector<16xf32>
        %add3A_218 = arith.addf %add3A_209, %mul3A_217 : vector<16xf32>
        %sub3A_219 = arith.subf %add3A_218, %add3A_215 : vector<16xf32>
        %mul3A_220 = arith.mulf %get3A_113, %sub3A_219 : vector<16xf32>
        %add3A_221 = arith.addf %add3A_215, %mul3A_220 : vector<16xf32>
        tpu.vector_store_idx %arg14[%add3A_112, %broadcast_in_dim3A_201], %add3A_221 : memref<128x8xf32, #tpu.memory_space<vmem>>[vector<16xi32>, vector<16xi32>], vector<16xf32>,
        %broadcast_in_dim3A_222 = arith.constant 3 : i32
        %broadcast_in_dim3A_223 = vector.broadcast %broadcast_in_dim3A_222 : i32 to vector<16xi32>
        %sub3A_224 = arith.subf %gather3A_152, %gather3A_144 : vector<16xf32>
        %mul3A_225 = arith.mulf %get3A_121, %sub3A_224 : vector<16xf32>
        %add3A_226 = arith.addf %gather3A_144, %mul3A_225 : vector<16xf32>
        %sub3A_227 = arith.subf %gather3A_168, %gather3A_160 : vector<16xf32>
        %mul3A_228 = arith.mulf %get3A_121, %sub3A_227 : vector<16xf32>
        %add3A_229 = arith.addf %gather3A_160, %mul3A_228 : vector<16xf32>
        %sub3A_230 = arith.subf %gather3A_184, %gather3A_176 : vector<16xf32>
        %mul3A_231 = arith.mulf %get3A_121, %sub3A_230 : vector<16xf32>
        %add3A_232 = arith.addf %gather3A_176, %mul3A_231 : vector<16xf32>
        %sub3A_233 = arith.subf %gather3A_200, %gather3A_192 : vector<16xf32>
        %mul3A_234 = arith.mulf %get3A_121, %sub3A_233 : vector<16xf32>
        %add3A_235 = arith.addf %gather3A_192, %mul3A_234 : vector<16xf32>
        %sub3A_236 = arith.subf %add3A_229, %add3A_226 : vector<16xf32>
        %mul3A_237 = arith.mulf %get3A_117, %sub3A_236 : vector<16xf32>
        %add3A_238 = arith.addf %add3A_226, %mul3A_237 : vector<16xf32>
        %sub3A_239 = arith.subf %add3A_235, %add3A_232 : vector<16xf32>
        %mul3A_240 = arith.mulf %get3A_117, %sub3A_239 : vector<16xf32>
        %add3A_241 = arith.addf %add3A_232, %mul3A_240 : vector<16xf32>
        %sub3A_242 = arith.subf %add3A_241, %add3A_238 : vector<16xf32>
        %mul3A_243 = arith.mulf %get3A_113, %sub3A_242 : vector<16xf32>
        %add3A_244 = arith.addf %add3A_238, %mul3A_243 : vector<16xf32>
        tpu.vector_store_idx %arg14[%add3A_112, %broadcast_in_dim3A_223], %add3A_244 : memref<128x8xf32, #tpu.memory_space<vmem>>[vector<16xi32>, vector<16xi32>], vector<16xf32>,
      }
      %scan3A_59 = arith.constant 8 : i32
      %scan3A_60 = arith.constant 0 : i32
      %scan3A_61 = arith.constant 0 : i32
      %scan3A_62 = arith.constant 8 : i32
      %scan3A_63 = arith.addi %scan3A_61, %scan3A_62 : i32
      %scan3A_64 = arith.constant 1 : i32
      scf.for %scan3A_108 = %scan3A_61 to %scan3A_63 step %scan3A_64  : i32 {
        %mul3A_109 = arith.constant 16 : i32
        %mul3A_110 = arith.muli %scan3A_108, %mul3A_109 : i32
        %add3A_111 = vector.broadcast %mul3A_110 : i32 to vector<16xi32>
        %add3A_112 = arith.addi %iota3A, %add3A_111 : vector<16xi32>
        %get3A = arith.index_cast %mul3A_110 : i32 to index
        %get3A_113 = tpu.vector_load %arg11[%get3A] {strides = array<i32>} : memref<512xf32, #tpu.memory_space<vmem>>, vector<16xf32>,
        %add3A_114 = arith.constant 128 : i32
        %add3A_115 = arith.addi %add3A_114, %mul3A_110 : i32
        %get3A_116 = arith.index_cast %add3A_115 : i32 to index
        %get3A_117 = tpu.vector_load %arg11[%get3A_116] {strides = array<i32>} : memref<512xf32, #tpu.memory_space<vmem>>, vector<16xf32>,
        %add3A_118 = arith.constant 256 : i32
        %add3A_119 = arith.addi %add3A_118, %mul3A_110 : i32
        %get3A_120 = arith.index_cast %add3A_119 : i32 to index
        %get3A_121 = tpu.vector_load %arg11[%get3A_120] {strides = array<i32>} : memref<512xf32, #tpu.memory_space<vmem>>, vector<16xf32>,
        %add3A_122 = arith.constant 384 : i32
        %add3A_123 = arith.addi %add3A_122, %mul3A_110 : i32
        %get3A_124 = arith.index_cast %add3A_123 : i32 to index
        %get3A_125 = tpu.vector_load %arg11[%get3A_124] {strides = array<i32>} : memref<512xf32, #tpu.memory_space<vmem>>, vector<16xf32>,
        %convert_element_type3A_126 = arith.fptosi %get3A_125 : vector<16xf32> to vector<16xi32>
        %mul3A_127 = arith.constant 2 : i32
        %mul3A_128 = vector.broadcast %mul3A_127 : i32 to vector<16xi32>
        %mul3A_129 = arith.muli %convert_element_type3A_126, %mul3A_128 : vector<16xi32>
        %add3A_130 = arith.constant 1 : i32
        %add3A_131 = vector.broadcast %add3A_130 : i32 to vector<16xi32>
        %add3A_132 = arith.addi %convert_element_type3A_126, %add3A_131 : vector<16xi32>
        %and3A = arith.constant 3 : i32
        %and3A_133 = vector.broadcast %and3A : i32 to vector<16xi32>
        %and3A_134 = arith.andi %add3A_132, %and3A_133 : vector<16xi32>
        %mul3A_135 = arith.constant 2 : i32
        %mul3A_136 = vector.broadcast %mul3A_135 : i32 to vector<16xi32>
        %mul3A_137 = arith.muli %and3A_134, %mul3A_136 : vector<16xi32>
        %add3A_138 = arith.constant 1024 : i32
        %add3A_139 = vector.broadcast %add3A_138 : i32 to vector<16xi32>
        %add3A_140 = arith.addi %add3A_112, %add3A_139 : vector<16xi32>
        %gather3A = tpu.vector_load_idx %arg13[%add3A_140, %mul3A_129] : memref<3072x8xf32, #tpu.memory_space<vmem>>[vector<16xi32>, vector<16xi32>], vector<16xf32>,
        %add3A_141 = arith.constant 1 : i32
        %add3A_142 = vector.broadcast %add3A_141 : i32 to vector<16xi32>
        %add3A_143 = arith.addi %mul3A_129, %add3A_142 : vector<16xi32>
        %gather3A_144 = tpu.vector_load_idx %arg13[%add3A_140, %add3A_143] : memref<3072x8xf32, #tpu.memory_space<vmem>>[vector<16xi32>, vector<16xi32>], vector<16xf32>,
        %add3A_145 = arith.constant 1152 : i32
        %add3A_146 = vector.broadcast %add3A_145 : i32 to vector<16xi32>
        %add3A_147 = arith.addi %add3A_112, %add3A_146 : vector<16xi32>
        %gather3A_148 = tpu.vector_load_idx %arg13[%add3A_147, %mul3A_137] : memref<3072x8xf32, #tpu.memory_space<vmem>>[vector<16xi32>, vector<16xi32>], vector<16xf32>,
        %add3A_149 = arith.constant 1 : i32
        %add3A_150 = vector.broadcast %add3A_149 : i32 to vector<16xi32>
        %add3A_151 = arith.addi %mul3A_137, %add3A_150 : vector<16xi32>
        %gather3A_152 = tpu.vector_load_idx %arg13[%add3A_147, %add3A_151] : memref<3072x8xf32, #tpu.memory_space<vmem>>[vector<16xi32>, vector<16xi32>], vector<16xf32>,
        %add3A_153 = arith.constant 1280 : i32
        %add3A_154 = vector.broadcast %add3A_153 : i32 to vector<16xi32>
        %add3A_155 = arith.addi %add3A_112, %add3A_154 : vector<16xi32>
        %gather3A_156 = tpu.vector_load_idx %arg13[%add3A_155, %mul3A_129] : memref<3072x8xf32, #tpu.memory_space<vmem>>[vector<16xi32>, vector<16xi32>], vector<16xf32>,
        %add3A_157 = arith.constant 1 : i32
        %add3A_158 = vector.broadcast %add3A_157 : i32 to vector<16xi32>
        %add3A_159 = arith.addi %mul3A_129, %add3A_158 : vector<16xi32>
        %gather3A_160 = tpu.vector_load_idx %arg13[%add3A_155, %add3A_159] : memref<3072x8xf32, #tpu.memory_space<vmem>>[vector<16xi32>, vector<16xi32>], vector<16xf32>,
        %add3A_161 = arith.constant 1408 : i32
        %add3A_162 = vector.broadcast %add3A_161 : i32 to vector<16xi32>
        %add3A_163 = arith.addi %add3A_112, %add3A_162 : vector<16xi32>
        %gather3A_164 = tpu.vector_load_idx %arg13[%add3A_163, %mul3A_137] : memref<3072x8xf32, #tpu.memory_space<vmem>>[vector<16xi32>, vector<16xi32>], vector<16xf32>,
        %add3A_165 = arith.constant 1 : i32
        %add3A_166 = vector.broadcast %add3A_165 : i32 to vector<16xi32>
        %add3A_167 = arith.addi %mul3A_137, %add3A_166 : vector<16xi32>
        %gather3A_168 = tpu.vector_load_idx %arg13[%add3A_163, %add3A_167] : memref<3072x8xf32, #tpu.memory_space<vmem>>[vector<16xi32>, vector<16xi32>], vector<16xf32>,
        %add3A_169 = arith.constant 1536 : i32
        %add3A_170 = vector.broadcast %add3A_169 : i32 to vector<16xi32>
        %add3A_171 = arith.addi %add3A_112, %add3A_170 : vector<16xi32>
        %gather3A_172 = tpu.vector_load_idx %arg13[%add3A_171, %mul3A_129] : memref<3072x8xf32, #tpu.memory_space<vmem>>[vector<16xi32>, vector<16xi32>], vector<16xf32>,
        %add3A_173 = arith.constant 1 : i32
        %add3A_174 = vector.broadcast %add3A_173 : i32 to vector<16xi32>
        %add3A_175 = arith.addi %mul3A_129, %add3A_174 : vector<16xi32>
        %gather3A_176 = tpu.vector_load_idx %arg13[%add3A_171, %add3A_175] : memref<3072x8xf32, #tpu.memory_space<vmem>>[vector<16xi32>, vector<16xi32>], vector<16xf32>,
        %add3A_177 = arith.constant 1664 : i32
        %add3A_178 = vector.broadcast %add3A_177 : i32 to vector<16xi32>
        %add3A_179 = arith.addi %add3A_112, %add3A_178 : vector<16xi32>
        %gather3A_180 = tpu.vector_load_idx %arg13[%add3A_179, %mul3A_137] : memref<3072x8xf32, #tpu.memory_space<vmem>>[vector<16xi32>, vector<16xi32>], vector<16xf32>,
        %add3A_181 = arith.constant 1 : i32
        %add3A_182 = vector.broadcast %add3A_181 : i32 to vector<16xi32>
        %add3A_183 = arith.addi %mul3A_137, %add3A_182 : vector<16xi32>
        %gather3A_184 = tpu.vector_load_idx %arg13[%add3A_179, %add3A_183] : memref<3072x8xf32, #tpu.memory_space<vmem>>[vector<16xi32>, vector<16xi32>], vector<16xf32>,
        %add3A_185 = arith.constant 1792 : i32
        %add3A_186 = vector.broadcast %add3A_185 : i32 to vector<16xi32>
        %add3A_187 = arith.addi %add3A_112, %add3A_186 : vector<16xi32>
        %gather3A_188 = tpu.vector_load_idx %arg13[%add3A_187, %mul3A_129] : memref<3072x8xf32, #tpu.memory_space<vmem>>[vector<16xi32>, vector<16xi32>], vector<16xf32>,
        %add3A_189 = arith.constant 1 : i32
        %add3A_190 = vector.broadcast %add3A_189 : i32 to vector<16xi32>
        %add3A_191 = arith.addi %mul3A_129, %add3A_190 : vector<16xi32>
        %gather3A_192 = tpu.vector_load_idx %arg13[%add3A_187, %add3A_191] : memref<3072x8xf32, #tpu.memory_space<vmem>>[vector<16xi32>, vector<16xi32>], vector<16xf32>,
        %add3A_193 = arith.constant 1920 : i32
        %add3A_194 = vector.broadcast %add3A_193 : i32 to vector<16xi32>
        %add3A_195 = arith.addi %add3A_112, %add3A_194 : vector<16xi32>
        %gather3A_196 = tpu.vector_load_idx %arg13[%add3A_195, %mul3A_137] : memref<3072x8xf32, #tpu.memory_space<vmem>>[vector<16xi32>, vector<16xi32>], vector<16xf32>,
        %add3A_197 = arith.constant 1 : i32
        %add3A_198 = vector.broadcast %add3A_197 : i32 to vector<16xi32>
        %add3A_199 = arith.addi %mul3A_137, %add3A_198 : vector<16xi32>
        %gather3A_200 = tpu.vector_load_idx %arg13[%add3A_195, %add3A_199] : memref<3072x8xf32, #tpu.memory_space<vmem>>[vector<16xi32>, vector<16xi32>], vector<16xf32>,
        %broadcast_in_dim3A = arith.constant 4 : i32
        %broadcast_in_dim3A_201 = vector.broadcast %broadcast_in_dim3A : i32 to vector<16xi32>
        %sub3A = arith.subf %gather3A_148, %gather3A : vector<16xf32>
        %mul3A_202 = arith.mulf %get3A_121, %sub3A : vector<16xf32>
        %add3A_203 = arith.addf %gather3A, %mul3A_202 : vector<16xf32>
        %sub3A_204 = arith.subf %gather3A_164, %gather3A_156 : vector<16xf32>
        %mul3A_205 = arith.mulf %get3A_121, %sub3A_204 : vector<16xf32>
        %add3A_206 = arith.addf %gather3A_156, %mul3A_205 : vector<16xf32>
        %sub3A_207 = arith.subf %gather3A_180, %gather3A_172 : vector<16xf32>
        %mul3A_208 = arith.mulf %get3A_121, %sub3A_207 : vector<16xf32>
        %add3A_209 = arith.addf %gather3A_172, %mul3A_208 : vector<16xf32>
        %sub3A_210 = arith.subf %gather3A_196, %gather3A_188 : vector<16xf32>
        %mul3A_211 = arith.mulf %get3A_121, %sub3A_210 : vector<16xf32>
        %add3A_212 = arith.addf %gather3A_188, %mul3A_211 : vector<16xf32>
        %sub3A_213 = arith.subf %add3A_206, %add3A_203 : vector<16xf32>
        %mul3A_214 = arith.mulf %get3A_117, %sub3A_213 : vector<16xf32>
        %add3A_215 = arith.addf %add3A_203, %mul3A_214 : vector<16xf32>
        %sub3A_216 = arith.subf %add3A_212, %add3A_209 : vector<16xf32>
        %mul3A_217 = arith.mulf %get3A_117, %sub3A_216 : vector<16xf32>
        %add3A_218 = arith.addf %add3A_209, %mul3A_217 : vector<16xf32>
        %sub3A_219 = arith.subf %add3A_218, %add3A_215 : vector<16xf32>
        %mul3A_220 = arith.mulf %get3A_113, %sub3A_219 : vector<16xf32>
        %add3A_221 = arith.addf %add3A_215, %mul3A_220 : vector<16xf32>
        tpu.vector_store_idx %arg14[%add3A_112, %broadcast_in_dim3A_201], %add3A_221 : memref<128x8xf32, #tpu.memory_space<vmem>>[vector<16xi32>, vector<16xi32>], vector<16xf32>,
        %broadcast_in_dim3A_222 = arith.constant 5 : i32
        %broadcast_in_dim3A_223 = vector.broadcast %broadcast_in_dim3A_222 : i32 to vector<16xi32>
        %sub3A_224 = arith.subf %gather3A_152, %gather3A_144 : vector<16xf32>
        %mul3A_225 = arith.mulf %get3A_121, %sub3A_224 : vector<16xf32>
        %add3A_226 = arith.addf %gather3A_144, %mul3A_225 : vector<16xf32>
        %sub3A_227 = arith.subf %gather3A_168, %gather3A_160 : vector<16xf32>
        %mul3A_228 = arith.mulf %get3A_121, %sub3A_227 : vector<16xf32>
        %add3A_229 = arith.addf %gather3A_160, %mul3A_228 : vector<16xf32>
        %sub3A_230 = arith.subf %gather3A_184, %gather3A_176 : vector<16xf32>
        %mul3A_231 = arith.mulf %get3A_121, %sub3A_230 : vector<16xf32>
        %add3A_232 = arith.addf %gather3A_176, %mul3A_231 : vector<16xf32>
        %sub3A_233 = arith.subf %gather3A_200, %gather3A_192 : vector<16xf32>
        %mul3A_234 = arith.mulf %get3A_121, %sub3A_233 : vector<16xf32>
        %add3A_235 = arith.addf %gather3A_192, %mul3A_234 : vector<16xf32>
        %sub3A_236 = arith.subf %add3A_229, %add3A_226 : vector<16xf32>
        %mul3A_237 = arith.mulf %get3A_117, %sub3A_236 : vector<16xf32>
        %add3A_238 = arith.addf %add3A_226, %mul3A_237 : vector<16xf32>
        %sub3A_239 = arith.subf %add3A_235, %add3A_232 : vector<16xf32>
        %mul3A_240 = arith.mulf %get3A_117, %sub3A_239 : vector<16xf32>
        %add3A_241 = arith.addf %add3A_232, %mul3A_240 : vector<16xf32>
        %sub3A_242 = arith.subf %add3A_241, %add3A_238 : vector<16xf32>
        %mul3A_243 = arith.mulf %get3A_113, %sub3A_242 : vector<16xf32>
        %add3A_244 = arith.addf %add3A_238, %mul3A_243 : vector<16xf32>
        tpu.vector_store_idx %arg14[%add3A_112, %broadcast_in_dim3A_223], %add3A_244 : memref<128x8xf32, #tpu.memory_space<vmem>>[vector<16xi32>, vector<16xi32>], vector<16xf32>,
      }
      %scan3A_65 = arith.constant 8 : i32
      %scan3A_66 = arith.constant 0 : i32
      %scan3A_67 = arith.constant 0 : i32
      %scan3A_68 = arith.constant 8 : i32
      %scan3A_69 = arith.addi %scan3A_67, %scan3A_68 : i32
      %scan3A_70 = arith.constant 1 : i32
      scf.for %scan3A_108 = %scan3A_67 to %scan3A_69 step %scan3A_70  : i32 {
        %mul3A_109 = arith.constant 16 : i32
        %mul3A_110 = arith.muli %scan3A_108, %mul3A_109 : i32
        %add3A_111 = vector.broadcast %mul3A_110 : i32 to vector<16xi32>
        %add3A_112 = arith.addi %iota3A, %add3A_111 : vector<16xi32>
        %get3A = arith.index_cast %mul3A_110 : i32 to index
        %get3A_113 = tpu.vector_load %arg12[%get3A] {strides = array<i32>} : memref<512xf32, #tpu.memory_space<vmem>>, vector<16xf32>,
        %add3A_114 = arith.constant 128 : i32
        %add3A_115 = arith.addi %add3A_114, %mul3A_110 : i32
        %get3A_116 = arith.index_cast %add3A_115 : i32 to index
        %get3A_117 = tpu.vector_load %arg12[%get3A_116] {strides = array<i32>} : memref<512xf32, #tpu.memory_space<vmem>>, vector<16xf32>,
        %add3A_118 = arith.constant 256 : i32
        %add3A_119 = arith.addi %add3A_118, %mul3A_110 : i32
        %get3A_120 = arith.index_cast %add3A_119 : i32 to index
        %get3A_121 = tpu.vector_load %arg12[%get3A_120] {strides = array<i32>} : memref<512xf32, #tpu.memory_space<vmem>>, vector<16xf32>,
        %add3A_122 = arith.constant 384 : i32
        %add3A_123 = arith.addi %add3A_122, %mul3A_110 : i32
        %get3A_124 = arith.index_cast %add3A_123 : i32 to index
        %get3A_125 = tpu.vector_load %arg12[%get3A_124] {strides = array<i32>} : memref<512xf32, #tpu.memory_space<vmem>>, vector<16xf32>,
        %convert_element_type3A_126 = arith.fptosi %get3A_125 : vector<16xf32> to vector<16xi32>
        %mul3A_127 = arith.constant 2 : i32
        %mul3A_128 = vector.broadcast %mul3A_127 : i32 to vector<16xi32>
        %mul3A_129 = arith.muli %convert_element_type3A_126, %mul3A_128 : vector<16xi32>
        %add3A_130 = arith.constant 1 : i32
        %add3A_131 = vector.broadcast %add3A_130 : i32 to vector<16xi32>
        %add3A_132 = arith.addi %convert_element_type3A_126, %add3A_131 : vector<16xi32>
        %and3A = arith.constant 3 : i32
        %and3A_133 = vector.broadcast %and3A : i32 to vector<16xi32>
        %and3A_134 = arith.andi %add3A_132, %and3A_133 : vector<16xi32>
        %mul3A_135 = arith.constant 2 : i32
        %mul3A_136 = vector.broadcast %mul3A_135 : i32 to vector<16xi32>
        %mul3A_137 = arith.muli %and3A_134, %mul3A_136 : vector<16xi32>
        %add3A_138 = arith.constant 2048 : i32
        %add3A_139 = vector.broadcast %add3A_138 : i32 to vector<16xi32>
        %add3A_140 = arith.addi %add3A_112, %add3A_139 : vector<16xi32>
        %gather3A = tpu.vector_load_idx %arg13[%add3A_140, %mul3A_129] : memref<3072x8xf32, #tpu.memory_space<vmem>>[vector<16xi32>, vector<16xi32>], vector<16xf32>,
        %add3A_141 = arith.constant 1 : i32
        %add3A_142 = vector.broadcast %add3A_141 : i32 to vector<16xi32>
        %add3A_143 = arith.addi %mul3A_129, %add3A_142 : vector<16xi32>
        %gather3A_144 = tpu.vector_load_idx %arg13[%add3A_140, %add3A_143] : memref<3072x8xf32, #tpu.memory_space<vmem>>[vector<16xi32>, vector<16xi32>], vector<16xf32>,
        %add3A_145 = arith.constant 2176 : i32
        %add3A_146 = vector.broadcast %add3A_145 : i32 to vector<16xi32>
        %add3A_147 = arith.addi %add3A_112, %add3A_146 : vector<16xi32>
        %gather3A_148 = tpu.vector_load_idx %arg13[%add3A_147, %mul3A_137] : memref<3072x8xf32, #tpu.memory_space<vmem>>[vector<16xi32>, vector<16xi32>], vector<16xf32>,
        %add3A_149 = arith.constant 1 : i32
        %add3A_150 = vector.broadcast %add3A_149 : i32 to vector<16xi32>
        %add3A_151 = arith.addi %mul3A_137, %add3A_150 : vector<16xi32>
        %gather3A_152 = tpu.vector_load_idx %arg13[%add3A_147, %add3A_151] : memref<3072x8xf32, #tpu.memory_space<vmem>>[vector<16xi32>, vector<16xi32>], vector<16xf32>,
        %add3A_153 = arith.constant 2304 : i32
        %add3A_154 = vector.broadcast %add3A_153 : i32 to vector<16xi32>
        %add3A_155 = arith.addi %add3A_112, %add3A_154 : vector<16xi32>
        %gather3A_156 = tpu.vector_load_idx %arg13[%add3A_155, %mul3A_129] : memref<3072x8xf32, #tpu.memory_space<vmem>>[vector<16xi32>, vector<16xi32>], vector<16xf32>,
        %add3A_157 = arith.constant 1 : i32
        %add3A_158 = vector.broadcast %add3A_157 : i32 to vector<16xi32>
        %add3A_159 = arith.addi %mul3A_129, %add3A_158 : vector<16xi32>
        %gather3A_160 = tpu.vector_load_idx %arg13[%add3A_155, %add3A_159] : memref<3072x8xf32, #tpu.memory_space<vmem>>[vector<16xi32>, vector<16xi32>], vector<16xf32>,
        %add3A_161 = arith.constant 2432 : i32
        %add3A_162 = vector.broadcast %add3A_161 : i32 to vector<16xi32>
        %add3A_163 = arith.addi %add3A_112, %add3A_162 : vector<16xi32>
        %gather3A_164 = tpu.vector_load_idx %arg13[%add3A_163, %mul3A_137] : memref<3072x8xf32, #tpu.memory_space<vmem>>[vector<16xi32>, vector<16xi32>], vector<16xf32>,
        %add3A_165 = arith.constant 1 : i32
        %add3A_166 = vector.broadcast %add3A_165 : i32 to vector<16xi32>
        %add3A_167 = arith.addi %mul3A_137, %add3A_166 : vector<16xi32>
        %gather3A_168 = tpu.vector_load_idx %arg13[%add3A_163, %add3A_167] : memref<3072x8xf32, #tpu.memory_space<vmem>>[vector<16xi32>, vector<16xi32>], vector<16xf32>,
        %add3A_169 = arith.constant 2560 : i32
        %add3A_170 = vector.broadcast %add3A_169 : i32 to vector<16xi32>
        %add3A_171 = arith.addi %add3A_112, %add3A_170 : vector<16xi32>
        %gather3A_172 = tpu.vector_load_idx %arg13[%add3A_171, %mul3A_129] : memref<3072x8xf32, #tpu.memory_space<vmem>>[vector<16xi32>, vector<16xi32>], vector<16xf32>,
        %add3A_173 = arith.constant 1 : i32
        %add3A_174 = vector.broadcast %add3A_173 : i32 to vector<16xi32>
        %add3A_175 = arith.addi %mul3A_129, %add3A_174 : vector<16xi32>
        %gather3A_176 = tpu.vector_load_idx %arg13[%add3A_171, %add3A_175] : memref<3072x8xf32, #tpu.memory_space<vmem>>[vector<16xi32>, vector<16xi32>], vector<16xf32>,
        %add3A_177 = arith.constant 2688 : i32
        %add3A_178 = vector.broadcast %add3A_177 : i32 to vector<16xi32>
        %add3A_179 = arith.addi %add3A_112, %add3A_178 : vector<16xi32>
        %gather3A_180 = tpu.vector_load_idx %arg13[%add3A_179, %mul3A_137] : memref<3072x8xf32, #tpu.memory_space<vmem>>[vector<16xi32>, vector<16xi32>], vector<16xf32>,
        %add3A_181 = arith.constant 1 : i32
        %add3A_182 = vector.broadcast %add3A_181 : i32 to vector<16xi32>
        %add3A_183 = arith.addi %mul3A_137, %add3A_182 : vector<16xi32>
        %gather3A_184 = tpu.vector_load_idx %arg13[%add3A_179, %add3A_183] : memref<3072x8xf32, #tpu.memory_space<vmem>>[vector<16xi32>, vector<16xi32>], vector<16xf32>,
        %add3A_185 = arith.constant 2816 : i32
        %add3A_186 = vector.broadcast %add3A_185 : i32 to vector<16xi32>
        %add3A_187 = arith.addi %add3A_112, %add3A_186 : vector<16xi32>
        %gather3A_188 = tpu.vector_load_idx %arg13[%add3A_187, %mul3A_129] : memref<3072x8xf32, #tpu.memory_space<vmem>>[vector<16xi32>, vector<16xi32>], vector<16xf32>,
        %add3A_189 = arith.constant 1 : i32
        %add3A_190 = vector.broadcast %add3A_189 : i32 to vector<16xi32>
        %add3A_191 = arith.addi %mul3A_129, %add3A_190 : vector<16xi32>
        %gather3A_192 = tpu.vector_load_idx %arg13[%add3A_187, %add3A_191] : memref<3072x8xf32, #tpu.memory_space<vmem>>[vector<16xi32>, vector<16xi32>], vector<16xf32>,
        %add3A_193 = arith.constant 2944 : i32
        %add3A_194 = vector.broadcast %add3A_193 : i32 to vector<16xi32>
        %add3A_195 = arith.addi %add3A_112, %add3A_194 : vector<16xi32>
        %gather3A_196 = tpu.vector_load_idx %arg13[%add3A_195, %mul3A_137] : memref<3072x8xf32, #tpu.memory_space<vmem>>[vector<16xi32>, vector<16xi32>], vector<16xf32>,
        %add3A_197 = arith.constant 1 : i32
        %add3A_198 = vector.broadcast %add3A_197 : i32 to vector<16xi32>
        %add3A_199 = arith.addi %mul3A_137, %add3A_198 : vector<16xi32>
        %gather3A_200 = tpu.vector_load_idx %arg13[%add3A_195, %add3A_199] : memref<3072x8xf32, #tpu.memory_space<vmem>>[vector<16xi32>, vector<16xi32>], vector<16xf32>,
        %broadcast_in_dim3A = arith.constant 6 : i32
        %broadcast_in_dim3A_201 = vector.broadcast %broadcast_in_dim3A : i32 to vector<16xi32>
        %sub3A = arith.subf %gather3A_148, %gather3A : vector<16xf32>
        %mul3A_202 = arith.mulf %get3A_121, %sub3A : vector<16xf32>
        %add3A_203 = arith.addf %gather3A, %mul3A_202 : vector<16xf32>
        %sub3A_204 = arith.subf %gather3A_164, %gather3A_156 : vector<16xf32>
        %mul3A_205 = arith.mulf %get3A_121, %sub3A_204 : vector<16xf32>
        %add3A_206 = arith.addf %gather3A_156, %mul3A_205 : vector<16xf32>
        %sub3A_207 = arith.subf %gather3A_180, %gather3A_172 : vector<16xf32>
        %mul3A_208 = arith.mulf %get3A_121, %sub3A_207 : vector<16xf32>
        %add3A_209 = arith.addf %gather3A_172, %mul3A_208 : vector<16xf32>
        %sub3A_210 = arith.subf %gather3A_196, %gather3A_188 : vector<16xf32>
        %mul3A_211 = arith.mulf %get3A_121, %sub3A_210 : vector<16xf32>
        %add3A_212 = arith.addf %gather3A_188, %mul3A_211 : vector<16xf32>
        %sub3A_213 = arith.subf %add3A_206, %add3A_203 : vector<16xf32>
        %mul3A_214 = arith.mulf %get3A_117, %sub3A_213 : vector<16xf32>
        %add3A_215 = arith.addf %add3A_203, %mul3A_214 : vector<16xf32>
        %sub3A_216 = arith.subf %add3A_212, %add3A_209 : vector<16xf32>
        %mul3A_217 = arith.mulf %get3A_117, %sub3A_216 : vector<16xf32>
        %add3A_218 = arith.addf %add3A_209, %mul3A_217 : vector<16xf32>
        %sub3A_219 = arith.subf %add3A_218, %add3A_215 : vector<16xf32>
        %mul3A_220 = arith.mulf %get3A_113, %sub3A_219 : vector<16xf32>
        %add3A_221 = arith.addf %add3A_215, %mul3A_220 : vector<16xf32>
        tpu.vector_store_idx %arg14[%add3A_112, %broadcast_in_dim3A_201], %add3A_221 : memref<128x8xf32, #tpu.memory_space<vmem>>[vector<16xi32>, vector<16xi32>], vector<16xf32>,
        %broadcast_in_dim3A_222 = arith.constant 7 : i32
        %broadcast_in_dim3A_223 = vector.broadcast %broadcast_in_dim3A_222 : i32 to vector<16xi32>
        %sub3A_224 = arith.subf %gather3A_152, %gather3A_144 : vector<16xf32>
        %mul3A_225 = arith.mulf %get3A_121, %sub3A_224 : vector<16xf32>
        %add3A_226 = arith.addf %gather3A_144, %mul3A_225 : vector<16xf32>
        %sub3A_227 = arith.subf %gather3A_168, %gather3A_160 : vector<16xf32>
        %mul3A_228 = arith.mulf %get3A_121, %sub3A_227 : vector<16xf32>
        %add3A_229 = arith.addf %gather3A_160, %mul3A_228 : vector<16xf32>
        %sub3A_230 = arith.subf %gather3A_184, %gather3A_176 : vector<16xf32>
        %mul3A_231 = arith.mulf %get3A_121, %sub3A_230 : vector<16xf32>
        %add3A_232 = arith.addf %gather3A_176, %mul3A_231 : vector<16xf32>
        %sub3A_233 = arith.subf %gather3A_200, %gather3A_192 : vector<16xf32>
        %mul3A_234 = arith.mulf %get3A_121, %sub3A_233 : vector<16xf32>
        %add3A_235 = arith.addf %gather3A_192, %mul3A_234 : vector<16xf32>
        %sub3A_236 = arith.subf %add3A_229, %add3A_226 : vector<16xf32>
        %mul3A_237 = arith.mulf %get3A_117, %sub3A_236 : vector<16xf32>
        %add3A_238 = arith.addf %add3A_226, %mul3A_237 : vector<16xf32>
        %sub3A_239 = arith.subf %add3A_235, %add3A_232 : vector<16xf32>
        %mul3A_240 = arith.mulf %get3A_117, %sub3A_239 : vector<16xf32>
        %add3A_241 = arith.addf %add3A_232, %mul3A_240 : vector<16xf32>
        %sub3A_242 = arith.subf %add3A_241, %add3A_238 : vector<16xf32>
        %mul3A_243 = arith.mulf %get3A_113, %sub3A_242 : vector<16xf32>
        %add3A_244 = arith.addf %add3A_238, %mul3A_243 : vector<16xf32>
        tpu.vector_store_idx %arg14[%add3A_112, %broadcast_in_dim3A_223], %add3A_244 : memref<128x8xf32, #tpu.memory_space<vmem>>[vector<16xi32>, vector<16xi32>], vector<16xf32>,
      }
      %scan3A_71 = arith.constant 8 : i32
      "tpu.region"() ({
        %run_scoped3A = tpu.sem_alloc : memref<!tpu.dma_semaphore, #tpu.memory_space<semaphore_mem>>
        %dma_start3A_108 = arith.constant 0 : i32
        %dma_start3A_109 = tpu.memref_slice %arg4[%add3A_47, %dma_start3A_108] : memref<1048576x8xf32, #tpu.memory_space<hbm>> -> memref<128x8xf32, #tpu.memory_space<hbm>>
        %dma_start3A_110 = arith.constant 0 : i32
        %dma_start3A_111 = tpu.memref_slice %arg4[%add3A_47, %dma_start3A_110] : memref<1048576x8xf32, #tpu.memory_space<hbm>> -> memref<128x8xf32, #tpu.memory_space<hbm>>
        tpu.enqueue_dma source(%arg14 : memref<128x8xf32, #tpu.memory_space<vmem>>) target(%dma_start3A_111 : memref<128x8xf32, #tpu.memory_space<hbm>>) target_semaphore(%run_scoped3A : memref<!tpu.dma_semaphore, #tpu.memory_space<semaphore_mem>>)
        %dma_wait3A_112 = arith.constant 0 : i32
        %dma_wait3A_113 = tpu.memref_slice %arg4[%add3A_47, %dma_wait3A_112] : memref<1048576x8xf32, #tpu.memory_space<hbm>> -> memref<128x8xf32, #tpu.memory_space<hbm>>
        %dma_wait3A_114 = arith.constant 0 : i32
        %dma_wait3A_115 = tpu.memref_slice %arg4[%add3A_47, %dma_wait3A_114] : memref<1048576x8xf32, #tpu.memory_space<hbm>> -> memref<128x8xf32, #tpu.memory_space<hbm>>
        tpu.wait_dma2 semaphore(%run_scoped3A : memref<!tpu.dma_semaphore, #tpu.memory_space<semaphore_mem>>) src(%arg14 : memref<128x8xf32, #tpu.memory_space<vmem>>) dst(%dma_wait3A_115 : memref<128x8xf32, #tpu.memory_space<hbm>>)
        tpu.yield
      }) : () -> ()
      %lt3A = arith.constant 127 : i32
      %lt3A_72 = arith.cmpi slt, %scan3A_20, %lt3A : i32
      %convert_element_type3A = arith.extui %lt3A_72 : i1 to i32
      %cond3A = arith.constant 0 : i32
      %cond3A_73 = arith.cmpi ne, %convert_element_type3A, %cond3A : i32
      scf.if %cond3A_73 {
        %add3A_108 = arith.constant 2 : i32
        %add3A_109 = arith.addi %mul3A_22, %add3A_108 : i32
        %mul3A_110 = arith.constant 32768 : i32
        %mul3A_111 = arith.muli %add3A, %mul3A_110 : i32
        %mul3A_112 = arith.constant 128 : i32
        %mul3A_113 = arith.muli %add3A_109, %mul3A_112 : i32
        %add3A_114 = arith.addi %mul3A_111, %mul3A_113 : i32
        %mul3A_115 = arith.constant 3 : i32
        %mul3A_116 = arith.muli %add3A_114, %mul3A_115 : i32
        "tpu.region"() ({
          %run_scoped3A = tpu.sem_alloc : memref<!tpu.dma_semaphore, #tpu.memory_space<semaphore_mem>>
          %dma_start3A_126 = tpu.memref_slice %arg2[%mul3A_116] : memref<3145728xf32, #tpu.memory_space<hbm>> -> memref<384xf32, #tpu.memory_space<hbm>>
          %dma_start3A_127 = tpu.memref_slice %arg2[%mul3A_116] : memref<3145728xf32, #tpu.memory_space<hbm>> -> memref<384xf32, #tpu.memory_space<hbm>>
          tpu.enqueue_dma source(%dma_start3A_127 : memref<384xf32, #tpu.memory_space<hbm>>) target(%arg6 : memref<384xf32, #tpu.memory_space<vmem>>) target_semaphore(%run_scoped3A : memref<!tpu.dma_semaphore, #tpu.memory_space<semaphore_mem>>)
          %dma_wait3A_128 = tpu.memref_slice %arg2[%mul3A_116] : memref<3145728xf32, #tpu.memory_space<hbm>> -> memref<384xf32, #tpu.memory_space<hbm>>
          %dma_wait3A_129 = tpu.memref_slice %arg2[%mul3A_116] : memref<3145728xf32, #tpu.memory_space<hbm>> -> memref<384xf32, #tpu.memory_space<hbm>>
          tpu.wait_dma2 semaphore(%run_scoped3A : memref<!tpu.dma_semaphore, #tpu.memory_space<semaphore_mem>>) src(%dma_wait3A_129 : memref<384xf32, #tpu.memory_space<hbm>>) dst(%arg6 : memref<384xf32, #tpu.memory_space<vmem>>)
          tpu.yield
        }) : () -> ()
        %scan3A_117 = arith.constant 0 : i32
        %scan3A_118 = arith.constant 0 : i32
        %scan3A_119 = arith.constant 8 : i32
        %scan3A_120 = arith.addi %scan3A_118, %scan3A_119 : i32
        %scan3A_121 = arith.constant 1 : i32
        scf.for %scan3A_126 = %scan3A_118 to %scan3A_120 step %scan3A_121  : i32 {
          %mul3A_127 = arith.constant 16 : i32
          %mul3A_128 = arith.muli %scan3A_126, %mul3A_127 : i32
          %add3A_129 = vector.broadcast %mul3A_128 : i32 to vector<16xi32>
          %add3A_130 = arith.addi %iota3A, %add3A_129 : vector<16xi32>
          %mul3A_131 = arith.constant 3 : i32
          %mul3A_132 = vector.broadcast %mul3A_131 : i32 to vector<16xi32>
          %mul3A_133 = arith.muli %add3A_130, %mul3A_132 : vector<16xi32>
          %gather3A = tpu.vector_load_idx %arg6[%mul3A_133] : memref<384xf32, #tpu.memory_space<vmem>>[vector<16xi32>], vector<16xf32>,
          %add3A_134 = arith.constant 1 : i32
          %add3A_135 = vector.broadcast %add3A_134 : i32 to vector<16xi32>
          %add3A_136 = arith.addi %mul3A_133, %add3A_135 : vector<16xi32>
          %gather3A_137 = tpu.vector_load_idx %arg6[%add3A_136] : memref<384xf32, #tpu.memory_space<vmem>>[vector<16xi32>], vector<16xf32>,
          %add3A_138 = arith.constant 2 : i32
          %add3A_139 = vector.broadcast %add3A_138 : i32 to vector<16xi32>
          %add3A_140 = arith.addi %mul3A_133, %add3A_139 : vector<16xi32>
          %gather3A_141 = tpu.vector_load_idx %arg6[%add3A_140] : memref<384xf32, #tpu.memory_space<vmem>>[vector<16xi32>], vector<16xf32>,
          %mul3A_142 = arith.constant 5.000000e-01 : f32
          %mul3A_143 = vector.broadcast %mul3A_142 : f32 to vector<16xf32>
          %mul3A_144 = arith.mulf %gather3A, %mul3A_143 : vector<16xf32>
          %add3A_145 = arith.constant 5.000000e-01 : f32
          %add3A_146 = vector.broadcast %add3A_145 : f32 to vector<16xf32>
          %add3A_147 = arith.addf %mul3A_144, %add3A_146 : vector<16xf32>
          %mul3A_148 = arith.constant 3.100000e+01 : f32
          %mul3A_149 = vector.broadcast %mul3A_148 : f32 to vector<16xf32>
          %mul3A_150 = arith.mulf %add3A_147, %mul3A_149 : vector<16xf32>
          %mul3A_151 = arith.constant 5.000000e-01 : f32
          %mul3A_152 = vector.broadcast %mul3A_151 : f32 to vector<16xf32>
          %mul3A_153 = arith.mulf %gather3A_137, %mul3A_152 : vector<16xf32>
          %add3A_154 = arith.constant 5.000000e-01 : f32
          %add3A_155 = vector.broadcast %add3A_154 : f32 to vector<16xf32>
          %add3A_156 = arith.addf %mul3A_153, %add3A_155 : vector<16xf32>
          %mul3A_157 = arith.constant 3.100000e+01 : f32
          %mul3A_158 = vector.broadcast %mul3A_157 : f32 to vector<16xf32>
          %mul3A_159 = arith.mulf %add3A_156, %mul3A_158 : vector<16xf32>
          %mul3A_160 = arith.constant 5.000000e-01 : f32
          %mul3A_161 = vector.broadcast %mul3A_160 : f32 to vector<16xf32>
          %mul3A_162 = arith.mulf %gather3A_141, %mul3A_161 : vector<16xf32>
          %add3A_163 = arith.constant 5.000000e-01 : f32
          %add3A_164 = vector.broadcast %add3A_163 : f32 to vector<16xf32>
          %add3A_165 = arith.addf %mul3A_162, %add3A_164 : vector<16xf32>
          %mul3A_166 = arith.constant 3.100000e+01 : f32
          %mul3A_167 = vector.broadcast %mul3A_166 : f32 to vector<16xf32>
          %mul3A_168 = arith.mulf %add3A_165, %mul3A_167 : vector<16xf32>
          %convert_element_type3A_169 = arith.fptosi %mul3A_150 : vector<16xf32> to vector<16xi32>
          %min3A = arith.constant 30 : i32
          %min3A_170 = vector.broadcast %min3A : i32 to vector<16xi32>
          %min3A_171 = arith.minsi %convert_element_type3A_169, %min3A_170 : vector<16xi32>
          %convert_element_type3A_172 = arith.fptosi %mul3A_159 : vector<16xf32> to vector<16xi32>
          %min3A_173 = arith.constant 30 : i32
          %min3A_174 = vector.broadcast %min3A_173 : i32 to vector<16xi32>
          %min3A_175 = arith.minsi %convert_element_type3A_172, %min3A_174 : vector<16xi32>
          %convert_element_type3A_176 = arith.fptosi %mul3A_168 : vector<16xf32> to vector<16xi32>
          %min3A_177 = arith.constant 30 : i32
          %min3A_178 = vector.broadcast %min3A_177 : i32 to vector<16xi32>
          %min3A_179 = arith.minsi %convert_element_type3A_176, %min3A_178 : vector<16xi32>
          %convert_element_type3A_180 = arith.sitofp %min3A_171 : vector<16xi32> to vector<16xf32>
          %sub3A = arith.subf %mul3A_150, %convert_element_type3A_180 : vector<16xf32>
          %convert_element_type3A_181 = arith.sitofp %min3A_175 : vector<16xi32> to vector<16xf32>
          %sub3A_182 = arith.subf %mul3A_159, %convert_element_type3A_181 : vector<16xf32>
          %convert_element_type3A_183 = arith.sitofp %min3A_179 : vector<16xi32> to vector<16xf32>
          %sub3A_184 = arith.subf %mul3A_168, %convert_element_type3A_183 : vector<16xf32>
          %mul3A_185 = arith.constant 32 : i32
          %mul3A_186 = vector.broadcast %mul3A_185 : i32 to vector<16xi32>
          %mul3A_187 = arith.muli %min3A_171, %mul3A_186 : vector<16xi32>
          %add3A_188 = arith.addi %mul3A_187, %min3A_175 : vector<16xi32>
          %mul3A_189 = arith.constant 32 : i32
          %mul3A_190 = vector.broadcast %mul3A_189 : i32 to vector<16xi32>
          %mul3A_191 = arith.muli %add3A_188, %mul3A_190 : vector<16xi32>
          %add3A_192 = arith.addi %mul3A_191, %min3A_179 : vector<16xi32>
          %add3A_193 = arith.constant 0 : i32
          %add3A_194 = vector.broadcast %add3A_193 : i32 to vector<16xi32>
          %add3A_195 = arith.addi %add3A_192, %add3A_194 : vector<16xi32>
          %swap3A = arith.index_cast %mul3A_128 : i32 to index
          %swap3A_196 = tpu.vector_load %arg8[%swap3A] {strides = array<i32>} : memref<384xf32, #tpu.memory_space<vmem>>, vector<16xf32>,
          tpu.vector_store %arg8[%swap3A], %sub3A {strides = array<i32>} : memref<384xf32, #tpu.memory_space<vmem>>, vector<16xf32>,
          %add3A_197 = arith.constant 128 : i32
          %add3A_198 = arith.addi %add3A_197, %mul3A_128 : i32
          %swap3A_199 = arith.index_cast %add3A_198 : i32 to index
          %swap3A_200 = tpu.vector_load %arg8[%swap3A_199] {strides = array<i32>} : memref<384xf32, #tpu.memory_space<vmem>>, vector<16xf32>,
          tpu.vector_store %arg8[%swap3A_199], %sub3A_182 {strides = array<i32>} : memref<384xf32, #tpu.memory_space<vmem>>, vector<16xf32>,
          %add3A_201 = arith.constant 256 : i32
          %add3A_202 = arith.addi %add3A_201, %mul3A_128 : i32
          %swap3A_203 = arith.index_cast %add3A_202 : i32 to index
          %swap3A_204 = tpu.vector_load %arg8[%swap3A_203] {strides = array<i32>} : memref<384xf32, #tpu.memory_space<vmem>>, vector<16xf32>,
          tpu.vector_store %arg8[%swap3A_203], %sub3A_184 {strides = array<i32>} : memref<384xf32, #tpu.memory_space<vmem>>, vector<16xf32>,
          %swap3A_205 = arith.index_cast %mul3A_128 : i32 to index
          %swap3A_206 = tpu.vector_load %arg7[%swap3A_205] {strides = array<i32>} : memref<128xi32, #tpu.memory_space<vmem>>, vector<16xi32>,
          tpu.vector_store %arg7[%swap3A_205], %add3A_195 {strides = array<i32>} : memref<128xi32, #tpu.memory_space<vmem>>, vector<16xi32>,
          %mul3A_207 = arith.constant 5.000000e-01 : f32
          %mul3A_208 = vector.broadcast %mul3A_207 : f32 to vector<16xf32>
          %mul3A_209 = arith.mulf %gather3A, %mul3A_208 : vector<16xf32>
          %add3A_210 = arith.constant 5.000000e-01 : f32
          %add3A_211 = vector.broadcast %add3A_210 : f32 to vector<16xf32>
          %add3A_212 = arith.addf %mul3A_209, %add3A_211 : vector<16xf32>
          %mul3A_213 = arith.constant 6.300000e+01 : f32
          %mul3A_214 = vector.broadcast %mul3A_213 : f32 to vector<16xf32>
          %mul3A_215 = arith.mulf %add3A_212, %mul3A_214 : vector<16xf32>
          %mul3A_216 = arith.constant 5.000000e-01 : f32
          %mul3A_217 = vector.broadcast %mul3A_216 : f32 to vector<16xf32>
          %mul3A_218 = arith.mulf %gather3A_137, %mul3A_217 : vector<16xf32>
          %add3A_219 = arith.constant 5.000000e-01 : f32
          %add3A_220 = vector.broadcast %add3A_219 : f32 to vector<16xf32>
          %add3A_221 = arith.addf %mul3A_218, %add3A_220 : vector<16xf32>
          %mul3A_222 = arith.constant 6.300000e+01 : f32
          %mul3A_223 = vector.broadcast %mul3A_222 : f32 to vector<16xf32>
          %mul3A_224 = arith.mulf %add3A_221, %mul3A_223 : vector<16xf32>
          %mul3A_225 = arith.constant 5.000000e-01 : f32
          %mul3A_226 = vector.broadcast %mul3A_225 : f32 to vector<16xf32>
          %mul3A_227 = arith.mulf %gather3A_141, %mul3A_226 : vector<16xf32>
          %add3A_228 = arith.constant 5.000000e-01 : f32
          %add3A_229 = vector.broadcast %add3A_228 : f32 to vector<16xf32>
          %add3A_230 = arith.addf %mul3A_227, %add3A_229 : vector<16xf32>
          %mul3A_231 = arith.constant 6.300000e+01 : f32
          %mul3A_232 = vector.broadcast %mul3A_231 : f32 to vector<16xf32>
          %mul3A_233 = arith.mulf %add3A_230, %mul3A_232 : vector<16xf32>
          %convert_element_type3A_234 = arith.fptosi %mul3A_215 : vector<16xf32> to vector<16xi32>
          %min3A_235 = arith.constant 62 : i32
          %min3A_236 = vector.broadcast %min3A_235 : i32 to vector<16xi32>
          %min3A_237 = arith.minsi %convert_element_type3A_234, %min3A_236 : vector<16xi32>
          %convert_element_type3A_238 = arith.fptosi %mul3A_224 : vector<16xf32> to vector<16xi32>
          %min3A_239 = arith.constant 62 : i32
          %min3A_240 = vector.broadcast %min3A_239 : i32 to vector<16xi32>
          %min3A_241 = arith.minsi %convert_element_type3A_238, %min3A_240 : vector<16xi32>
          %convert_element_type3A_242 = arith.fptosi %mul3A_233 : vector<16xf32> to vector<16xi32>
          %min3A_243 = arith.constant 62 : i32
          %min3A_244 = vector.broadcast %min3A_243 : i32 to vector<16xi32>
          %min3A_245 = arith.minsi %convert_element_type3A_242, %min3A_244 : vector<16xi32>
          %convert_element_type3A_246 = arith.sitofp %min3A_237 : vector<16xi32> to vector<16xf32>
          %sub3A_247 = arith.subf %mul3A_215, %convert_element_type3A_246 : vector<16xf32>
          %convert_element_type3A_248 = arith.sitofp %min3A_241 : vector<16xi32> to vector<16xf32>
          %sub3A_249 = arith.subf %mul3A_224, %convert_element_type3A_248 : vector<16xf32>
          %convert_element_type3A_250 = arith.sitofp %min3A_245 : vector<16xi32> to vector<16xf32>
          %sub3A_251 = arith.subf %mul3A_233, %convert_element_type3A_250 : vector<16xf32>
          %mul3A_252 = arith.constant 64 : i32
          %mul3A_253 = vector.broadcast %mul3A_252 : i32 to vector<16xi32>
          %mul3A_254 = arith.muli %min3A_237, %mul3A_253 : vector<16xi32>
          %add3A_255 = arith.addi %mul3A_254, %min3A_241 : vector<16xi32>
          %mul3A_256 = arith.constant 64 : i32
          %mul3A_257 = vector.broadcast %mul3A_256 : i32 to vector<16xi32>
          %mul3A_258 = arith.muli %add3A_255, %mul3A_257 : vector<16xi32>
          %add3A_259 = arith.addi %mul3A_258, %min3A_245 : vector<16xi32>
          %add3A_260 = arith.constant 32768 : i32
          %add3A_261 = vector.broadcast %add3A_260 : i32 to vector<16xi32>
          %add3A_262 = arith.addi %add3A_259, %add3A_261 : vector<16xi32>
          %swap3A_263 = arith.index_cast %mul3A_128 : i32 to index
          %swap3A_264 = tpu.vector_load %arg10[%swap3A_263] {strides = array<i32>} : memref<512xf32, #tpu.memory_space<vmem>>, vector<16xf32>,
          tpu.vector_store %arg10[%swap3A_263], %sub3A_247 {strides = array<i32>} : memref<512xf32, #tpu.memory_space<vmem>>, vector<16xf32>,
          %add3A_265 = arith.constant 128 : i32
          %add3A_266 = arith.addi %add3A_265, %mul3A_128 : i32
          %swap3A_267 = arith.index_cast %add3A_266 : i32 to index
          %swap3A_268 = tpu.vector_load %arg10[%swap3A_267] {strides = array<i32>} : memref<512xf32, #tpu.memory_space<vmem>>, vector<16xf32>,
          tpu.vector_store %arg10[%swap3A_267], %sub3A_249 {strides = array<i32>} : memref<512xf32, #tpu.memory_space<vmem>>, vector<16xf32>,
          %add3A_269 = arith.constant 256 : i32
          %add3A_270 = arith.addi %add3A_269, %mul3A_128 : i32
          %swap3A_271 = arith.index_cast %add3A_270 : i32 to index
          %swap3A_272 = tpu.vector_load %arg10[%swap3A_271] {strides = array<i32>} : memref<512xf32, #tpu.memory_space<vmem>>, vector<16xf32>,
          tpu.vector_store %arg10[%swap3A_271], %sub3A_251 {strides = array<i32>} : memref<512xf32, #tpu.memory_space<vmem>>, vector<16xf32>,
          %and3A = arith.constant 3 : i32
          %and3A_273 = vector.broadcast %and3A : i32 to vector<16xi32>
          %and3A_274 = arith.andi %min3A_245, %and3A_273 : vector<16xi32>
          %convert_element_type3A_275 = arith.sitofp %and3A_274 : vector<16xi32> to vector<16xf32>
          %add3A_276 = arith.constant 384 : i32
          %add3A_277 = arith.addi %add3A_276, %mul3A_128 : i32
          %swap3A_278 = arith.index_cast %add3A_277 : i32 to index
          %swap3A_279 = tpu.vector_load %arg10[%swap3A_278] {strides = array<i32>} : memref<512xf32, #tpu.memory_space<vmem>>, vector<16xf32>,
          tpu.vector_store %arg10[%swap3A_278], %convert_element_type3A_275 {strides = array<i32>} : memref<512xf32, #tpu.memory_space<vmem>>, vector<16xf32>,
          %add3A_280 = arith.constant 0 : i32
          %add3A_281 = vector.broadcast %add3A_280 : i32 to vector<16xi32>
          %add3A_282 = arith.addi %add3A_262, %add3A_281 : vector<16xi32>
          %shift_right_arithmetic3A = arith.constant 2 : i32
          %shift_right_arithmetic3A_283 = vector.broadcast %shift_right_arithmetic3A : i32 to vector<16xi32>
          %shift_right_arithmetic3A_284 = arith.shrsi %add3A_282, %shift_right_arithmetic3A_283 : vector<16xi32>
          %add3A_285 = arith.constant 0 : i32
          %add3A_286 = arith.addi %add3A_285, %mul3A_128 : i32
          %swap3A_287 = arith.index_cast %add3A_286 : i32 to index
          %swap3A_288 = tpu.vector_load %arg9[%swap3A_287] {strides = array<i32>} : memref<3072xi32, #tpu.memory_space<vmem>>, vector<16xi32>,
          tpu.vector_store %arg9[%swap3A_287], %shift_right_arithmetic3A_284 {strides = array<i32>} : memref<3072xi32, #tpu.memory_space<vmem>>, vector<16xi32>,
          %add3A_289 = arith.constant 1 : i32
          %add3A_290 = vector.broadcast %add3A_289 : i32 to vector<16xi32>
          %add3A_291 = arith.addi %add3A_262, %add3A_290 : vector<16xi32>
          %shift_right_arithmetic3A_292 = arith.constant 2 : i32
          %shift_right_arithmetic3A_293 = vector.broadcast %shift_right_arithmetic3A_292 : i32 to vector<16xi32>
          %shift_right_arithmetic3A_294 = arith.shrsi %add3A_291, %shift_right_arithmetic3A_293 : vector<16xi32>
          %add3A_295 = arith.constant 128 : i32
          %add3A_296 = arith.addi %add3A_295, %mul3A_128 : i32
          %swap3A_297 = arith.index_cast %add3A_296 : i32 to index
          %swap3A_298 = tpu.vector_load %arg9[%swap3A_297] {strides = array<i32>} : memref<3072xi32, #tpu.memory_space<vmem>>, vector<16xi32>,
          tpu.vector_store %arg9[%swap3A_297], %shift_right_arithmetic3A_294 {strides = array<i32>} : memref<3072xi32, #tpu.memory_space<vmem>>, vector<16xi32>,
          %add3A_299 = arith.constant 64 : i32
          %add3A_300 = vector.broadcast %add3A_299 : i32 to vector<16xi32>
          %add3A_301 = arith.addi %add3A_262, %add3A_300 : vector<16xi32>
          %shift_right_arithmetic3A_302 = arith.constant 2 : i32
          %shift_right_arithmetic3A_303 = vector.broadcast %shift_right_arithmetic3A_302 : i32 to vector<16xi32>
          %shift_right_arithmetic3A_304 = arith.shrsi %add3A_301, %shift_right_arithmetic3A_303 : vector<16xi32>
          %add3A_305 = arith.constant 256 : i32
          %add3A_306 = arith.addi %add3A_305, %mul3A_128 : i32
          %swap3A_307 = arith.index_cast %add3A_306 : i32 to index
          %swap3A_308 = tpu.vector_load %arg9[%swap3A_307] {strides = array<i32>} : memref<3072xi32, #tpu.memory_space<vmem>>, vector<16xi32>,
          tpu.vector_store %arg9[%swap3A_307], %shift_right_arithmetic3A_304 {strides = array<i32>} : memref<3072xi32, #tpu.memory_space<vmem>>, vector<16xi32>,
          %add3A_309 = arith.constant 65 : i32
          %add3A_310 = vector.broadcast %add3A_309 : i32 to vector<16xi32>
          %add3A_311 = arith.addi %add3A_262, %add3A_310 : vector<16xi32>
          %shift_right_arithmetic3A_312 = arith.constant 2 : i32
          %shift_right_arithmetic3A_313 = vector.broadcast %shift_right_arithmetic3A_312 : i32 to vector<16xi32>
          %shift_right_arithmetic3A_314 = arith.shrsi %add3A_311, %shift_right_arithmetic3A_313 : vector<16xi32>
          %add3A_315 = arith.constant 384 : i32
          %add3A_316 = arith.addi %add3A_315, %mul3A_128 : i32
          %swap3A_317 = arith.index_cast %add3A_316 : i32 to index
          %swap3A_318 = tpu.vector_load %arg9[%swap3A_317] {strides = array<i32>} : memref<3072xi32, #tpu.memory_space<vmem>>, vector<16xi32>,
          tpu.vector_store %arg9[%swap3A_317], %shift_right_arithmetic3A_314 {strides = array<i32>} : memref<3072xi32, #tpu.memory_space<vmem>>, vector<16xi32>,
          %add3A_319 = arith.constant 4096 : i32
          %add3A_320 = vector.broadcast %add3A_319 : i32 to vector<16xi32>
          %add3A_321 = arith.addi %add3A_262, %add3A_320 : vector<16xi32>
          %shift_right_arithmetic3A_322 = arith.constant 2 : i32
          %shift_right_arithmetic3A_323 = vector.broadcast %shift_right_arithmetic3A_322 : i32 to vector<16xi32>
          %shift_right_arithmetic3A_324 = arith.shrsi %add3A_321, %shift_right_arithmetic3A_323 : vector<16xi32>
          %add3A_325 = arith.constant 512 : i32
          %add3A_326 = arith.addi %add3A_325, %mul3A_128 : i32
          %swap3A_327 = arith.index_cast %add3A_326 : i32 to index
          %swap3A_328 = tpu.vector_load %arg9[%swap3A_327] {strides = array<i32>} : memref<3072xi32, #tpu.memory_space<vmem>>, vector<16xi32>,
          tpu.vector_store %arg9[%swap3A_327], %shift_right_arithmetic3A_324 {strides = array<i32>} : memref<3072xi32, #tpu.memory_space<vmem>>, vector<16xi32>,
          %add3A_329 = arith.constant 4097 : i32
          %add3A_330 = vector.broadcast %add3A_329 : i32 to vector<16xi32>
          %add3A_331 = arith.addi %add3A_262, %add3A_330 : vector<16xi32>
          %shift_right_arithmetic3A_332 = arith.constant 2 : i32
          %shift_right_arithmetic3A_333 = vector.broadcast %shift_right_arithmetic3A_332 : i32 to vector<16xi32>
          %shift_right_arithmetic3A_334 = arith.shrsi %add3A_331, %shift_right_arithmetic3A_333 : vector<16xi32>
          %add3A_335 = arith.constant 640 : i32
          %add3A_336 = arith.addi %add3A_335, %mul3A_128 : i32
          %swap3A_337 = arith.index_cast %add3A_336 : i32 to index
          %swap3A_338 = tpu.vector_load %arg9[%swap3A_337] {strides = array<i32>} : memref<3072xi32, #tpu.memory_space<vmem>>, vector<16xi32>,
          tpu.vector_store %arg9[%swap3A_337], %shift_right_arithmetic3A_334 {strides = array<i32>} : memref<3072xi32, #tpu.memory_space<vmem>>, vector<16xi32>,
          %add3A_339 = arith.constant 4160 : i32
          %add3A_340 = vector.broadcast %add3A_339 : i32 to vector<16xi32>
          %add3A_341 = arith.addi %add3A_262, %add3A_340 : vector<16xi32>
          %shift_right_arithmetic3A_342 = arith.constant 2 : i32
          %shift_right_arithmetic3A_343 = vector.broadcast %shift_right_arithmetic3A_342 : i32 to vector<16xi32>
          %shift_right_arithmetic3A_344 = arith.shrsi %add3A_341, %shift_right_arithmetic3A_343 : vector<16xi32>
          %add3A_345 = arith.constant 768 : i32
          %add3A_346 = arith.addi %add3A_345, %mul3A_128 : i32
          %swap3A_347 = arith.index_cast %add3A_346 : i32 to index
          %swap3A_348 = tpu.vector_load %arg9[%swap3A_347] {strides = array<i32>} : memref<3072xi32, #tpu.memory_space<vmem>>, vector<16xi32>,
          tpu.vector_store %arg9[%swap3A_347], %shift_right_arithmetic3A_344 {strides = array<i32>} : memref<3072xi32, #tpu.memory_space<vmem>>, vector<16xi32>,
          %add3A_349 = arith.constant 4161 : i32
          %add3A_350 = vector.broadcast %add3A_349 : i32 to vector<16xi32>
          %add3A_351 = arith.addi %add3A_262, %add3A_350 : vector<16xi32>
          %shift_right_arithmetic3A_352 = arith.constant 2 : i32
          %shift_right_arithmetic3A_353 = vector.broadcast %shift_right_arithmetic3A_352 : i32 to vector<16xi32>
          %shift_right_arithmetic3A_354 = arith.shrsi %add3A_351, %shift_right_arithmetic3A_353 : vector<16xi32>
          %add3A_355 = arith.constant 896 : i32
          %add3A_356 = arith.addi %add3A_355, %mul3A_128 : i32
          %swap3A_357 = arith.index_cast %add3A_356 : i32 to index
          %swap3A_358 = tpu.vector_load %arg9[%swap3A_357] {strides = array<i32>} : memref<3072xi32, #tpu.memory_space<vmem>>, vector<16xi32>,
          tpu.vector_store %arg9[%swap3A_357], %shift_right_arithmetic3A_354 {strides = array<i32>} : memref<3072xi32, #tpu.memory_space<vmem>>, vector<16xi32>,
          %mul3A_359 = arith.constant 5.000000e-01 : f32
          %mul3A_360 = vector.broadcast %mul3A_359 : f32 to vector<16xf32>
          %mul3A_361 = arith.mulf %gather3A, %mul3A_360 : vector<16xf32>
          %add3A_362 = arith.constant 5.000000e-01 : f32
          %add3A_363 = vector.broadcast %add3A_362 : f32 to vector<16xf32>
          %add3A_364 = arith.addf %mul3A_361, %add3A_363 : vector<16xf32>
          %mul3A_365 = arith.constant 1.270000e+02 : f32
          %mul3A_366 = vector.broadcast %mul3A_365 : f32 to vector<16xf32>
          %mul3A_367 = arith.mulf %add3A_364, %mul3A_366 : vector<16xf32>
          %mul3A_368 = arith.constant 5.000000e-01 : f32
          %mul3A_369 = vector.broadcast %mul3A_368 : f32 to vector<16xf32>
          %mul3A_370 = arith.mulf %gather3A_137, %mul3A_369 : vector<16xf32>
          %add3A_371 = arith.constant 5.000000e-01 : f32
          %add3A_372 = vector.broadcast %add3A_371 : f32 to vector<16xf32>
          %add3A_373 = arith.addf %mul3A_370, %add3A_372 : vector<16xf32>
          %mul3A_374 = arith.constant 1.270000e+02 : f32
          %mul3A_375 = vector.broadcast %mul3A_374 : f32 to vector<16xf32>
          %mul3A_376 = arith.mulf %add3A_373, %mul3A_375 : vector<16xf32>
          %mul3A_377 = arith.constant 5.000000e-01 : f32
          %mul3A_378 = vector.broadcast %mul3A_377 : f32 to vector<16xf32>
          %mul3A_379 = arith.mulf %gather3A_141, %mul3A_378 : vector<16xf32>
          %add3A_380 = arith.constant 5.000000e-01 : f32
          %add3A_381 = vector.broadcast %add3A_380 : f32 to vector<16xf32>
          %add3A_382 = arith.addf %mul3A_379, %add3A_381 : vector<16xf32>
          %mul3A_383 = arith.constant 1.270000e+02 : f32
          %mul3A_384 = vector.broadcast %mul3A_383 : f32 to vector<16xf32>
          %mul3A_385 = arith.mulf %add3A_382, %mul3A_384 : vector<16xf32>
          %convert_element_type3A_386 = arith.fptosi %mul3A_367 : vector<16xf32> to vector<16xi32>
          %min3A_387 = arith.constant 126 : i32
          %min3A_388 = vector.broadcast %min3A_387 : i32 to vector<16xi32>
          %min3A_389 = arith.minsi %convert_element_type3A_386, %min3A_388 : vector<16xi32>
          %convert_element_type3A_390 = arith.fptosi %mul3A_376 : vector<16xf32> to vector<16xi32>
          %min3A_391 = arith.constant 126 : i32
          %min3A_392 = vector.broadcast %min3A_391 : i32 to vector<16xi32>
          %min3A_393 = arith.minsi %convert_element_type3A_390, %min3A_392 : vector<16xi32>
          %convert_element_type3A_394 = arith.fptosi %mul3A_385 : vector<16xf32> to vector<16xi32>
          %min3A_395 = arith.constant 126 : i32
          %min3A_396 = vector.broadcast %min3A_395 : i32 to vector<16xi32>
          %min3A_397 = arith.minsi %convert_element_type3A_394, %min3A_396 : vector<16xi32>
          %convert_element_type3A_398 = arith.sitofp %min3A_389 : vector<16xi32> to vector<16xf32>
          %sub3A_399 = arith.subf %mul3A_367, %convert_element_type3A_398 : vector<16xf32>
          %convert_element_type3A_400 = arith.sitofp %min3A_393 : vector<16xi32> to vector<16xf32>
          %sub3A_401 = arith.subf %mul3A_376, %convert_element_type3A_400 : vector<16xf32>
          %convert_element_type3A_402 = arith.sitofp %min3A_397 : vector<16xi32> to vector<16xf32>
          %sub3A_403 = arith.subf %mul3A_385, %convert_element_type3A_402 : vector<16xf32>
          %mul3A_404 = arith.constant 128 : i32
          %mul3A_405 = vector.broadcast %mul3A_404 : i32 to vector<16xi32>
          %mul3A_406 = arith.muli %min3A_389, %mul3A_405 : vector<16xi32>
          %add3A_407 = arith.addi %mul3A_406, %min3A_393 : vector<16xi32>
          %mul3A_408 = arith.constant 128 : i32
          %mul3A_409 = vector.broadcast %mul3A_408 : i32 to vector<16xi32>
          %mul3A_410 = arith.muli %add3A_407, %mul3A_409 : vector<16xi32>
          %add3A_411 = arith.addi %mul3A_410, %min3A_397 : vector<16xi32>
          %add3A_412 = arith.constant 294912 : i32
          %add3A_413 = vector.broadcast %add3A_412 : i32 to vector<16xi32>
          %add3A_414 = arith.addi %add3A_411, %add3A_413 : vector<16xi32>
          %swap3A_415 = arith.index_cast %mul3A_128 : i32 to index
          %swap3A_416 = tpu.vector_load %arg11[%swap3A_415] {strides = array<i32>} : memref<512xf32, #tpu.memory_space<vmem>>, vector<16xf32>,
          tpu.vector_store %arg11[%swap3A_415], %sub3A_399 {strides = array<i32>} : memref<512xf32, #tpu.memory_space<vmem>>, vector<16xf32>,
          %add3A_417 = arith.constant 128 : i32
          %add3A_418 = arith.addi %add3A_417, %mul3A_128 : i32
          %swap3A_419 = arith.index_cast %add3A_418 : i32 to index
          %swap3A_420 = tpu.vector_load %arg11[%swap3A_419] {strides = array<i32>} : memref<512xf32, #tpu.memory_space<vmem>>, vector<16xf32>,
          tpu.vector_store %arg11[%swap3A_419], %sub3A_401 {strides = array<i32>} : memref<512xf32, #tpu.memory_space<vmem>>, vector<16xf32>,
          %add3A_421 = arith.constant 256 : i32
          %add3A_422 = arith.addi %add3A_421, %mul3A_128 : i32
          %swap3A_423 = arith.index_cast %add3A_422 : i32 to index
          %swap3A_424 = tpu.vector_load %arg11[%swap3A_423] {strides = array<i32>} : memref<512xf32, #tpu.memory_space<vmem>>, vector<16xf32>,
          tpu.vector_store %arg11[%swap3A_423], %sub3A_403 {strides = array<i32>} : memref<512xf32, #tpu.memory_space<vmem>>, vector<16xf32>,
          %and3A_425 = arith.constant 3 : i32
          %and3A_426 = vector.broadcast %and3A_425 : i32 to vector<16xi32>
          %and3A_427 = arith.andi %min3A_397, %and3A_426 : vector<16xi32>
          %convert_element_type3A_428 = arith.sitofp %and3A_427 : vector<16xi32> to vector<16xf32>
          %add3A_429 = arith.constant 384 : i32
          %add3A_430 = arith.addi %add3A_429, %mul3A_128 : i32
          %swap3A_431 = arith.index_cast %add3A_430 : i32 to index
          %swap3A_432 = tpu.vector_load %arg11[%swap3A_431] {strides = array<i32>} : memref<512xf32, #tpu.memory_space<vmem>>, vector<16xf32>,
          tpu.vector_store %arg11[%swap3A_431], %convert_element_type3A_428 {strides = array<i32>} : memref<512xf32, #tpu.memory_space<vmem>>, vector<16xf32>,
          %add3A_433 = arith.constant 0 : i32
          %add3A_434 = vector.broadcast %add3A_433 : i32 to vector<16xi32>
          %add3A_435 = arith.addi %add3A_414, %add3A_434 : vector<16xi32>
          %shift_right_arithmetic3A_436 = arith.constant 2 : i32
          %shift_right_arithmetic3A_437 = vector.broadcast %shift_right_arithmetic3A_436 : i32 to vector<16xi32>
          %shift_right_arithmetic3A_438 = arith.shrsi %add3A_435, %shift_right_arithmetic3A_437 : vector<16xi32>
          %add3A_439 = arith.constant 1024 : i32
          %add3A_440 = arith.addi %add3A_439, %mul3A_128 : i32
          %swap3A_441 = arith.index_cast %add3A_440 : i32 to index
          %swap3A_442 = tpu.vector_load %arg9[%swap3A_441] {strides = array<i32>} : memref<3072xi32, #tpu.memory_space<vmem>>, vector<16xi32>,
          tpu.vector_store %arg9[%swap3A_441], %shift_right_arithmetic3A_438 {strides = array<i32>} : memref<3072xi32, #tpu.memory_space<vmem>>, vector<16xi32>,
          %add3A_443 = arith.constant 1 : i32
          %add3A_444 = vector.broadcast %add3A_443 : i32 to vector<16xi32>
          %add3A_445 = arith.addi %add3A_414, %add3A_444 : vector<16xi32>
          %shift_right_arithmetic3A_446 = arith.constant 2 : i32
          %shift_right_arithmetic3A_447 = vector.broadcast %shift_right_arithmetic3A_446 : i32 to vector<16xi32>
          %shift_right_arithmetic3A_448 = arith.shrsi %add3A_445, %shift_right_arithmetic3A_447 : vector<16xi32>
          %add3A_449 = arith.constant 1152 : i32
          %add3A_450 = arith.addi %add3A_449, %mul3A_128 : i32
          %swap3A_451 = arith.index_cast %add3A_450 : i32 to index
          %swap3A_452 = tpu.vector_load %arg9[%swap3A_451] {strides = array<i32>} : memref<3072xi32, #tpu.memory_space<vmem>>, vector<16xi32>,
          tpu.vector_store %arg9[%swap3A_451], %shift_right_arithmetic3A_448 {strides = array<i32>} : memref<3072xi32, #tpu.memory_space<vmem>>, vector<16xi32>,
          %add3A_453 = arith.constant 128 : i32
          %add3A_454 = vector.broadcast %add3A_453 : i32 to vector<16xi32>
          %add3A_455 = arith.addi %add3A_414, %add3A_454 : vector<16xi32>
          %shift_right_arithmetic3A_456 = arith.constant 2 : i32
          %shift_right_arithmetic3A_457 = vector.broadcast %shift_right_arithmetic3A_456 : i32 to vector<16xi32>
          %shift_right_arithmetic3A_458 = arith.shrsi %add3A_455, %shift_right_arithmetic3A_457 : vector<16xi32>
          %add3A_459 = arith.constant 1280 : i32
          %add3A_460 = arith.addi %add3A_459, %mul3A_128 : i32
          %swap3A_461 = arith.index_cast %add3A_460 : i32 to index
          %swap3A_462 = tpu.vector_load %arg9[%swap3A_461] {strides = array<i32>} : memref<3072xi32, #tpu.memory_space<vmem>>, vector<16xi32>,
          tpu.vector_store %arg9[%swap3A_461], %shift_right_arithmetic3A_458 {strides = array<i32>} : memref<3072xi32, #tpu.memory_space<vmem>>, vector<16xi32>,
          %add3A_463 = arith.constant 129 : i32
          %add3A_464 = vector.broadcast %add3A_463 : i32 to vector<16xi32>
          %add3A_465 = arith.addi %add3A_414, %add3A_464 : vector<16xi32>
          %shift_right_arithmetic3A_466 = arith.constant 2 : i32
          %shift_right_arithmetic3A_467 = vector.broadcast %shift_right_arithmetic3A_466 : i32 to vector<16xi32>
          %shift_right_arithmetic3A_468 = arith.shrsi %add3A_465, %shift_right_arithmetic3A_467 : vector<16xi32>
          %add3A_469 = arith.constant 1408 : i32
          %add3A_470 = arith.addi %add3A_469, %mul3A_128 : i32
          %swap3A_471 = arith.index_cast %add3A_470 : i32 to index
          %swap3A_472 = tpu.vector_load %arg9[%swap3A_471] {strides = array<i32>} : memref<3072xi32, #tpu.memory_space<vmem>>, vector<16xi32>,
          tpu.vector_store %arg9[%swap3A_471], %shift_right_arithmetic3A_468 {strides = array<i32>} : memref<3072xi32, #tpu.memory_space<vmem>>, vector<16xi32>,
          %add3A_473 = arith.constant 16384 : i32
          %add3A_474 = vector.broadcast %add3A_473 : i32 to vector<16xi32>
          %add3A_475 = arith.addi %add3A_414, %add3A_474 : vector<16xi32>
          %shift_right_arithmetic3A_476 = arith.constant 2 : i32
          %shift_right_arithmetic3A_477 = vector.broadcast %shift_right_arithmetic3A_476 : i32 to vector<16xi32>
          %shift_right_arithmetic3A_478 = arith.shrsi %add3A_475, %shift_right_arithmetic3A_477 : vector<16xi32>
          %add3A_479 = arith.constant 1536 : i32
          %add3A_480 = arith.addi %add3A_479, %mul3A_128 : i32
          %swap3A_481 = arith.index_cast %add3A_480 : i32 to index
          %swap3A_482 = tpu.vector_load %arg9[%swap3A_481] {strides = array<i32>} : memref<3072xi32, #tpu.memory_space<vmem>>, vector<16xi32>,
          tpu.vector_store %arg9[%swap3A_481], %shift_right_arithmetic3A_478 {strides = array<i32>} : memref<3072xi32, #tpu.memory_space<vmem>>, vector<16xi32>,
          %add3A_483 = arith.constant 16385 : i32
          %add3A_484 = vector.broadcast %add3A_483 : i32 to vector<16xi32>
          %add3A_485 = arith.addi %add3A_414, %add3A_484 : vector<16xi32>
          %shift_right_arithmetic3A_486 = arith.constant 2 : i32
          %shift_right_arithmetic3A_487 = vector.broadcast %shift_right_arithmetic3A_486 : i32 to vector<16xi32>
          %shift_right_arithmetic3A_488 = arith.shrsi %add3A_485, %shift_right_arithmetic3A_487 : vector<16xi32>
          %add3A_489 = arith.constant 1664 : i32
          %add3A_490 = arith.addi %add3A_489, %mul3A_128 : i32
          %swap3A_491 = arith.index_cast %add3A_490 : i32 to index
          %swap3A_492 = tpu.vector_load %arg9[%swap3A_491] {strides = array<i32>} : memref<3072xi32, #tpu.memory_space<vmem>>, vector<16xi32>,
          tpu.vector_store %arg9[%swap3A_491], %shift_right_arithmetic3A_488 {strides = array<i32>} : memref<3072xi32, #tpu.memory_space<vmem>>, vector<16xi32>,
          %add3A_493 = arith.constant 16512 : i32
          %add3A_494 = vector.broadcast %add3A_493 : i32 to vector<16xi32>
          %add3A_495 = arith.addi %add3A_414, %add3A_494 : vector<16xi32>
          %shift_right_arithmetic3A_496 = arith.constant 2 : i32
          %shift_right_arithmetic3A_497 = vector.broadcast %shift_right_arithmetic3A_496 : i32 to vector<16xi32>
          %shift_right_arithmetic3A_498 = arith.shrsi %add3A_495, %shift_right_arithmetic3A_497 : vector<16xi32>
          %add3A_499 = arith.constant 1792 : i32
          %add3A_500 = arith.addi %add3A_499, %mul3A_128 : i32
          %swap3A_501 = arith.index_cast %add3A_500 : i32 to index
          %swap3A_502 = tpu.vector_load %arg9[%swap3A_501] {strides = array<i32>} : memref<3072xi32, #tpu.memory_space<vmem>>, vector<16xi32>,
          tpu.vector_store %arg9[%swap3A_501], %shift_right_arithmetic3A_498 {strides = array<i32>} : memref<3072xi32, #tpu.memory_space<vmem>>, vector<16xi32>,
          %add3A_503 = arith.constant 16513 : i32
          %add3A_504 = vector.broadcast %add3A_503 : i32 to vector<16xi32>
          %add3A_505 = arith.addi %add3A_414, %add3A_504 : vector<16xi32>
          %shift_right_arithmetic3A_506 = arith.constant 2 : i32
          %shift_right_arithmetic3A_507 = vector.broadcast %shift_right_arithmetic3A_506 : i32 to vector<16xi32>
          %shift_right_arithmetic3A_508 = arith.shrsi %add3A_505, %shift_right_arithmetic3A_507 : vector<16xi32>
          %add3A_509 = arith.constant 1920 : i32
          %add3A_510 = arith.addi %add3A_509, %mul3A_128 : i32
          %swap3A_511 = arith.index_cast %add3A_510 : i32 to index
          %swap3A_512 = tpu.vector_load %arg9[%swap3A_511] {strides = array<i32>} : memref<3072xi32, #tpu.memory_space<vmem>>, vector<16xi32>,
          tpu.vector_store %arg9[%swap3A_511], %shift_right_arithmetic3A_508 {strides = array<i32>} : memref<3072xi32, #tpu.memory_space<vmem>>, vector<16xi32>,
          %mul3A_513 = arith.constant 5.000000e-01 : f32
          %mul3A_514 = vector.broadcast %mul3A_513 : f32 to vector<16xf32>
          %mul3A_515 = arith.mulf %gather3A, %mul3A_514 : vector<16xf32>
          %add3A_516 = arith.constant 5.000000e-01 : f32
          %add3A_517 = vector.broadcast %add3A_516 : f32 to vector<16xf32>
          %add3A_518 = arith.addf %mul3A_515, %add3A_517 : vector<16xf32>
          %mul3A_519 = arith.constant 2.550000e+02 : f32
          %mul3A_520 = vector.broadcast %mul3A_519 : f32 to vector<16xf32>
          %mul3A_521 = arith.mulf %add3A_518, %mul3A_520 : vector<16xf32>
          %mul3A_522 = arith.constant 5.000000e-01 : f32
          %mul3A_523 = vector.broadcast %mul3A_522 : f32 to vector<16xf32>
          %mul3A_524 = arith.mulf %gather3A_137, %mul3A_523 : vector<16xf32>
          %add3A_525 = arith.constant 5.000000e-01 : f32
          %add3A_526 = vector.broadcast %add3A_525 : f32 to vector<16xf32>
          %add3A_527 = arith.addf %mul3A_524, %add3A_526 : vector<16xf32>
          %mul3A_528 = arith.constant 2.550000e+02 : f32
          %mul3A_529 = vector.broadcast %mul3A_528 : f32 to vector<16xf32>
          %mul3A_530 = arith.mulf %add3A_527, %mul3A_529 : vector<16xf32>
          %mul3A_531 = arith.constant 5.000000e-01 : f32
          %mul3A_532 = vector.broadcast %mul3A_531 : f32 to vector<16xf32>
          %mul3A_533 = arith.mulf %gather3A_141, %mul3A_532 : vector<16xf32>
          %add3A_534 = arith.constant 5.000000e-01 : f32
          %add3A_535 = vector.broadcast %add3A_534 : f32 to vector<16xf32>
          %add3A_536 = arith.addf %mul3A_533, %add3A_535 : vector<16xf32>
          %mul3A_537 = arith.constant 2.550000e+02 : f32
          %mul3A_538 = vector.broadcast %mul3A_537 : f32 to vector<16xf32>
          %mul3A_539 = arith.mulf %add3A_536, %mul3A_538 : vector<16xf32>
          %convert_element_type3A_540 = arith.fptosi %mul3A_521 : vector<16xf32> to vector<16xi32>
          %min3A_541 = arith.constant 254 : i32
          %min3A_542 = vector.broadcast %min3A_541 : i32 to vector<16xi32>
          %min3A_543 = arith.minsi %convert_element_type3A_540, %min3A_542 : vector<16xi32>
          %convert_element_type3A_544 = arith.fptosi %mul3A_530 : vector<16xf32> to vector<16xi32>
          %min3A_545 = arith.constant 254 : i32
          %min3A_546 = vector.broadcast %min3A_545 : i32 to vector<16xi32>
          %min3A_547 = arith.minsi %convert_element_type3A_544, %min3A_546 : vector<16xi32>
          %convert_element_type3A_548 = arith.fptosi %mul3A_539 : vector<16xf32> to vector<16xi32>
          %min3A_549 = arith.constant 254 : i32
          %min3A_550 = vector.broadcast %min3A_549 : i32 to vector<16xi32>
          %min3A_551 = arith.minsi %convert_element_type3A_548, %min3A_550 : vector<16xi32>
          %convert_element_type3A_552 = arith.sitofp %min3A_543 : vector<16xi32> to vector<16xf32>
          %sub3A_553 = arith.subf %mul3A_521, %convert_element_type3A_552 : vector<16xf32>
          %convert_element_type3A_554 = arith.sitofp %min3A_547 : vector<16xi32> to vector<16xf32>
          %sub3A_555 = arith.subf %mul3A_530, %convert_element_type3A_554 : vector<16xf32>
          %convert_element_type3A_556 = arith.sitofp %min3A_551 : vector<16xi32> to vector<16xf32>
          %sub3A_557 = arith.subf %mul3A_539, %convert_element_type3A_556 : vector<16xf32>
          %mul3A_558 = arith.constant 256 : i32
          %mul3A_559 = vector.broadcast %mul3A_558 : i32 to vector<16xi32>
          %mul3A_560 = arith.muli %min3A_543, %mul3A_559 : vector<16xi32>
          %add3A_561 = arith.addi %mul3A_560, %min3A_547 : vector<16xi32>
          %mul3A_562 = arith.constant 256 : i32
          %mul3A_563 = vector.broadcast %mul3A_562 : i32 to vector<16xi32>
          %mul3A_564 = arith.muli %add3A_561, %mul3A_563 : vector<16xi32>
          %add3A_565 = arith.addi %mul3A_564, %min3A_551 : vector<16xi32>
          %add3A_566 = arith.constant 2392064 : i32
          %add3A_567 = vector.broadcast %add3A_566 : i32 to vector<16xi32>
          %add3A_568 = arith.addi %add3A_565, %add3A_567 : vector<16xi32>
          %swap3A_569 = arith.index_cast %mul3A_128 : i32 to index
          %swap3A_570 = tpu.vector_load %arg12[%swap3A_569] {strides = array<i32>} : memref<512xf32, #tpu.memory_space<vmem>>, vector<16xf32>,
          tpu.vector_store %arg12[%swap3A_569], %sub3A_553 {strides = array<i32>} : memref<512xf32, #tpu.memory_space<vmem>>, vector<16xf32>,
          %add3A_571 = arith.constant 128 : i32
          %add3A_572 = arith.addi %add3A_571, %mul3A_128 : i32
          %swap3A_573 = arith.index_cast %add3A_572 : i32 to index
          %swap3A_574 = tpu.vector_load %arg12[%swap3A_573] {strides = array<i32>} : memref<512xf32, #tpu.memory_space<vmem>>, vector<16xf32>,
          tpu.vector_store %arg12[%swap3A_573], %sub3A_555 {strides = array<i32>} : memref<512xf32, #tpu.memory_space<vmem>>, vector<16xf32>,
          %add3A_575 = arith.constant 256 : i32
          %add3A_576 = arith.addi %add3A_575, %mul3A_128 : i32
          %swap3A_577 = arith.index_cast %add3A_576 : i32 to index
          %swap3A_578 = tpu.vector_load %arg12[%swap3A_577] {strides = array<i32>} : memref<512xf32, #tpu.memory_space<vmem>>, vector<16xf32>,
          tpu.vector_store %arg12[%swap3A_577], %sub3A_557 {strides = array<i32>} : memref<512xf32, #tpu.memory_space<vmem>>, vector<16xf32>,
          %and3A_579 = arith.constant 3 : i32
          %and3A_580 = vector.broadcast %and3A_579 : i32 to vector<16xi32>
          %and3A_581 = arith.andi %min3A_551, %and3A_580 : vector<16xi32>
          %convert_element_type3A_582 = arith.sitofp %and3A_581 : vector<16xi32> to vector<16xf32>
          %add3A_583 = arith.constant 384 : i32
          %add3A_584 = arith.addi %add3A_583, %mul3A_128 : i32
          %swap3A_585 = arith.index_cast %add3A_584 : i32 to index
          %swap3A_586 = tpu.vector_load %arg12[%swap3A_585] {strides = array<i32>} : memref<512xf32, #tpu.memory_space<vmem>>, vector<16xf32>,
          tpu.vector_store %arg12[%swap3A_585], %convert_element_type3A_582 {strides = array<i32>} : memref<512xf32, #tpu.memory_space<vmem>>, vector<16xf32>,
          %add3A_587 = arith.constant 0 : i32
          %add3A_588 = vector.broadcast %add3A_587 : i32 to vector<16xi32>
          %add3A_589 = arith.addi %add3A_568, %add3A_588 : vector<16xi32>
          %shift_right_arithmetic3A_590 = arith.constant 2 : i32
          %shift_right_arithmetic3A_591 = vector.broadcast %shift_right_arithmetic3A_590 : i32 to vector<16xi32>
          %shift_right_arithmetic3A_592 = arith.shrsi %add3A_589, %shift_right_arithmetic3A_591 : vector<16xi32>
          %add3A_593 = arith.constant 2048 : i32
          %add3A_594 = arith.addi %add3A_593, %mul3A_128 : i32
          %swap3A_595 = arith.index_cast %add3A_594 : i32 to index
          %swap3A_596 = tpu.vector_load %arg9[%swap3A_595] {strides = array<i32>} : memref<3072xi32, #tpu.memory_space<vmem>>, vector<16xi32>,
          tpu.vector_store %arg9[%swap3A_595], %shift_right_arithmetic3A_592 {strides = array<i32>} : memref<3072xi32, #tpu.memory_space<vmem>>, vector<16xi32>,
          %add3A_597 = arith.constant 1 : i32
          %add3A_598 = vector.broadcast %add3A_597 : i32 to vector<16xi32>
          %add3A_599 = arith.addi %add3A_568, %add3A_598 : vector<16xi32>
          %shift_right_arithmetic3A_600 = arith.constant 2 : i32
          %shift_right_arithmetic3A_601 = vector.broadcast %shift_right_arithmetic3A_600 : i32 to vector<16xi32>
          %shift_right_arithmetic3A_602 = arith.shrsi %add3A_599, %shift_right_arithmetic3A_601 : vector<16xi32>
          %add3A_603 = arith.constant 2176 : i32
          %add3A_604 = arith.addi %add3A_603, %mul3A_128 : i32
          %swap3A_605 = arith.index_cast %add3A_604 : i32 to index
          %swap3A_606 = tpu.vector_load %arg9[%swap3A_605] {strides = array<i32>} : memref<3072xi32, #tpu.memory_space<vmem>>, vector<16xi32>,
          tpu.vector_store %arg9[%swap3A_605], %shift_right_arithmetic3A_602 {strides = array<i32>} : memref<3072xi32, #tpu.memory_space<vmem>>, vector<16xi32>,
          %add3A_607 = arith.constant 256 : i32
          %add3A_608 = vector.broadcast %add3A_607 : i32 to vector<16xi32>
          %add3A_609 = arith.addi %add3A_568, %add3A_608 : vector<16xi32>
          %shift_right_arithmetic3A_610 = arith.constant 2 : i32
          %shift_right_arithmetic3A_611 = vector.broadcast %shift_right_arithmetic3A_610 : i32 to vector<16xi32>
          %shift_right_arithmetic3A_612 = arith.shrsi %add3A_609, %shift_right_arithmetic3A_611 : vector<16xi32>
          %add3A_613 = arith.constant 2304 : i32
          %add3A_614 = arith.addi %add3A_613, %mul3A_128 : i32
          %swap3A_615 = arith.index_cast %add3A_614 : i32 to index
          %swap3A_616 = tpu.vector_load %arg9[%swap3A_615] {strides = array<i32>} : memref<3072xi32, #tpu.memory_space<vmem>>, vector<16xi32>,
          tpu.vector_store %arg9[%swap3A_615], %shift_right_arithmetic3A_612 {strides = array<i32>} : memref<3072xi32, #tpu.memory_space<vmem>>, vector<16xi32>,
          %add3A_617 = arith.constant 257 : i32
          %add3A_618 = vector.broadcast %add3A_617 : i32 to vector<16xi32>
          %add3A_619 = arith.addi %add3A_568, %add3A_618 : vector<16xi32>
          %shift_right_arithmetic3A_620 = arith.constant 2 : i32
          %shift_right_arithmetic3A_621 = vector.broadcast %shift_right_arithmetic3A_620 : i32 to vector<16xi32>
          %shift_right_arithmetic3A_622 = arith.shrsi %add3A_619, %shift_right_arithmetic3A_621 : vector<16xi32>
          %add3A_623 = arith.constant 2432 : i32
          %add3A_624 = arith.addi %add3A_623, %mul3A_128 : i32
          %swap3A_625 = arith.index_cast %add3A_624 : i32 to index
          %swap3A_626 = tpu.vector_load %arg9[%swap3A_625] {strides = array<i32>} : memref<3072xi32, #tpu.memory_space<vmem>>, vector<16xi32>,
          tpu.vector_store %arg9[%swap3A_625], %shift_right_arithmetic3A_622 {strides = array<i32>} : memref<3072xi32, #tpu.memory_space<vmem>>, vector<16xi32>,
          %add3A_627 = arith.constant 65536 : i32
          %add3A_628 = vector.broadcast %add3A_627 : i32 to vector<16xi32>
          %add3A_629 = arith.addi %add3A_568, %add3A_628 : vector<16xi32>
          %shift_right_arithmetic3A_630 = arith.constant 2 : i32
          %shift_right_arithmetic3A_631 = vector.broadcast %shift_right_arithmetic3A_630 : i32 to vector<16xi32>
          %shift_right_arithmetic3A_632 = arith.shrsi %add3A_629, %shift_right_arithmetic3A_631 : vector<16xi32>
          %add3A_633 = arith.constant 2560 : i32
          %add3A_634 = arith.addi %add3A_633, %mul3A_128 : i32
          %swap3A_635 = arith.index_cast %add3A_634 : i32 to index
          %swap3A_636 = tpu.vector_load %arg9[%swap3A_635] {strides = array<i32>} : memref<3072xi32, #tpu.memory_space<vmem>>, vector<16xi32>,
          tpu.vector_store %arg9[%swap3A_635], %shift_right_arithmetic3A_632 {strides = array<i32>} : memref<3072xi32, #tpu.memory_space<vmem>>, vector<16xi32>,
          %add3A_637 = arith.constant 65537 : i32
          %add3A_638 = vector.broadcast %add3A_637 : i32 to vector<16xi32>
          %add3A_639 = arith.addi %add3A_568, %add3A_638 : vector<16xi32>
          %shift_right_arithmetic3A_640 = arith.constant 2 : i32
          %shift_right_arithmetic3A_641 = vector.broadcast %shift_right_arithmetic3A_640 : i32 to vector<16xi32>
          %shift_right_arithmetic3A_642 = arith.shrsi %add3A_639, %shift_right_arithmetic3A_641 : vector<16xi32>
          %add3A_643 = arith.constant 2688 : i32
          %add3A_644 = arith.addi %add3A_643, %mul3A_128 : i32
          %swap3A_645 = arith.index_cast %add3A_644 : i32 to index
          %swap3A_646 = tpu.vector_load %arg9[%swap3A_645] {strides = array<i32>} : memref<3072xi32, #tpu.memory_space<vmem>>, vector<16xi32>,
          tpu.vector_store %arg9[%swap3A_645], %shift_right_arithmetic3A_642 {strides = array<i32>} : memref<3072xi32, #tpu.memory_space<vmem>>, vector<16xi32>,
          %add3A_647 = arith.constant 65792 : i32
          %add3A_648 = vector.broadcast %add3A_647 : i32 to vector<16xi32>
          %add3A_649 = arith.addi %add3A_568, %add3A_648 : vector<16xi32>
          %shift_right_arithmetic3A_650 = arith.constant 2 : i32
          %shift_right_arithmetic3A_651 = vector.broadcast %shift_right_arithmetic3A_650 : i32 to vector<16xi32>
          %shift_right_arithmetic3A_652 = arith.shrsi %add3A_649, %shift_right_arithmetic3A_651 : vector<16xi32>
          %add3A_653 = arith.constant 2816 : i32
          %add3A_654 = arith.addi %add3A_653, %mul3A_128 : i32
          %swap3A_655 = arith.index_cast %add3A_654 : i32 to index
          %swap3A_656 = tpu.vector_load %arg9[%swap3A_655] {strides = array<i32>} : memref<3072xi32, #tpu.memory_space<vmem>>, vector<16xi32>,
          tpu.vector_store %arg9[%swap3A_655], %shift_right_arithmetic3A_652 {strides = array<i32>} : memref<3072xi32, #tpu.memory_space<vmem>>, vector<16xi32>,
          %add3A_657 = arith.constant 65793 : i32
          %add3A_658 = vector.broadcast %add3A_657 : i32 to vector<16xi32>
          %add3A_659 = arith.addi %add3A_568, %add3A_658 : vector<16xi32>
          %shift_right_arithmetic3A_660 = arith.constant 2 : i32
          %shift_right_arithmetic3A_661 = vector.broadcast %shift_right_arithmetic3A_660 : i32 to vector<16xi32>
          %shift_right_arithmetic3A_662 = arith.shrsi %add3A_659, %shift_right_arithmetic3A_661 : vector<16xi32>
          %add3A_663 = arith.constant 2944 : i32
          %add3A_664 = arith.addi %add3A_663, %mul3A_128 : i32
          %swap3A_665 = arith.index_cast %add3A_664 : i32 to index
          %swap3A_666 = tpu.vector_load %arg9[%swap3A_665] {strides = array<i32>} : memref<3072xi32, #tpu.memory_space<vmem>>, vector<16xi32>,
          tpu.vector_store %arg9[%swap3A_665], %shift_right_arithmetic3A_662 {strides = array<i32>} : memref<3072xi32, #tpu.memory_space<vmem>>, vector<16xi32>,
        }
        %scan3A_122 = arith.constant 8 : i32
        %dma_start3A_123 = arith.constant 0 : i32
        %dma_start3A_124 = arith.constant 0 : i32
        %dma_start3A_125 = tpu.memref_slice %arg3[%dma_start3A_123, %dma_start3A_124] : memref<4792320x8xf32, #tpu.memory_space<hbm>> -> memref<4792320x8xf32, #tpu.memory_space<hbm>>
        tpu.enqueue_indirect_dma source(%dma_start3A_125 : memref<4792320x8xf32, #tpu.memory_space<hbm>>) target(%arg13 : memref<3072x8xf32, #tpu.memory_space<vmem>>) offsets(%arg9 : memref<3072xi32, #tpu.memory_space<vmem>>) semaphore(%arg15 : memref<!tpu.dma_semaphore, #tpu.memory_space<semaphore_mem>>)
      } else {
      }
      %dma_wait3A_74 = arith.constant 0 : i32
      %dma_wait3A_75 = arith.constant 0 : i32
      %dma_wait3A_76 = tpu.memref_slice %arg3[%dma_wait3A_74, %dma_wait3A_75] : memref<4792320x8xf32, #tpu.memory_space<hbm>> -> memref<4792320x8xf32, #tpu.memory_space<hbm>>
      tpu.wait_indirect_dma semaphore(%arg25 : memref<!tpu.dma_semaphore, #tpu.memory_space<semaphore_mem>>) src(%dma_wait3A_76 : memref<4792320x8xf32, #tpu.memory_space<hbm>>) dst(%arg23 : memref<3072x8xf32, #tpu.memory_space<vmem>>)
      %add3A_77 = arith.constant 1 : i32
      %add3A_78 = arith.addi %mul3A_22, %add3A_77 : i32
      %mul3A_79 = arith.constant 32768 : i32
      %mul3A_80 = arith.muli %add3A, %mul3A_79 : i32
      %mul3A_81 = arith.constant 128 : i32
      %mul3A_82 = arith.muli %add3A_78, %mul3A_81 : i32
      %add3A_83 = arith.addi %mul3A_80, %mul3A_82 : i32
      %scan3A_84 = arith.constant 0 : i32
      %scan3A_85 = arith.constant 0 : i32
      %scan3A_86 = arith.constant 8 : i32
      %scan3A_87 = arith.addi %scan3A_85, %scan3A_86 : i32
      %scan3A_88 = arith.constant 1 : i32
      scf.for %scan3A_108 = %scan3A_85 to %scan3A_87 step %scan3A_88  : i32 {
        %mul3A_109 = arith.constant 16 : i32
        %mul3A_110 = arith.muli %scan3A_108, %mul3A_109 : i32
        %add3A_111 = vector.broadcast %mul3A_110 : i32 to vector<16xi32>
        %add3A_112 = arith.addi %iota3A, %add3A_111 : vector<16xi32>
        %get3A = arith.index_cast %mul3A_110 : i32 to index
        %get3A_113 = tpu.vector_load %arg18[%get3A] {strides = array<i32>} : memref<384xf32, #tpu.memory_space<vmem>>, vector<16xf32>,
        %add3A_114 = arith.constant 128 : i32
        %add3A_115 = arith.addi %add3A_114, %mul3A_110 : i32
        %get3A_116 = arith.index_cast %add3A_115 : i32 to index
        %get3A_117 = tpu.vector_load %arg18[%get3A_116] {strides = array<i32>} : memref<384xf32, #tpu.memory_space<vmem>>, vector<16xf32>,
        %add3A_118 = arith.constant 256 : i32
        %add3A_119 = arith.addi %add3A_118, %mul3A_110 : i32
        %get3A_120 = arith.index_cast %add3A_119 : i32 to index
        %get3A_121 = tpu.vector_load %arg18[%get3A_120] {strides = array<i32>} : memref<384xf32, #tpu.memory_space<vmem>>, vector<16xf32>,
        %get3A_122 = arith.index_cast %mul3A_110 : i32 to index
        %get3A_123 = tpu.vector_load %arg17[%get3A_122] {strides = array<i32>} : memref<128xi32, #tpu.memory_space<vmem>>, vector<16xi32>,
        %add3A_124 = arith.constant 0 : i32
        %add3A_125 = vector.broadcast %add3A_124 : i32 to vector<16xi32>
        %add3A_126 = arith.addi %get3A_123, %add3A_125 : vector<16xi32>
        %shift_right_arithmetic3A = arith.constant 2 : i32
        %shift_right_arithmetic3A_127 = vector.broadcast %shift_right_arithmetic3A : i32 to vector<16xi32>
        %shift_right_arithmetic3A_128 = arith.shrsi %add3A_126, %shift_right_arithmetic3A_127 : vector<16xi32>
        %and3A = arith.constant 3 : i32
        %and3A_129 = vector.broadcast %and3A : i32 to vector<16xi32>
        %and3A_130 = arith.andi %add3A_126, %and3A_129 : vector<16xi32>
        %mul3A_131 = arith.constant 2 : i32
        %mul3A_132 = vector.broadcast %mul3A_131 : i32 to vector<16xi32>
        %mul3A_133 = arith.muli %and3A_130, %mul3A_132 : vector<16xi32>
        %gather3A = tpu.vector_load_idx %arg5[%shift_right_arithmetic3A_128, %mul3A_133] : memref<8192x8xf32, #tpu.memory_space<vmem>>[vector<16xi32>, vector<16xi32>], vector<16xf32>,
        %add3A_134 = arith.constant 1 : i32
        %add3A_135 = vector.broadcast %add3A_134 : i32 to vector<16xi32>
        %add3A_136 = arith.addi %mul3A_133, %add3A_135 : vector<16xi32>
        %gather3A_137 = tpu.vector_load_idx %arg5[%shift_right_arithmetic3A_128, %add3A_136] : memref<8192x8xf32, #tpu.memory_space<vmem>>[vector<16xi32>, vector<16xi32>], vector<16xf32>,
        %add3A_138 = arith.constant 1 : i32
        %add3A_139 = vector.broadcast %add3A_138 : i32 to vector<16xi32>
        %add3A_140 = arith.addi %get3A_123, %add3A_139 : vector<16xi32>
        %shift_right_arithmetic3A_141 = arith.constant 2 : i32
        %shift_right_arithmetic3A_142 = vector.broadcast %shift_right_arithmetic3A_141 : i32 to vector<16xi32>
        %shift_right_arithmetic3A_143 = arith.shrsi %add3A_140, %shift_right_arithmetic3A_142 : vector<16xi32>
        %and3A_144 = arith.constant 3 : i32
        %and3A_145 = vector.broadcast %and3A_144 : i32 to vector<16xi32>
        %and3A_146 = arith.andi %add3A_140, %and3A_145 : vector<16xi32>
        %mul3A_147 = arith.constant 2 : i32
        %mul3A_148 = vector.broadcast %mul3A_147 : i32 to vector<16xi32>
        %mul3A_149 = arith.muli %and3A_146, %mul3A_148 : vector<16xi32>
        %gather3A_150 = tpu.vector_load_idx %arg5[%shift_right_arithmetic3A_143, %mul3A_149] : memref<8192x8xf32, #tpu.memory_space<vmem>>[vector<16xi32>, vector<16xi32>], vector<16xf32>,
        %add3A_151 = arith.constant 1 : i32
        %add3A_152 = vector.broadcast %add3A_151 : i32 to vector<16xi32>
        %add3A_153 = arith.addi %mul3A_149, %add3A_152 : vector<16xi32>
        %gather3A_154 = tpu.vector_load_idx %arg5[%shift_right_arithmetic3A_143, %add3A_153] : memref<8192x8xf32, #tpu.memory_space<vmem>>[vector<16xi32>, vector<16xi32>], vector<16xf32>,
        %add3A_155 = arith.constant 32 : i32
        %add3A_156 = vector.broadcast %add3A_155 : i32 to vector<16xi32>
        %add3A_157 = arith.addi %get3A_123, %add3A_156 : vector<16xi32>
        %shift_right_arithmetic3A_158 = arith.constant 2 : i32
        %shift_right_arithmetic3A_159 = vector.broadcast %shift_right_arithmetic3A_158 : i32 to vector<16xi32>
        %shift_right_arithmetic3A_160 = arith.shrsi %add3A_157, %shift_right_arithmetic3A_159 : vector<16xi32>
        %and3A_161 = arith.constant 3 : i32
        %and3A_162 = vector.broadcast %and3A_161 : i32 to vector<16xi32>
        %and3A_163 = arith.andi %add3A_157, %and3A_162 : vector<16xi32>
        %mul3A_164 = arith.constant 2 : i32
        %mul3A_165 = vector.broadcast %mul3A_164 : i32 to vector<16xi32>
        %mul3A_166 = arith.muli %and3A_163, %mul3A_165 : vector<16xi32>
        %gather3A_167 = tpu.vector_load_idx %arg5[%shift_right_arithmetic3A_160, %mul3A_166] : memref<8192x8xf32, #tpu.memory_space<vmem>>[vector<16xi32>, vector<16xi32>], vector<16xf32>,
        %add3A_168 = arith.constant 1 : i32
        %add3A_169 = vector.broadcast %add3A_168 : i32 to vector<16xi32>
        %add3A_170 = arith.addi %mul3A_166, %add3A_169 : vector<16xi32>
        %gather3A_171 = tpu.vector_load_idx %arg5[%shift_right_arithmetic3A_160, %add3A_170] : memref<8192x8xf32, #tpu.memory_space<vmem>>[vector<16xi32>, vector<16xi32>], vector<16xf32>,
        %add3A_172 = arith.constant 33 : i32
        %add3A_173 = vector.broadcast %add3A_172 : i32 to vector<16xi32>
        %add3A_174 = arith.addi %get3A_123, %add3A_173 : vector<16xi32>
        %shift_right_arithmetic3A_175 = arith.constant 2 : i32
        %shift_right_arithmetic3A_176 = vector.broadcast %shift_right_arithmetic3A_175 : i32 to vector<16xi32>
        %shift_right_arithmetic3A_177 = arith.shrsi %add3A_174, %shift_right_arithmetic3A_176 : vector<16xi32>
        %and3A_178 = arith.constant 3 : i32
        %and3A_179 = vector.broadcast %and3A_178 : i32 to vector<16xi32>
        %and3A_180 = arith.andi %add3A_174, %and3A_179 : vector<16xi32>
        %mul3A_181 = arith.constant 2 : i32
        %mul3A_182 = vector.broadcast %mul3A_181 : i32 to vector<16xi32>
        %mul3A_183 = arith.muli %and3A_180, %mul3A_182 : vector<16xi32>
        %gather3A_184 = tpu.vector_load_idx %arg5[%shift_right_arithmetic3A_177, %mul3A_183] : memref<8192x8xf32, #tpu.memory_space<vmem>>[vector<16xi32>, vector<16xi32>], vector<16xf32>,
        %add3A_185 = arith.constant 1 : i32
        %add3A_186 = vector.broadcast %add3A_185 : i32 to vector<16xi32>
        %add3A_187 = arith.addi %mul3A_183, %add3A_186 : vector<16xi32>
        %gather3A_188 = tpu.vector_load_idx %arg5[%shift_right_arithmetic3A_177, %add3A_187] : memref<8192x8xf32, #tpu.memory_space<vmem>>[vector<16xi32>, vector<16xi32>], vector<16xf32>,
        %add3A_189 = arith.constant 1024 : i32
        %add3A_190 = vector.broadcast %add3A_189 : i32 to vector<16xi32>
        %add3A_191 = arith.addi %get3A_123, %add3A_190 : vector<16xi32>
        %shift_right_arithmetic3A_192 = arith.constant 2 : i32
        %shift_right_arithmetic3A_193 = vector.broadcast %shift_right_arithmetic3A_192 : i32 to vector<16xi32>
        %shift_right_arithmetic3A_194 = arith.shrsi %add3A_191, %shift_right_arithmetic3A_193 : vector<16xi32>
        %and3A_195 = arith.constant 3 : i32
        %and3A_196 = vector.broadcast %and3A_195 : i32 to vector<16xi32>
        %and3A_197 = arith.andi %add3A_191, %and3A_196 : vector<16xi32>
        %mul3A_198 = arith.constant 2 : i32
        %mul3A_199 = vector.broadcast %mul3A_198 : i32 to vector<16xi32>
        %mul3A_200 = arith.muli %and3A_197, %mul3A_199 : vector<16xi32>
        %gather3A_201 = tpu.vector_load_idx %arg5[%shift_right_arithmetic3A_194, %mul3A_200] : memref<8192x8xf32, #tpu.memory_space<vmem>>[vector<16xi32>, vector<16xi32>], vector<16xf32>,
        %add3A_202 = arith.constant 1 : i32
        %add3A_203 = vector.broadcast %add3A_202 : i32 to vector<16xi32>
        %add3A_204 = arith.addi %mul3A_200, %add3A_203 : vector<16xi32>
        %gather3A_205 = tpu.vector_load_idx %arg5[%shift_right_arithmetic3A_194, %add3A_204] : memref<8192x8xf32, #tpu.memory_space<vmem>>[vector<16xi32>, vector<16xi32>], vector<16xf32>,
        %add3A_206 = arith.constant 1025 : i32
        %add3A_207 = vector.broadcast %add3A_206 : i32 to vector<16xi32>
        %add3A_208 = arith.addi %get3A_123, %add3A_207 : vector<16xi32>
        %shift_right_arithmetic3A_209 = arith.constant 2 : i32
        %shift_right_arithmetic3A_210 = vector.broadcast %shift_right_arithmetic3A_209 : i32 to vector<16xi32>
        %shift_right_arithmetic3A_211 = arith.shrsi %add3A_208, %shift_right_arithmetic3A_210 : vector<16xi32>
        %and3A_212 = arith.constant 3 : i32
        %and3A_213 = vector.broadcast %and3A_212 : i32 to vector<16xi32>
        %and3A_214 = arith.andi %add3A_208, %and3A_213 : vector<16xi32>
        %mul3A_215 = arith.constant 2 : i32
        %mul3A_216 = vector.broadcast %mul3A_215 : i32 to vector<16xi32>
        %mul3A_217 = arith.muli %and3A_214, %mul3A_216 : vector<16xi32>
        %gather3A_218 = tpu.vector_load_idx %arg5[%shift_right_arithmetic3A_211, %mul3A_217] : memref<8192x8xf32, #tpu.memory_space<vmem>>[vector<16xi32>, vector<16xi32>], vector<16xf32>,
        %add3A_219 = arith.constant 1 : i32
        %add3A_220 = vector.broadcast %add3A_219 : i32 to vector<16xi32>
        %add3A_221 = arith.addi %mul3A_217, %add3A_220 : vector<16xi32>
        %gather3A_222 = tpu.vector_load_idx %arg5[%shift_right_arithmetic3A_211, %add3A_221] : memref<8192x8xf32, #tpu.memory_space<vmem>>[vector<16xi32>, vector<16xi32>], vector<16xf32>,
        %add3A_223 = arith.constant 1056 : i32
        %add3A_224 = vector.broadcast %add3A_223 : i32 to vector<16xi32>
        %add3A_225 = arith.addi %get3A_123, %add3A_224 : vector<16xi32>
        %shift_right_arithmetic3A_226 = arith.constant 2 : i32
        %shift_right_arithmetic3A_227 = vector.broadcast %shift_right_arithmetic3A_226 : i32 to vector<16xi32>
        %shift_right_arithmetic3A_228 = arith.shrsi %add3A_225, %shift_right_arithmetic3A_227 : vector<16xi32>
        %and3A_229 = arith.constant 3 : i32
        %and3A_230 = vector.broadcast %and3A_229 : i32 to vector<16xi32>
        %and3A_231 = arith.andi %add3A_225, %and3A_230 : vector<16xi32>
        %mul3A_232 = arith.constant 2 : i32
        %mul3A_233 = vector.broadcast %mul3A_232 : i32 to vector<16xi32>
        %mul3A_234 = arith.muli %and3A_231, %mul3A_233 : vector<16xi32>
        %gather3A_235 = tpu.vector_load_idx %arg5[%shift_right_arithmetic3A_228, %mul3A_234] : memref<8192x8xf32, #tpu.memory_space<vmem>>[vector<16xi32>, vector<16xi32>], vector<16xf32>,
        %add3A_236 = arith.constant 1 : i32
        %add3A_237 = vector.broadcast %add3A_236 : i32 to vector<16xi32>
        %add3A_238 = arith.addi %mul3A_234, %add3A_237 : vector<16xi32>
        %gather3A_239 = tpu.vector_load_idx %arg5[%shift_right_arithmetic3A_228, %add3A_238] : memref<8192x8xf32, #tpu.memory_space<vmem>>[vector<16xi32>, vector<16xi32>], vector<16xf32>,
        %add3A_240 = arith.constant 1057 : i32
        %add3A_241 = vector.broadcast %add3A_240 : i32 to vector<16xi32>
        %add3A_242 = arith.addi %get3A_123, %add3A_241 : vector<16xi32>
        %shift_right_arithmetic3A_243 = arith.constant 2 : i32
        %shift_right_arithmetic3A_244 = vector.broadcast %shift_right_arithmetic3A_243 : i32 to vector<16xi32>
        %shift_right_arithmetic3A_245 = arith.shrsi %add3A_242, %shift_right_arithmetic3A_244 : vector<16xi32>
        %and3A_246 = arith.constant 3 : i32
        %and3A_247 = vector.broadcast %and3A_246 : i32 to vector<16xi32>
        %and3A_248 = arith.andi %add3A_242, %and3A_247 : vector<16xi32>
        %mul3A_249 = arith.constant 2 : i32
        %mul3A_250 = vector.broadcast %mul3A_249 : i32 to vector<16xi32>
        %mul3A_251 = arith.muli %and3A_248, %mul3A_250 : vector<16xi32>
        %gather3A_252 = tpu.vector_load_idx %arg5[%shift_right_arithmetic3A_245, %mul3A_251] : memref<8192x8xf32, #tpu.memory_space<vmem>>[vector<16xi32>, vector<16xi32>], vector<16xf32>,
        %add3A_253 = arith.constant 1 : i32
        %add3A_254 = vector.broadcast %add3A_253 : i32 to vector<16xi32>
        %add3A_255 = arith.addi %mul3A_251, %add3A_254 : vector<16xi32>
        %gather3A_256 = tpu.vector_load_idx %arg5[%shift_right_arithmetic3A_245, %add3A_255] : memref<8192x8xf32, #tpu.memory_space<vmem>>[vector<16xi32>, vector<16xi32>], vector<16xf32>,
        %broadcast_in_dim3A = arith.constant 0 : i32
        %broadcast_in_dim3A_257 = vector.broadcast %broadcast_in_dim3A : i32 to vector<16xi32>
        %sub3A = arith.subf %gather3A_150, %gather3A : vector<16xf32>
        %mul3A_258 = arith.mulf %get3A_121, %sub3A : vector<16xf32>
        %add3A_259 = arith.addf %gather3A, %mul3A_258 : vector<16xf32>
        %sub3A_260 = arith.subf %gather3A_184, %gather3A_167 : vector<16xf32>
        %mul3A_261 = arith.mulf %get3A_121, %sub3A_260 : vector<16xf32>
        %add3A_262 = arith.addf %gather3A_167, %mul3A_261 : vector<16xf32>
        %sub3A_263 = arith.subf %gather3A_218, %gather3A_201 : vector<16xf32>
        %mul3A_264 = arith.mulf %get3A_121, %sub3A_263 : vector<16xf32>
        %add3A_265 = arith.addf %gather3A_201, %mul3A_264 : vector<16xf32>
        %sub3A_266 = arith.subf %gather3A_252, %gather3A_235 : vector<16xf32>
        %mul3A_267 = arith.mulf %get3A_121, %sub3A_266 : vector<16xf32>
        %add3A_268 = arith.addf %gather3A_235, %mul3A_267 : vector<16xf32>
        %sub3A_269 = arith.subf %add3A_262, %add3A_259 : vector<16xf32>
        %mul3A_270 = arith.mulf %get3A_117, %sub3A_269 : vector<16xf32>
        %add3A_271 = arith.addf %add3A_259, %mul3A_270 : vector<16xf32>
        %sub3A_272 = arith.subf %add3A_268, %add3A_265 : vector<16xf32>
        %mul3A_273 = arith.mulf %get3A_117, %sub3A_272 : vector<16xf32>
        %add3A_274 = arith.addf %add3A_265, %mul3A_273 : vector<16xf32>
        %sub3A_275 = arith.subf %add3A_274, %add3A_271 : vector<16xf32>
        %mul3A_276 = arith.mulf %get3A_113, %sub3A_275 : vector<16xf32>
        %add3A_277 = arith.addf %add3A_271, %mul3A_276 : vector<16xf32>
        tpu.vector_store_idx %arg24[%add3A_112, %broadcast_in_dim3A_257], %add3A_277 : memref<128x8xf32, #tpu.memory_space<vmem>>[vector<16xi32>, vector<16xi32>], vector<16xf32>,
        %broadcast_in_dim3A_278 = arith.constant 1 : i32
        %broadcast_in_dim3A_279 = vector.broadcast %broadcast_in_dim3A_278 : i32 to vector<16xi32>
        %sub3A_280 = arith.subf %gather3A_154, %gather3A_137 : vector<16xf32>
        %mul3A_281 = arith.mulf %get3A_121, %sub3A_280 : vector<16xf32>
        %add3A_282 = arith.addf %gather3A_137, %mul3A_281 : vector<16xf32>
        %sub3A_283 = arith.subf %gather3A_188, %gather3A_171 : vector<16xf32>
        %mul3A_284 = arith.mulf %get3A_121, %sub3A_283 : vector<16xf32>
        %add3A_285 = arith.addf %gather3A_171, %mul3A_284 : vector<16xf32>
        %sub3A_286 = arith.subf %gather3A_222, %gather3A_205 : vector<16xf32>
        %mul3A_287 = arith.mulf %get3A_121, %sub3A_286 : vector<16xf32>
        %add3A_288 = arith.addf %gather3A_205, %mul3A_287 : vector<16xf32>
        %sub3A_289 = arith.subf %gather3A_256, %gather3A_239 : vector<16xf32>
        %mul3A_290 = arith.mulf %get3A_121, %sub3A_289 : vector<16xf32>
        %add3A_291 = arith.addf %gather3A_239, %mul3A_290 : vector<16xf32>
        %sub3A_292 = arith.subf %add3A_285, %add3A_282 : vector<16xf32>
        %mul3A_293 = arith.mulf %get3A_117, %sub3A_292 : vector<16xf32>
        %add3A_294 = arith.addf %add3A_282, %mul3A_293 : vector<16xf32>
        %sub3A_295 = arith.subf %add3A_291, %add3A_288 : vector<16xf32>
        %mul3A_296 = arith.mulf %get3A_117, %sub3A_295 : vector<16xf32>
        %add3A_297 = arith.addf %add3A_288, %mul3A_296 : vector<16xf32>
        %sub3A_298 = arith.subf %add3A_297, %add3A_294 : vector<16xf32>
        %mul3A_299 = arith.mulf %get3A_113, %sub3A_298 : vector<16xf32>
        %add3A_300 = arith.addf %add3A_294, %mul3A_299 : vector<16xf32>
        tpu.vector_store_idx %arg24[%add3A_112, %broadcast_in_dim3A_279], %add3A_300 : memref<128x8xf32, #tpu.memory_space<vmem>>[vector<16xi32>, vector<16xi32>], vector<16xf32>,
      }
      %scan3A_89 = arith.constant 8 : i32
      %scan3A_90 = arith.constant 0 : i32
      %scan3A_91 = arith.constant 0 : i32
      %scan3A_92 = arith.constant 8 : i32
      %scan3A_93 = arith.addi %scan3A_91, %scan3A_92 : i32
      %scan3A_94 = arith.constant 1 : i32
      scf.for %scan3A_108 = %scan3A_91 to %scan3A_93 step %scan3A_94  : i32 {
        %mul3A_109 = arith.constant 16 : i32
        %mul3A_110 = arith.muli %scan3A_108, %mul3A_109 : i32
        %add3A_111 = vector.broadcast %mul3A_110 : i32 to vector<16xi32>
        %add3A_112 = arith.addi %iota3A, %add3A_111 : vector<16xi32>
        %get3A = arith.index_cast %mul3A_110 : i32 to index
        %get3A_113 = tpu.vector_load %arg20[%get3A] {strides = array<i32>} : memref<512xf32, #tpu.memory_space<vmem>>, vector<16xf32>,
        %add3A_114 = arith.constant 128 : i32
        %add3A_115 = arith.addi %add3A_114, %mul3A_110 : i32
        %get3A_116 = arith.index_cast %add3A_115 : i32 to index
        %get3A_117 = tpu.vector_load %arg20[%get3A_116] {strides = array<i32>} : memref<512xf32, #tpu.memory_space<vmem>>, vector<16xf32>,
        %add3A_118 = arith.constant 256 : i32
        %add3A_119 = arith.addi %add3A_118, %mul3A_110 : i32
        %get3A_120 = arith.index_cast %add3A_119 : i32 to index
        %get3A_121 = tpu.vector_load %arg20[%get3A_120] {strides = array<i32>} : memref<512xf32, #tpu.memory_space<vmem>>, vector<16xf32>,
        %add3A_122 = arith.constant 384 : i32
        %add3A_123 = arith.addi %add3A_122, %mul3A_110 : i32
        %get3A_124 = arith.index_cast %add3A_123 : i32 to index
        %get3A_125 = tpu.vector_load %arg20[%get3A_124] {strides = array<i32>} : memref<512xf32, #tpu.memory_space<vmem>>, vector<16xf32>,
        %convert_element_type3A_126 = arith.fptosi %get3A_125 : vector<16xf32> to vector<16xi32>
        %mul3A_127 = arith.constant 2 : i32
        %mul3A_128 = vector.broadcast %mul3A_127 : i32 to vector<16xi32>
        %mul3A_129 = arith.muli %convert_element_type3A_126, %mul3A_128 : vector<16xi32>
        %add3A_130 = arith.constant 1 : i32
        %add3A_131 = vector.broadcast %add3A_130 : i32 to vector<16xi32>
        %add3A_132 = arith.addi %convert_element_type3A_126, %add3A_131 : vector<16xi32>
        %and3A = arith.constant 3 : i32
        %and3A_133 = vector.broadcast %and3A : i32 to vector<16xi32>
        %and3A_134 = arith.andi %add3A_132, %and3A_133 : vector<16xi32>
        %mul3A_135 = arith.constant 2 : i32
        %mul3A_136 = vector.broadcast %mul3A_135 : i32 to vector<16xi32>
        %mul3A_137 = arith.muli %and3A_134, %mul3A_136 : vector<16xi32>
        %add3A_138 = arith.constant 0 : i32
        %add3A_139 = vector.broadcast %add3A_138 : i32 to vector<16xi32>
        %add3A_140 = arith.addi %add3A_112, %add3A_139 : vector<16xi32>
        %gather3A = tpu.vector_load_idx %arg23[%add3A_140, %mul3A_129] : memref<3072x8xf32, #tpu.memory_space<vmem>>[vector<16xi32>, vector<16xi32>], vector<16xf32>,
        %add3A_141 = arith.constant 1 : i32
        %add3A_142 = vector.broadcast %add3A_141 : i32 to vector<16xi32>
        %add3A_143 = arith.addi %mul3A_129, %add3A_142 : vector<16xi32>
        %gather3A_144 = tpu.vector_load_idx %arg23[%add3A_140, %add3A_143] : memref<3072x8xf32, #tpu.memory_space<vmem>>[vector<16xi32>, vector<16xi32>], vector<16xf32>,
        %add3A_145 = arith.constant 128 : i32
        %add3A_146 = vector.broadcast %add3A_145 : i32 to vector<16xi32>
        %add3A_147 = arith.addi %add3A_112, %add3A_146 : vector<16xi32>
        %gather3A_148 = tpu.vector_load_idx %arg23[%add3A_147, %mul3A_137] : memref<3072x8xf32, #tpu.memory_space<vmem>>[vector<16xi32>, vector<16xi32>], vector<16xf32>,
        %add3A_149 = arith.constant 1 : i32
        %add3A_150 = vector.broadcast %add3A_149 : i32 to vector<16xi32>
        %add3A_151 = arith.addi %mul3A_137, %add3A_150 : vector<16xi32>
        %gather3A_152 = tpu.vector_load_idx %arg23[%add3A_147, %add3A_151] : memref<3072x8xf32, #tpu.memory_space<vmem>>[vector<16xi32>, vector<16xi32>], vector<16xf32>,
        %add3A_153 = arith.constant 256 : i32
        %add3A_154 = vector.broadcast %add3A_153 : i32 to vector<16xi32>
        %add3A_155 = arith.addi %add3A_112, %add3A_154 : vector<16xi32>
        %gather3A_156 = tpu.vector_load_idx %arg23[%add3A_155, %mul3A_129] : memref<3072x8xf32, #tpu.memory_space<vmem>>[vector<16xi32>, vector<16xi32>], vector<16xf32>,
        %add3A_157 = arith.constant 1 : i32
        %add3A_158 = vector.broadcast %add3A_157 : i32 to vector<16xi32>
        %add3A_159 = arith.addi %mul3A_129, %add3A_158 : vector<16xi32>
        %gather3A_160 = tpu.vector_load_idx %arg23[%add3A_155, %add3A_159] : memref<3072x8xf32, #tpu.memory_space<vmem>>[vector<16xi32>, vector<16xi32>], vector<16xf32>,
        %add3A_161 = arith.constant 384 : i32
        %add3A_162 = vector.broadcast %add3A_161 : i32 to vector<16xi32>
        %add3A_163 = arith.addi %add3A_112, %add3A_162 : vector<16xi32>
        %gather3A_164 = tpu.vector_load_idx %arg23[%add3A_163, %mul3A_137] : memref<3072x8xf32, #tpu.memory_space<vmem>>[vector<16xi32>, vector<16xi32>], vector<16xf32>,
        %add3A_165 = arith.constant 1 : i32
        %add3A_166 = vector.broadcast %add3A_165 : i32 to vector<16xi32>
        %add3A_167 = arith.addi %mul3A_137, %add3A_166 : vector<16xi32>
        %gather3A_168 = tpu.vector_load_idx %arg23[%add3A_163, %add3A_167] : memref<3072x8xf32, #tpu.memory_space<vmem>>[vector<16xi32>, vector<16xi32>], vector<16xf32>,
        %add3A_169 = arith.constant 512 : i32
        %add3A_170 = vector.broadcast %add3A_169 : i32 to vector<16xi32>
        %add3A_171 = arith.addi %add3A_112, %add3A_170 : vector<16xi32>
        %gather3A_172 = tpu.vector_load_idx %arg23[%add3A_171, %mul3A_129] : memref<3072x8xf32, #tpu.memory_space<vmem>>[vector<16xi32>, vector<16xi32>], vector<16xf32>,
        %add3A_173 = arith.constant 1 : i32
        %add3A_174 = vector.broadcast %add3A_173 : i32 to vector<16xi32>
        %add3A_175 = arith.addi %mul3A_129, %add3A_174 : vector<16xi32>
        %gather3A_176 = tpu.vector_load_idx %arg23[%add3A_171, %add3A_175] : memref<3072x8xf32, #tpu.memory_space<vmem>>[vector<16xi32>, vector<16xi32>], vector<16xf32>,
        %add3A_177 = arith.constant 640 : i32
        %add3A_178 = vector.broadcast %add3A_177 : i32 to vector<16xi32>
        %add3A_179 = arith.addi %add3A_112, %add3A_178 : vector<16xi32>
        %gather3A_180 = tpu.vector_load_idx %arg23[%add3A_179, %mul3A_137] : memref<3072x8xf32, #tpu.memory_space<vmem>>[vector<16xi32>, vector<16xi32>], vector<16xf32>,
        %add3A_181 = arith.constant 1 : i32
        %add3A_182 = vector.broadcast %add3A_181 : i32 to vector<16xi32>
        %add3A_183 = arith.addi %mul3A_137, %add3A_182 : vector<16xi32>
        %gather3A_184 = tpu.vector_load_idx %arg23[%add3A_179, %add3A_183] : memref<3072x8xf32, #tpu.memory_space<vmem>>[vector<16xi32>, vector<16xi32>], vector<16xf32>,
        %add3A_185 = arith.constant 768 : i32
        %add3A_186 = vector.broadcast %add3A_185 : i32 to vector<16xi32>
        %add3A_187 = arith.addi %add3A_112, %add3A_186 : vector<16xi32>
        %gather3A_188 = tpu.vector_load_idx %arg23[%add3A_187, %mul3A_129] : memref<3072x8xf32, #tpu.memory_space<vmem>>[vector<16xi32>, vector<16xi32>], vector<16xf32>,
        %add3A_189 = arith.constant 1 : i32
        %add3A_190 = vector.broadcast %add3A_189 : i32 to vector<16xi32>
        %add3A_191 = arith.addi %mul3A_129, %add3A_190 : vector<16xi32>
        %gather3A_192 = tpu.vector_load_idx %arg23[%add3A_187, %add3A_191] : memref<3072x8xf32, #tpu.memory_space<vmem>>[vector<16xi32>, vector<16xi32>], vector<16xf32>,
        %add3A_193 = arith.constant 896 : i32
        %add3A_194 = vector.broadcast %add3A_193 : i32 to vector<16xi32>
        %add3A_195 = arith.addi %add3A_112, %add3A_194 : vector<16xi32>
        %gather3A_196 = tpu.vector_load_idx %arg23[%add3A_195, %mul3A_137] : memref<3072x8xf32, #tpu.memory_space<vmem>>[vector<16xi32>, vector<16xi32>], vector<16xf32>,
        %add3A_197 = arith.constant 1 : i32
        %add3A_198 = vector.broadcast %add3A_197 : i32 to vector<16xi32>
        %add3A_199 = arith.addi %mul3A_137, %add3A_198 : vector<16xi32>
        %gather3A_200 = tpu.vector_load_idx %arg23[%add3A_195, %add3A_199] : memref<3072x8xf32, #tpu.memory_space<vmem>>[vector<16xi32>, vector<16xi32>], vector<16xf32>,
        %broadcast_in_dim3A = arith.constant 2 : i32
        %broadcast_in_dim3A_201 = vector.broadcast %broadcast_in_dim3A : i32 to vector<16xi32>
        %sub3A = arith.subf %gather3A_148, %gather3A : vector<16xf32>
        %mul3A_202 = arith.mulf %get3A_121, %sub3A : vector<16xf32>
        %add3A_203 = arith.addf %gather3A, %mul3A_202 : vector<16xf32>
        %sub3A_204 = arith.subf %gather3A_164, %gather3A_156 : vector<16xf32>
        %mul3A_205 = arith.mulf %get3A_121, %sub3A_204 : vector<16xf32>
        %add3A_206 = arith.addf %gather3A_156, %mul3A_205 : vector<16xf32>
        %sub3A_207 = arith.subf %gather3A_180, %gather3A_172 : vector<16xf32>
        %mul3A_208 = arith.mulf %get3A_121, %sub3A_207 : vector<16xf32>
        %add3A_209 = arith.addf %gather3A_172, %mul3A_208 : vector<16xf32>
        %sub3A_210 = arith.subf %gather3A_196, %gather3A_188 : vector<16xf32>
        %mul3A_211 = arith.mulf %get3A_121, %sub3A_210 : vector<16xf32>
        %add3A_212 = arith.addf %gather3A_188, %mul3A_211 : vector<16xf32>
        %sub3A_213 = arith.subf %add3A_206, %add3A_203 : vector<16xf32>
        %mul3A_214 = arith.mulf %get3A_117, %sub3A_213 : vector<16xf32>
        %add3A_215 = arith.addf %add3A_203, %mul3A_214 : vector<16xf32>
        %sub3A_216 = arith.subf %add3A_212, %add3A_209 : vector<16xf32>
        %mul3A_217 = arith.mulf %get3A_117, %sub3A_216 : vector<16xf32>
        %add3A_218 = arith.addf %add3A_209, %mul3A_217 : vector<16xf32>
        %sub3A_219 = arith.subf %add3A_218, %add3A_215 : vector<16xf32>
        %mul3A_220 = arith.mulf %get3A_113, %sub3A_219 : vector<16xf32>
        %add3A_221 = arith.addf %add3A_215, %mul3A_220 : vector<16xf32>
        tpu.vector_store_idx %arg24[%add3A_112, %broadcast_in_dim3A_201], %add3A_221 : memref<128x8xf32, #tpu.memory_space<vmem>>[vector<16xi32>, vector<16xi32>], vector<16xf32>,
        %broadcast_in_dim3A_222 = arith.constant 3 : i32
        %broadcast_in_dim3A_223 = vector.broadcast %broadcast_in_dim3A_222 : i32 to vector<16xi32>
        %sub3A_224 = arith.subf %gather3A_152, %gather3A_144 : vector<16xf32>
        %mul3A_225 = arith.mulf %get3A_121, %sub3A_224 : vector<16xf32>
        %add3A_226 = arith.addf %gather3A_144, %mul3A_225 : vector<16xf32>
        %sub3A_227 = arith.subf %gather3A_168, %gather3A_160 : vector<16xf32>
        %mul3A_228 = arith.mulf %get3A_121, %sub3A_227 : vector<16xf32>
        %add3A_229 = arith.addf %gather3A_160, %mul3A_228 : vector<16xf32>
        %sub3A_230 = arith.subf %gather3A_184, %gather3A_176 : vector<16xf32>
        %mul3A_231 = arith.mulf %get3A_121, %sub3A_230 : vector<16xf32>
        %add3A_232 = arith.addf %gather3A_176, %mul3A_231 : vector<16xf32>
        %sub3A_233 = arith.subf %gather3A_200, %gather3A_192 : vector<16xf32>
        %mul3A_234 = arith.mulf %get3A_121, %sub3A_233 : vector<16xf32>
        %add3A_235 = arith.addf %gather3A_192, %mul3A_234 : vector<16xf32>
        %sub3A_236 = arith.subf %add3A_229, %add3A_226 : vector<16xf32>
        %mul3A_237 = arith.mulf %get3A_117, %sub3A_236 : vector<16xf32>
        %add3A_238 = arith.addf %add3A_226, %mul3A_237 : vector<16xf32>
        %sub3A_239 = arith.subf %add3A_235, %add3A_232 : vector<16xf32>
        %mul3A_240 = arith.mulf %get3A_117, %sub3A_239 : vector<16xf32>
        %add3A_241 = arith.addf %add3A_232, %mul3A_240 : vector<16xf32>
        %sub3A_242 = arith.subf %add3A_241, %add3A_238 : vector<16xf32>
        %mul3A_243 = arith.mulf %get3A_113, %sub3A_242 : vector<16xf32>
        %add3A_244 = arith.addf %add3A_238, %mul3A_243 : vector<16xf32>
        tpu.vector_store_idx %arg24[%add3A_112, %broadcast_in_dim3A_223], %add3A_244 : memref<128x8xf32, #tpu.memory_space<vmem>>[vector<16xi32>, vector<16xi32>], vector<16xf32>,
      }
      %scan3A_95 = arith.constant 8 : i32
      %scan3A_96 = arith.constant 0 : i32
      %scan3A_97 = arith.constant 0 : i32
      %scan3A_98 = arith.constant 8 : i32
      %scan3A_99 = arith.addi %scan3A_97, %scan3A_98 : i32
      %scan3A_100 = arith.constant 1 : i32
      scf.for %scan3A_108 = %scan3A_97 to %scan3A_99 step %scan3A_100  : i32 {
        %mul3A_109 = arith.constant 16 : i32
        %mul3A_110 = arith.muli %scan3A_108, %mul3A_109 : i32
        %add3A_111 = vector.broadcast %mul3A_110 : i32 to vector<16xi32>
        %add3A_112 = arith.addi %iota3A, %add3A_111 : vector<16xi32>
        %get3A = arith.index_cast %mul3A_110 : i32 to index
        %get3A_113 = tpu.vector_load %arg21[%get3A] {strides = array<i32>} : memref<512xf32, #tpu.memory_space<vmem>>, vector<16xf32>,
        %add3A_114 = arith.constant 128 : i32
        %add3A_115 = arith.addi %add3A_114, %mul3A_110 : i32
        %get3A_116 = arith.index_cast %add3A_115 : i32 to index
        %get3A_117 = tpu.vector_load %arg21[%get3A_116] {strides = array<i32>} : memref<512xf32, #tpu.memory_space<vmem>>, vector<16xf32>,
        %add3A_118 = arith.constant 256 : i32
        %add3A_119 = arith.addi %add3A_118, %mul3A_110 : i32
        %get3A_120 = arith.index_cast %add3A_119 : i32 to index
        %get3A_121 = tpu.vector_load %arg21[%get3A_120] {strides = array<i32>} : memref<512xf32, #tpu.memory_space<vmem>>, vector<16xf32>,
        %add3A_122 = arith.constant 384 : i32
        %add3A_123 = arith.addi %add3A_122, %mul3A_110 : i32
        %get3A_124 = arith.index_cast %add3A_123 : i32 to index
        %get3A_125 = tpu.vector_load %arg21[%get3A_124] {strides = array<i32>} : memref<512xf32, #tpu.memory_space<vmem>>, vector<16xf32>,
        %convert_element_type3A_126 = arith.fptosi %get3A_125 : vector<16xf32> to vector<16xi32>
        %mul3A_127 = arith.constant 2 : i32
        %mul3A_128 = vector.broadcast %mul3A_127 : i32 to vector<16xi32>
        %mul3A_129 = arith.muli %convert_element_type3A_126, %mul3A_128 : vector<16xi32>
        %add3A_130 = arith.constant 1 : i32
        %add3A_131 = vector.broadcast %add3A_130 : i32 to vector<16xi32>
        %add3A_132 = arith.addi %convert_element_type3A_126, %add3A_131 : vector<16xi32>
        %and3A = arith.constant 3 : i32
        %and3A_133 = vector.broadcast %and3A : i32 to vector<16xi32>
        %and3A_134 = arith.andi %add3A_132, %and3A_133 : vector<16xi32>
        %mul3A_135 = arith.constant 2 : i32
        %mul3A_136 = vector.broadcast %mul3A_135 : i32 to vector<16xi32>
        %mul3A_137 = arith.muli %and3A_134, %mul3A_136 : vector<16xi32>
        %add3A_138 = arith.constant 1024 : i32
        %add3A_139 = vector.broadcast %add3A_138 : i32 to vector<16xi32>
        %add3A_140 = arith.addi %add3A_112, %add3A_139 : vector<16xi32>
        %gather3A = tpu.vector_load_idx %arg23[%add3A_140, %mul3A_129] : memref<3072x8xf32, #tpu.memory_space<vmem>>[vector<16xi32>, vector<16xi32>], vector<16xf32>,
        %add3A_141 = arith.constant 1 : i32
        %add3A_142 = vector.broadcast %add3A_141 : i32 to vector<16xi32>
        %add3A_143 = arith.addi %mul3A_129, %add3A_142 : vector<16xi32>
        %gather3A_144 = tpu.vector_load_idx %arg23[%add3A_140, %add3A_143] : memref<3072x8xf32, #tpu.memory_space<vmem>>[vector<16xi32>, vector<16xi32>], vector<16xf32>,
        %add3A_145 = arith.constant 1152 : i32
        %add3A_146 = vector.broadcast %add3A_145 : i32 to vector<16xi32>
        %add3A_147 = arith.addi %add3A_112, %add3A_146 : vector<16xi32>
        %gather3A_148 = tpu.vector_load_idx %arg23[%add3A_147, %mul3A_137] : memref<3072x8xf32, #tpu.memory_space<vmem>>[vector<16xi32>, vector<16xi32>], vector<16xf32>,
        %add3A_149 = arith.constant 1 : i32
        %add3A_150 = vector.broadcast %add3A_149 : i32 to vector<16xi32>
        %add3A_151 = arith.addi %mul3A_137, %add3A_150 : vector<16xi32>
        %gather3A_152 = tpu.vector_load_idx %arg23[%add3A_147, %add3A_151] : memref<3072x8xf32, #tpu.memory_space<vmem>>[vector<16xi32>, vector<16xi32>], vector<16xf32>,
        %add3A_153 = arith.constant 1280 : i32
        %add3A_154 = vector.broadcast %add3A_153 : i32 to vector<16xi32>
        %add3A_155 = arith.addi %add3A_112, %add3A_154 : vector<16xi32>
        %gather3A_156 = tpu.vector_load_idx %arg23[%add3A_155, %mul3A_129] : memref<3072x8xf32, #tpu.memory_space<vmem>>[vector<16xi32>, vector<16xi32>], vector<16xf32>,
        %add3A_157 = arith.constant 1 : i32
        %add3A_158 = vector.broadcast %add3A_157 : i32 to vector<16xi32>
        %add3A_159 = arith.addi %mul3A_129, %add3A_158 : vector<16xi32>
        %gather3A_160 = tpu.vector_load_idx %arg23[%add3A_155, %add3A_159] : memref<3072x8xf32, #tpu.memory_space<vmem>>[vector<16xi32>, vector<16xi32>], vector<16xf32>,
        %add3A_161 = arith.constant 1408 : i32
        %add3A_162 = vector.broadcast %add3A_161 : i32 to vector<16xi32>
        %add3A_163 = arith.addi %add3A_112, %add3A_162 : vector<16xi32>
        %gather3A_164 = tpu.vector_load_idx %arg23[%add3A_163, %mul3A_137] : memref<3072x8xf32, #tpu.memory_space<vmem>>[vector<16xi32>, vector<16xi32>], vector<16xf32>,
        %add3A_165 = arith.constant 1 : i32
        %add3A_166 = vector.broadcast %add3A_165 : i32 to vector<16xi32>
        %add3A_167 = arith.addi %mul3A_137, %add3A_166 : vector<16xi32>
        %gather3A_168 = tpu.vector_load_idx %arg23[%add3A_163, %add3A_167] : memref<3072x8xf32, #tpu.memory_space<vmem>>[vector<16xi32>, vector<16xi32>], vector<16xf32>,
        %add3A_169 = arith.constant 1536 : i32
        %add3A_170 = vector.broadcast %add3A_169 : i32 to vector<16xi32>
        %add3A_171 = arith.addi %add3A_112, %add3A_170 : vector<16xi32>
        %gather3A_172 = tpu.vector_load_idx %arg23[%add3A_171, %mul3A_129] : memref<3072x8xf32, #tpu.memory_space<vmem>>[vector<16xi32>, vector<16xi32>], vector<16xf32>,
        %add3A_173 = arith.constant 1 : i32
        %add3A_174 = vector.broadcast %add3A_173 : i32 to vector<16xi32>
        %add3A_175 = arith.addi %mul3A_129, %add3A_174 : vector<16xi32>
        %gather3A_176 = tpu.vector_load_idx %arg23[%add3A_171, %add3A_175] : memref<3072x8xf32, #tpu.memory_space<vmem>>[vector<16xi32>, vector<16xi32>], vector<16xf32>,
        %add3A_177 = arith.constant 1664 : i32
        %add3A_178 = vector.broadcast %add3A_177 : i32 to vector<16xi32>
        %add3A_179 = arith.addi %add3A_112, %add3A_178 : vector<16xi32>
        %gather3A_180 = tpu.vector_load_idx %arg23[%add3A_179, %mul3A_137] : memref<3072x8xf32, #tpu.memory_space<vmem>>[vector<16xi32>, vector<16xi32>], vector<16xf32>,
        %add3A_181 = arith.constant 1 : i32
        %add3A_182 = vector.broadcast %add3A_181 : i32 to vector<16xi32>
        %add3A_183 = arith.addi %mul3A_137, %add3A_182 : vector<16xi32>
        %gather3A_184 = tpu.vector_load_idx %arg23[%add3A_179, %add3A_183] : memref<3072x8xf32, #tpu.memory_space<vmem>>[vector<16xi32>, vector<16xi32>], vector<16xf32>,
        %add3A_185 = arith.constant 1792 : i32
        %add3A_186 = vector.broadcast %add3A_185 : i32 to vector<16xi32>
        %add3A_187 = arith.addi %add3A_112, %add3A_186 : vector<16xi32>
        %gather3A_188 = tpu.vector_load_idx %arg23[%add3A_187, %mul3A_129] : memref<3072x8xf32, #tpu.memory_space<vmem>>[vector<16xi32>, vector<16xi32>], vector<16xf32>,
        %add3A_189 = arith.constant 1 : i32
        %add3A_190 = vector.broadcast %add3A_189 : i32 to vector<16xi32>
        %add3A_191 = arith.addi %mul3A_129, %add3A_190 : vector<16xi32>
        %gather3A_192 = tpu.vector_load_idx %arg23[%add3A_187, %add3A_191] : memref<3072x8xf32, #tpu.memory_space<vmem>>[vector<16xi32>, vector<16xi32>], vector<16xf32>,
        %add3A_193 = arith.constant 1920 : i32
        %add3A_194 = vector.broadcast %add3A_193 : i32 to vector<16xi32>
        %add3A_195 = arith.addi %add3A_112, %add3A_194 : vector<16xi32>
        %gather3A_196 = tpu.vector_load_idx %arg23[%add3A_195, %mul3A_137] : memref<3072x8xf32, #tpu.memory_space<vmem>>[vector<16xi32>, vector<16xi32>], vector<16xf32>,
        %add3A_197 = arith.constant 1 : i32
        %add3A_198 = vector.broadcast %add3A_197 : i32 to vector<16xi32>
        %add3A_199 = arith.addi %mul3A_137, %add3A_198 : vector<16xi32>
        %gather3A_200 = tpu.vector_load_idx %arg23[%add3A_195, %add3A_199] : memref<3072x8xf32, #tpu.memory_space<vmem>>[vector<16xi32>, vector<16xi32>], vector<16xf32>,
        %broadcast_in_dim3A = arith.constant 4 : i32
        %broadcast_in_dim3A_201 = vector.broadcast %broadcast_in_dim3A : i32 to vector<16xi32>
        %sub3A = arith.subf %gather3A_148, %gather3A : vector<16xf32>
        %mul3A_202 = arith.mulf %get3A_121, %sub3A : vector<16xf32>
        %add3A_203 = arith.addf %gather3A, %mul3A_202 : vector<16xf32>
        %sub3A_204 = arith.subf %gather3A_164, %gather3A_156 : vector<16xf32>
        %mul3A_205 = arith.mulf %get3A_121, %sub3A_204 : vector<16xf32>
        %add3A_206 = arith.addf %gather3A_156, %mul3A_205 : vector<16xf32>
        %sub3A_207 = arith.subf %gather3A_180, %gather3A_172 : vector<16xf32>
        %mul3A_208 = arith.mulf %get3A_121, %sub3A_207 : vector<16xf32>
        %add3A_209 = arith.addf %gather3A_172, %mul3A_208 : vector<16xf32>
        %sub3A_210 = arith.subf %gather3A_196, %gather3A_188 : vector<16xf32>
        %mul3A_211 = arith.mulf %get3A_121, %sub3A_210 : vector<16xf32>
        %add3A_212 = arith.addf %gather3A_188, %mul3A_211 : vector<16xf32>
        %sub3A_213 = arith.subf %add3A_206, %add3A_203 : vector<16xf32>
        %mul3A_214 = arith.mulf %get3A_117, %sub3A_213 : vector<16xf32>
        %add3A_215 = arith.addf %add3A_203, %mul3A_214 : vector<16xf32>
        %sub3A_216 = arith.subf %add3A_212, %add3A_209 : vector<16xf32>
        %mul3A_217 = arith.mulf %get3A_117, %sub3A_216 : vector<16xf32>
        %add3A_218 = arith.addf %add3A_209, %mul3A_217 : vector<16xf32>
        %sub3A_219 = arith.subf %add3A_218, %add3A_215 : vector<16xf32>
        %mul3A_220 = arith.mulf %get3A_113, %sub3A_219 : vector<16xf32>
        %add3A_221 = arith.addf %add3A_215, %mul3A_220 : vector<16xf32>
        tpu.vector_store_idx %arg24[%add3A_112, %broadcast_in_dim3A_201], %add3A_221 : memref<128x8xf32, #tpu.memory_space<vmem>>[vector<16xi32>, vector<16xi32>], vector<16xf32>,
        %broadcast_in_dim3A_222 = arith.constant 5 : i32
        %broadcast_in_dim3A_223 = vector.broadcast %broadcast_in_dim3A_222 : i32 to vector<16xi32>
        %sub3A_224 = arith.subf %gather3A_152, %gather3A_144 : vector<16xf32>
        %mul3A_225 = arith.mulf %get3A_121, %sub3A_224 : vector<16xf32>
        %add3A_226 = arith.addf %gather3A_144, %mul3A_225 : vector<16xf32>
        %sub3A_227 = arith.subf %gather3A_168, %gather3A_160 : vector<16xf32>
        %mul3A_228 = arith.mulf %get3A_121, %sub3A_227 : vector<16xf32>
        %add3A_229 = arith.addf %gather3A_160, %mul3A_228 : vector<16xf32>
        %sub3A_230 = arith.subf %gather3A_184, %gather3A_176 : vector<16xf32>
        %mul3A_231 = arith.mulf %get3A_121, %sub3A_230 : vector<16xf32>
        %add3A_232 = arith.addf %gather3A_176, %mul3A_231 : vector<16xf32>
        %sub3A_233 = arith.subf %gather3A_200, %gather3A_192 : vector<16xf32>
        %mul3A_234 = arith.mulf %get3A_121, %sub3A_233 : vector<16xf32>
        %add3A_235 = arith.addf %gather3A_192, %mul3A_234 : vector<16xf32>
        %sub3A_236 = arith.subf %add3A_229, %add3A_226 : vector<16xf32>
        %mul3A_237 = arith.mulf %get3A_117, %sub3A_236 : vector<16xf32>
        %add3A_238 = arith.addf %add3A_226, %mul3A_237 : vector<16xf32>
        %sub3A_239 = arith.subf %add3A_235, %add3A_232 : vector<16xf32>
        %mul3A_240 = arith.mulf %get3A_117, %sub3A_239 : vector<16xf32>
        %add3A_241 = arith.addf %add3A_232, %mul3A_240 : vector<16xf32>
        %sub3A_242 = arith.subf %add3A_241, %add3A_238 : vector<16xf32>
        %mul3A_243 = arith.mulf %get3A_113, %sub3A_242 : vector<16xf32>
        %add3A_244 = arith.addf %add3A_238, %mul3A_243 : vector<16xf32>
        tpu.vector_store_idx %arg24[%add3A_112, %broadcast_in_dim3A_223], %add3A_244 : memref<128x8xf32, #tpu.memory_space<vmem>>[vector<16xi32>, vector<16xi32>], vector<16xf32>,
      }
      %scan3A_101 = arith.constant 8 : i32
      %scan3A_102 = arith.constant 0 : i32
      %scan3A_103 = arith.constant 0 : i32
      %scan3A_104 = arith.constant 8 : i32
      %scan3A_105 = arith.addi %scan3A_103, %scan3A_104 : i32
      %scan3A_106 = arith.constant 1 : i32
      scf.for %scan3A_108 = %scan3A_103 to %scan3A_105 step %scan3A_106  : i32 {
        %mul3A_109 = arith.constant 16 : i32
        %mul3A_110 = arith.muli %scan3A_108, %mul3A_109 : i32
        %add3A_111 = vector.broadcast %mul3A_110 : i32 to vector<16xi32>
        %add3A_112 = arith.addi %iota3A, %add3A_111 : vector<16xi32>
        %get3A = arith.index_cast %mul3A_110 : i32 to index
        %get3A_113 = tpu.vector_load %arg22[%get3A] {strides = array<i32>} : memref<512xf32, #tpu.memory_space<vmem>>, vector<16xf32>,
        %add3A_114 = arith.constant 128 : i32
        %add3A_115 = arith.addi %add3A_114, %mul3A_110 : i32
        %get3A_116 = arith.index_cast %add3A_115 : i32 to index
        %get3A_117 = tpu.vector_load %arg22[%get3A_116] {strides = array<i32>} : memref<512xf32, #tpu.memory_space<vmem>>, vector<16xf32>,
        %add3A_118 = arith.constant 256 : i32
        %add3A_119 = arith.addi %add3A_118, %mul3A_110 : i32
        %get3A_120 = arith.index_cast %add3A_119 : i32 to index
        %get3A_121 = tpu.vector_load %arg22[%get3A_120] {strides = array<i32>} : memref<512xf32, #tpu.memory_space<vmem>>, vector<16xf32>,
        %add3A_122 = arith.constant 384 : i32
        %add3A_123 = arith.addi %add3A_122, %mul3A_110 : i32
        %get3A_124 = arith.index_cast %add3A_123 : i32 to index
        %get3A_125 = tpu.vector_load %arg22[%get3A_124] {strides = array<i32>} : memref<512xf32, #tpu.memory_space<vmem>>, vector<16xf32>,
        %convert_element_type3A_126 = arith.fptosi %get3A_125 : vector<16xf32> to vector<16xi32>
        %mul3A_127 = arith.constant 2 : i32
        %mul3A_128 = vector.broadcast %mul3A_127 : i32 to vector<16xi32>
        %mul3A_129 = arith.muli %convert_element_type3A_126, %mul3A_128 : vector<16xi32>
        %add3A_130 = arith.constant 1 : i32
        %add3A_131 = vector.broadcast %add3A_130 : i32 to vector<16xi32>
        %add3A_132 = arith.addi %convert_element_type3A_126, %add3A_131 : vector<16xi32>
        %and3A = arith.constant 3 : i32
        %and3A_133 = vector.broadcast %and3A : i32 to vector<16xi32>
        %and3A_134 = arith.andi %add3A_132, %and3A_133 : vector<16xi32>
        %mul3A_135 = arith.constant 2 : i32
        %mul3A_136 = vector.broadcast %mul3A_135 : i32 to vector<16xi32>
        %mul3A_137 = arith.muli %and3A_134, %mul3A_136 : vector<16xi32>
        %add3A_138 = arith.constant 2048 : i32
        %add3A_139 = vector.broadcast %add3A_138 : i32 to vector<16xi32>
        %add3A_140 = arith.addi %add3A_112, %add3A_139 : vector<16xi32>
        %gather3A = tpu.vector_load_idx %arg23[%add3A_140, %mul3A_129] : memref<3072x8xf32, #tpu.memory_space<vmem>>[vector<16xi32>, vector<16xi32>], vector<16xf32>,
        %add3A_141 = arith.constant 1 : i32
        %add3A_142 = vector.broadcast %add3A_141 : i32 to vector<16xi32>
        %add3A_143 = arith.addi %mul3A_129, %add3A_142 : vector<16xi32>
        %gather3A_144 = tpu.vector_load_idx %arg23[%add3A_140, %add3A_143] : memref<3072x8xf32, #tpu.memory_space<vmem>>[vector<16xi32>, vector<16xi32>], vector<16xf32>,
        %add3A_145 = arith.constant 2176 : i32
        %add3A_146 = vector.broadcast %add3A_145 : i32 to vector<16xi32>
        %add3A_147 = arith.addi %add3A_112, %add3A_146 : vector<16xi32>
        %gather3A_148 = tpu.vector_load_idx %arg23[%add3A_147, %mul3A_137] : memref<3072x8xf32, #tpu.memory_space<vmem>>[vector<16xi32>, vector<16xi32>], vector<16xf32>,
        %add3A_149 = arith.constant 1 : i32
        %add3A_150 = vector.broadcast %add3A_149 : i32 to vector<16xi32>
        %add3A_151 = arith.addi %mul3A_137, %add3A_150 : vector<16xi32>
        %gather3A_152 = tpu.vector_load_idx %arg23[%add3A_147, %add3A_151] : memref<3072x8xf32, #tpu.memory_space<vmem>>[vector<16xi32>, vector<16xi32>], vector<16xf32>,
        %add3A_153 = arith.constant 2304 : i32
        %add3A_154 = vector.broadcast %add3A_153 : i32 to vector<16xi32>
        %add3A_155 = arith.addi %add3A_112, %add3A_154 : vector<16xi32>
        %gather3A_156 = tpu.vector_load_idx %arg23[%add3A_155, %mul3A_129] : memref<3072x8xf32, #tpu.memory_space<vmem>>[vector<16xi32>, vector<16xi32>], vector<16xf32>,
        %add3A_157 = arith.constant 1 : i32
        %add3A_158 = vector.broadcast %add3A_157 : i32 to vector<16xi32>
        %add3A_159 = arith.addi %mul3A_129, %add3A_158 : vector<16xi32>
        %gather3A_160 = tpu.vector_load_idx %arg23[%add3A_155, %add3A_159] : memref<3072x8xf32, #tpu.memory_space<vmem>>[vector<16xi32>, vector<16xi32>], vector<16xf32>,
        %add3A_161 = arith.constant 2432 : i32
        %add3A_162 = vector.broadcast %add3A_161 : i32 to vector<16xi32>
        %add3A_163 = arith.addi %add3A_112, %add3A_162 : vector<16xi32>
        %gather3A_164 = tpu.vector_load_idx %arg23[%add3A_163, %mul3A_137] : memref<3072x8xf32, #tpu.memory_space<vmem>>[vector<16xi32>, vector<16xi32>], vector<16xf32>,
        %add3A_165 = arith.constant 1 : i32
        %add3A_166 = vector.broadcast %add3A_165 : i32 to vector<16xi32>
        %add3A_167 = arith.addi %mul3A_137, %add3A_166 : vector<16xi32>
        %gather3A_168 = tpu.vector_load_idx %arg23[%add3A_163, %add3A_167] : memref<3072x8xf32, #tpu.memory_space<vmem>>[vector<16xi32>, vector<16xi32>], vector<16xf32>,
        %add3A_169 = arith.constant 2560 : i32
        %add3A_170 = vector.broadcast %add3A_169 : i32 to vector<16xi32>
        %add3A_171 = arith.addi %add3A_112, %add3A_170 : vector<16xi32>
        %gather3A_172 = tpu.vector_load_idx %arg23[%add3A_171, %mul3A_129] : memref<3072x8xf32, #tpu.memory_space<vmem>>[vector<16xi32>, vector<16xi32>], vector<16xf32>,
        %add3A_173 = arith.constant 1 : i32
        %add3A_174 = vector.broadcast %add3A_173 : i32 to vector<16xi32>
        %add3A_175 = arith.addi %mul3A_129, %add3A_174 : vector<16xi32>
        %gather3A_176 = tpu.vector_load_idx %arg23[%add3A_171, %add3A_175] : memref<3072x8xf32, #tpu.memory_space<vmem>>[vector<16xi32>, vector<16xi32>], vector<16xf32>,
        %add3A_177 = arith.constant 2688 : i32
        %add3A_178 = vector.broadcast %add3A_177 : i32 to vector<16xi32>
        %add3A_179 = arith.addi %add3A_112, %add3A_178 : vector<16xi32>
        %gather3A_180 = tpu.vector_load_idx %arg23[%add3A_179, %mul3A_137] : memref<3072x8xf32, #tpu.memory_space<vmem>>[vector<16xi32>, vector<16xi32>], vector<16xf32>,
        %add3A_181 = arith.constant 1 : i32
        %add3A_182 = vector.broadcast %add3A_181 : i32 to vector<16xi32>
        %add3A_183 = arith.addi %mul3A_137, %add3A_182 : vector<16xi32>
        %gather3A_184 = tpu.vector_load_idx %arg23[%add3A_179, %add3A_183] : memref<3072x8xf32, #tpu.memory_space<vmem>>[vector<16xi32>, vector<16xi32>], vector<16xf32>,
        %add3A_185 = arith.constant 2816 : i32
        %add3A_186 = vector.broadcast %add3A_185 : i32 to vector<16xi32>
        %add3A_187 = arith.addi %add3A_112, %add3A_186 : vector<16xi32>
        %gather3A_188 = tpu.vector_load_idx %arg23[%add3A_187, %mul3A_129] : memref<3072x8xf32, #tpu.memory_space<vmem>>[vector<16xi32>, vector<16xi32>], vector<16xf32>,
        %add3A_189 = arith.constant 1 : i32
        %add3A_190 = vector.broadcast %add3A_189 : i32 to vector<16xi32>
        %add3A_191 = arith.addi %mul3A_129, %add3A_190 : vector<16xi32>
        %gather3A_192 = tpu.vector_load_idx %arg23[%add3A_187, %add3A_191] : memref<3072x8xf32, #tpu.memory_space<vmem>>[vector<16xi32>, vector<16xi32>], vector<16xf32>,
        %add3A_193 = arith.constant 2944 : i32
        %add3A_194 = vector.broadcast %add3A_193 : i32 to vector<16xi32>
        %add3A_195 = arith.addi %add3A_112, %add3A_194 : vector<16xi32>
        %gather3A_196 = tpu.vector_load_idx %arg23[%add3A_195, %mul3A_137] : memref<3072x8xf32, #tpu.memory_space<vmem>>[vector<16xi32>, vector<16xi32>], vector<16xf32>,
        %add3A_197 = arith.constant 1 : i32
        %add3A_198 = vector.broadcast %add3A_197 : i32 to vector<16xi32>
        %add3A_199 = arith.addi %mul3A_137, %add3A_198 : vector<16xi32>
        %gather3A_200 = tpu.vector_load_idx %arg23[%add3A_195, %add3A_199] : memref<3072x8xf32, #tpu.memory_space<vmem>>[vector<16xi32>, vector<16xi32>], vector<16xf32>,
        %broadcast_in_dim3A = arith.constant 6 : i32
        %broadcast_in_dim3A_201 = vector.broadcast %broadcast_in_dim3A : i32 to vector<16xi32>
        %sub3A = arith.subf %gather3A_148, %gather3A : vector<16xf32>
        %mul3A_202 = arith.mulf %get3A_121, %sub3A : vector<16xf32>
        %add3A_203 = arith.addf %gather3A, %mul3A_202 : vector<16xf32>
        %sub3A_204 = arith.subf %gather3A_164, %gather3A_156 : vector<16xf32>
        %mul3A_205 = arith.mulf %get3A_121, %sub3A_204 : vector<16xf32>
        %add3A_206 = arith.addf %gather3A_156, %mul3A_205 : vector<16xf32>
        %sub3A_207 = arith.subf %gather3A_180, %gather3A_172 : vector<16xf32>
        %mul3A_208 = arith.mulf %get3A_121, %sub3A_207 : vector<16xf32>
        %add3A_209 = arith.addf %gather3A_172, %mul3A_208 : vector<16xf32>
        %sub3A_210 = arith.subf %gather3A_196, %gather3A_188 : vector<16xf32>
        %mul3A_211 = arith.mulf %get3A_121, %sub3A_210 : vector<16xf32>
        %add3A_212 = arith.addf %gather3A_188, %mul3A_211 : vector<16xf32>
        %sub3A_213 = arith.subf %add3A_206, %add3A_203 : vector<16xf32>
        %mul3A_214 = arith.mulf %get3A_117, %sub3A_213 : vector<16xf32>
        %add3A_215 = arith.addf %add3A_203, %mul3A_214 : vector<16xf32>
        %sub3A_216 = arith.subf %add3A_212, %add3A_209 : vector<16xf32>
        %mul3A_217 = arith.mulf %get3A_117, %sub3A_216 : vector<16xf32>
        %add3A_218 = arith.addf %add3A_209, %mul3A_217 : vector<16xf32>
        %sub3A_219 = arith.subf %add3A_218, %add3A_215 : vector<16xf32>
        %mul3A_220 = arith.mulf %get3A_113, %sub3A_219 : vector<16xf32>
        %add3A_221 = arith.addf %add3A_215, %mul3A_220 : vector<16xf32>
        tpu.vector_store_idx %arg24[%add3A_112, %broadcast_in_dim3A_201], %add3A_221 : memref<128x8xf32, #tpu.memory_space<vmem>>[vector<16xi32>, vector<16xi32>], vector<16xf32>,
        %broadcast_in_dim3A_222 = arith.constant 7 : i32
        %broadcast_in_dim3A_223 = vector.broadcast %broadcast_in_dim3A_222 : i32 to vector<16xi32>
        %sub3A_224 = arith.subf %gather3A_152, %gather3A_144 : vector<16xf32>
        %mul3A_225 = arith.mulf %get3A_121, %sub3A_224 : vector<16xf32>
        %add3A_226 = arith.addf %gather3A_144, %mul3A_225 : vector<16xf32>
        %sub3A_227 = arith.subf %gather3A_168, %gather3A_160 : vector<16xf32>
        %mul3A_228 = arith.mulf %get3A_121, %sub3A_227 : vector<16xf32>
        %add3A_229 = arith.addf %gather3A_160, %mul3A_228 : vector<16xf32>
        %sub3A_230 = arith.subf %gather3A_184, %gather3A_176 : vector<16xf32>
        %mul3A_231 = arith.mulf %get3A_121, %sub3A_230 : vector<16xf32>
        %add3A_232 = arith.addf %gather3A_176, %mul3A_231 : vector<16xf32>
        %sub3A_233 = arith.subf %gather3A_200, %gather3A_192 : vector<16xf32>
        %mul3A_234 = arith.mulf %get3A_121, %sub3A_233 : vector<16xf32>
        %add3A_235 = arith.addf %gather3A_192, %mul3A_234 : vector<16xf32>
        %sub3A_236 = arith.subf %add3A_229, %add3A_226 : vector<16xf32>
        %mul3A_237 = arith.mulf %get3A_117, %sub3A_236 : vector<16xf32>
        %add3A_238 = arith.addf %add3A_226, %mul3A_237 : vector<16xf32>
        %sub3A_239 = arith.subf %add3A_235, %add3A_232 : vector<16xf32>
        %mul3A_240 = arith.mulf %get3A_117, %sub3A_239 : vector<16xf32>
        %add3A_241 = arith.addf %add3A_232, %mul3A_240 : vector<16xf32>
        %sub3A_242 = arith.subf %add3A_241, %add3A_238 : vector<16xf32>
        %mul3A_243 = arith.mulf %get3A_113, %sub3A_242 : vector<16xf32>
        %add3A_244 = arith.addf %add3A_238, %mul3A_243 : vector<16xf32>
        tpu.vector_store_idx %arg24[%add3A_112, %broadcast_in_dim3A_223], %add3A_244 : memref<128x8xf32, #tpu.memory_space<vmem>>[vector<16xi32>, vector<16xi32>], vector<16xf32>,
      }
      %scan3A_107 = arith.constant 8 : i32
      "tpu.region"() ({
        %run_scoped3A = tpu.sem_alloc : memref<!tpu.dma_semaphore, #tpu.memory_space<semaphore_mem>>
        %dma_start3A_108 = arith.constant 0 : i32
        %dma_start3A_109 = tpu.memref_slice %arg4[%add3A_83, %dma_start3A_108] : memref<1048576x8xf32, #tpu.memory_space<hbm>> -> memref<128x8xf32, #tpu.memory_space<hbm>>
        %dma_start3A_110 = arith.constant 0 : i32
        %dma_start3A_111 = tpu.memref_slice %arg4[%add3A_83, %dma_start3A_110] : memref<1048576x8xf32, #tpu.memory_space<hbm>> -> memref<128x8xf32, #tpu.memory_space<hbm>>
        tpu.enqueue_dma source(%arg24 : memref<128x8xf32, #tpu.memory_space<vmem>>) target(%dma_start3A_111 : memref<128x8xf32, #tpu.memory_space<hbm>>) target_semaphore(%run_scoped3A : memref<!tpu.dma_semaphore, #tpu.memory_space<semaphore_mem>>)
        %dma_wait3A_112 = arith.constant 0 : i32
        %dma_wait3A_113 = tpu.memref_slice %arg4[%add3A_83, %dma_wait3A_112] : memref<1048576x8xf32, #tpu.memory_space<hbm>> -> memref<128x8xf32, #tpu.memory_space<hbm>>
        %dma_wait3A_114 = arith.constant 0 : i32
        %dma_wait3A_115 = tpu.memref_slice %arg4[%add3A_83, %dma_wait3A_114] : memref<1048576x8xf32, #tpu.memory_space<hbm>> -> memref<128x8xf32, #tpu.memory_space<hbm>>
        tpu.wait_dma2 semaphore(%run_scoped3A : memref<!tpu.dma_semaphore, #tpu.memory_space<semaphore_mem>>) src(%arg24 : memref<128x8xf32, #tpu.memory_space<vmem>>) dst(%dma_wait3A_115 : memref<128x8xf32, #tpu.memory_space<hbm>>)
        tpu.yield
      }) : () -> ()
    }
    %scan3A_19 = arith.constant 128 : i32
    return
  }
}

</mosaic_0001>

<sc_bundles>
// kernel: kernel.3.cloned.1.call-start
scs
__scs_entry_jumppad:
0x0: {  	(pc) =	sbr.rel $0x88, $3  }
0x1: {  	(tag) =	ssettag $0x0;
	lr =	simm.s32 $0x1  }
0x2: {  	[smem:$0x3F9F] =	sst lr;
	_ =	strace $0xD0000000  }
0x3: {  	_ = 	snop  }
0x4: {  	_ = 	snop  }
0x5: {  	_ = 	snop  }
0x6: {  	_ = 	snop  }
0x7: {  	_ = 	snop  }
__scs_overlays_trampoline_lowered:
0x8: {  	[smem:$0x3FAE] =	sst s0  }
0x9: {  	[smem:$0x3FAF] =	sst s1  }
0xa: {  	[smem:$0x3FB0] =	sst s2  }
0xb: {  	[smem:$0x3FB1] =	sst s3  }
0xc: {  	[smem:$0x3FB2] =	sst s4  }
0xd: {  	[smem:$0x3FB3] =	sst s5  }
0xe: {  	[smem:$0x3FB4] =	sst s6  }
0xf: {  	[smem:$0x3FB5] =	sst s7  }
0x10: {  	[smem:$0x3FB6] =	sst s8  }
0x11: {  	[smem:$0x3FB7] =	sst s9;
	s0 =	simm.s32 @!p0 $0x0  }
0x12: {  	s1 =	sld [smem:$0x3F9D];
	s0 =	simm.s32 @p0 $0x1  }
0x13: {  	[smem:$0x3FB8] =	sst s0;
	s0 =	simm.s32 @!p1 $0x0  }
0x14: {  	s2 =	sld [smem:$0x3F9C];
	s0 =	simm.s32 @p1 $0x1  }
0x15: {  	[smem:$0x3FB9] =	sst s0;
	s0 =	simm.s32 @!p2 $0x0  }
0x16: {  	s3 =	sld [smem:$0x3FDB];
	s0 =	simm.s32 @p2 $0x1  }
0x17: {  	s4 =	simm.s32 $0x1BF5;
	[smem:$0x3FBB] =	sst s0  }
0x18: {  	s0 =	sld [smem:$0x3F9E];
	_ =	swait.ge [sflag:s4], $0x0  }
0x19: {  	s7 =	sld [smem:$0x3F9F]  }
0x1a: {  	s8 =	sadd.s32 $0xFFFFE003, lr  }
0x1b: {  	s9 =	sadd.s32 $0xFFFFFEF7, lr;
	s5 =	simm.s32 $0xFFFFFFFF;
	p2 =	slt.u32 s8, $0xFFFFF086  }
0x1c: {  	p1 =	slt.u32 s9, $0xF7A;
	s5 =	simm.s32 @!p2 $0x0  }
0x1d: {  	s5 =	simm.s32 @p1 $0x1;
	p0 =	seq.s32 s7, s2  }
0x1e: {  	s7 =	smul.u32 @!p0 $0xF7A, s2;
	p2 =	seq.s32 @!p0 s5, $0x0  }
0x1f: {  	s9 =	smul.u32 $0xF7A, s1;
	s8 =	simm.s32 @!p0 $0x1BF5;
	p2 =	por !p2, p0  }
0x20: {  	[sflag:s8] =	ssyncset.s32 @!p0 $0xFFFFF086;
	s6 =	sadd.s32 @!p0 s3, s7;
	s7 =	simm.s32 @!p0 $0x108  }
0x21: {  	s3 =	sadd.s32 s3, s9;
	s6 =	sadd.s32 @!p0 $0x88, s6;
	s7 =	simm.s32 @p2 $0x1082  }
0x22: {  	[simem:s7], [sflag:s8] =	dma.local @!p0 [hbm:s6], $0xF7A  }
0x23: {  	s9 =	sor.u32 $0xD0000000, s2;
	s6 =	simm.s32 $0x108;
	_ =	swait.ge @!p0 [sflag:s8], $0x0  }
0x24: {  	s3 =	sadd.s32 $0x88, s3;
	s6 =	simm.s32 @!p1 $0x1082;
	[sflag:s4] =	ssyncset.s32 $0xFFFFF086  }
0x25: {  	[simem:s6], [sflag:s4] =	dma.local [hbm:s3], $0xF7A  }
0x26: {  	[smem:$0x3F9F] =	sst s1;
	(tag) =	ssettag s2;
	_ =	strace s9  }
0x27: {  	s1 =	sld [smem:$0x3FAF]  }
0x28: {  	s2 =	sld [smem:$0x3FB0]  }
0x29: {  	s4 =	sld [smem:$0x3FB2]  }
0x2a: {  	p0 =	seq.s32 s5, $0x0;
	s5 =	sld [smem:$0x3FB3]  }
0x2b: {  	s6 =	sld [smem:$0x3FB4]  }
0x2c: {  	s7 =	sld [smem:$0x3FB5]  }
0x2d: {  	s3 =	simm.s32 $0x108;
	s8 =	sld [smem:$0x3FB6]  }
0x2e: {  	s3 =	simm.s32 @!p0 $0x1082;
	s9 =	sld [smem:$0x3FB7]  }
0x2f: {  	lr =	sadd.s32 s0, s3;
	s0 =	sld [smem:$0x3FAE]  }
0x30: {  	s3 =	sld [smem:$0x3FB1]  }
0x31: {  	[smem:$0x3FBA] =	sst s10  }
0x32: {  	s10 =	sld [smem:$0x3FB8];
	_ =	sdelay $0x3  }
0x33: {  	p0 =	seq.s32 s10, $0x1;
	s10 =	sld [smem:$0x3FBA];
	_ =	sdelay $0x3  }
0x34: {  	[smem:$0x3FBA] =	sst s10  }
0x35: {  	s10 =	sld [smem:$0x3FB9];
	_ =	sdelay $0x3  }
0x36: {  	p1 =	seq.s32 s10, $0x1;
	s10 =	sld [smem:$0x3FBA];
	_ =	sdelay $0x3  }
0x37: {  	[smem:$0x3FBA] =	sst s10  }
0x38: {  	s10 =	sld [smem:$0x3FBB]  }
0x39: {  	_ = 	snop;
	(pc) =	sbr.ind lr, $3  }
0x3a: {  	_ = 	snop  }
0x3b: {  	_ = 	snop  }
0x3c: {  	p2 =	seq.s32 s10, $0x1;
	s10 =	sld [smem:$0x3FBA]  }
0x3d: {  	_ =	shalt  }
0x3e: {  	_ =	shalt  }
0x3f: {  	_ =	shalt  }
0x40: {  	_ =	shalt  }
0x41: {  	_ =	shalt  }
0x42: {  	_ =	shalt  }
0x43: {  	_ =	shalt  }
0x44: {  	_ =	shalt  }
0x45: {  	_ =	shalt  }
0x46: {  	_ =	shalt  }
0x47: {  	_ =	shalt  }
0x48: {  	_ =	shalt  }
0x49: {  	_ =	shalt  }
0x4a: {  	_ =	shalt  }
0x4b: {  	_ =	shalt  }
0x4c: {  	_ =	shalt  }
0x4d: {  	_ =	shalt  }
0x4e: {  	_ =	shalt  }
0x4f: {  	_ =	shalt  }
0x50: {  	_ =	shalt  }
0x51: {  	_ =	shalt  }
0x52: {  	_ =	shalt  }
0x53: {  	_ =	shalt  }
0x54: {  	_ =	shalt  }
0x55: {  	_ =	shalt  }
0x56: {  	_ =	shalt  }
0x57: {  	_ =	shalt  }
0x58: {  	_ =	shalt  }
0x59: {  	_ =	shalt  }
0x5a: {  	_ =	shalt  }
0x5b: {  	_ =	shalt  }
0x5c: {  	_ =	shalt  }
0x5d: {  	_ =	shalt  }
0x5e: {  	_ =	shalt  }
0x5f: {  	_ =	shalt  }
0x60: {  	_ =	shalt  }
0x61: {  	_ =	shalt  }
0x62: {  	_ =	shalt  }
0x63: {  	_ =	shalt  }
0x64: {  	_ =	shalt  }
0x65: {  	_ =	shalt  }
0x66: {  	_ =	shalt  }
0x67: {  	_ =	shalt  }
0x68: {  	_ =	shalt  }
0x69: {  	_ =	shalt  }
0x6a: {  	_ =	shalt  }
0x6b: {  	_ =	shalt  }
0x6c: {  	_ =	shalt  }
0x6d: {  	_ =	shalt  }
0x6e: {  	_ =	shalt  }
0x6f: {  	_ =	shalt  }
0x70: {  	_ =	shalt  }
0x71: {  	_ =	shalt  }
0x72: {  	_ =	shalt  }
0x73: {  	_ =	shalt  }
0x74: {  	_ =	shalt  }
0x75: {  	_ =	shalt  }
0x76: {  	_ =	shalt  }
0x77: {  	_ =	shalt  }
0x78: {  	_ =	shalt  }
0x79: {  	_ =	shalt  }
0x7a: {  	_ =	shalt  }
0x7b: {  	_ =	shalt  }
0x7c: {  	_ =	shalt  }
0x7d: {  	_ =	shalt  }
0x7e: {  	_ =	shalt  }
0x7f: {  	_ =	shalt  }
0x80: {  	_ =	shalt  }
0x81: {  	_ =	shalt  }
0x82: {  	_ =	shalt  }
0x83: {  	_ =	shalt  }
0x84: {  	_ =	shalt  }
0x85: {  	_ =	shalt  }
0x86: {  	_ =	shalt  }
0x87: {  	_ =	shalt  }
.Lfunc_end0:
.L_simem_size_0:
called_computation.1_lowered:
.L_overlay_start_0:
0x88: {  	s2 =	sld [smem:$0x3FD9]  }
0x89: {  	s3 =	sld [smem:$0x3FFE];
	_ =	sdelay $0x1  }
0x8a: {  	s1 =	srdreg.scid  }
0x8b: {  	s0 =	sand.u32 $0x1, s1  }
0x8c: {  	s17 =	sshll.u32 s0, $0xA;
	s2 =	sadd.s32 s3, s2  }
0x8d: {  	s2 =	sadd.s32 s2, s17  }
0x8e: {  	[smem:$0x3FC6] =	sst s2  }
0x8f: {  	_ = 	snop  }
0x90: {  	s2 =	sld [smem:$0x3FC8]  }
0x91: {  	s18 =	sld [smem:$0x3FD0];
	(tm) =	ssettm $0x1  }
0x92: {  	s4 =	sld [smem:$0x3FFB];
	_ =	sdelay $0x3  }
0x93: {  	_ =	strace s4  }
0x94: {  	s4 =	sld [smem:$0x3FFC];
	_ =	sdelay $0x3  }
0x95: {  	_ =	strace s4  }
0x96: {  	s4 =	sld [smem:$0x3FFD];
	_ =	sdelay $0x3  }
0x97: {  	_ =	strace s4  }
0x98: {  	_ =	strace $0x8FFFFFFF  }
0x99: {  	s19 =	sld [smem:$0x3FDB];
	_ =	sdelay $0x1  }
0x9a: {  	s5 =	simm.s32 $_scs_section_size  }
0x9b: {  	s6 =	simm.s32 $_size__tile_overlayer_lowered;
	s7 =	simm.s32 $_tile_overlayer_lowered  }
0x9c: {  	s22 =	simm.s32 $0x1BFF;
	s21 =	sshll.u32 s7, $0x1;
	s4 =	sadd.s32 s5, s19  }
0x9d: {  	s8 =	simm.s32 $0x0;
	s20 =	sshll.u32 s6, $0x1;
	s6 =	sadd.s32 s21, s4  }
0x9e: {  	[timem:s8], [sflag:s22] =	dma.local [hbm:s6], s20  }
0x9f: {  	_ =	swait.ge [sflag:s22], s20  }
0xa0: {  	s5 =	ssub.s32 $0x0, s20;
	[sflag:s22] =	ssyncset.done $0x0  }
0xa1: {  	[sflag:s22] =	ssyncadd.s32 s5;
	_ =	sdelay $0x1  }
0xa2: {  	s23 =	simm.s32 $0x1B8B  }
0xa3: {  	_ =	swait.ge [sflag:s23], $0x1  }
0xa4: {  	[sflag:s23] =	ssyncset.done $0x0  }
0xa5: {  	s25 =	simm.s32 $0x1B8E;
	s24 =	sld [smem:$0x3FFE];
	[sflag:s23] =	ssyncadd.s32 $0xFFFFFFFF  }
0xa6: {  	s26 =	simm.s32 $execute0_lowered;
	[smem:$0x3FD2] =	sst s25  }
0xa7: {  	s6 =	sshll.u32 s26, $0x1;
	_ =	strace $0x80000046;
	[dreg:$0x1] =	wrdreg $0xFFFFFFFF  }
0xa8: {  	s28 =	simm.s32 $_size_execute0_lowered;
	s4 =	sadd.s32 s4, s6;
	[dreg:$0x0] =	wrdreg $0x0  }
0xa9: {  	s6 =	sshll.u32 s28, $0x1;
	[dreg:$0x2] =	wrdreg s4  }
0xaa: {  	[dreg:$0x3] =	wrdreg s6  }
0xab: {  	[dreg:$0x4] =	wrdreg $0xC0  }
0xac: {  	_ =	task [dreg:s8], $0x5FFFF  }
0xad: {  	[dreg:$0x1] =	wrdreg $0xFFFFFFFF  }
0xae: {  	[dreg:$0x0] =	wrdreg $0x60  }
0xaf: {  	[dreg:$0x2] =	wrdreg s24  }
0xb0: {  	[dreg:$0x3] =	wrdreg s2  }
0xb1: {  	[dreg:$0x4] =	wrdreg s18  }
0xb2: {  	[dreg:$0x5] =	wrdreg $0x9  }
0xb3: {  	_ =	task.clear_ibuf [dreg:s8], $0x6FFFF;
	_ =	strace $0x90000046  }
0xb4: {  	s29 =	simm.s32 $0x9;
	_ =	strace $0x80000048  }
0xb5: {  	_ =	swait.ge [sflag:s29], $0x1  }
0xb6: {  	[sflag:s29] =	ssyncadd.s32 $0xFFFFFFFF  }
0xb7: {  	_ =	strace $0x90000048  }
0xb8: {  	_ =	sfence  }
0xb9: {  	s30 =	sld [smem:$0x0];
	_ =	sdelay $0x2  }
0xba: {  	s31 =	sshll.u32 s1, $0xD;
	s1 =	sshrl.u32 s1, $0x2  }
0xbb: {  	s3 =	sand.u32 $0x4000, s31;
	s1 =	sadd.s32 s1, s30  }
0xbc: {  	s0 =	sor.u32 s3, s0;
	s1 =	sshll.u32 s1, $0x11  }
0xbd: {  	s0 =	sor.u32 s1, s0  }
0xbe: {  	s0 =	sadd.s32 $0x8F2B, s0  }
0xbf: {  	[sflag:s0] =	ssyncadd.remote.s32 $0x1  }
0xc0: {  	_ =	sfence.sel $0xFFFF  }
0xc1: {  	[dreg:$0x0] =	wrdreg $0xFFFFFFFF;
	(pc) =	sbr.abs _section_cstart, $3  }
0xc2: {  	[dreg:$0x1] =	wrdreg $0xFFFFFFFF  }
0xc3: {  	_ =	task.clear_ibuf [dreg:s8], $0x2FFFF;
	_ =	strace $0x9FFFFFFF  }
0xc4: {  	(tm) =	ssettm $0x7FFFFFFF  }
0xc5: {  	_ =	shalt  }
tec
execute0_lowered:
.L_overlay_start_1:
0x0: {  	(tag) =	ssettag $0x1  }
0x1: {  	s0 =	rddreg [dreg:$0x0]  }
0x2: {  	s2 =	rddreg [dreg:$0x1]  }
0x3: {  	s3 =	rddreg [dreg:$0x2]  }
0x4: {  	s5 =	srdreg.scid;
	s1 =	stileid.u32  }
0x5: {  	s4 =	simm.s32 $0x0;
	s11 =	simm.s32 $0x10000;
	s12 =	simm.s32 $0x3  }
0x6: {  	s13 =	simm.s32 $0xC00;
	s14 =	simm.s32 $0x10380;
	s15 =	simm.s32 $0x11580  }
0x7: {  	s16 =	simm.s32 $0x17980;
	s17 =	simm.s32 $0x17D00;
	s18 =	simm.s32 $0x18F00  }
0x8: {  	s19 =	simm.s32 $0x1;
	s20 =	simm.s32 $0x17580;
	s21 =	simm.s32 $0x2  }
0x9: {  	s22 =	simm.s32 $0x1EF00;
	s23 =	simm.s32 $0x0;
	s5 =	sand.u32 $0x1, s5  }
0xa: {  	v0 =	vlaneseq.u32;
	v2 =	vimm.s32 $0x52741630;
	v3 =	vimm.s32 $0x63052741;
	s6 =	sshll.u32 s1, $0x1;
	[smem:$0x7FF] =	sst s4;
	s7 =	ssub.s32 $0x2, s5  }
0xb: {  	v4 =	vimm.s32 $0x74163052;
	v1 =	vmul.u32 $0x3, v0;
	v2 =	vunpack.c.l.s4.s8 v2;
	s6 =	sor.u32 s5, s6;
	_ =	strace $0x80000047;
	s5 =	sadd.s32 $0x1000800, s0  }
0xc: {  	v5 =	vunpack.c.l.s4.s8 v3;
	v6 =	vunpack.c.l.s4.s8 v4;
	s8 =	sshrl.u32 s7, $0x1;
	s9 =	smul.u32 $0x3000, s6;
	s10 =	sshll.u32 s6, $0xF  }
0xd: {  	v2 =	vunpack.c.0.s8.s32 v2;
	v3 =	vadd.s32 $0x1, v1;
	s31 =	ssub.s32 s7, s8;
	s7 =	sor.u32 $0x80, s10;
	s8 =	sadd.s32 s3, s10  }
0xe: {  	v4 =	vunpack.c.0.s8.s32 v5;
	v5 =	vadd.s32 $0x2, v1;
	v6 =	vunpack.c.0.s8.s32 v6;
	s6 =	sadd.s32 s5, s9;
	s9 =	sor.u32 $0x100, s10;
	s10 =	smax.u32 s31, $0x1  }
.LBB2_1:
0xf: {  	[tilespmem:s4], [sflag:$0x3] =	stream.linear.gather [hbm4b:s2+s4], $0x10000, $0x38;
	[tilespmem:$0x1F300] =	vst v63  }
0x10: {  	_ =	swait.ge [sflag:s12], $0x10000  }
0x11: {  	[sflag:s12] =	ssyncset.done $0x0  }
0x12: {  	[sflag:s12] =	ssyncadd.s32 $0xFFFF0000  }
0x13: {  	[tilespmem:s11], [sflag:$0x3] =	stream.linear.gather [hbm4b:s6+s4], $0x180, $0x38;
	[tilespmem:$0x1F300] =	vst v63  }
0x14: {  	_ =	swait.ge [sflag:s12], $0x180  }
0x15: {  	[sflag:s12] =	ssyncset.done $0x0  }
0x16: {  	s24 =	simm.s32 $0x0;
	s25 =	simm.s32 $0x0;
	[sflag:s12] =	ssyncadd.s32 $0xFFFFFE80  }
.LBB2_2:
0x17: {  	v7 =	vmov s24  }
0x18: {  	v7 =	vmul.u32 $0x3, v7;
	_ =	sdelay $0x1  }
0x19: {  	v7 =	vbroadcast v7, $0x0;
	_ =	sdelay $0x1  }
0x1a: {  	v8 =	vadd.s32 v1, v7  }
0x1b: {  	v9 =	vadd.s32 v3, v7;
	v8 =	vand.u32 $0xFFFFFFF8, v8  }
0x1c: {  	v7 =	vadd.s32 v5, v7;
	v9 =	vand.u32 $0xFFFFFFF8, v9;
	v8 =	vor.u32 v2, v8  }
0x1d: {  	v7 =	vand.u32 $0xFFFFFFF8, v7;
	v9 =	vor.u32 v4, v9  }
0x1e: {  	v7 =	vor.u32 v6, v7;
	_ =	sdelay $0x2  }
0x1f: {  	v8 =	vld.idx.msk [tilespmem:v8+s11+$0x0], $0xffff  }
0x20: {  	v9 =	vld.idx.msk [tilespmem:v9+s11+$0x0], $0xffff  }
0x21: {  	v7 =	vld.idx.msk [tilespmem:v7+s11+$0x0], $0xffff;
	_ =	sdelay $0x3  }
0x22: {  	v8 =	vmul.f32 $5.000000000e-01, v8;
	v9 =	vmul.f32 $5.000000000e-01, v9  }
0x23: {  	v7 =	vmul.f32 $5.000000000e-01, v7  }
0x24: {  	v8 =	vadd.f32 $5.000000000e-01, v8;
	v9 =	vadd.f32 $5.000000000e-01, v9  }
0x25: {  	v7 =	vadd.f32 $5.000000000e-01, v7  }
0x26: {  	v10 =	vmul.f32 $3.100000000e+01, v8;
	v11 =	vmul.f32 $3.100000000e+01, v9  }
0x27: {  	v12 =	vmul.f32 $3.100000000e+01, v7;
	v18 =	vmul.f32 $6.300000000e+01, v8  }
0x28: {  	v20 =	vmul.f32 $6.300000000e+01, v9;
	v21 =	vmul.f32 $6.300000000e+01, v7  }
0x29: {  	v54 =	vmul.f32 $1.270000000e+02, v8;
	v56 =	vmul.f32 $1.270000000e+02, v9  }
0x2a: {  	v57 =	vmul.f32 $1.270000000e+02, v7;
	v9 =	vmul.f32 $2.550000000e+02, v9  }
0x2b: {  	v7 =	vmul.f32 $2.550000000e+02, v7;
	v13 =	vtrunc.f32 v10  }
0x2c: {  	v14 =	vtrunc.f32 v11;
	v15 =	vtrunc.f32 v12  }
0x2d: {  	v22 =	vtrunc.f32 v18;
	v44 =	vtrunc.f32 v20  }
0x2e: {  	v46 =	vtrunc.f32 v21;
	v58 =	vtrunc.f32 v54  }
0x2f: {  	v60 =	vtrunc.f32 v56;
	v62 =	vtrunc.f32 v57  }
0x30: {  	v13 =	vcvt.f32.s32 v13;
	v14 =	vcvt.f32.s32 v14  }
0x31: {  	v15 =	vcvt.f32.s32 v15;
	v43 =	vcvt.f32.s32 v22  }
0x32: {  	v45 =	vcvt.f32.s32 v44;
	v47 =	vcvt.f32.s32 v46  }
0x33: {  	v61 =	vcvt.f32.s32 v60;
	vm0 =	vlt.s32 v13, $0x1E;
	vm5 =	vlt.s32 v14, $0x1E  }
0x34: {  	vm6 =	vlt.s32 v15, $0x1E;
	vm7 =	vlt.s32 v43, $0x3E;
	vm8 =	vlt.s32 v45, $0x3E  }
0x35: {  	vm9 =	vlt.s32 v47, $0x3E;
	vm11 =	vlt.s32 v61, $0x7E;
	v13 =	vnsel vm0, $0x1E, v13  }
0x36: {  	v14 =	vnsel vm5, $0x1E, v14;
	v15 =	vnsel vm6, $0x1E, v15;
	v48 =	vnsel vm9, $0x3E, v47  }
0x37: {  	v25 =	vnsel vm11, $0x7E, v61;
	v16 =	vcvt.s32.f32 v13;
	v17 =	vcvt.s32.f32 v14  }
0x38: {  	v19 =	vcvt.s32.f32 v15;
	v13 =	vshll.u32 v13, $0xA;
	v14 =	vshll.u32 v14, $0x5  }
0x39: {  	v51 =	vcvt.s32.f32 v48;
	v31 =	vcvt.s32.f32 v25;
	v13 =	vadd.s32 v13, v14  }
0x3a: {  	s26 =	sshra.s32 s25, $0x2;
	v14 =	vand.u32 $0x3, v48;
	v10 =	vsub.f32 v10, v16;
	v13 =	vadd.s32 v15, v13  }
0x3b: {  	v11 =	vsub.f32 v11, v17;
	v12 =	vsub.f32 v12, v19;
	v16 =	vnsel vm7, $0x3E, v43;
	[tilespmem:s26+$0x10180] =	vst v13  }
0x3c: {  	v17 =	vnsel vm8, $0x3E, v45;
	v52 =	vsub.f32 v21, v51;
	v14 =	vcvt.s32.f32 v14;
	[tilespmem:s26+$0x10200] =	vst v10  }
0x3d: {  	v21 =	vcvt.f32.s32 v62;
	v33 =	vsub.f32 v56, v31;
	v49 =	vcvt.s32.f32 v16;
	[tilespmem:s26+$0x10280] =	vst v11  }
0x3e: {  	v50 =	vcvt.s32.f32 v17;
	v16 =	vshll.u32 v16, $0xC;
	v17 =	vshll.u32 v17, $0x6;
	[tilespmem:s26+$0x10300] =	vst v12  }
0x3f: {  	v16 =	vadd.s32 v16, v17;
	[tilespmem:s26+$0x11100] =	vst v14;
	vm12 =	vlt.s32 v21, $0x7E;
	v14 =	vshll.u32 v25, $0x7  }
0x40: {  	[tilespmem:s26+$0x11080] =	vst v52;
	v52 =	vtrunc.f32 v7;
	v18 =	vsub.f32 v18, v49;
	v15 =	vsub.f32 v20, v50  }
0x41: {  	[tilespmem:s26+$0x11200] =	vst v33;
	v53 =	vadd.s32 v48, v16;
	v20 =	vcvt.f32.s32 v58;
	v28 =	vnsel vm12, $0x7E, v21  }
0x42: {  	v50 =	vtrunc.f32 v9;
	v17 =	vcvt.f32.s32 v52;
	v55 =	vadd.s32 $0x8000, v53;
	[tilespmem:s26+$0x10F80] =	vst v18  }
0x43: {  	v59 =	vadd.s32 $0x8001, v53;
	v63 =	vadd.s32 $0x8040, v53;
	v11 =	vshra.s32 v55, $0x2;
	[tilespmem:s26+$0x11000] =	vst v15  }
0x44: {  	v27 =	vadd.s32 $0x8041, v53;
	v29 =	vadd.s32 $0x9000, v53;
	v13 =	vshra.s32 v59, $0x2;
	[tilespmem:s26+$0x10380] =	vst v11  }
0x45: {  	v30 =	vadd.s32 $0x9001, v53;
	v34 =	vadd.s32 $0x9040, v53;
	v15 =	vshra.s32 v63, $0x2;
	[tilespmem:s26+$0x10400] =	vst v13  }
0x46: {  	v10 =	vadd.s32 $0x9041, v53;
	v35 =	vcvt.s32.f32 v28;
	v32 =	vshra.s32 v29, $0x2;
	[tilespmem:s26+$0x10480] =	vst v15  }
0x47: {  	v39 =	vand.u32 $0x3, v28;
	vm10 =	vlt.s32 v20, $0x7E;
	v38 =	vshra.s32 v34, $0x2;
	[tilespmem:s26+$0x10580] =	vst v32  }
0x48: {  	v10 =	vshra.s32 v10, $0x2;
	vm15 =	vlt.s32 v17, $0xFE;
	v24 =	vnsel vm10, $0x7E, v20;
	[tilespmem:s26+$0x10680] =	vst v38  }
0x49: {  	v11 =	vshra.s32 v27, $0x2;
	v13 =	vshra.s32 v30, $0x2;
	v12 =	vsub.f32 v57, v35;
	[tilespmem:s26+$0x10700] =	vst v10  }
0x4a: {  	v58 =	vnsel vm15, $0xFE, v17;
	v26 =	vcvt.s32.f32 v24;
	[tilespmem:s26+$0x10500] =	vst v11;
	v36 =	vshll.u32 v24, $0xE  }
0x4b: {  	[tilespmem:s26+$0x10600] =	vst v13;
	v60 =	vcvt.s32.f32 v58;
	v37 =	vadd.s32 v36, v14;
	v14 =	vcvt.s32.f32 v39  }
0x4c: {  	v8 =	vmul.f32 $2.550000000e+02, v8;
	v51 =	vcvt.f32.s32 v50;
	[tilespmem:s26+$0x11280] =	vst v12;
	v16 =	vsub.f32 v54, v26  }
0x4d: {  	v13 =	vadd.s32 v28, v37;
	v7 =	vsub.f32 v7, v60;
	[tilespmem:s26+$0x11300] =	vst v14  }
0x4e: {  	v48 =	vtrunc.f32 v8;
	vm14 =	vlt.s32 v51, $0xFE;
	v40 =	vadd.s32 $0x48000, v13;
	[tilespmem:s26+$0x11180] =	vst v16  }
0x4f: {  	v41 =	vadd.s32 $0x48001, v13;
	v10 =	vshra.s32 v40, $0x2;
	v16 =	vcvt.f32.s32 v48;
	[tilespmem:s26+$0x11480] =	vst v7  }
0x50: {  	v55 =	vnsel vm14, $0xFE, v51;
	v42 =	vadd.s32 $0x48080, v13;
	v15 =	vshra.s32 v41, $0x2;
	[tilespmem:s26+$0x10780] =	vst v10  }
0x51: {  	v44 =	vadd.s32 $0x48081, v13;
	v43 =	vshra.s32 v42, $0x2;
	[tilespmem:s26+$0x10800] =	vst v15;
	vm13 =	vlt.s32 v16, $0xFE  }
0x52: {  	v46 =	vadd.s32 $0x4C000, v13;
	v45 =	vshra.s32 v44, $0x2;
	[tilespmem:s26+$0x10880] =	vst v43;
	v54 =	vnsel vm13, $0xFE, v16  }
0x53: {  	v49 =	vadd.s32 $0x4C001, v13;
	v47 =	vshra.s32 v46, $0x2;
	[tilespmem:s26+$0x10900] =	vst v45;
	v56 =	vcvt.s32.f32 v54  }
0x54: {  	v59 =	vcvt.s32.f32 v55;
	v57 =	vadd.s32 $0x4C081, v13;
	v10 =	vshra.s32 v49, $0x2;
	[tilespmem:s26+$0x10980] =	vst v47  }
0x55: {  	v62 =	vshll.u32 v55, $0x8;
	[tilespmem:s26+$0x10A00] =	vst v10;
	v10 =	vshra.s32 v57, $0x2;
	v8 =	vsub.f32 v8, v56  }
0x56: {  	v53 =	vadd.s32 $0x4C080, v13;
	v9 =	vsub.f32 v9, v59;
	[tilespmem:s26+$0x10B00] =	vst v10;
	v61 =	vshll.u32 v54, $0x10  }
0x57: {  	v11 =	vshra.s32 v53, $0x2;
	v10 =	vadd.s32 v61, v62;
	[tilespmem:s26+$0x11380] =	vst v8;
	v8 =	vand.u32 $0x3, v58  }
0x58: {  	[tilespmem:s26+$0x10A80] =	vst v11;
	v10 =	vadd.s32 v58, v10;
	v8 =	vcvt.s32.f32 v8  }
0x59: {  	[tilespmem:s26+$0x11400] =	vst v9;
	v63 =	vadd.s32 $0x248000, v10  }
0x5a: {  	v7 =	vshra.s32 v63, $0x2;
	[tilespmem:s26+$0x11500] =	vst v8;
	v8 =	vadd.s32 $0x248001, v10  }
0x5b: {  	[tilespmem:s26+$0x10B80] =	vst v7;
	v7 =	vshra.s32 v8, $0x2;
	v8 =	vadd.s32 $0x248100, v10  }
0x5c: {  	[tilespmem:s26+$0x10C00] =	vst v7;
	v7 =	vshra.s32 v8, $0x2;
	v8 =	vadd.s32 $0x248101, v10  }
0x5d: {  	p0 =	sne.s32 s25, $0x1C0;
	[tilespmem:s26+$0x10C80] =	vst v7;
	v7 =	vshra.s32 v8, $0x2;
	v8 =	vadd.s32 $0x258000, v10  }
.Ltmp0:
0x5e: {  	[tilespmem:s26+$0x10D00] =	vst v7;
	v7 =	vshra.s32 v8, $0x2;
	v8 =	vadd.s32 $0x258001, v10;
	(pc) =	sbr.rel @p0 .LBB2_2-.Ltmp0, $4  }
0x5f: {  	[tilespmem:s26+$0x10D80] =	vst v7;
	v7 =	vshra.s32 v8, $0x2;
	v8 =	vadd.s32 $0x258100, v10  }
0x60: {  	[tilespmem:s26+$0x10E00] =	vst v7;
	v7 =	vshra.s32 v8, $0x2;
	v8 =	vadd.s32 $0x258101, v10  }
0x61: {  	[tilespmem:s26+$0x10E80] =	vst v7;
	v7 =	vshra.s32 v8, $0x2  }
0x62: {  	s24 =	sadd.s32 $0x10, s24;
	s25 =	sadd.s32 $0x40, s25;
	[tilespmem:s26+$0x10F00] =	vst v7  }
0x63: {  	[tilespmem:s15], [sflag:$0x1] =	stream.indirect.gather [hbm4b:s2+s13], $0x8, s14, s13, $0xb8;
	[tilespmem:$0x1F300] =	vst v63  }
0x64: {  	s24 =	simm.s32 $0x0;
	s25 =	simm.s32 $0x0  }
.LBB2_4:
0x65: {  	s28 =	sshll.u32 s25, $0x8  }
0x66: {  	s26 =	sor.u32 s7, s28  }
0x67: {  	s0 =	smul.u32 $0x3, s26;
	_ =	sdelay $0x1  }
0x68: {  	s0 =	sshrl.u32 s0, $0x3  }
0x69: {  	s0 =	sadd.s32 s5, s0  }
0x6a: {  	[tilespmem:s16], [sflag:$0x3] =	stream.linear.gather [hbm4b:s0+s24], $0x180, $0x38;
	[tilespmem:$0x1F300] =	vst v63  }
0x6b: {  	_ =	swait.ge [sflag:s12], $0x180  }
0x6c: {  	[sflag:s12] =	ssyncset.done $0x0  }
0x6d: {  	s29 =	simm.s32 $0x0;
	s30 =	simm.s32 $0x0;
	[sflag:s12] =	ssyncadd.s32 $0xFFFFFE80  }
.LBB2_5:
0x6e: {  	v7 =	vmov s29  }
0x6f: {  	v7 =	vmul.u32 $0x3, v7;
	_ =	sdelay $0x1  }
0x70: {  	v7 =	vbroadcast v7, $0x0;
	_ =	sdelay $0x1  }
0x71: {  	v8 =	vadd.s32 v1, v7  }
0x72: {  	v9 =	vadd.s32 v3, v7;
	v8 =	vand.u32 $0xFFFFFFF8, v8  }
0x73: {  	v7 =	vadd.s32 v5, v7;
	v9 =	vand.u32 $0xFFFFFFF8, v9;
	v8 =	vor.u32 v2, v8  }
0x74: {  	v7 =	vand.u32 $0xFFFFFFF8, v7;
	v9 =	vor.u32 v4, v9  }
0x75: {  	v7 =	vor.u32 v6, v7;
	_ =	sdelay $0x2  }
0x76: {  	v8 =	vld.idx.msk [tilespmem:v8+s16+$0x0], $0xffff  }
0x77: {  	v9 =	vld.idx.msk [tilespmem:v9+s16+$0x0], $0xffff  }
0x78: {  	v7 =	vld.idx.msk [tilespmem:v7+s16+$0x0], $0xffff;
	_ =	sdelay $0x3  }
0x79: {  	v8 =	vmul.f32 $5.000000000e-01, v8;
	v9 =	vmul.f32 $5.000000000e-01, v9  }
0x7a: {  	v7 =	vmul.f32 $5.000000000e-01, v7  }
0x7b: {  	v8 =	vadd.f32 $5.000000000e-01, v8;
	v9 =	vadd.f32 $5.000000000e-01, v9  }
0x7c: {  	v7 =	vadd.f32 $5.000000000e-01, v7  }
0x7d: {  	v10 =	vmul.f32 $3.100000000e+01, v8;
	v11 =	vmul.f32 $3.100000000e+01, v9  }
0x7e: {  	v12 =	vmul.f32 $3.100000000e+01, v7;
	v18 =	vmul.f32 $6.300000000e+01, v8  }
0x7f: {  	v20 =	vmul.f32 $6.300000000e+01, v9;
	v21 =	vmul.f32 $6.300000000e+01, v7  }
0x80: {  	v54 =	vmul.f32 $1.270000000e+02, v8;
	v56 =	vmul.f32 $1.270000000e+02, v9  }
0x81: {  	v57 =	vmul.f32 $1.270000000e+02, v7;
	v9 =	vmul.f32 $2.550000000e+02, v9  }
0x82: {  	v7 =	vmul.f32 $2.550000000e+02, v7;
	v13 =	vtrunc.f32 v10  }
0x83: {  	v14 =	vtrunc.f32 v11;
	v15 =	vtrunc.f32 v12  }
0x84: {  	v22 =	vtrunc.f32 v18;
	v44 =	vtrunc.f32 v20  }
0x85: {  	v46 =	vtrunc.f32 v21;
	v58 =	vtrunc.f32 v54  }
0x86: {  	v60 =	vtrunc.f32 v56;
	v62 =	vtrunc.f32 v57  }
0x87: {  	v13 =	vcvt.f32.s32 v13;
	v14 =	vcvt.f32.s32 v14  }
0x88: {  	v15 =	vcvt.f32.s32 v15;
	v43 =	vcvt.f32.s32 v22  }
0x89: {  	v45 =	vcvt.f32.s32 v44;
	v47 =	vcvt.f32.s32 v46  }
0x8a: {  	v61 =	vcvt.f32.s32 v60;
	vm0 =	vlt.s32 v13, $0x1E;
	vm5 =	vlt.s32 v14, $0x1E  }
0x8b: {  	vm6 =	vlt.s32 v15, $0x1E;
	vm7 =	vlt.s32 v43, $0x3E;
	vm8 =	vlt.s32 v45, $0x3E  }
0x8c: {  	vm9 =	vlt.s32 v47, $0x3E;
	vm11 =	vlt.s32 v61, $0x7E;
	v13 =	vnsel vm0, $0x1E, v13  }
0x8d: {  	v14 =	vnsel vm5, $0x1E, v14;
	v15 =	vnsel vm6, $0x1E, v15;
	v48 =	vnsel vm9, $0x3E, v47  }
0x8e: {  	v25 =	vnsel vm11, $0x7E, v61;
	v16 =	vcvt.s32.f32 v13;
	v17 =	vcvt.s32.f32 v14  }
0x8f: {  	v19 =	vcvt.s32.f32 v15;
	v13 =	vshll.u32 v13, $0xA;
	v14 =	vshll.u32 v14, $0x5  }
0x90: {  	v51 =	vcvt.s32.f32 v48;
	v31 =	vcvt.s32.f32 v25;
	v13 =	vadd.s32 v13, v14  }
0x91: {  	s31 =	sshra.s32 s30, $0x2;
	v14 =	vand.u32 $0x3, v48;
	v10 =	vsub.f32 v10, v16;
	v13 =	vadd.s32 v15, v13  }
0x92: {  	v11 =	vsub.f32 v11, v17;
	v12 =	vsub.f32 v12, v19;
	v16 =	vnsel vm7, $0x3E, v43;
	[tilespmem:s31+$0x17B00] =	vst v13  }
0x93: {  	v17 =	vnsel vm8, $0x3E, v45;
	v52 =	vsub.f32 v21, v51;
	v14 =	vcvt.s32.f32 v14;
	[tilespmem:s31+$0x17B80] =	vst v10  }
0x94: {  	v21 =	vcvt.f32.s32 v62;
	v33 =	vsub.f32 v56, v31;
	v49 =	vcvt.s32.f32 v16;
	[tilespmem:s31+$0x17C00] =	vst v11  }
0x95: {  	v50 =	vcvt.s32.f32 v17;
	v16 =	vshll.u32 v16, $0xC;
	v17 =	vshll.u32 v17, $0x6;
	[tilespmem:s31+$0x17C80] =	vst v12  }
0x96: {  	v16 =	vadd.s32 v16, v17;
	[tilespmem:s31+$0x18A80] =	vst v14;
	vm12 =	vlt.s32 v21, $0x7E;
	v14 =	vshll.u32 v25, $0x7  }
0x97: {  	[tilespmem:s31+$0x18A00] =	vst v52;
	v52 =	vtrunc.f32 v7;
	v18 =	vsub.f32 v18, v49;
	v15 =	vsub.f32 v20, v50  }
0x98: {  	[tilespmem:s31+$0x18B80] =	vst v33;
	v53 =	vadd.s32 v48, v16;
	v20 =	vcvt.f32.s32 v58;
	v28 =	vnsel vm12, $0x7E, v21  }
0x99: {  	v50 =	vtrunc.f32 v9;
	v17 =	vcvt.f32.s32 v52;
	v55 =	vadd.s32 $0x8000, v53;
	[tilespmem:s31+$0x18900] =	vst v18  }
0x9a: {  	v59 =	vadd.s32 $0x8001, v53;
	v63 =	vadd.s32 $0x8040, v53;
	v11 =	vshra.s32 v55, $0x2;
	[tilespmem:s31+$0x18980] =	vst v15  }
0x9b: {  	v27 =	vadd.s32 $0x8041, v53;
	v29 =	vadd.s32 $0x9000, v53;
	v13 =	vshra.s32 v59, $0x2;
	[tilespmem:s31+$0x17D00] =	vst v11  }
0x9c: {  	v30 =	vadd.s32 $0x9001, v53;
	v34 =	vadd.s32 $0x9040, v53;
	v15 =	vshra.s32 v63, $0x2;
	[tilespmem:s31+$0x17D80] =	vst v13  }
0x9d: {  	v10 =	vadd.s32 $0x9041, v53;
	v35 =	vcvt.s32.f32 v28;
	v32 =	vshra.s32 v29, $0x2;
	[tilespmem:s31+$0x17E00] =	vst v15  }
0x9e: {  	v39 =	vand.u32 $0x3, v28;
	vm10 =	vlt.s32 v20, $0x7E;
	v38 =	vshra.s32 v34, $0x2;
	[tilespmem:s31+$0x17F00] =	vst v32  }
0x9f: {  	v10 =	vshra.s32 v10, $0x2;
	vm15 =	vlt.s32 v17, $0xFE;
	v24 =	vnsel vm10, $0x7E, v20;
	[tilespmem:s31+$0x18000] =	vst v38  }
0xa0: {  	v11 =	vshra.s32 v27, $0x2;
	v13 =	vshra.s32 v30, $0x2;
	v12 =	vsub.f32 v57, v35;
	[tilespmem:s31+$0x18080] =	vst v10  }
0xa1: {  	v58 =	vnsel vm15, $0xFE, v17;
	v26 =	vcvt.s32.f32 v24;
	[tilespmem:s31+$0x17E80] =	vst v11;
	v36 =	vshll.u32 v24, $0xE  }
0xa2: {  	[tilespmem:s31+$0x17F80] =	vst v13;
	v60 =	vcvt.s32.f32 v58;
	v37 =	vadd.s32 v36, v14;
	v14 =	vcvt.s32.f32 v39  }
0xa3: {  	v8 =	vmul.f32 $2.550000000e+02, v8;
	v51 =	vcvt.f32.s32 v50;
	[tilespmem:s31+$0x18C00] =	vst v12;
	v16 =	vsub.f32 v54, v26  }
0xa4: {  	v13 =	vadd.s32 v28, v37;
	v7 =	vsub.f32 v7, v60;
	[tilespmem:s31+$0x18C80] =	vst v14  }
0xa5: {  	v48 =	vtrunc.f32 v8;
	vm14 =	vlt.s32 v51, $0xFE;
	v40 =	vadd.s32 $0x48000, v13;
	[tilespmem:s31+$0x18B00] =	vst v16  }
0xa6: {  	v41 =	vadd.s32 $0x48001, v13;
	v10 =	vshra.s32 v40, $0x2;
	v16 =	vcvt.f32.s32 v48;
	[tilespmem:s31+$0x18E00] =	vst v7  }
0xa7: {  	v55 =	vnsel vm14, $0xFE, v51;
	v42 =	vadd.s32 $0x48080, v13;
	v15 =	vshra.s32 v41, $0x2;
	[tilespmem:s31+$0x18100] =	vst v10  }
0xa8: {  	v44 =	vadd.s32 $0x48081, v13;
	v43 =	vshra.s32 v42, $0x2;
	[tilespmem:s31+$0x18180] =	vst v15;
	vm13 =	vlt.s32 v16, $0xFE  }
0xa9: {  	v46 =	vadd.s32 $0x4C000, v13;
	v45 =	vshra.s32 v44, $0x2;
	[tilespmem:s31+$0x18200] =	vst v43;
	v54 =	vnsel vm13, $0xFE, v16  }
0xaa: {  	v49 =	vadd.s32 $0x4C001, v13;
	v47 =	vshra.s32 v46, $0x2;
	[tilespmem:s31+$0x18280] =	vst v45;
	v56 =	vcvt.s32.f32 v54  }
0xab: {  	v59 =	vcvt.s32.f32 v55;
	v57 =	vadd.s32 $0x4C081, v13;
	v10 =	vshra.s32 v49, $0x2;
	[tilespmem:s31+$0x18300] =	vst v47  }
0xac: {  	v62 =	vshll.u32 v55, $0x8;
	[tilespmem:s31+$0x18380] =	vst v10;
	v10 =	vshra.s32 v57, $0x2;
	v8 =	vsub.f32 v8, v56  }
0xad: {  	v53 =	vadd.s32 $0x4C080, v13;
	v9 =	vsub.f32 v9, v59;
	[tilespmem:s31+$0x18480] =	vst v10;
	v61 =	vshll.u32 v54, $0x10  }
0xae: {  	v11 =	vshra.s32 v53, $0x2;
	v10 =	vadd.s32 v61, v62;
	[tilespmem:s31+$0x18D00] =	vst v8;
	v8 =	vand.u32 $0x3, v58  }
0xaf: {  	[tilespmem:s31+$0x18400] =	vst v11;
	v10 =	vadd.s32 v58, v10;
	v8 =	vcvt.s32.f32 v8  }
0xb0: {  	[tilespmem:s31+$0x18D80] =	vst v9;
	v63 =	vadd.s32 $0x248000, v10  }
0xb1: {  	v7 =	vshra.s32 v63, $0x2;
	[tilespmem:s31+$0x18E80] =	vst v8;
	v8 =	vadd.s32 $0x248001, v10  }
0xb2: {  	[tilespmem:s31+$0x18500] =	vst v7;
	v7 =	vshra.s32 v8, $0x2;
	v8 =	vadd.s32 $0x248100, v10  }
0xb3: {  	[tilespmem:s31+$0x18580] =	vst v7;
	v7 =	vshra.s32 v8, $0x2;
	v8 =	vadd.s32 $0x248101, v10  }
0xb4: {  	p0 =	sne.s32 s30, $0x1C0;
	[tilespmem:s31+$0x18600] =	vst v7;
	v7 =	vshra.s32 v8, $0x2;
	v8 =	vadd.s32 $0x258000, v10  }
.Ltmp1:
0xb5: {  	[tilespmem:s31+$0x18680] =	vst v7;
	v7 =	vshra.s32 v8, $0x2;
	v8 =	vadd.s32 $0x258001, v10;
	(pc) =	sbr.rel @p0 .LBB2_5-.Ltmp1, $4  }
0xb6: {  	[tilespmem:s31+$0x18700] =	vst v7;
	v7 =	vshra.s32 v8, $0x2;
	v8 =	vadd.s32 $0x258100, v10  }
0xb7: {  	[tilespmem:s31+$0x18780] =	vst v7;
	v7 =	vshra.s32 v8, $0x2;
	v8 =	vadd.s32 $0x258101, v10  }
0xb8: {  	[tilespmem:s31+$0x18800] =	vst v7;
	v7 =	vshra.s32 v8, $0x2  }
0xb9: {  	s29 =	sadd.s32 $0x10, s29;
	s30 =	sadd.s32 $0x40, s30;
	[tilespmem:s31+$0x18880] =	vst v7  }
0xba: {  	[tilespmem:s18], [sflag:$0x2] =	stream.indirect.gather [hbm4b:s2+s13], $0x8, s17, s13, $0xb8;
	[tilespmem:$0x1F300] =	vst v63  }
0xbb: {  	_ =	swait.ge [sflag:s19], $0x6000  }
0xbc: {  	s29 =	simm.s32 $0x0;
	s30 =	simm.s32 $0x10300;
	[sflag:s19] =	ssyncset.done $0x0  }
0xbd: {  	s31 =	simm.s32 $0x10180;
	s0 =	simm.s32 $0x0;
	[sflag:s19] =	ssyncadd.s32 $0xFFFFA000  }
.LBB2_7:
0xbe: {  	v7 =	vld [tilespmem:s31+$0x0];
	_ =	sdelay $0x4  }
0xbf: {  	v7 =	vshll.u32 v7, $0x1  }
0xc0: {  	v12 =	vadd.s32 $0x2, v7  }
0xc1: {  	v13 =	vadd.s32 $0x3, v7  }
0xc2: {  	v18 =	vadd.s32 $0x42, v7  }
0xc3: {  	v15 =	vld [tilespmem:s30+$0x0];
	v19 =	vadd.s32 $0x43, v7  }
0xc4: {  	v22 =	vadd.s32 $0x802, v7;
	v17 =	vld.idx.msk [tilespmem:v7+s29+$0x0], $0xffff  }
0xc5: {  	v8 =	vand.u32 $0x6, v7;
	v23 =	vadd.s32 $0x803, v7;
	v12 =	vld.idx.msk [tilespmem:v12+s29+$0x0], $0xffff  }
0xc6: {  	v9 =	vand.u32 $0xFFFFFFF8, v7;
	v24 =	vadd.s32 $0x842, v7;
	v10 =	vor.u32 $0x1, v8;
	v13 =	vld.idx.msk [tilespmem:v13+s29+$0x0], $0xffff  }
0xc7: {  	v14 =	vadd.s32 $0x40, v9;
	v11 =	vor.u32 v9, v10;
	v18 =	vld.idx.msk [tilespmem:v18+s29+$0x0], $0xffff  }
0xc8: {  	v16 =	vor.u32 v8, v14;
	v19 =	vld.idx.msk [tilespmem:v19+s29+$0x0], $0xffff  }
0xc9: {  	v20 =	vadd.s32 $0x800, v9;
	v14 =	vor.u32 v10, v14;
	v45 =	vld.idx.msk [tilespmem:v22+s29+$0x0], $0xffff  }
0xca: {  	v21 =	vor.u32 v8, v20;
	v46 =	vld.idx.msk [tilespmem:v23+s29+$0x0], $0xffff  }
0xcb: {  	v20 =	vor.u32 v10, v20;
	v9 =	vadd.s32 $0x840, v9;
	v47 =	vld.idx.msk [tilespmem:v24+s29+$0x0], $0xffff  }
0xcc: {  	v8 =	vor.u32 v8, v9;
	v11 =	vld.idx.msk [tilespmem:v11+s29+$0x0], $0xffff  }
0xcd: {  	v9 =	vor.u32 v10, v9;
	v16 =	vld.idx.msk [tilespmem:v16+s29+$0x0], $0xffff  }
0xce: {  	v7 =	vadd.s32 $0x843, v7;
	v14 =	vld.idx.msk [tilespmem:v14+s29+$0x0], $0xffff  }
0xcf: {  	v21 =	vld.idx.msk [tilespmem:v21+s29+$0x0], $0xffff  }
0xd0: {  	v20 =	vld.idx.msk [tilespmem:v20+s29+$0x0], $0xffff  }
0xd1: {  	v8 =	vld.idx.msk [tilespmem:v8+s29+$0x0], $0xffff  }
0xd2: {  	v9 =	vld.idx.msk [tilespmem:v9+s29+$0x0], $0xffff  }
0xd3: {  	v7 =	vld.idx.msk [tilespmem:v7+s29+$0x0], $0xffff;
	v12 =	vsub.f32 v12, v17  }
0xd4: {  	v18 =	vsub.f32 v18, v16;
	v10 =	vsub.f32 v45, v21  }
0xd5: {  	v12 =	vmul.f32 v12, v15;
	v13 =	vsub.f32 v13, v11;
	v49 =	vsub.f32 v19, v14  }
0xd6: {  	v50 =	vsub.f32 v46, v20;
	v48 =	vsub.f32 v47, v8  }
0xd7: {  	v18 =	vmul.f32 v18, v15;
	v12 =	vadd.f32 v12, v17;
	v10 =	vmul.f32 v10, v15  }
0xd8: {  	v7 =	vsub.f32 v7, v9;
	v13 =	vmul.f32 v13, v15;
	v52 =	vmul.f32 v50, v15  }
0xd9: {  	v17 =	vmul.f32 v48, v15;
	v16 =	vadd.f32 v18, v16;
	v10 =	vadd.f32 v10, v21  }
0xda: {  	v51 =	vld [tilespmem:s30+$0xFFFFFF80];
	v18 =	vmul.f32 v49, v15;
	v7 =	vmul.f32 v7, v15;
	v11 =	vadd.f32 v13, v11  }
0xdb: {  	v54 =	vadd.f32 v52, v20;
	v8 =	vadd.f32 v17, v8  }
0xdc: {  	v53 =	vadd.f32 v18, v14;
	v7 =	vadd.f32 v7, v9  }
0xdd: {  	v55 =	vsub.f32 v16, v12;
	v8 =	vsub.f32 v8, v10  }
0xde: {  	v13 =	vsub.f32 v53, v11;
	v7 =	vsub.f32 v7, v54  }
0xdf: {  	v9 =	vmul.f32 v55, v51;
	v8 =	vmul.f32 v8, v51  }
0xe0: {  	v56 =	vld [tilespmem:s30+$0xFFFFFF00];
	v13 =	vmul.f32 v13, v51;
	v57 =	vmul.f32 v7, v51  }
0xe1: {  	v58 =	vmov s0;
	v9 =	vadd.f32 v9, v12;
	v8 =	vadd.f32 v8, v10  }
0xe2: {  	v7 =	vmul.u32 $0x8, v0;
	v59 =	vadd.f32 v13, v11;
	v60 =	vadd.f32 v57, v54  }
0xe3: {  	v61 =	vshll.u32 v58, $0x3;
	v8 =	vsub.f32 v8, v9  }
0xe4: {  	v12 =	vor.u32 v7, v61;
	v11 =	vsub.f32 v60, v59  }
0xe5: {  	p0 =	sne.s32 s0, $0x70;
	v62 =	vor.u32 $0x1, v12;
	v8 =	vmul.f32 v8, v56  }
.Ltmp2:
0xe6: {  	v11 =	vmul.f32 v11, v56;
	(pc) =	sbr.rel @p0 .LBB2_7-.Ltmp2, $4  }
0xe7: {  	v8 =	vadd.f32 v8, v9  }
0xe8: {  	v63 =	vadd.f32 v11, v59  }
0xe9: {  	[tilespmem:v12+s20+$0x0] =	vst.idx.msk $0xffff, v8  }
0xea: {  	s30 =	sadd.s32 $0x10, s30;
	s31 =	sadd.s32 $0x10, s31;
	s0 =	sadd.s32 $0x10, s0;
	[tilespmem:v62+s20+$0x0] =	vst.idx.msk $0xffff, v63  }
0xeb: {  	s30 =	simm.s32 $0x11080  }
.LBB2_9:
0xec: {  	v8 =	vld [tilespmem:s30+$0x80];
	_ =	sdelay $0x4  }
0xed: {  	v8 =	vtrunc.f32 v8  }
0xee: {  	v8 =	vcvt.f32.s32 v8  }
0xef: {  	v9 =	vmov s29;
	v16 =	vor.u32 $0x400, v7  }
0xf0: {  	v18 =	vor.u32 $0x800, v7;
	v9 =	vshll.u32 v9, $0x3;
	v8 =	vshll.u32 v8, $0x1  }
0xf1: {  	v22 =	vor.u32 $0x1000, v7;
	v12 =	vor.u32 v7, v9;
	v11 =	vand.u32 $0xFFFFFFF8, v8  }
0xf2: {  	v10 =	vadd.s32 $0x2, v8;
	v8 =	vand.u32 $0x6, v8;
	v13 =	vadd.s32 v12, v11  }
0xf3: {  	v17 =	vor.u32 v16, v9;
	v15 =	vor.u32 $0x1, v8;
	v14 =	vor.u32 v8, v13  }
0xf4: {  	v21 =	vadd.s32 v18, v9;
	v10 =	vand.u32 $0x6, v10;
	v13 =	vor.u32 v15, v13  }
0xf5: {  	v26 =	vadd.s32 v22, v9;
	v23 =	vadd.s32 v21, v11;
	v19 =	vor.u32 v17, v10  }
0xf6: {  	v28 =	vadd.s32 v26, v11;
	v27 =	vor.u32 v8, v23  }
0xf7: {  	v24 =	vld [tilespmem:s30+$0x0];
	v21 =	vor.u32 $0xC00, v7;
	v31 =	vor.u32 v8, v28  }
0xf8: {  	v26 =	vor.u32 $0x1800, v7;
	v20 =	vor.u32 $0x1, v10;
	v32 =	vor.u32 v15, v28;
	v14 =	vld.idx.msk [tilespmem:v14+s15+$0x0], $0xffff  }
0xf9: {  	v25 =	vor.u32 v21, v9;
	v35 =	vadd.s32 v26, v9;
	v17 =	vor.u32 v17, v20;
	v13 =	vld.idx.msk [tilespmem:v13+s15+$0x0], $0xffff  }
0xfa: {  	v29 =	vor.u32 v25, v10;
	v11 =	vadd.s32 v35, v11;
	v19 =	vld.idx.msk [tilespmem:v19+s15+$0x0], $0xffff  }
0xfb: {  	v30 =	vor.u32 v25, v20;
	v25 =	vor.u32 $0x1400, v7;
	v8 =	vor.u32 v8, v11;
	v27 =	vld.idx.msk [tilespmem:v27+s15+$0x0], $0xffff  }
0xfc: {  	v33 =	vor.u32 v25, v9;
	v11 =	vor.u32 v15, v11;
	v31 =	vld.idx.msk [tilespmem:v31+s15+$0x0], $0xffff  }
0xfd: {  	v28 =	vor.u32 $0x1C00, v7;
	v34 =	vor.u32 v33, v10;
	v32 =	vld.idx.msk [tilespmem:v32+s15+$0x0], $0xffff  }
0xfe: {  	v9 =	vor.u32 v28, v9;
	v33 =	vor.u32 v33, v20;
	v17 =	vld.idx.msk [tilespmem:v17+s15+$0x0], $0xffff  }
0xff: {  	v10 =	vor.u32 v9, v10;
	v29 =	vld.idx.msk [tilespmem:v29+s15+$0x0], $0xffff  }
0x100: {  	v9 =	vor.u32 v9, v20;
	v8 =	vld.idx.msk [tilespmem:v8+s15+$0x0], $0xffff  }
0x101: {  	v23 =	vor.u32 v15, v23;
	v11 =	vld.idx.msk [tilespmem:v11+s15+$0x0], $0xffff  }
0x102: {  	v15 =	vld.idx.msk [tilespmem:v34+s15+$0x0], $0xffff  }
0x103: {  	v20 =	vld.idx.msk [tilespmem:v33+s15+$0x0], $0xffff  }
0x104: {  	v10 =	vld.idx.msk [tilespmem:v10+s15+$0x0], $0xffff  }
0x105: {  	v9 =	vld.idx.msk [tilespmem:v9+s15+$0x0], $0xffff  }
0x106: {  	v23 =	vld.idx.msk [tilespmem:v23+s15+$0x0], $0xffff;
	v19 =	vsub.f32 v19, v14  }
0x107: {  	v30 =	vld.idx.msk [tilespmem:v30+s15+$0x0], $0xffff;
	v29 =	vsub.f32 v29, v27  }
0x108: {  	v17 =	vsub.f32 v17, v13;
	v19 =	vmul.f32 v19, v24  }
0x109: {  	v29 =	vmul.f32 v29, v24;
	v15 =	vsub.f32 v15, v31;
	v10 =	vsub.f32 v10, v8  }
0x10a: {  	v20 =	vsub.f32 v20, v32;
	v9 =	vsub.f32 v9, v11  }
0x10b: {  	v17 =	vmul.f32 v17, v24;
	v14 =	vadd.f32 v19, v14;
	v19 =	vadd.f32 v29, v27  }
0x10c: {  	v15 =	vmul.f32 v15, v24;
	v27 =	vsub.f32 v30, v23;
	v10 =	vmul.f32 v10, v24  }
0x10d: {  	v61 =	vmul.f32 v20, v24;
	v9 =	vmul.f32 v9, v24  }
0x10e: {  	v29 =	vld [tilespmem:s30+$0xFFFFFF80];
	v13 =	vadd.f32 v17, v13;
	v15 =	vadd.f32 v15, v31;
	v27 =	vmul.f32 v27, v24  }
0x10f: {  	v8 =	vadd.f32 v10, v8;
	v10 =	vadd.f32 v61, v32  }
0x110: {  	v9 =	vadd.f32 v9, v11;
	v17 =	vadd.f32 v27, v23  }
0x111: {  	v62 =	vsub.f32 v19, v14;
	v8 =	vsub.f32 v8, v15  }
0x112: {  	v9 =	vsub.f32 v9, v10;
	v17 =	vsub.f32 v17, v13  }
0x113: {  	v11 =	vmul.f32 v62, v29;
	v8 =	vmul.f32 v8, v29  }
0x114: {  	v19 =	vld [tilespmem:s30+$0xFFFFFF00];
	v9 =	vmul.f32 v9, v29;
	v17 =	vmul.f32 v17, v29  }
0x115: {  	v11 =	vadd.f32 v11, v14;
	v8 =	vadd.f32 v8, v15  }
0x116: {  	v9 =	vadd.f32 v9, v10;
	v13 =	vadd.f32 v17, v13  }
0x117: {  	v8 =	vsub.f32 v8, v11  }
0x118: {  	v63 =	vor.u32 $0x2, v12;
	v9 =	vsub.f32 v9, v13  }
0x119: {  	p0 =	sne.s32 s29, $0x70;
	v12 =	vor.u32 $0x3, v12;
	v8 =	vmul.f32 v8, v19  }
.Ltmp3:
0x11a: {  	v9 =	vmul.f32 v9, v19;
	(pc) =	sbr.rel @p0 .LBB2_9-.Ltmp3, $4  }
0x11b: {  	v8 =	vadd.f32 v8, v11  }
0x11c: {  	v9 =	vadd.f32 v9, v13  }
0x11d: {  	[tilespmem:v63+s20+$0x0] =	vst.idx.msk $0xffff, v8  }
0x11e: {  	s29 =	sadd.s32 $0x10, s29;
	s30 =	sadd.s32 $0x10, s30;
	[tilespmem:v12+s20+$0x0] =	vst.idx.msk $0xffff, v9  }
0x11f: {  	s30 =	simm.s32 $0x0;
	s29 =	simm.s32 $0x11280;
	s31 =	simm.s32 $0x0  }
.LBB2_11:
0x120: {  	v8 =	vld [tilespmem:s29+$0x80];
	_ =	sdelay $0x4  }
0x121: {  	v8 =	vtrunc.f32 v8  }
0x122: {  	v8 =	vcvt.f32.s32 v8  }
0x123: {  	v9 =	vmov s31;
	v17 =	vor.u32 $0x2000, v7  }
0x124: {  	v19 =	vor.u32 $0x2400, v7;
	v9 =	vshll.u32 v9, $0x3;
	v8 =	vshll.u32 v8, $0x1  }
0x125: {  	v20 =	vor.u32 $0x2800, v7;
	v12 =	vadd.s32 v17, v9;
	v11 =	vand.u32 $0xFFFFFFF8, v8  }
0x126: {  	v10 =	vadd.s32 $0x2, v8;
	v8 =	vand.u32 $0x6, v8;
	v12 =	vadd.s32 v12, v11  }
0x127: {  	v15 =	vor.u32 v19, v9;
	v14 =	vor.u32 $0x1, v8;
	v13 =	vor.u32 v8, v12  }
0x128: {  	v23 =	vadd.s32 v20, v9;
	v10 =	vand.u32 $0x6, v10;
	v12 =	vor.u32 v14, v12  }
0x129: {  	v24 =	vor.u32 $0x3000, v7;
	v29 =	vadd.s32 v23, v11;
	v27 =	vor.u32 v15, v10  }
0x12a: {  	v35 =	vadd.s32 v24, v9;
	v30 =	vor.u32 v8, v29  }
0x12b: {  	v32 =	vld [tilespmem:s29+$0x0];
	v35 =	vadd.s32 v35, v11;
	v33 =	vor.u32 v14, v29  }
0x12c: {  	v23 =	vor.u32 $0x2C00, v7;
	v31 =	vor.u32 $0x1, v10;
	v38 =	vor.u32 v8, v35;
	v13 =	vld.idx.msk [tilespmem:v13+s15+$0x0], $0xffff  }
0x12d: {  	v29 =	vor.u32 v23, v9;
	v35 =	vor.u32 v14, v35;
	v15 =	vor.u32 v15, v31;
	v12 =	vld.idx.msk [tilespmem:v12+s15+$0x0], $0xffff  }
0x12e: {  	v34 =	vor.u32 v29, v10;
	v37 =	vor.u32 v29, v31;
	v29 =	vor.u32 $0x3800, v7;
	v36 =	vld.idx.msk [tilespmem:v27+s15+$0x0], $0xffff  }
0x12f: {  	v42 =	vadd.s32 v29, v9;
	v39 =	vld.idx.msk [tilespmem:v30+s15+$0x0], $0xffff  }
0x130: {  	v11 =	vadd.s32 v42, v11;
	v33 =	vld.idx.msk [tilespmem:v33+s15+$0x0], $0xffff  }
0x131: {  	v8 =	vor.u32 v8, v11;
	v27 =	vor.u32 $0x3400, v7;
	v38 =	vld.idx.msk [tilespmem:v38+s15+$0x0], $0xffff  }
0x132: {  	v11 =	vor.u32 v14, v11;
	v35 =	vld.idx.msk [tilespmem:v35+s15+$0x0], $0xffff;
	v40 =	vor.u32 v27, v9  }
0x133: {  	v30 =	vor.u32 $0x3C00, v7;
	v15 =	vld.idx.msk [tilespmem:v15+s15+$0x0], $0xffff;
	v41 =	vor.u32 v40, v10  }
0x134: {  	v34 =	vld.idx.msk [tilespmem:v34+s15+$0x0], $0xffff;
	v56 =	vor.u32 v30, v9;
	v40 =	vor.u32 v40, v31  }
0x135: {  	v37 =	vld.idx.msk [tilespmem:v37+s15+$0x0], $0xffff;
	v10 =	vor.u32 v56, v10  }
0x136: {  	v31 =	vor.u32 v56, v31;
	v8 =	vld.idx.msk [tilespmem:v8+s15+$0x0], $0xffff  }
0x137: {  	v11 =	vld.idx.msk [tilespmem:v11+s15+$0x0], $0xffff  }
0x138: {  	v57 =	vld.idx.msk [tilespmem:v41+s15+$0x0], $0xffff  }
0x139: {  	v40 =	vld.idx.msk [tilespmem:v40+s15+$0x0], $0xffff  }
0x13a: {  	v36 =	vsub.f32 v36, v13;
	v34 =	vsub.f32 v34, v39;
	v10 =	vld.idx.msk [tilespmem:v10+s15+$0x0], $0xffff  }
0x13b: {  	v31 =	vld.idx.msk [tilespmem:v31+s15+$0x0], $0xffff  }
0x13c: {  	v36 =	vmul.f32 v36, v32;
	v34 =	vmul.f32 v34, v32  }
0x13d: {  	v15 =	vsub.f32 v15, v12;
	v58 =	vsub.f32 v37, v33  }
0x13e: {  	v13 =	vadd.f32 v36, v13;
	v34 =	vadd.f32 v34, v39  }
0x13f: {  	v15 =	vmul.f32 v15, v32;
	v14 =	vsub.f32 v57, v38;
	v10 =	vsub.f32 v10, v8  }
0x140: {  	v36 =	vmul.f32 v58, v32;
	v59 =	vsub.f32 v40, v35;
	v31 =	vsub.f32 v31, v11  }
0x141: {  	v12 =	vadd.f32 v15, v12;
	v14 =	vmul.f32 v14, v32;
	v10 =	vmul.f32 v10, v32  }
0x142: {  	v60 =	vld [tilespmem:s29+$0xFFFFFF80];
	v15 =	vadd.f32 v36, v33;
	v61 =	vmul.f32 v59, v32;
	v31 =	vmul.f32 v31, v32  }
0x143: {  	v14 =	vadd.f32 v14, v38;
	v8 =	vadd.f32 v10, v8  }
0x144: {  	v10 =	vadd.f32 v61, v35;
	v11 =	vadd.f32 v31, v11  }
0x145: {  	v31 =	vsub.f32 v34, v13;
	v8 =	vsub.f32 v8, v14  }
0x146: {  	v15 =	vsub.f32 v15, v12;
	v11 =	vsub.f32 v11, v10  }
0x147: {  	v31 =	vmul.f32 v31, v60;
	v8 =	vmul.f32 v8, v60  }
0x148: {  	v62 =	vld [tilespmem:s29+$0xFFFFFF00];
	v15 =	vmul.f32 v15, v60;
	v11 =	vmul.f32 v11, v60  }
0x149: {  	v13 =	vadd.f32 v31, v13;
	v8 =	vadd.f32 v8, v14  }
0x14a: {  	v12 =	vadd.f32 v15, v12;
	v10 =	vadd.f32 v11, v10  }
0x14b: {  	v9 =	vor.u32 v7, v9;
	v8 =	vsub.f32 v8, v13  }
0x14c: {  	v63 =	vor.u32 $0x4, v9;
	v10 =	vsub.f32 v10, v12  }
0x14d: {  	p0 =	sne.s32 s31, $0x70;
	v9 =	vor.u32 $0x5, v9;
	v8 =	vmul.f32 v8, v62  }
.Ltmp4:
0x14e: {  	v10 =	vmul.f32 v10, v62;
	(pc) =	sbr.rel @p0 .LBB2_11-.Ltmp4, $4  }
0x14f: {  	v8 =	vadd.f32 v8, v13  }
0x150: {  	v10 =	vadd.f32 v10, v12  }
0x151: {  	[tilespmem:v63+s20+$0x0] =	vst.idx.msk $0xffff, v8  }
0x152: {  	s29 =	sadd.s32 $0x10, s29;
	s31 =	sadd.s32 $0x10, s31;
	[tilespmem:v9+s20+$0x0] =	vst.idx.msk $0xffff, v10  }
0x153: {  	s29 =	simm.s32 $0x11480  }
0x154: {  	v8 =	vld [tilespmem:s29+$0x80];
	_ =	sdelay $0x4  }
0x155: {  	v8 =	vtrunc.f32 v8  }
0x156: {  	v9 =	vmov s30;
	v11 =	vcvt.f32.s32 v8  }
0x157: {  	v10 =	vor.u32 $0x4000, v7;
	v31 =	vshll.u32 v9, $0x3;
	v9 =	vor.u32 $0x5000, v7  }
0x158: {  	v13 =	vadd.s32 v10, v31;
	v8 =	vor.u32 $0x5C00, v7;
	v12 =	vshll.u32 v11, $0x1  }
0x159: {  	v39 =	vor.u32 v8, v31;
	v11 =	vor.u32 $0x5800, v7;
	v15 =	vand.u32 $0xFFFFFFF8, v12  }
0x15a: {  	v14 =	vadd.s32 $0x2, v12;
	v36 =	vand.u32 $0x6, v12;
	v33 =	vadd.s32 v13, v15  }
0x15b: {  	v12 =	vor.u32 $0x4400, v7;
	v40 =	vand.u32 $0x6, v14;
	v14 =	vor.u32 v36, v33  }
0x15c: {  	v32 =	vadd.s32 v11, v31;
	v34 =	vor.u32 v12, v31;
	v37 =	vor.u32 v39, v40  }
0x15d: {  	v35 =	vadd.s32 v9, v31;
	v42 =	vadd.s32 v32, v15;
	v41 =	vor.u32 v34, v40  }
0x15e: {  	v44 =	vor.u32 $0x1, v36;
	v45 =	vadd.s32 v35, v15;
	v46 =	vor.u32 v36, v42  }
0x15f: {  	v13 =	vor.u32 $0x4C00, v7;
	v32 =	vld [tilespmem:s29+$0x0];
	v47 =	vor.u32 v44, v45  }
0x160: {  	v38 =	vor.u32 v13, v31;
	v50 =	vor.u32 v44, v33;
	v35 =	vld.idx.msk [tilespmem:v14+s15+$0x0], $0xffff  }
0x161: {  	v49 =	vor.u32 $0x1, v40;
	v43 =	vor.u32 v38, v40;
	v48 =	vld.idx.msk [tilespmem:v37+s15+$0x0], $0xffff  }
0x162: {  	v57 =	vor.u32 v34, v49;
	v14 =	vor.u32 $0x4800, v7;
	v51 =	vld.idx.msk [tilespmem:v41+s15+$0x0], $0xffff  }
0x163: {  	v45 =	vor.u32 v36, v45;
	v34 =	vld.idx.msk [tilespmem:v46+s15+$0x0], $0xffff;
	v56 =	vadd.s32 v14, v31  }
0x164: {  	v52 =	vor.u32 v38, v49;
	v33 =	vld.idx.msk [tilespmem:v47+s15+$0x0], $0xffff;
	v58 =	vadd.s32 v56, v15  }
0x165: {  	v38 =	vld.idx.msk [tilespmem:v50+s15+$0x0], $0xffff;
	v15 =	vor.u32 $0x5400, v7;
	v59 =	vor.u32 v44, v58  }
0x166: {  	v37 =	vld.idx.msk [tilespmem:v43+s15+$0x0], $0xffff;
	v60 =	vor.u32 v15, v31;
	v43 =	vor.u32 v36, v58  }
0x167: {  	v61 =	vld.idx.msk [tilespmem:v57+s15+$0x0], $0xffff;
	v53 =	vor.u32 v60, v49  }
0x168: {  	v36 =	vld.idx.msk [tilespmem:v45+s15+$0x0], $0xffff;
	v40 =	vor.u32 v60, v40  }
0x169: {  	v45 =	vld.idx.msk [tilespmem:v52+s15+$0x0], $0xffff;
	v49 =	vor.u32 v39, v49  }
0x16a: {  	v62 =	vor.u32 v44, v42;
	v41 =	vld.idx.msk [tilespmem:v59+s15+$0x0], $0xffff  }
0x16b: {  	v39 =	vld.idx.msk [tilespmem:v43+s15+$0x0], $0xffff  }
0x16c: {  	v42 =	vld.idx.msk [tilespmem:v53+s15+$0x0], $0xffff  }
0x16d: {  	v63 =	vsub.f32 v51, v35;
	v44 =	vld.idx.msk [tilespmem:v40+s15+$0x0], $0xffff  }
0x16e: {  	v31 =	vor.u32 v7, v31;
	v43 =	vld.idx.msk [tilespmem:v49+s15+$0x0], $0xffff  }
0x16f: {  	s31 =	simm.s32 $0x10;
	s30 =	simm.s32 $0x11480;
	v48 =	vsub.f32 v48, v34;
	v47 =	vsub.f32 v61, v38;
	v46 =	vmul.f32 v63, v32;
	v40 =	vld.idx.msk [tilespmem:v62+s15+$0x0], $0xffff  }
.LBB2_13:
0x170: {  	p0 =	sne.s32 s31, $0x70  }
0x171: {  	v45 =	vsub.f32 v45, v41;
	s29 =	sadd.s32 $0x10, s29;
	s0 =	smov.u32 s31;
	s31 =	sadd.s32 $0x10, s31  }
0x172: {  	v47 =	vmul.f32 v47, v32;
	v48 =	vmul.f32 v48, v32  }
0x173: {  	v37 =	vsub.f32 v37, v39;
	v45 =	vmul.f32 v45, v32  }
0x174: {  	v35 =	vadd.f32 v46, v35;
	v44 =	vsub.f32 v44, v36;
	v49 =	vld [tilespmem:s30+$0xFFFFFF80]  }
0x175: {  	v37 =	vmul.f32 v37, v32;
	v38 =	vadd.f32 v47, v38;
	v41 =	vadd.f32 v45, v41  }
0x176: {  	v42 =	vsub.f32 v42, v33;
	v44 =	vmul.f32 v44, v32;
	v43 =	vsub.f32 v43, v40  }
0x177: {  	v37 =	vadd.f32 v37, v39;
	v39 =	vsub.f32 v41, v38  }
0x178: {  	v36 =	vadd.f32 v44, v36;
	v41 =	vmul.f32 v42, v32;
	v32 =	vmul.f32 v43, v32  }
0x179: {  	v34 =	vadd.f32 v48, v34;
	v37 =	vsub.f32 v37, v35;
	v39 =	vmul.f32 v39, v49  }
0x17a: {  	v33 =	vadd.f32 v41, v33;
	v32 =	vadd.f32 v32, v40  }
0x17b: {  	v37 =	vmul.f32 v37, v49;
	v34 =	vsub.f32 v34, v36  }
0x17c: {  	v32 =	vsub.f32 v32, v33  }
0x17d: {  	v34 =	vmul.f32 v34, v49  }
0x17e: {  	v32 =	vmul.f32 v32, v49;
	v40 =	vld [tilespmem:s30+$0xFFFFFF00];
	s30 =	smov.u32 s29  }
0x17f: {  	v35 =	vadd.f32 v37, v35;
	v34 =	vadd.f32 v34, v36  }
0x180: {  	v36 =	vadd.f32 v39, v38;
	v32 =	vadd.f32 v32, v33  }
0x181: {  	v33 =	vsub.f32 v34, v35  }
0x182: {  	v34 =	vor.u32 $0x6, v31;
	v32 =	vsub.f32 v32, v36  }
0x183: {  	v31 =	vor.u32 $0x7, v31;
	v33 =	vmul.f32 v33, v40  }
0x184: {  	v32 =	vmul.f32 v32, v40  }
0x185: {  	v33 =	vadd.f32 v33, v35  }
0x186: {  	v32 =	vadd.f32 v32, v36  }
0x187: {  	v35 =	vmov s0;
	[tilespmem:v34+s20+$0x0] =	vst.idx.msk $0xffff, v33  }
0x188: {  	v33 =	vshll.u32 v35, $0x3;
	[tilespmem:v31+s20+$0x0] =	vst.idx.msk $0xffff, v32  }
0x189: {  	v34 =	vor.u32 v8, v33;
	v32 =	vld [tilespmem:s29+$0x80]  }
0x18a: {  	v35 =	vadd.s32 v10, v33;
	v36 =	vadd.s32 v14, v33  }
0x18b: {  	v37 =	vadd.s32 v9, v33;
	v38 =	vadd.s32 v11, v33  }
0x18c: {  	v39 =	vor.u32 v12, v33;
	v31 =	vor.u32 v7, v33  }
0x18d: {  	v40 =	vor.u32 v13, v33  }
0x18e: {  	v33 =	vor.u32 v15, v33;
	v32 =	vtrunc.f32 v32  }
0x18f: {  	v32 =	vcvt.f32.s32 v32;
	_ =	sdelay $0x1  }
0x190: {  	v32 =	vshll.u32 v32, $0x1  }
0x191: {  	v41 =	vadd.s32 $0x2, v32;
	v42 =	vand.u32 $0xFFFFFFF8, v32;
	v43 =	vand.u32 $0x6, v32  }
0x192: {  	v32 =	vand.u32 $0x6, v41;
	v35 =	vadd.s32 v35, v42;
	v38 =	vadd.s32 v38, v42  }
0x193: {  	v44 =	vor.u32 $0x1, v43;
	v36 =	vadd.s32 v36, v42;
	v41 =	vor.u32 v43, v35  }
0x194: {  	v37 =	vadd.s32 v37, v42;
	v45 =	vor.u32 v39, v32;
	v42 =	vor.u32 v34, v32  }
0x195: {  	v46 =	vor.u32 $0x1, v32;
	v47 =	vor.u32 v40, v32;
	v48 =	vor.u32 v33, v32  }
0x196: {  	v39 =	vor.u32 v39, v46;
	v49 =	vor.u32 v33, v46;
	v33 =	vor.u32 v43, v38  }
0x197: {  	v50 =	vor.u32 v44, v35;
	v51 =	vor.u32 v44, v36;
	v40 =	vor.u32 v40, v46;
	v32 =	vld [tilespmem:s29+$0x0]  }
0x198: {  	v52 =	vor.u32 v44, v38;
	v46 =	vor.u32 v34, v46;
	v35 =	vld.idx.msk [tilespmem:v41+s15+$0x0], $0xffff;
	v41 =	vor.u32 v44, v37  }
0x199: {  	v44 =	vor.u32 v43, v36;
	v36 =	vor.u32 v43, v37;
	v53 =	vld.idx.msk [tilespmem:v42+s15+$0x0], $0xffff  }
0x19a: {  	v43 =	vld.idx.msk [tilespmem:v45+s15+$0x0], $0xffff  }
0x19b: {  	v37 =	vld.idx.msk [tilespmem:v47+s15+$0x0], $0xffff  }
0x19c: {  	v34 =	vld.idx.msk [tilespmem:v33+s15+$0x0], $0xffff  }
0x19d: {  	v33 =	vld.idx.msk [tilespmem:v41+s15+$0x0], $0xffff  }
0x19e: {  	v36 =	vld.idx.msk [tilespmem:v36+s15+$0x0], $0xffff  }
0x19f: {  	v38 =	vld.idx.msk [tilespmem:v50+s15+$0x0], $0xffff  }
0x1a0: {  	v47 =	vld.idx.msk [tilespmem:v39+s15+$0x0], $0xffff  }
0x1a1: {  	v45 =	vld.idx.msk [tilespmem:v40+s15+$0x0], $0xffff  }
0x1a2: {  	v41 =	vld.idx.msk [tilespmem:v51+s15+$0x0], $0xffff  }
.Ltmp5:
0x1a3: {  	v39 =	vld.idx.msk [tilespmem:v44+s15+$0x0], $0xffff;
	(pc) =	sbr.rel @p0 .LBB2_13-.Ltmp5, $4  }
0x1a4: {  	v42 =	vld.idx.msk [tilespmem:v49+s15+$0x0], $0xffff  }
0x1a5: {  	v44 =	vld.idx.msk [tilespmem:v48+s15+$0x0], $0xffff;
	v48 =	vsub.f32 v43, v35  }
0x1a6: {  	v47 =	vsub.f32 v47, v38;
	v43 =	vld.idx.msk [tilespmem:v46+s15+$0x0], $0xffff  }
0x1a7: {  	v40 =	vld.idx.msk [tilespmem:v52+s15+$0x0], $0xffff;
	v46 =	vmul.f32 v48, v32;
	v48 =	vsub.f32 v53, v34  }
0x1a8: {  	_ = 	snop  }
0x1a9: {  	v45 =	vsub.f32 v45, v41  }
0x1aa: {  	v47 =	vmul.f32 v47, v32;
	v37 =	vsub.f32 v37, v39;
	v35 =	vadd.f32 v46, v35  }
0x1ab: {  	v48 =	vmul.f32 v48, v32;
	v42 =	vsub.f32 v42, v33;
	v44 =	vsub.f32 v44, v36  }
0x1ac: {  	v45 =	vmul.f32 v45, v32;
	v37 =	vmul.f32 v37, v32;
	v43 =	vsub.f32 v43, v40  }
0x1ad: {  	v38 =	vadd.f32 v47, v38;
	v55 =	vmul.f32 v42, v32;
	v44 =	vmul.f32 v44, v32  }
0x1ae: {  	v54 =	vld [tilespmem:s30+$0xFFFFFF80];
	v34 =	vadd.f32 v48, v34;
	v53 =	vadd.f32 v45, v41;
	v56 =	vmul.f32 v43, v32  }
0x1af: {  	v37 =	vadd.f32 v37, v39;
	v57 =	vadd.f32 v44, v36  }
0x1b0: {  	v58 =	vadd.f32 v55, v33;
	v32 =	vadd.f32 v56, v40  }
0x1b1: {  	v37 =	vsub.f32 v37, v35;
	v34 =	vsub.f32 v34, v57  }
0x1b2: {  	v59 =	vsub.f32 v53, v38;
	v32 =	vsub.f32 v32, v58  }
0x1b3: {  	v37 =	vmul.f32 v37, v54;
	v34 =	vmul.f32 v34, v54  }
0x1b4: {  	v60 =	vld [tilespmem:s30+$0xFFFFFF00];
	v39 =	vmul.f32 v59, v54;
	v32 =	vmul.f32 v32, v54  }
0x1b5: {  	v35 =	vadd.f32 v37, v35;
	v34 =	vadd.f32 v34, v57  }
0x1b6: {  	v61 =	vadd.f32 v39, v38;
	v32 =	vadd.f32 v32, v58  }
0x1b7: {  	v62 =	vsub.f32 v34, v35  }
0x1b8: {  	v63 =	vor.u32 $0x6, v31;
	v32 =	vsub.f32 v32, v61  }
0x1b9: {  	v31 =	vor.u32 $0x7, v31;
	v33 =	vmul.f32 v62, v60  }
0x1ba: {  	v32 =	vmul.f32 v32, v60  }
0x1bb: {  	v33 =	vadd.f32 v33, v35  }
0x1bc: {  	v32 =	vadd.f32 v32, v61  }
0x1bd: {  	p0 =	seq.s32 s25, $0x7F;
	[tilespmem:v63+s20+$0x0] =	vst.idx.msk $0xffff, v33  }
.Ltmp6:
0x1be: {  	s0 =	sadd.s32 s28, s8;
	[tilespmem:v31+s20+$0x0] =	vst.idx.msk $0xffff, v32;
	(pc) =	sbr.rel @p0 .LBB2_18-.Ltmp6, $4  }
0x1bf: {  	[hbm4b:s0+s4] =	stream.linear.scatter [tilespmem:s20], [sflag:$0x3], $0x400, $0x38;
	[tilespmem:$0x1F300] =	vst v63  }
0x1c0: {  	_ =	swait.ge [sflag:s12], $0x400  }
0x1c1: {  	[sflag:s12] =	ssyncset.done $0x0  }
0x1c2: {  	[sflag:s12] =	ssyncadd.s32 $0xFFFFFC00  }
0x1c3: {  	s0 =	sadd.s32 s28, s9  }
0x1c4: {  	s0 =	smul.u32 $0x3, s0;
	_ =	sdelay $0x1  }
0x1c5: {  	s0 =	sshrl.u32 s0, $0x3  }
0x1c6: {  	s28 =	simm.s32 $0x0;
	s0 =	sadd.s32 s5, s0  }
0x1c7: {  	[tilespmem:s11], [sflag:$0x3] =	stream.linear.gather [hbm4b:s0+s28], $0x180, $0x38;
	[tilespmem:$0x1F300] =	vst v63  }
0x1c8: {  	_ =	swait.ge [sflag:s12], $0x180  }
0x1c9: {  	[sflag:s12] =	ssyncset.done $0x0  }
0x1ca: {  	s29 =	simm.s32 $0x0;
	[sflag:s12] =	ssyncadd.s32 $0xFFFFFE80  }
.LBB2_16:
0x1cb: {  	v31 =	vmov s28  }
0x1cc: {  	v31 =	vmul.u32 $0x3, v31;
	_ =	sdelay $0x1  }
0x1cd: {  	v31 =	vbroadcast v31, $0x0;
	_ =	sdelay $0x1  }
0x1ce: {  	v32 =	vadd.s32 v1, v31  }
0x1cf: {  	v33 =	vadd.s32 v3, v31;
	v32 =	vand.u32 $0xFFFFFFF8, v32  }
0x1d0: {  	v31 =	vadd.s32 v5, v31;
	v33 =	vand.u32 $0xFFFFFFF8, v33;
	v32 =	vor.u32 v2, v32  }
0x1d1: {  	v31 =	vand.u32 $0xFFFFFFF8, v31;
	v33 =	vor.u32 v4, v33  }
0x1d2: {  	v31 =	vor.u32 v6, v31;
	_ =	sdelay $0x2  }
0x1d3: {  	v32 =	vld.idx.msk [tilespmem:v32+s11+$0x0], $0xffff  }
0x1d4: {  	v33 =	vld.idx.msk [tilespmem:v33+s11+$0x0], $0xffff  }
0x1d5: {  	v31 =	vld.idx.msk [tilespmem:v31+s11+$0x0], $0xffff;
	_ =	sdelay $0x3  }
0x1d6: {  	v32 =	vmul.f32 $5.000000000e-01, v32;
	v33 =	vmul.f32 $5.000000000e-01, v33  }
0x1d7: {  	v31 =	vmul.f32 $5.000000000e-01, v31  }
0x1d8: {  	v32 =	vadd.f32 $5.000000000e-01, v32;
	v33 =	vadd.f32 $5.000000000e-01, v33  }
0x1d9: {  	v31 =	vadd.f32 $5.000000000e-01, v31  }
0x1da: {  	v34 =	vmul.f32 $3.100000000e+01, v32;
	v35 =	vmul.f32 $3.100000000e+01, v33  }
0x1db: {  	v36 =	vmul.f32 $3.100000000e+01, v31;
	v42 =	vmul.f32 $6.300000000e+01, v32  }
0x1dc: {  	v44 =	vmul.f32 $6.300000000e+01, v33;
	v45 =	vmul.f32 $6.300000000e+01, v31  }
0x1dd: {  	v63 =	vmul.f32 $1.270000000e+02, v32;
	v48 =	vmul.f32 $1.270000000e+02, v33  }
0x1de: {  	v32 =	vmul.f32 $2.550000000e+02, v32;
	v33 =	vmul.f32 $2.550000000e+02, v33  }
0x1df: {  	v37 =	vtrunc.f32 v34;
	v38 =	vtrunc.f32 v35  }
0x1e0: {  	v39 =	vtrunc.f32 v36;
	v46 =	vtrunc.f32 v42  }
0x1e1: {  	v54 =	vtrunc.f32 v44;
	v56 =	vtrunc.f32 v45  }
0x1e2: {  	v49 =	vtrunc.f32 v63;
	v51 =	vtrunc.f32 v48  }
0x1e3: {  	v37 =	vcvt.f32.s32 v37;
	v38 =	vcvt.f32.s32 v38  }
0x1e4: {  	v39 =	vcvt.f32.s32 v39;
	v53 =	vcvt.f32.s32 v46  }
0x1e5: {  	v55 =	vcvt.f32.s32 v54;
	v57 =	vcvt.f32.s32 v56  }
0x1e6: {  	v52 =	vcvt.f32.s32 v51;
	vm0 =	vlt.s32 v37, $0x1E;
	vm5 =	vlt.s32 v38, $0x1E  }
0x1e7: {  	vm6 =	vlt.s32 v39, $0x1E;
	vm7 =	vlt.s32 v53, $0x3E;
	vm8 =	vlt.s32 v55, $0x3E  }
0x1e8: {  	vm9 =	vlt.s32 v57, $0x3E;
	vm11 =	vlt.s32 v52, $0x7E;
	v37 =	vnsel vm0, $0x1E, v37  }
0x1e9: {  	v38 =	vnsel vm5, $0x1E, v38;
	v39 =	vnsel vm6, $0x1E, v39;
	v58 =	vnsel vm9, $0x3E, v57  }
0x1ea: {  	v56 =	vnsel vm11, $0x7E, v52;
	v40 =	vcvt.s32.f32 v37;
	v41 =	vcvt.s32.f32 v38  }
0x1eb: {  	v43 =	vcvt.s32.f32 v39;
	v37 =	vshll.u32 v37, $0xA;
	v38 =	vshll.u32 v38, $0x5  }
0x1ec: {  	v61 =	vcvt.s32.f32 v58;
	v37 =	vadd.s32 v37, v38;
	v34 =	vsub.f32 v34, v40  }
0x1ed: {  	v38 =	vand.u32 $0x3, v58;
	v35 =	vsub.f32 v35, v41;
	v36 =	vsub.f32 v36, v43  }
0x1ee: {  	s30 =	sshra.s32 s29, $0x2;
	v40 =	vnsel vm7, $0x3E, v53;
	v41 =	vnsel vm8, $0x3E, v55;
	v37 =	vadd.s32 v39, v37  }
0x1ef: {  	v62 =	vsub.f32 v45, v61;
	v38 =	vcvt.s32.f32 v38;
	v59 =	vcvt.s32.f32 v40;
	[tilespmem:s30+$0x10180] =	vst v37  }
0x1f0: {  	v60 =	vcvt.s32.f32 v41;
	v40 =	vshll.u32 v40, $0xC;
	v41 =	vshll.u32 v41, $0x6;
	[tilespmem:s30+$0x10300] =	vst v36  }
0x1f1: {  	v40 =	vadd.s32 v40, v41;
	v36 =	vmul.f32 $1.270000000e+02, v31;
	[tilespmem:s30+$0x11080] =	vst v62;
	v62 =	vcvt.s32.f32 v56  }
0x1f2: {  	[tilespmem:s30+$0x11100] =	vst v38;
	v38 =	vshll.u32 v56, $0x7;
	v31 =	vmul.f32 $2.550000000e+02, v31;
	v42 =	vsub.f32 v42, v59  }
0x1f3: {  	[tilespmem:s30+$0x10200] =	vst v34;
	v39 =	vsub.f32 v44, v60;
	v34 =	vadd.s32 v58, v40;
	v44 =	vcvt.f32.s32 v49  }
0x1f4: {  	[tilespmem:s30+$0x10280] =	vst v35;
	v47 =	vadd.s32 $0x8000, v34;
	v50 =	vadd.s32 $0x8001, v34;
	v53 =	vtrunc.f32 v36  }
0x1f5: {  	v54 =	vadd.s32 $0x8040, v34;
	v58 =	vadd.s32 $0x8041, v34;
	v60 =	vadd.s32 $0x9000, v34;
	[tilespmem:s30+$0x10F80] =	vst v42  }
0x1f6: {  	v61 =	vadd.s32 $0x9001, v34;
	v46 =	vadd.s32 $0x9040, v34;
	v35 =	vshra.s32 v47, $0x2;
	[tilespmem:s30+$0x11000] =	vst v39  }
0x1f7: {  	v34 =	vadd.s32 $0x9041, v34;
	v37 =	vshra.s32 v50, $0x2;
	vm10 =	vlt.s32 v44, $0x7E;
	[tilespmem:s30+$0x10380] =	vst v35  }
0x1f8: {  	v45 =	vcvt.f32.s32 v53;
	v39 =	vshra.s32 v54, $0x2;
	v50 =	vshra.s32 v46, $0x2;
	[tilespmem:s30+$0x10400] =	vst v37  }
0x1f9: {  	v34 =	vshra.s32 v34, $0x2;
	v55 =	vnsel vm10, $0x7E, v44;
	[tilespmem:s30+$0x10480] =	vst v39;
	v35 =	vshra.s32 v58, $0x2  }
0x1fa: {  	v37 =	vshra.s32 v61, $0x2;
	[tilespmem:s30+$0x10680] =	vst v50;
	v44 =	vtrunc.f32 v31;
	vm12 =	vlt.s32 v45, $0x7E  }
0x1fb: {  	[tilespmem:s30+$0x10700] =	vst v34;
	v57 =	vcvt.s32.f32 v55;
	v41 =	vcvt.f32.s32 v44;
	v59 =	vnsel vm12, $0x7E, v45  }
0x1fc: {  	[tilespmem:s30+$0x10500] =	vst v35;
	v45 =	vsub.f32 v48, v62;
	v48 =	vshll.u32 v55, $0xE;
	v62 =	vtrunc.f32 v33  }
0x1fd: {  	[tilespmem:s30+$0x10600] =	vst v37;
	v40 =	vsub.f32 v63, v57;
	v63 =	vshra.s32 v60, $0x2;
	v47 =	vcvt.s32.f32 v59  }
0x1fe: {  	v49 =	vadd.s32 v48, v38;
	v51 =	vand.u32 $0x3, v59;
	v60 =	vtrunc.f32 v32;
	[tilespmem:s30+$0x10580] =	vst v63  }
0x1ff: {  	vm15 =	vlt.s32 v41, $0xFE;
	v37 =	vadd.s32 v59, v49;
	v38 =	vcvt.s32.f32 v51;
	[tilespmem:s30+$0x11200] =	vst v45  }
0x200: {  	v63 =	vcvt.f32.s32 v62;
	v50 =	vnsel vm15, $0xFE, v41;
	v36 =	vsub.f32 v36, v47;
	[tilespmem:s30+$0x11180] =	vst v40  }
0x201: {  	v52 =	vadd.s32 $0x48000, v37;
	v53 =	vadd.s32 $0x48001, v37;
	v54 =	vadd.s32 $0x48080, v37;
	[tilespmem:s30+$0x11300] =	vst v38  }
0x202: {  	v56 =	vadd.s32 $0x48081, v37;
	v58 =	vadd.s32 $0x4C000, v37;
	v34 =	vshra.s32 v52, $0x2;
	[tilespmem:s30+$0x11280] =	vst v36  }
0x203: {  	v61 =	vadd.s32 $0x4C001, v37;
	v40 =	vcvt.f32.s32 v60;
	v39 =	vshra.s32 v53, $0x2;
	[tilespmem:s30+$0x10780] =	vst v34  }
0x204: {  	v45 =	vadd.s32 $0x4C080, v37;
	v49 =	vadd.s32 $0x4C081, v37;
	v55 =	vshra.s32 v54, $0x2;
	[tilespmem:s30+$0x10800] =	vst v39  }
0x205: {  	v57 =	vshra.s32 v56, $0x2;
	v59 =	vshra.s32 v58, $0x2;
	v35 =	vshra.s32 v45, $0x2;
	[tilespmem:s30+$0x10880] =	vst v55  }
0x206: {  	vm14 =	vlt.s32 v63, $0xFE;
	v52 =	vcvt.s32.f32 v50;
	vm13 =	vlt.s32 v40, $0xFE;
	[tilespmem:s30+$0x10900] =	vst v57  }
0x207: {  	v34 =	vshra.s32 v61, $0x2;
	[tilespmem:s30+$0x10980] =	vst v59;
	v47 =	vnsel vm14, $0xFE, v63;
	v46 =	vnsel vm13, $0xFE, v40  }
0x208: {  	[tilespmem:s30+$0x10A00] =	vst v34;
	v51 =	vcvt.s32.f32 v47;
	v34 =	vshra.s32 v49, $0x2;
	v54 =	vshll.u32 v47, $0x8  }
0x209: {  	[tilespmem:s30+$0x10A80] =	vst v35;
	v31 =	vsub.f32 v31, v52;
	v48 =	vcvt.s32.f32 v46;
	v53 =	vshll.u32 v46, $0x10  }
0x20a: {  	[tilespmem:s30+$0x10B00] =	vst v34;
	v33 =	vsub.f32 v33, v51;
	v34 =	vadd.s32 v53, v54  }
0x20b: {  	[tilespmem:s30+$0x11480] =	vst v31;
	v32 =	vsub.f32 v32, v48;
	v34 =	vadd.s32 v50, v34  }
0x20c: {  	v55 =	vand.u32 $0x3, v50;
	[tilespmem:s30+$0x11400] =	vst v33;
	v56 =	vadd.s32 $0x248000, v34  }
0x20d: {  	[tilespmem:s30+$0x11380] =	vst v32;
	v32 =	vcvt.s32.f32 v55;
	v31 =	vshra.s32 v56, $0x2  }
0x20e: {  	v57 =	vadd.s32 $0x248001, v34;
	[tilespmem:s30+$0x10B80] =	vst v31  }
0x20f: {  	v58 =	vadd.s32 $0x248100, v34;
	v31 =	vshra.s32 v57, $0x2;
	[tilespmem:s30+$0x11500] =	vst v32  }
0x210: {  	v59 =	vadd.s32 $0x248101, v34;
	[tilespmem:s30+$0x10C00] =	vst v31;
	v31 =	vshra.s32 v58, $0x2  }
0x211: {  	p0 =	sne.s32 s29, $0x1C0;
	v60 =	vadd.s32 $0x258000, v34;
	[tilespmem:s30+$0x10C80] =	vst v31;
	v31 =	vshra.s32 v59, $0x2  }
.Ltmp7:
0x212: {  	v61 =	vadd.s32 $0x258001, v34;
	[tilespmem:s30+$0x10D00] =	vst v31;
	v31 =	vshra.s32 v60, $0x2;
	(pc) =	sbr.rel @p0 .LBB2_16-.Ltmp7, $4  }
0x213: {  	v62 =	vadd.s32 $0x258100, v34;
	[tilespmem:s30+$0x10D80] =	vst v31;
	v31 =	vshra.s32 v61, $0x2  }
0x214: {  	v63 =	vadd.s32 $0x258101, v34;
	[tilespmem:s30+$0x10E00] =	vst v31;
	v31 =	vshra.s32 v62, $0x2  }
0x215: {  	[tilespmem:s30+$0x10E80] =	vst v31;
	v31 =	vshra.s32 v63, $0x2  }
0x216: {  	s28 =	sadd.s32 $0x10, s28;
	s29 =	sadd.s32 $0x40, s29;
	[tilespmem:s30+$0x10F00] =	vst v31  }
0x217: {  	[tilespmem:s15], [sflag:$0x1] =	stream.indirect.gather [hbm4b:s2+s13], $0x8, s14, s13, $0xb8;
	[tilespmem:$0x1F300] =	vst v63  }
.LBB2_18:
0x218: {  	_ =	swait.ge [sflag:s21], $0x6000  }
0x219: {  	s28 =	simm.s32 $0x0;
	s29 =	simm.s32 $0x17C80;
	[sflag:s21] =	ssyncset.done $0x0  }
0x21a: {  	s0 =	simm.s32 $0x17B00;
	s30 =	simm.s32 $0x0;
	[sflag:s21] =	ssyncadd.s32 $0xFFFFA000  }
.LBB2_19:
0x21b: {  	v31 =	vld [tilespmem:s0+$0x0];
	_ =	sdelay $0x4  }
0x21c: {  	v31 =	vshll.u32 v31, $0x1  }
0x21d: {  	v36 =	vadd.s32 $0x2, v31  }
0x21e: {  	v37 =	vadd.s32 $0x3, v31  }
0x21f: {  	v42 =	vadd.s32 $0x42, v31  }
0x220: {  	v39 =	vld [tilespmem:s29+$0x0];
	v43 =	vadd.s32 $0x43, v31  }
0x221: {  	v46 =	vadd.s32 $0x802, v31;
	v41 =	vld.idx.msk [tilespmem:v31+s28+$0x0], $0xffff  }
0x222: {  	v32 =	vand.u32 $0x6, v31;
	v47 =	vadd.s32 $0x803, v31;
	v36 =	vld.idx.msk [tilespmem:v36+s28+$0x0], $0xffff  }
0x223: {  	v33 =	vand.u32 $0xFFFFFFF8, v31;
	v48 =	vadd.s32 $0x842, v31;
	v34 =	vor.u32 $0x1, v32;
	v37 =	vld.idx.msk [tilespmem:v37+s28+$0x0], $0xffff  }
0x224: {  	v38 =	vadd.s32 $0x40, v33;
	v35 =	vor.u32 v33, v34;
	v42 =	vld.idx.msk [tilespmem:v42+s28+$0x0], $0xffff  }
0x225: {  	v40 =	vor.u32 v32, v38;
	v43 =	vld.idx.msk [tilespmem:v43+s28+$0x0], $0xffff  }
0x226: {  	v44 =	vadd.s32 $0x800, v33;
	v38 =	vor.u32 v34, v38;
	v50 =	vld.idx.msk [tilespmem:v46+s28+$0x0], $0xffff  }
0x227: {  	v45 =	vor.u32 v32, v44;
	v51 =	vld.idx.msk [tilespmem:v47+s28+$0x0], $0xffff  }
0x228: {  	v44 =	vor.u32 v34, v44;
	v33 =	vadd.s32 $0x840, v33;
	v52 =	vld.idx.msk [tilespmem:v48+s28+$0x0], $0xffff  }
0x229: {  	v32 =	vor.u32 v32, v33;
	v35 =	vld.idx.msk [tilespmem:v35+s28+$0x0], $0xffff  }
0x22a: {  	v33 =	vor.u32 v34, v33;
	v40 =	vld.idx.msk [tilespmem:v40+s28+$0x0], $0xffff  }
0x22b: {  	v31 =	vadd.s32 $0x843, v31;
	v38 =	vld.idx.msk [tilespmem:v38+s28+$0x0], $0xffff  }
0x22c: {  	v45 =	vld.idx.msk [tilespmem:v45+s28+$0x0], $0xffff  }
0x22d: {  	v44 =	vld.idx.msk [tilespmem:v44+s28+$0x0], $0xffff  }
0x22e: {  	v32 =	vld.idx.msk [tilespmem:v32+s28+$0x0], $0xffff  }
0x22f: {  	v33 =	vld.idx.msk [tilespmem:v33+s28+$0x0], $0xffff  }
0x230: {  	v31 =	vld.idx.msk [tilespmem:v31+s28+$0x0], $0xffff;
	v36 =	vsub.f32 v36, v41  }
0x231: {  	v42 =	vsub.f32 v42, v40;
	v34 =	vsub.f32 v50, v45  }
0x232: {  	v36 =	vmul.f32 v36, v39;
	v37 =	vsub.f32 v37, v35;
	v54 =	vsub.f32 v43, v38  }
0x233: {  	v55 =	vsub.f32 v51, v44;
	v53 =	vsub.f32 v52, v32  }
0x234: {  	v42 =	vmul.f32 v42, v39;
	v36 =	vadd.f32 v36, v41;
	v34 =	vmul.f32 v34, v39  }
0x235: {  	v31 =	vsub.f32 v31, v33;
	v37 =	vmul.f32 v37, v39;
	v57 =	vmul.f32 v55, v39  }
0x236: {  	v41 =	vmul.f32 v53, v39;
	v40 =	vadd.f32 v42, v40;
	v34 =	vadd.f32 v34, v45  }
0x237: {  	v56 =	vld [tilespmem:s29+$0xFFFFFF80];
	v42 =	vmul.f32 v54, v39;
	v31 =	vmul.f32 v31, v39;
	v35 =	vadd.f32 v37, v35  }
0x238: {  	v59 =	vadd.f32 v57, v44;
	v32 =	vadd.f32 v41, v32  }
0x239: {  	v58 =	vadd.f32 v42, v38;
	v31 =	vadd.f32 v31, v33  }
0x23a: {  	v60 =	vsub.f32 v40, v36;
	v32 =	vsub.f32 v32, v34  }
0x23b: {  	v37 =	vsub.f32 v58, v35;
	v31 =	vsub.f32 v31, v59  }
0x23c: {  	v33 =	vmul.f32 v60, v56;
	v32 =	vmul.f32 v32, v56  }
0x23d: {  	v61 =	vld [tilespmem:s29+$0xFFFFFF00];
	v37 =	vmul.f32 v37, v56;
	v31 =	vmul.f32 v31, v56  }
0x23e: {  	v33 =	vadd.f32 v33, v36;
	v32 =	vadd.f32 v32, v34  }
0x23f: {  	v62 =	vmov s30;
	v35 =	vadd.f32 v37, v35;
	v31 =	vadd.f32 v31, v59  }
0x240: {  	v34 =	vshll.u32 v62, $0x3;
	v32 =	vsub.f32 v32, v33  }
0x241: {  	v34 =	vor.u32 v7, v34;
	v31 =	vsub.f32 v31, v35  }
0x242: {  	p0 =	sne.s32 s30, $0x70;
	v63 =	vor.u32 $0x1, v34;
	v32 =	vmul.f32 v32, v61  }
.Ltmp8:
0x243: {  	v31 =	vmul.f32 v31, v61;
	(pc) =	sbr.rel @p0 .LBB2_19-.Ltmp8, $4  }
0x244: {  	v32 =	vadd.f32 v32, v33  }
0x245: {  	v31 =	vadd.f32 v31, v35  }
0x246: {  	[tilespmem:v34+s22+$0x0] =	vst.idx.msk $0xffff, v32  }
0x247: {  	s29 =	sadd.s32 $0x10, s29;
	s0 =	sadd.s32 $0x10, s0;
	s30 =	sadd.s32 $0x10, s30;
	[tilespmem:v63+s22+$0x0] =	vst.idx.msk $0xffff, v31  }
0x248: {  	s29 =	simm.s32 $0x18A00  }
.LBB2_21:
0x249: {  	v31 =	vld [tilespmem:s29+$0x80];
	_ =	sdelay $0x4  }
0x24a: {  	v31 =	vtrunc.f32 v31  }
0x24b: {  	v31 =	vcvt.f32.s32 v31  }
0x24c: {  	v32 =	vmov s28  }
0x24d: {  	v32 =	vshll.u32 v32, $0x3;
	v31 =	vshll.u32 v31, $0x1  }
0x24e: {  	v34 =	vor.u32 v7, v32;
	v33 =	vand.u32 $0xFFFFFFF8, v31  }
0x24f: {  	v39 =	vor.u32 v16, v32;
	v35 =	vand.u32 $0x6, v31;
	v36 =	vadd.s32 v34, v33  }
0x250: {  	v31 =	vadd.s32 $0x2, v31;
	v38 =	vor.u32 $0x1, v35;
	v37 =	vor.u32 v35, v36  }
0x251: {  	v42 =	vadd.s32 v18, v32;
	v31 =	vand.u32 $0x6, v31;
	v36 =	vor.u32 v38, v36  }
0x252: {  	v42 =	vadd.s32 v42, v33;
	v40 =	vor.u32 v39, v31  }
0x253: {  	v44 =	vor.u32 v35, v42  }
0x254: {  	v43 =	vld [tilespmem:s29+$0x0];
	v45 =	vor.u32 v21, v32;
	v47 =	vadd.s32 v22, v32;
	v42 =	vor.u32 v38, v42  }
0x255: {  	v47 =	vadd.s32 v47, v33;
	v46 =	vor.u32 v45, v31;
	v37 =	vld.idx.msk [tilespmem:v37+s18+$0x0], $0xffff  }
0x256: {  	v48 =	vor.u32 v35, v47;
	v36 =	vld.idx.msk [tilespmem:v36+s18+$0x0], $0xffff  }
0x257: {  	v49 =	vor.u32 v25, v32;
	v51 =	vadd.s32 v26, v32;
	v47 =	vor.u32 v38, v47;
	v40 =	vld.idx.msk [tilespmem:v40+s18+$0x0], $0xffff  }
0x258: {  	v33 =	vadd.s32 v51, v33;
	v50 =	vor.u32 v49, v31;
	v44 =	vld.idx.msk [tilespmem:v44+s18+$0x0], $0xffff  }
0x259: {  	v32 =	vor.u32 v28, v32;
	v35 =	vor.u32 v35, v33;
	v42 =	vld.idx.msk [tilespmem:v42+s18+$0x0], $0xffff  }
0x25a: {  	v41 =	vor.u32 $0x1, v31;
	v31 =	vor.u32 v32, v31;
	v46 =	vld.idx.msk [tilespmem:v46+s18+$0x0], $0xffff  }
0x25b: {  	v33 =	vor.u32 v38, v33;
	v48 =	vld.idx.msk [tilespmem:v48+s18+$0x0], $0xffff  }
0x25c: {  	v39 =	vor.u32 v39, v41;
	v47 =	vld.idx.msk [tilespmem:v47+s18+$0x0], $0xffff  }
0x25d: {  	v49 =	vor.u32 v49, v41;
	v54 =	vld.idx.msk [tilespmem:v50+s18+$0x0], $0xffff  }
0x25e: {  	v32 =	vor.u32 v32, v41;
	v35 =	vld.idx.msk [tilespmem:v35+s18+$0x0], $0xffff  }
0x25f: {  	v45 =	vor.u32 v45, v41;
	v31 =	vld.idx.msk [tilespmem:v31+s18+$0x0], $0xffff  }
0x260: {  	v33 =	vld.idx.msk [tilespmem:v33+s18+$0x0], $0xffff  }
0x261: {  	v39 =	vld.idx.msk [tilespmem:v39+s18+$0x0], $0xffff  }
0x262: {  	v55 =	vld.idx.msk [tilespmem:v49+s18+$0x0], $0xffff  }
0x263: {  	v32 =	vld.idx.msk [tilespmem:v32+s18+$0x0], $0xffff  }
0x264: {  	v45 =	vld.idx.msk [tilespmem:v45+s18+$0x0], $0xffff;
	v40 =	vsub.f32 v40, v37  }
0x265: {  	v46 =	vsub.f32 v46, v44;
	v38 =	vsub.f32 v54, v48  }
0x266: {  	v31 =	vsub.f32 v31, v35;
	v39 =	vsub.f32 v39, v36  }
0x267: {  	v41 =	vsub.f32 v55, v47;
	v40 =	vmul.f32 v40, v43;
	v46 =	vmul.f32 v46, v43  }
0x268: {  	v32 =	vsub.f32 v32, v33;
	v38 =	vmul.f32 v38, v43;
	v31 =	vmul.f32 v31, v43  }
0x269: {  	v57 =	vsub.f32 v45, v42;
	v39 =	vmul.f32 v39, v43;
	v59 =	vmul.f32 v41, v43  }
0x26a: {  	v32 =	vmul.f32 v32, v43;
	v37 =	vadd.f32 v40, v37;
	v56 =	vadd.f32 v46, v44  }
0x26b: {  	v58 =	vld [tilespmem:s29+$0xFFFFFF80];
	v38 =	vadd.f32 v38, v48;
	v44 =	vmul.f32 v57, v43;
	v31 =	vadd.f32 v31, v35  }
0x26c: {  	v36 =	vadd.f32 v39, v36;
	v35 =	vadd.f32 v59, v47  }
0x26d: {  	v32 =	vadd.f32 v32, v33;
	v60 =	vadd.f32 v44, v42  }
0x26e: {  	v61 =	vsub.f32 v56, v37;
	v31 =	vsub.f32 v31, v38  }
0x26f: {  	v32 =	vsub.f32 v32, v35;
	v39 =	vsub.f32 v60, v36  }
0x270: {  	v33 =	vmul.f32 v61, v58;
	v31 =	vmul.f32 v31, v58  }
0x271: {  	v62 =	vld [tilespmem:s29+$0xFFFFFF00];
	v32 =	vmul.f32 v32, v58;
	v39 =	vmul.f32 v39, v58  }
0x272: {  	v33 =	vadd.f32 v33, v37;
	v31 =	vadd.f32 v31, v38  }
0x273: {  	v32 =	vadd.f32 v32, v35;
	v36 =	vadd.f32 v39, v36  }
0x274: {  	v31 =	vsub.f32 v31, v33  }
0x275: {  	v63 =	vor.u32 $0x2, v34;
	v32 =	vsub.f32 v32, v36  }
0x276: {  	p0 =	sne.s32 s28, $0x70;
	v34 =	vor.u32 $0x3, v34;
	v31 =	vmul.f32 v31, v62  }
.Ltmp9:
0x277: {  	v32 =	vmul.f32 v32, v62;
	(pc) =	sbr.rel @p0 .LBB2_21-.Ltmp9, $4  }
0x278: {  	v31 =	vadd.f32 v31, v33  }
0x279: {  	v32 =	vadd.f32 v32, v36  }
0x27a: {  	[tilespmem:v63+s22+$0x0] =	vst.idx.msk $0xffff, v31  }
0x27b: {  	s29 =	sadd.s32 $0x10, s29;
	s28 =	sadd.s32 $0x10, s28;
	[tilespmem:v34+s22+$0x0] =	vst.idx.msk $0xffff, v32  }
0x27c: {  	s29 =	simm.s32 $0x0;
	s28 =	simm.s32 $0x18C00;
	s30 =	simm.s32 $0x0  }
.LBB2_23:
0x27d: {  	v16 =	vld [tilespmem:s28+$0x80];
	_ =	sdelay $0x4  }
0x27e: {  	v16 =	vtrunc.f32 v16  }
0x27f: {  	v16 =	vcvt.f32.s32 v16  }
0x280: {  	v18 =	vmov s30  }
0x281: {  	v18 =	vshll.u32 v18, $0x3;
	v16 =	vshll.u32 v16, $0x1  }
0x282: {  	v22 =	vadd.s32 v17, v18;
	v21 =	vand.u32 $0xFFFFFFF8, v16  }
0x283: {  	v31 =	vor.u32 v19, v18;
	v25 =	vand.u32 $0x6, v16;
	v22 =	vadd.s32 v22, v21  }
0x284: {  	v16 =	vadd.s32 $0x2, v16;
	v28 =	vor.u32 $0x1, v25;
	v26 =	vor.u32 v25, v22  }
0x285: {  	v34 =	vadd.s32 v20, v18;
	v16 =	vand.u32 $0x6, v16;
	v22 =	vor.u32 v28, v22  }
0x286: {  	v34 =	vadd.s32 v34, v21;
	v32 =	vor.u32 v31, v16  }
0x287: {  	v36 =	vor.u32 v25, v34  }
0x288: {  	v35 =	vld [tilespmem:s28+$0x0];
	v37 =	vor.u32 v23, v18;
	v39 =	vadd.s32 v24, v18;
	v34 =	vor.u32 v28, v34  }
0x289: {  	v39 =	vadd.s32 v39, v21;
	v38 =	vor.u32 v37, v16;
	v26 =	vld.idx.msk [tilespmem:v26+s18+$0x0], $0xffff  }
0x28a: {  	v40 =	vor.u32 v25, v39;
	v22 =	vld.idx.msk [tilespmem:v22+s18+$0x0], $0xffff  }
0x28b: {  	v41 =	vor.u32 v27, v18;
	v43 =	vadd.s32 v29, v18;
	v39 =	vor.u32 v28, v39;
	v32 =	vld.idx.msk [tilespmem:v32+s18+$0x0], $0xffff  }
0x28c: {  	v21 =	vadd.s32 v43, v21;
	v42 =	vor.u32 v41, v16;
	v36 =	vld.idx.msk [tilespmem:v36+s18+$0x0], $0xffff  }
0x28d: {  	v58 =	vor.u32 v30, v18;
	v25 =	vor.u32 v25, v21;
	v34 =	vld.idx.msk [tilespmem:v34+s18+$0x0], $0xffff  }
0x28e: {  	v33 =	vor.u32 $0x1, v16;
	v16 =	vor.u32 v58, v16;
	v38 =	vld.idx.msk [tilespmem:v38+s18+$0x0], $0xffff  }
0x28f: {  	v21 =	vor.u32 v28, v21;
	v40 =	vld.idx.msk [tilespmem:v40+s18+$0x0], $0xffff  }
0x290: {  	v31 =	vor.u32 v31, v33;
	v39 =	vld.idx.msk [tilespmem:v39+s18+$0x0], $0xffff  }
0x291: {  	v37 =	vor.u32 v37, v33;
	v28 =	vld.idx.msk [tilespmem:v42+s18+$0x0], $0xffff  }
0x292: {  	v41 =	vor.u32 v41, v33;
	v25 =	vld.idx.msk [tilespmem:v25+s18+$0x0], $0xffff  }
0x293: {  	v33 =	vor.u32 v58, v33;
	v16 =	vld.idx.msk [tilespmem:v16+s18+$0x0], $0xffff  }
0x294: {  	v21 =	vld.idx.msk [tilespmem:v21+s18+$0x0], $0xffff  }
0x295: {  	v31 =	vld.idx.msk [tilespmem:v31+s18+$0x0], $0xffff  }
0x296: {  	v37 =	vld.idx.msk [tilespmem:v37+s18+$0x0], $0xffff  }
0x297: {  	v41 =	vld.idx.msk [tilespmem:v41+s18+$0x0], $0xffff  }
0x298: {  	v33 =	vld.idx.msk [tilespmem:v33+s18+$0x0], $0xffff  }
0x299: {  	v32 =	vsub.f32 v32, v26  }
0x29a: {  	v38 =	vsub.f32 v38, v36;
	v28 =	vsub.f32 v28, v40  }
0x29b: {  	v16 =	vsub.f32 v16, v25;
	v31 =	vsub.f32 v31, v22  }
0x29c: {  	v60 =	vsub.f32 v37, v34;
	v61 =	vsub.f32 v41, v39;
	v32 =	vmul.f32 v32, v35  }
0x29d: {  	v33 =	vsub.f32 v33, v21;
	v38 =	vmul.f32 v38, v35;
	v28 =	vmul.f32 v28, v35  }
0x29e: {  	v16 =	vmul.f32 v16, v35;
	v31 =	vmul.f32 v31, v35;
	v26 =	vadd.f32 v32, v26  }
0x29f: {  	v33 =	vmul.f32 v33, v35;
	v59 =	vadd.f32 v38, v36;
	v28 =	vadd.f32 v28, v40  }
0x2a0: {  	v62 =	vld [tilespmem:s28+$0xFFFFFF80];
	v36 =	vmul.f32 v60, v35;
	v16 =	vadd.f32 v16, v25;
	v25 =	vmul.f32 v61, v35  }
0x2a1: {  	v22 =	vadd.f32 v31, v22;
	v21 =	vadd.f32 v33, v21  }
0x2a2: {  	v31 =	vadd.f32 v36, v34;
	v25 =	vadd.f32 v25, v39  }
0x2a3: {  	v32 =	vsub.f32 v59, v26;
	v16 =	vsub.f32 v16, v28  }
0x2a4: {  	v31 =	vsub.f32 v31, v22;
	v21 =	vsub.f32 v21, v25  }
0x2a5: {  	v32 =	vmul.f32 v32, v62;
	v16 =	vmul.f32 v16, v62  }
0x2a6: {  	v63 =	vld [tilespmem:s28+$0xFFFFFF00];
	v31 =	vmul.f32 v31, v62;
	v21 =	vmul.f32 v21, v62  }
0x2a7: {  	v26 =	vadd.f32 v32, v26;
	v16 =	vadd.f32 v16, v28  }
0x2a8: {  	v22 =	vadd.f32 v31, v22;
	v21 =	vadd.f32 v21, v25  }
0x2a9: {  	v18 =	vor.u32 v7, v18;
	v16 =	vsub.f32 v16, v26  }
0x2aa: {  	v25 =	vor.u32 $0x4, v18;
	v21 =	vsub.f32 v21, v22  }
0x2ab: {  	p0 =	sne.s32 s30, $0x70;
	v18 =	vor.u32 $0x5, v18;
	v16 =	vmul.f32 v16, v63  }
.Ltmp10:
0x2ac: {  	v21 =	vmul.f32 v21, v63;
	(pc) =	sbr.rel @p0 .LBB2_23-.Ltmp10, $4  }
0x2ad: {  	v16 =	vadd.f32 v16, v26  }
0x2ae: {  	v21 =	vadd.f32 v21, v22  }
0x2af: {  	[tilespmem:v25+s22+$0x0] =	vst.idx.msk $0xffff, v16  }
0x2b0: {  	s28 =	sadd.s32 $0x10, s28;
	s30 =	sadd.s32 $0x10, s30;
	[tilespmem:v18+s22+$0x0] =	vst.idx.msk $0xffff, v21  }
0x2b1: {  	s28 =	simm.s32 $0x18E00  }
0x2b2: {  	v16 =	vld [tilespmem:s28+$0x80];
	_ =	sdelay $0x4  }
0x2b3: {  	v16 =	vtrunc.f32 v16  }
0x2b4: {  	v16 =	vcvt.f32.s32 v16;
	_ =	sdelay $0x1  }
0x2b5: {  	v17 =	vmov s29;
	v16 =	vshll.u32 v16, $0x1  }
0x2b6: {  	v20 =	vshll.u32 v17, $0x3;
	v17 =	vadd.s32 $0x2, v16  }
0x2b7: {  	v21 =	vor.u32 v15, v20;
	v19 =	vand.u32 $0x6, v17  }
0x2b8: {  	v18 =	vor.u32 v8, v20;
	v22 =	vadd.s32 v9, v20;
	v23 =	vor.u32 v21, v19  }
0x2b9: {  	v24 =	vor.u32 v12, v20;
	v25 =	vand.u32 $0xFFFFFFF8, v16;
	v26 =	vor.u32 v18, v19  }
0x2ba: {  	v16 =	vand.u32 $0x6, v16;
	v22 =	vadd.s32 v22, v25;
	v27 =	vor.u32 v24, v19  }
0x2bb: {  	v17 =	vadd.s32 v10, v20;
	v30 =	vor.u32 $0x1, v16;
	v29 =	vor.u32 v16, v22  }
0x2bc: {  	v28 =	vadd.s32 v17, v25;
	v17 =	vld [tilespmem:s28+$0x0];
	v22 =	vor.u32 v30, v22  }
0x2bd: {  	v31 =	vor.u32 v16, v28;
	v23 =	vld.idx.msk [tilespmem:v23+s18+$0x0], $0xffff  }
0x2be: {  	v32 =	vor.u32 $0x1, v19;
	v28 =	vor.u32 v30, v28;
	v33 =	vld.idx.msk [tilespmem:v26+s18+$0x0], $0xffff  }
0x2bf: {  	v35 =	vor.u32 v18, v32;
	v27 =	vld.idx.msk [tilespmem:v27+s18+$0x0], $0xffff  }
0x2c0: {  	v34 =	vor.u32 v13, v20;
	v24 =	vor.u32 v24, v32;
	v26 =	vadd.s32 v11, v20;
	v29 =	vld.idx.msk [tilespmem:v29+s18+$0x0], $0xffff  }
0x2c1: {  	v36 =	vor.u32 v34, v19;
	v18 =	vadd.s32 v14, v20;
	v19 =	vld.idx.msk [tilespmem:v22+s18+$0x0], $0xffff;
	v26 =	vadd.s32 v26, v25  }
0x2c2: {  	v31 =	vld.idx.msk [tilespmem:v31+s18+$0x0], $0xffff;
	v25 =	vadd.s32 v18, v25;
	v37 =	vor.u32 v30, v26  }
0x2c3: {  	v18 =	vld.idx.msk [tilespmem:v28+s18+$0x0], $0xffff;
	v28 =	vor.u32 v16, v25  }
0x2c4: {  	v21 =	vor.u32 v21, v32;
	v35 =	vld.idx.msk [tilespmem:v35+s18+$0x0], $0xffff  }
0x2c5: {  	v24 =	vld.idx.msk [tilespmem:v24+s18+$0x0], $0xffff;
	v22 =	vor.u32 v30, v25  }
0x2c6: {  	v16 =	vor.u32 v16, v26;
	v26 =	vld.idx.msk [tilespmem:v36+s18+$0x0], $0xffff;
	v30 =	vor.u32 v34, v32  }
0x2c7: {  	v25 =	vld.idx.msk [tilespmem:v37+s18+$0x0], $0xffff  }
0x2c8: {  	v28 =	vld.idx.msk [tilespmem:v28+s18+$0x0], $0xffff  }
0x2c9: {  	v62 =	vld.idx.msk [tilespmem:v21+s18+$0x0], $0xffff;
	v21 =	vsub.f32 v23, v29  }
0x2ca: {  	v27 =	vsub.f32 v27, v31;
	v22 =	vld.idx.msk [tilespmem:v22+s18+$0x0], $0xffff  }
0x2cb: {  	v21 =	vmul.f32 v21, v17;
	v30 =	vld.idx.msk [tilespmem:v30+s18+$0x0], $0xffff  }
0x2cc: {  	v23 =	vld.idx.msk [tilespmem:v16+s18+$0x0], $0xffff;
	v27 =	vmul.f32 v27, v17;
	v63 =	vsub.f32 v35, v25  }
0x2cd: {  	v16 =	vor.u32 v7, v20;
	v20 =	vadd.f32 v21, v29;
	v26 =	vsub.f32 v26, v28  }
0x2ce: {  	v21 =	vadd.f32 v27, v31;
	v27 =	vsub.f32 v62, v19;
	v29 =	vmul.f32 v63, v17  }
0x2cf: {  	v24 =	vsub.f32 v24, v18;
	v31 =	vmul.f32 v26, v17  }
0x2d0: {  	v27 =	vmul.f32 v27, v17;
	v30 =	vsub.f32 v30, v22;
	v25 =	vadd.f32 v29, v25  }
0x2d1: {  	s30 =	simm.s32 $0x10;
	s29 =	simm.s32 $0x18E00;
	v26 =	vmul.f32 v24, v17;
	v24 =	vld [tilespmem:s28+$0xFFFFFF80];
	v29 =	vsub.f32 v33, v23;
	v28 =	vadd.f32 v31, v28  }
.LBB2_25:
0x2d2: {  	p0 =	sne.s32 s30, $0x70  }
0x2d3: {  	v29 =	vmul.f32 v29, v17;
	s28 =	sadd.s32 $0x10, s28;
	s0 =	smov.u32 s30;
	s30 =	sadd.s32 $0x10, s30  }
0x2d4: {  	v19 =	vadd.f32 v27, v19;
	v28 =	vsub.f32 v28, v21;
	v17 =	vmul.f32 v30, v17  }
0x2d5: {  	v18 =	vadd.f32 v26, v18;
	v23 =	vadd.f32 v29, v23  }
0x2d6: {  	v26 =	vmul.f32 v28, v24;
	v17 =	vadd.f32 v17, v22;
	v22 =	vsub.f32 v25, v19  }
0x2d7: {  	v23 =	vsub.f32 v23, v20  }
0x2d8: {  	v17 =	vsub.f32 v17, v18;
	v22 =	vmul.f32 v22, v24  }
0x2d9: {  	v23 =	vmul.f32 v23, v24  }
0x2da: {  	v25 =	vld [tilespmem:s29+$0xFFFFFF00];
	v17 =	vmul.f32 v17, v24;
	v19 =	vadd.f32 v22, v19;
	s29 =	smov.u32 s28  }
0x2db: {  	v21 =	vadd.f32 v26, v21;
	v20 =	vadd.f32 v23, v20  }
0x2dc: {  	v17 =	vadd.f32 v17, v18  }
0x2dd: {  	v18 =	vsub.f32 v20, v21  }
0x2de: {  	v20 =	vor.u32 $0x6, v16;
	v19 =	vsub.f32 v19, v17  }
0x2df: {  	v16 =	vor.u32 $0x7, v16;
	v18 =	vmul.f32 v18, v25  }
0x2e0: {  	v19 =	vmul.f32 v19, v25  }
0x2e1: {  	v18 =	vadd.f32 v18, v21  }
0x2e2: {  	v17 =	vadd.f32 v19, v17  }
0x2e3: {  	[tilespmem:v20+s22+$0x0] =	vst.idx.msk $0xffff, v18  }
0x2e4: {  	[tilespmem:v16+s22+$0x0] =	vst.idx.msk $0xffff, v17  }
0x2e5: {  	v16 =	vld [tilespmem:s28+$0x80];
	_ =	sdelay $0x4  }
0x2e6: {  	v17 =	vmov s0;
	v16 =	vtrunc.f32 v16  }
0x2e7: {  	v17 =	vshll.u32 v17, $0x3;
	v18 =	vcvt.f32.s32 v16  }
0x2e8: {  	v19 =	vor.u32 v8, v17;
	v16 =	vor.u32 v7, v17  }
0x2e9: {  	v20 =	vadd.s32 v10, v17;
	v21 =	vadd.s32 v14, v17;
	v18 =	vshll.u32 v18, $0x1  }
0x2ea: {  	v23 =	vadd.s32 v9, v17;
	v24 =	vadd.s32 v11, v17;
	v22 =	vadd.s32 $0x2, v18  }
0x2eb: {  	v25 =	vor.u32 v12, v17;
	v26 =	vor.u32 v15, v17;
	v22 =	vand.u32 $0x6, v22  }
0x2ec: {  	v28 =	vor.u32 v13, v17;
	v27 =	vand.u32 $0xFFFFFFF8, v18;
	v29 =	vor.u32 v26, v22  }
0x2ed: {  	v18 =	vand.u32 $0x6, v18;
	v24 =	vadd.s32 v24, v27;
	v30 =	vor.u32 v19, v22  }
0x2ee: {  	v20 =	vadd.s32 v20, v27;
	v17 =	vadd.s32 v21, v27;
	v31 =	vor.u32 v25, v22  }
0x2ef: {  	v21 =	vor.u32 $0x1, v18;
	v23 =	vadd.s32 v23, v27;
	v32 =	vor.u32 v18, v17  }
0x2f0: {  	v27 =	vor.u32 v21, v20;
	v33 =	vor.u32 v21, v17;
	v34 =	vor.u32 v18, v23  }
0x2f1: {  	v20 =	vor.u32 v18, v20;
	v35 =	vor.u32 $0x1, v22;
	v36 =	vor.u32 v18, v24;
	v17 =	vld [tilespmem:s28+$0x0]  }
0x2f2: {  	v23 =	vor.u32 v21, v23;
	v21 =	vor.u32 v21, v24;
	v26 =	vor.u32 v26, v35;
	v29 =	vld.idx.msk [tilespmem:v29+s18+$0x0], $0xffff  }
0x2f3: {  	v24 =	vor.u32 v25, v35;
	v25 =	vor.u32 v28, v35;
	v35 =	vor.u32 v19, v35;
	v30 =	vld.idx.msk [tilespmem:v30+s18+$0x0], $0xffff  }
0x2f4: {  	v22 =	vor.u32 v28, v22;
	v31 =	vld.idx.msk [tilespmem:v31+s18+$0x0], $0xffff  }
0x2f5: {  	v28 =	vld.idx.msk [tilespmem:v34+s18+$0x0], $0xffff  }
0x2f6: {  	v34 =	vld.idx.msk [tilespmem:v20+s18+$0x0], $0xffff  }
0x2f7: {  	v18 =	vld.idx.msk [tilespmem:v27+s18+$0x0], $0xffff  }
0x2f8: {  	v19 =	vld.idx.msk [tilespmem:v23+s18+$0x0], $0xffff  }
0x2f9: {  	v27 =	vld.idx.msk [tilespmem:v35+s18+$0x0], $0xffff  }
0x2fa: {  	v35 =	vld.idx.msk [tilespmem:v22+s18+$0x0], $0xffff  }
0x2fb: {  	v20 =	vsub.f32 v29, v28;
	v37 =	vld.idx.msk [tilespmem:v21+s18+$0x0], $0xffff  }
0x2fc: {  	v22 =	vsub.f32 v31, v34;
	v21 =	vld.idx.msk [tilespmem:v24+s18+$0x0], $0xffff  }
0x2fd: {  	v31 =	vld.idx.msk [tilespmem:v32+s18+$0x0], $0xffff  }
0x2fe: {  	v20 =	vmul.f32 v20, v17;
	v24 =	vld.idx.msk [tilespmem:v26+s18+$0x0], $0xffff;
	v26 =	vmul.f32 v22, v17  }
0x2ff: {  	v23 =	vld.idx.msk [tilespmem:v36+s18+$0x0], $0xffff  }
0x300: {  	v20 =	vadd.f32 v20, v28;
	v22 =	vld.idx.msk [tilespmem:v33+s18+$0x0], $0xffff  }
0x301: {  	v32 =	vld.idx.msk [tilespmem:v25+s18+$0x0], $0xffff;
	v25 =	vsub.f32 v27, v37  }
0x302: {  	v27 =	vsub.f32 v21, v18  }
.Ltmp11:
0x303: {  	v21 =	vadd.f32 v26, v34;
	v28 =	vsub.f32 v35, v31;
	v25 =	vmul.f32 v25, v17;
	(pc) =	sbr.rel @p0 .LBB2_25-.Ltmp11, $4  }
0x304: {  	v26 =	vmul.f32 v27, v17;
	v27 =	vsub.f32 v24, v19  }
0x305: {  	v28 =	vmul.f32 v28, v17;
	v25 =	vadd.f32 v25, v37  }
0x306: {  	v29 =	vsub.f32 v30, v23;
	v27 =	vmul.f32 v27, v17;
	v24 =	vld [tilespmem:s28+$0xFFFFFF80]  }
0x307: {  	v28 =	vadd.f32 v28, v31;
	v30 =	vsub.f32 v32, v22  }
0x308: {  	v7 =	vmul.f32 v29, v17  }
0x309: {  	v8 =	vmul.f32 v30, v17  }
0x30a: {  	v9 =	vadd.f32 v27, v19;
	v7 =	vadd.f32 v7, v23  }
0x30b: {  	v10 =	vadd.f32 v26, v18;
	v8 =	vadd.f32 v8, v22  }
0x30c: {  	v11 =	vsub.f32 v28, v21;
	v7 =	vsub.f32 v7, v20  }
0x30d: {  	v12 =	vsub.f32 v25, v9;
	v8 =	vsub.f32 v8, v10  }
0x30e: {  	v11 =	vmul.f32 v11, v24;
	v7 =	vmul.f32 v7, v24  }
0x30f: {  	v13 =	vld [tilespmem:s29+$0xFFFFFF00];
	v12 =	vmul.f32 v12, v24;
	v8 =	vmul.f32 v8, v24  }
0x310: {  	v11 =	vadd.f32 v11, v21;
	v7 =	vadd.f32 v7, v20  }
0x311: {  	v9 =	vadd.f32 v12, v9;
	v8 =	vadd.f32 v8, v10  }
0x312: {  	v7 =	vsub.f32 v7, v11  }
0x313: {  	v62 =	vor.u32 $0x6, v16;
	v9 =	vsub.f32 v9, v8  }
0x314: {  	v63 =	vor.u32 $0x7, v16;
	v7 =	vmul.f32 v7, v13  }
0x315: {  	v9 =	vmul.f32 v9, v13  }
0x316: {  	v7 =	vadd.f32 v7, v11  }
0x317: {  	s25 =	sadd.s32 $0x1, s25;
	v8 =	vadd.f32 v9, v8  }
0x318: {  	p0 =	sne.s32 s25, $0x80;
	[tilespmem:v62+s22+$0x0] =	vst.idx.msk $0xffff, v7  }
.Ltmp12:
0x319: {  	s0 =	sadd.s32 s3, s26;
	[tilespmem:v63+s22+$0x0] =	vst.idx.msk $0xffff, v8;
	(pc) =	sbr.rel @p0 .LBB2_4-.Ltmp12, $4  }
0x31a: {  	[hbm4b:s0+s4] =	stream.linear.scatter [tilespmem:s22], [sflag:$0x3], $0x400, $0x38;
	[tilespmem:$0x1F300] =	vst v63  }
0x31b: {  	_ =	swait.ge [sflag:s12], $0x400  }
0x31c: {  	[sflag:s12] =	ssyncset.done $0x0  }
0x31d: {  	[sflag:s12] =	ssyncadd.s32 $0xFFFFFC00  }
0x31e: {  	s23 =	sadd.s32 $0x1, s23  }
0x31f: {  	p0 =	sne.s32 s23, s10  }
.Ltmp13:
0x320: {  	_ = 	snop;
	(pc) =	sbr.rel @p0 .LBB2_1-.Ltmp13, $1  }
0x321: {  	_ =	sdelay $0x3  }
0x322: {  	_ =	sfence.sel $0x180000  }
0x323: {  	[bflag:$0x0] =	sbarrier.arrive $0xFFFF  }
0x324: {  	_ =	strace $0x90000047  }
0x325: {  	[bflag:$0x2] =	sbarrier.arrive $0xFFFF  }
0x326: {  	p0 =	sne.s32 s1, $0x0;
	s0 =	rddreg [dreg:$0x3]  }
0x327: {  	s0 =	sadd.s32 @!p0 $0x100000, s0  }
0x328: {  	[sflag:s0] =	ssyncadd.tile.s32 @!p0 $0x1;
	_ =	shalt  }
.Lfunc_end2:
_tile_overlayer_lowered:
.L_overlay_start_2:
0x329: {  	(tag) =	ssettag $0x2  }
0x32a: {  	s0 =	rddreg [dreg:$0x0];
	s2 =	stileid.u32  }
0x32b: {  	s1 =	rddreg [dreg:$0x1];
	p0 =	sne.s32 s2, $0x0  }
0x32c: {  	s3 =	rddreg [dreg:$0x2];
	[bflag:$0x3] =	sbarrier.arrive $0xFFFF;
	s2 =	simm.s32 @!p0 $0x1C03  }
0x32d: {  	[timem:s3], [sflag:s2] =	dma.local @!p0 [hbm:s0], s1  }
0x32e: {  	s0 =	simm.s32 @!p0 $0x3  }
0x32f: {  	_ =	swait.ge @!p0 [sflag:s0], s1  }
0x330: {  	s1 =	ssub.s32 @!p0 $0x0, s1;
	[sflag:s0] =	ssyncset.done @!p0 $0x0  }
0x331: {  	[sflag:s0] =	ssyncadd.s32 @!p0 s1  }
0x332: {  	[bflag:$0x3] =	sbarrier.arrive $0xFFFF  }
0x333: {  	_ =	shalt  }

// kernel: sparse-core-data-format-call.cloned.1.call-start
scs
called_computation_lowered:
.L_overlay_start_0:
0x0: {  	s2 =	sld [smem:$0x3FD9]  }
0x1: {  	s3 =	sld [smem:$0x3FFE];
	_ =	sdelay $0x1  }
0x2: {  	s1 =	srdreg.scid  }
0x3: {  	s0 =	sand.u32 $0x1, s1  }
0x4: {  	s18 =	sshll.u32 s0, $0xA;
	s2 =	sadd.s32 s3, s2  }
0x5: {  	s2 =	sadd.s32 s2, s18  }
0x6: {  	[smem:$0x3FC6] =	sst s2  }
0x7: {  	_ = 	snop  }
0x8: {  	s2 =	sld [smem:$0x3FD0];
	(tm) =	ssettm $0x1  }
0x9: {  	s19 =	sld [smem:$0x3FFB];
	_ =	sdelay $0x3  }
0xa: {  	_ =	strace s19  }
0xb: {  	s3 =	sld [smem:$0x3FFC];
	_ =	sdelay $0x3  }
0xc: {  	_ =	strace s3  }
0xd: {  	s3 =	sld [smem:$0x3FFD];
	_ =	sdelay $0x3  }
0xe: {  	_ =	strace s3  }
0xf: {  	_ =	strace $0x8FFFFFFF  }
0x10: {  	s20 =	sld [smem:$0x3FDB];
	_ =	sdelay $0x1  }
0x11: {  	s4 =	simm.s32 $_scs_section_size  }
0x12: {  	s5 =	simm.s32 $_size__tile_overlayer_lowered;
	s6 =	simm.s32 $_tile_overlayer_lowered  }
0x13: {  	s23 =	simm.s32 $0x1BFF;
	s22 =	sshll.u32 s6, $0x1;
	s3 =	sadd.s32 s4, s20  }
0x14: {  	s7 =	simm.s32 $0x0;
	s21 =	sshll.u32 s5, $0x1;
	s5 =	sadd.s32 s22, s3  }
0x15: {  	[timem:s7], [sflag:s23] =	dma.local [hbm:s5], s21  }
0x16: {  	_ =	swait.ge [sflag:s23], s21  }
0x17: {  	s4 =	ssub.s32 $0x0, s21;
	[sflag:s23] =	ssyncset.done $0x0  }
0x18: {  	[sflag:s23] =	ssyncadd.s32 s4;
	_ =	sdelay $0x1  }
0x19: {  	s24 =	simm.s32 $0x1B8B  }
0x1a: {  	_ =	swait.ge [sflag:s24], $0x1  }
0x1b: {  	[sflag:s24] =	ssyncset.done $0x0  }
0x1c: {  	s26 =	simm.s32 $0x1B8E;
	s25 =	sld [smem:$0x3FFE];
	[sflag:s24] =	ssyncadd.s32 $0xFFFFFFFF  }
0x1d: {  	s27 =	simm.s32 $execute0_lowered;
	[smem:$0x3FD2] =	sst s26  }
0x1e: {  	s5 =	sshll.u32 s27, $0x1;
	_ =	strace $0x80000049;
	[dreg:$0x1] =	wrdreg $0xFFFFFFFF  }
0x1f: {  	s28 =	simm.s32 $_size_execute0_lowered;
	s3 =	sadd.s32 s3, s5;
	[dreg:$0x0] =	wrdreg $0x0  }
0x20: {  	s5 =	sshll.u32 s28, $0x1;
	[dreg:$0x2] =	wrdreg s3  }
0x21: {  	[dreg:$0x3] =	wrdreg s5  }
0x22: {  	[dreg:$0x4] =	wrdreg $0xC0  }
0x23: {  	_ =	task [dreg:s7], $0x5FFFF  }
0x24: {  	[dreg:$0x1] =	wrdreg $0xFFFFFFFF  }
0x25: {  	[dreg:$0x0] =	wrdreg $0x60  }
0x26: {  	[dreg:$0x2] =	wrdreg s25  }
0x27: {  	[dreg:$0x3] =	wrdreg s2  }
0x28: {  	[dreg:$0x4] =	wrdreg $0x9  }
0x29: {  	_ =	task.clear_ibuf [dreg:s7], $0x5FFFF;
	_ =	strace $0x90000049  }
0x2a: {  	s29 =	simm.s32 $0x9;
	_ =	strace $0x8000004B  }
0x2b: {  	_ =	swait.ge [sflag:s29], $0x1  }
0x2c: {  	[sflag:s29] =	ssyncadd.s32 $0xFFFFFFFF  }
0x2d: {  	_ =	strace $0x9000004B  }
0x2e: {  	_ =	sfence  }
0x2f: {  	s30 =	sld [smem:$0x0];
	_ =	sdelay $0x2  }
0x30: {  	s31 =	sshll.u32 s1, $0xD;
	s1 =	sshrl.u32 s1, $0x2  }
0x31: {  	s3 =	sand.u32 $0x4000, s31;
	s1 =	sadd.s32 s1, s30  }
0x32: {  	s0 =	sor.u32 s3, s0;
	s1 =	sshll.u32 s1, $0x11  }
0x33: {  	s0 =	sor.u32 s1, s0  }
0x34: {  	s0 =	sadd.s32 $0x8F2B, s0  }
0x35: {  	[sflag:s0] =	ssyncadd.remote.s32 $0x1  }
0x36: {  	_ =	sfence.sel $0xFFFF  }
0x37: {  	[dreg:$0x0] =	wrdreg $0xFFFFFFFF;
	(pc) =	sbr.abs _section_cstart, $3  }
0x38: {  	[dreg:$0x1] =	wrdreg $0xFFFFFFFF  }
0x39: {  	_ =	task.clear_ibuf [dreg:s7], $0x2FFFF;
	_ =	strace $0x9FFFFFFF  }
0x3a: {  	(tm) =	ssettm $0x7FFFFFFF  }
0x3b: {  	_ =	shalt  }
tec
execute0_lowered:
.L_overlay_start_1:
0x0: {  	(tag) =	ssettag $0x1  }
0x1: {  	s0 =	srdreg.scid  }
0x2: {  	s1 =	sshll.u32 s0, $0x4  }
0x3: {  	s6 =	rddreg [dreg:$0x0];
	s0 =	stileid.u32;
	s1 =	sand.u32 $0x10, s1  }
0x4: {  	s3 =	rddreg [dreg:$0x1];
	s1 =	sor.u32 s0, s1  }
0x5: {  	s7 =	simm.s32 $0x1;
	s8 =	simm.s32 $0x2;
	s2 =	sshll.u32 s1, $0x7  }
0x6: {  	s10 =	simm.s32 $0x0;
	s9 =	simm.s32 $0x0;
	s5 =	ssub.s32 $0x100000, s2  }
.Ltmp0:
0x7: {  	s6 =	sadd.s32 $0x800, s6;
	s4 =	sand.u32 $0xF80, s5;
	(pc) =	sbr.rel .LBB1_1-.Ltmp0, $4  }
0x8: {  	s1 =	rddreg [dreg:$0x2];
	_ =	strace $0x8000004A;
	p0 =	sne.s32 s4, $0x0  }
0x9: {  	s5 =	sshrl.u32 s5, $0xC;
	s4 =	simm.s32 $0x1;
	s7 =	simm.s32 @!p0 $0x0  }
0xa: {  	[sflag:s4] =	ssyncpa.u1 $0x0;
	p0 =	por $0x0, $0x0;
	s5 =	sadd.s32 s7, s5  }
0xb: {  	[sflag:s8] =	ssyncpa.u1 $0x0;
	s8 =	smov.u32 s2;
	s7 =	sadd.s32 $0x1, s5  }
.LBB1_4:
0xc: {  	[tilespmem:s20+$0xFFFFFFFA ss:$0x81] =	vst.msk $0xff, v4  }
0xd: {  	v4 =	vld.msk [tilespmem:s21+$0xFFFFFFF0], $0xff;
	_ =	sdelay $0x3  }
0xe: {  	[tilespmem:s18+$0xFFFFFFFB ss:$0x81] =	vst.msk $0xff, v3  }
0xf: {  	v3 =	vld.msk [tilespmem:s19+$0xFFFFFFF8], $0xff;
	[tilespmem:s20+$0xFFFFFFFB ss:$0x81] =	vst.msk $0xff, v4  }
0x10: {  	v4 =	vld.msk [tilespmem:s21+$0xFFFFFFF8], $0xff;
	_ =	sdelay $0x3  }
0x11: {  	v5 =	vld.msk [tilespmem:s17+$0x0], $0xff;
	[tilespmem:s18+$0xFFFFFFFC ss:$0x81] =	vst.msk $0xff, v3  }
0x12: {  	v3 =	vld.msk [tilespmem:s19+$0x0], $0xff;
	[tilespmem:s20+$0xFFFFFFFC ss:$0x81] =	vst.msk $0xff, v4  }
0x13: {  	v4 =	vld.msk [tilespmem:s21+$0x0], $0xff;
	_ =	sdelay $0x2  }
0x14: {  	[tilespmem:s16+$0xFFFFFFFD ss:$0x81] =	vst.msk $0xff, v5  }
0x15: {  	v5 =	vld.msk [tilespmem:s17+$0x8], $0xff;
	[tilespmem:s18+$0xFFFFFFFD ss:$0x81] =	vst.msk $0xff, v3  }
0x16: {  	v3 =	vld.msk [tilespmem:s19+$0x8], $0xff;
	[tilespmem:s20+$0xFFFFFFFD ss:$0x81] =	vst.msk $0xff, v4  }
0x17: {  	v4 =	vld.msk [tilespmem:s21+$0x8], $0xff;
	_ =	sdelay $0x1  }
0x18: {  	[tilespmem:s14+$0xFFFFFFFE ss:$0x81] =	vst.msk $0xff, v2  }
0x19: {  	v2 =	vld.msk [tilespmem:s15+$0x10], $0xff;
	[tilespmem:s16+$0xFFFFFFFE ss:$0x81] =	vst.msk $0xff, v5  }
0x1a: {  	v5 =	vld.msk [tilespmem:s17+$0x10], $0xff;
	[tilespmem:s18+$0xFFFFFFFE ss:$0x81] =	vst.msk $0xff, v3  }
0x1b: {  	v3 =	vld.msk [tilespmem:s19+$0x10], $0xff;
	[tilespmem:s20+$0xFFFFFFFE ss:$0x81] =	vst.msk $0xff, v4  }
0x1c: {  	v4 =	vld.msk [tilespmem:s21+$0x10], $0xff  }
0x1d: {  	[tilespmem:s12+$0xFFFFFFFF ss:$0x81] =	vst.msk $0xff, v1  }
0x1e: {  	v1 =	vld.msk [tilespmem:s13+$0x18], $0xff;
	[tilespmem:s14+$0xFFFFFFFF ss:$0x81] =	vst.msk $0xff, v2  }
0x1f: {  	v2 =	vld.msk [tilespmem:s15+$0x18], $0xff;
	[tilespmem:s16+$0xFFFFFFFF ss:$0x81] =	vst.msk $0xff, v5  }
0x20: {  	v61 =	vld.msk [tilespmem:s17+$0x18], $0xff;
	[tilespmem:s18+$0xFFFFFFFF ss:$0x81] =	vst.msk $0xff, v3  }
0x21: {  	v62 =	vld.msk [tilespmem:s19+$0x18], $0xff;
	[tilespmem:s20+$0xFFFFFFFF ss:$0x81] =	vst.msk $0xff, v4  }
0x22: {  	[tilespmem:s11+$0x0 ss:$0x81] =	vst.msk $0xff, v0;
	v63 =	vld.msk [tilespmem:s21+$0x18], $0xff  }
0x23: {  	s28 =	sshll.u32 s10, $0x3;
	[tilespmem:s12+$0x0 ss:$0x81] =	vst.msk $0xff, v1  }
0x24: {  	s29 =	sand.u32 $0x78, s10;
	s11 =	sand.u32 $0xFFC00, s28;
	[tilespmem:s14+$0x0 ss:$0x81] =	vst.msk $0xff, v2  }
0x25: {  	s30 =	sand.u32 $0xE0000, s10;
	s11 =	sor.u32 s29, s11;
	[tilespmem:s16+$0x0 ss:$0x81] =	vst.msk $0xff, v61  }
0x26: {  	s11 =	sshrl.u32 s11, $0x3;
	s12 =	sadd.s32 s3, s30;
	[tilespmem:s18+$0x0 ss:$0x81] =	vst.msk $0xff, v62  }
0x27: {  	s31 =	sand.u32 $0x7, s10;
	s11 =	sadd.s32 s11, s12;
	[tilespmem:s20+$0x0 ss:$0x81] =	vst.msk $0xff, v63  }
0x28: {  	[hbm4b:s11+s31] =	stream.linear.scatter [tilespmem:s22], [sflag:$0x2], $0x400, $0x20;
	[tilespmem:$0x1010] =	vst v63  }
.LBB1_5:
0x29: {  	s12 =	sadd.s32 $0x1000, s8  }
0x2a: {  	p2 =	sgt.s32 s12, $0xFFFFF  }
0x2b: {  	s12 =	smov.u32 @p2 s2;
	p2 =	sne.s32 s9, s7  }
.Ltmp1:
0x2c: {  	p1 =	slt.u32 s9, $0x2;
	(pc) =	sbr.rel @!p2 .LBB1_6-.Ltmp1, $4  }
0x2d: {  	s11 =	simm.s32 @!p1 $0x2  }
0x2e: {  	s13 =	sadd.s32 $0x1, s9;
	_ =	swait.ge @!p1 [sflag:s11], $0x400  }
0x2f: {  	s10 =	smov.u32 s8;
	p0 =	por !p0, !p0;
	[sflag:s11] =	ssyncset.done @!p1 $0x0  }
0x30: {  	s9 =	smov.u32 s13;
	s8 =	smov.u32 s12;
	[sflag:s11] =	ssyncadd.s32 @!p1 $0xFFFFFC00  }
.LBB1_1:
0x31: {  	p1 =	sge.u32 s9, s5  }
0x32: {  	s31 =	sadd.s32 $0xFFFFFFFF, s9;
	s11 =	sxor.u32 @!p1 $0xFFFFFFFF, s9;
	s12 =	sshll.u32 @!p1 s8, $0x4  }
0x33: {  	s13 =	simm.s32 @!p1 $0x8;
	s11 =	sshll.u32 @!p1 s11, $0xA;
	s12 =	sand.u32 @!p1 $0xFFFFF0, s12  }
0x34: {  	s14 =	simm.s32 @!p1 $0x80;
	s11 =	sand.u32 @!p1 $0x400, s11;
	s12 =	sadd.s32 @!p1 s6, s12  }
0x35: {  	[tilespmem:s11], [sflag:$0x1] =	stream.strided.gather @!p1 [hbm4b:s12+s13], $0x400, s14, s13, $0x38;
	[tilespmem:$0x1010] =	vst v63  }
0x36: {  	p1 =	sge.u32 s31, s5  }
.Ltmp2:
0x37: {  	_ = 	snop;
	(pc) =	sbr.rel @p1 .LBB1_5-.Ltmp2, $1  }
0x38: {  	_ =	sdelay $0x3  }
0x39: {  	s11 =	simm.s32 $0x1  }
0x3a: {  	_ =	swait.ge [sflag:s4], $0x400;
	s11 =	simm.s32 @!p0 $0x0  }
0x3b: {  	[sflag:s4] =	ssyncset.done $0x0;
	s12 =	sshll.u32 s11, $0xA  }
0x3c: {  	[sflag:s4] =	ssyncadd.s32 $0xFFFFFC00;
	s20 =	sor.u32 $0x20, s12  }
0x3d: {  	v0 =	vld.msk [tilespmem:s20+$0xFFFFFFE0], $0xff  }
0x3e: {  	s11 =	smul.u32 $0x1020, s11;
	_ =	sdelay $0x1  }
0x3f: {  	s11 =	sshrl.u32 s11, $0x2  }
0x40: {  	s11 =	sor.u32 $0x807, s11  }
0x41: {  	[tilespmem:s11+$0xFFFFFFF9 ss:$0x81] =	vst.msk $0xff, v0  }
0x42: {  	v0 =	vld.msk [tilespmem:s20+$0xFFFFFFE8], $0xff  }
0x43: {  	s13 =	sadd.s32 $0x40, s20  }
0x44: {  	v1 =	vld.msk [tilespmem:s13+$0xFFFFFFE0], $0xff;
	_ =	sdelay $0x2  }
0x45: {  	[tilespmem:s11+$0xFFFFFFFA ss:$0x81] =	vst.msk $0xff, v0  }
0x46: {  	s12 =	sadd.s32 $0x8, s11;
	v0 =	vld.msk [tilespmem:s20+$0xFFFFFFF0], $0xff  }
0x47: {  	[tilespmem:s12+$0xFFFFFFF9 ss:$0x81] =	vst.msk $0xff, v1  }
0x48: {  	v1 =	vld.msk [tilespmem:s13+$0xFFFFFFE8], $0xff  }
0x49: {  	s15 =	sadd.s32 $0x40, s13  }
0x4a: {  	v2 =	vld.msk [tilespmem:s15+$0xFFFFFFE0], $0xff  }
0x4b: {  	[tilespmem:s11+$0xFFFFFFFB ss:$0x81] =	vst.msk $0xff, v0  }
0x4c: {  	v0 =	vld.msk [tilespmem:s20+$0xFFFFFFF8], $0xff  }
0x4d: {  	[tilespmem:s12+$0xFFFFFFFA ss:$0x81] =	vst.msk $0xff, v1  }
0x4e: {  	s14 =	sadd.s32 $0x8, s12;
	v1 =	vld.msk [tilespmem:s13+$0xFFFFFFF0], $0xff  }
0x4f: {  	[tilespmem:s14+$0xFFFFFFF9 ss:$0x81] =	vst.msk $0xff, v2  }
0x50: {  	s17 =	sadd.s32 $0x40, s15;
	v2 =	vld.msk [tilespmem:s15+$0xFFFFFFE8], $0xff  }
0x51: {  	[tilespmem:s11+$0xFFFFFFFC ss:$0x81] =	vst.msk $0xff, v0;
	v0 =	vld.msk [tilespmem:s17+$0xFFFFFFE0], $0xff  }
0x52: {  	v3 =	vld.msk [tilespmem:s20+$0x0], $0xff  }
0x53: {  	[tilespmem:s12+$0xFFFFFFFB ss:$0x81] =	vst.msk $0xff, v1  }
0x54: {  	v1 =	vld.msk [tilespmem:s13+$0xFFFFFFF8], $0xff  }
0x55: {  	s16 =	sadd.s32 $0x8, s14;
	[tilespmem:s14+$0xFFFFFFFA ss:$0x81] =	vst.msk $0xff, v2  }
0x56: {  	v2 =	vld.msk [tilespmem:s15+$0xFFFFFFF0], $0xff;
	[tilespmem:s16+$0xFFFFFFF9 ss:$0x81] =	vst.msk $0xff, v0  }
0x57: {  	v0 =	vld.msk [tilespmem:s17+$0xFFFFFFE8], $0xff;
	[tilespmem:s11+$0xFFFFFFFD ss:$0x81] =	vst.msk $0xff, v3  }
0x58: {  	s19 =	sadd.s32 $0x40, s17;
	v3 =	vld.msk [tilespmem:s20+$0x8], $0xff  }
0x59: {  	[tilespmem:s12+$0xFFFFFFFC ss:$0x81] =	vst.msk $0xff, v1;
	v1 =	vld.msk [tilespmem:s19+$0xFFFFFFE0], $0xff  }
0x5a: {  	v4 =	vld.msk [tilespmem:s13+$0x0], $0xff  }
0x5b: {  	[tilespmem:s14+$0xFFFFFFFB ss:$0x81] =	vst.msk $0xff, v2  }
0x5c: {  	v2 =	vld.msk [tilespmem:s15+$0xFFFFFFF8], $0xff;
	[tilespmem:s16+$0xFFFFFFFA ss:$0x81] =	vst.msk $0xff, v0  }
0x5d: {  	s18 =	sadd.s32 $0x8, s16;
	v0 =	vld.msk [tilespmem:s17+$0xFFFFFFF0], $0xff;
	[tilespmem:s11+$0xFFFFFFFE ss:$0x81] =	vst.msk $0xff, v3  }
0x5e: {  	[tilespmem:s18+$0xFFFFFFF9 ss:$0x81] =	vst.msk $0xff, v1;
	v1 =	vld.msk [tilespmem:s20+$0x10], $0xff  }
0x5f: {  	[tilespmem:s12+$0xFFFFFFFD ss:$0x81] =	vst.msk $0xff, v4;
	v3 =	vld.msk [tilespmem:s19+$0xFFFFFFE8], $0xff  }
0x60: {  	s21 =	sadd.s32 $0x40, s19;
	v4 =	vld.msk [tilespmem:s13+$0x8], $0xff  }
0x61: {  	[tilespmem:s14+$0xFFFFFFFC ss:$0x81] =	vst.msk $0xff, v2;
	v2 =	vld.msk [tilespmem:s21+$0xFFFFFFE0], $0xff  }
0x62: {  	v5 =	vld.msk [tilespmem:s15+$0x0], $0xff;
	[tilespmem:s16+$0xFFFFFFFB ss:$0x81] =	vst.msk $0xff, v0  }
0x63: {  	v6 =	vld.msk [tilespmem:s17+$0xFFFFFFF8], $0xff;
	[tilespmem:s11+$0xFFFFFFFF ss:$0x81] =	vst.msk $0xff, v1  }
0x64: {  	s22 =	sand.u32 $0x1, s9;
	[tilespmem:s18+$0xFFFFFFFA ss:$0x81] =	vst.msk $0xff, v3;
	v0 =	vld.msk [tilespmem:s20+$0x18], $0xff  }
0x65: {  	s22 =	smul.u32 $0x1020, s22;
	[tilespmem:s12+$0xFFFFFFFE ss:$0x81] =	vst.msk $0xff, v4;
	v3 =	vld.msk [tilespmem:s19+$0xFFFFFFF0], $0xff;
	s20 =	sadd.s32 $0x8, s18  }
0x66: {  	v1 =	vld.msk [tilespmem:s13+$0x10], $0xff;
	[tilespmem:s20+$0xFFFFFFF9 ss:$0x81] =	vst.msk $0xff, v2  }
0x67: {  	s22 =	sshrl.u32 s22, $0x2;
	[tilespmem:s14+$0xFFFFFFFD ss:$0x81] =	vst.msk $0xff, v5;
	v4 =	vld.msk [tilespmem:s21+$0xFFFFFFE8], $0xff  }
0x68: {  	s23 =	simm.s32 $0x28;
	s22 =	sor.u32 $0x800, s22;
	s24 =	sadd.s32 $0x40, s21;
	v2 =	vld.msk [tilespmem:s15+$0x8], $0xff;
	[tilespmem:s16+$0xFFFFFFFC ss:$0x81] =	vst.msk $0xff, v6  }
.LBB1_3:
0x69: {  	v5 =	vld.msk [tilespmem:s24+$0xFFFFFFE0], $0xff;
	[tilespmem:s11+$0x0 ss:$0x81] =	vst.msk $0xff, v0;
	s11 =	smov.u32 s12;
	s12 =	smov.u32 s14;
	s14 =	smov.u32 s16  }
0x6a: {  	s23 =	sadd.s32 $0x8, s23;
	s16 =	smov.u32 s18;
	[tilespmem:s18+$0xFFFFFFFB ss:$0x81] =	vst.msk $0xff, v3;
	v6 =	vld.msk [tilespmem:s17+$0x0], $0xff;
	s18 =	smov.u32 s20  }
0x6b: {  	p1 =	slt.u32 s23, $0x78;
	v7 =	vld.msk [tilespmem:s19+$0xFFFFFFF8], $0xff;
	[tilespmem:s11+$0xFFFFFFFF ss:$0x81] =	vst.msk $0xff, v1  }
.Ltmp3:
0x6c: {  	[tilespmem:s20+$0xFFFFFFFA ss:$0x81] =	vst.msk $0xff, v4;
	v0 =	vld.msk [tilespmem:s13+$0x18], $0xff;
	s13 =	smov.u32 s15;
	s15 =	smov.u32 s17;
	(pc) =	sbr.rel @p1 .LBB1_3-.Ltmp3, $4  }
0x6d: {  	s20 =	sadd.s32 $0x8, s20;
	s17 =	smov.u32 s19;
	s19 =	smov.u32 s21;
	v3 =	vld.msk [tilespmem:s21+$0xFFFFFFF0], $0xff;
	[tilespmem:s12+$0xFFFFFFFE ss:$0x81] =	vst.msk $0xff, v2  }
0x6e: {  	s21 =	smov.u32 s24;
	[tilespmem:s20+$0xFFFFFFF9 ss:$0x81] =	vst.msk $0xff, v5;
	v1 =	vld.msk [tilespmem:s13+$0x10], $0xff  }
0x6f: {  	v4 =	vld.msk [tilespmem:s24+$0xFFFFFFE8], $0xff;
	[tilespmem:s14+$0xFFFFFFFD ss:$0x81] =	vst.msk $0xff, v6  }
0x70: {  	s24 =	sadd.s32 $0x40, s24;
	[tilespmem:s16+$0xFFFFFFFC ss:$0x81] =	vst.msk $0xff, v7;
	v2 =	vld.msk [tilespmem:s15+$0x8], $0xff  }
.Ltmp4:
0x71: {  	_ = 	snop;
	(pc) =	sbr.rel .LBB1_4-.Ltmp4, $1  }
0x72: {  	_ =	sdelay $0x3  }
.LBB1_6:
0x73: {  	_ =	sfence.sel $0x180000  }
0x74: {  	s2 =	simm.s32 $0x1;
	[bflag:$0x0] =	sbarrier.arrive $0xFFFF  }
0x75: {  	s31 =	simm.s32 $0x2;
	[sflag:s2] =	ssyncpa.u1 $0x1  }
0x76: {  	[sflag:s31] =	ssyncpa.u1 $0x1  }
0x77: {  	p0 =	sne.s32 s0, $0x0;
	_ =	strace $0x9000004A  }
0x78: {  	s0 =	sadd.s32 @!p0 $0x100000, s1;
	[bflag:$0x2] =	sbarrier.arrive $0xFFFF  }
0x79: {  	[sflag:s0] =	ssyncadd.tile.s32 @!p0 $0x1;
	_ =	shalt  }
.Lfunc_end1:
_tile_overlayer_lowered:
.L_overlay_start_2:
0x7a: {  	(tag) =	ssettag $0x2  }
0x7b: {  	s0 =	rddreg [dreg:$0x0];
	s2 =	stileid.u32  }
0x7c: {  	s1 =	rddreg [dreg:$0x1];
	p0 =	sne.s32 s2, $0x0  }
0x7d: {  	s3 =	rddreg [dreg:$0x2];
	[bflag:$0x3] =	sbarrier.arrive $0xFFFF;
	s2 =	simm.s32 @!p0 $0x1C01  }
0x7e: {  	[timem:s3], [sflag:s2] =	dma.local @!p0 [hbm:s0], s1  }
0x7f: {  	s0 =	simm.s32 @!p0 $0x1  }
0x80: {  	_ =	swait.ge @!p0 [sflag:s0], s1  }
0x81: {  	s1 =	ssub.s32 @!p0 $0x0, s1;
	[sflag:s0] =	ssyncset.done @!p0 $0x0  }
0x82: {  	[sflag:s0] =	ssyncadd.s32 @!p0 s1  }
0x83: {  	[bflag:$0x3] =	sbarrier.arrive $0xFFFF  }
0x84: {  	_ =	shalt  }

</sc_bundles>
